<compile_context>
chip_gen: v7x
topology: tpu7x:2x2x1
jax: 0.10.2.dev20260603
libtpu: 0.0.44.dev20260713+nightly
codegen_flags: <defaults>
</compile_context>

<pallas_src>
import functools

import jax
import jax.numpy as jnp
from jax import lax
from jax.experimental import pallas as pl
from jax.experimental.pallas import tpu as pltpu
from jax.experimental.pallas import tpu_sc as plsc

_NC = 2
_NS = 16
_K = 80
_NB = 400
_DEG_GRP = 5
_G = 64



def _dinv_from(d0, d1):
    deg = (1.0 + jnp.mean(d0, axis=-1, keepdims=True)
           + jnp.mean(d1, axis=-1, keepdims=True))
    return lax.rsqrt(deg)


def _encp0_body(lc_ref, w0_ref, w1_ref, w2_ref, b2_ref, d0_ref, d1_ref,
                wg_ref, h_out, y_out, *, T):
    a = lc_ref[...]
    w0 = w0_ref[...]
    u = jnp.maximum(w0, 0.0)
    v = jnp.minimum(w0, 0.0)
    r = jnp.dot(u, w1_ref[...], preferred_element_type=jnp.float32)
    s = jnp.dot(v, w1_ref[...], preferred_element_type=jnp.float32)
    m0 = jnp.dot(jnp.maximum(r, 0.0), w2_ref[...],
                 preferred_element_type=jnp.float32)
    m1 = jnp.dot(jnp.maximum(-s, 0.0), w2_ref[...],
                 preferred_element_type=jnp.float32)
    P = jnp.sum(jnp.maximum(a, 0.0), axis=1, keepdims=True) * (1.0 / T)
    Q = jnp.sum(jnp.maximum(-a, 0.0), axis=1, keepdims=True) * (1.0 / T)
    X = jnp.concatenate([P, Q], axis=1)
    M = jnp.concatenate([m0, m1], axis=0)
    h = jnp.dot(X, M, preferred_element_type=jnp.float32) + b2_ref[...]
    h_out[...] = h
    dinv = _dinv_from(d0_ref[...], d1_ref[...])
    y_out[...] = jnp.dot(h, wg_ref[...],
                         preferred_element_type=jnp.float32) * dinv


def _encp0(lc2, w0, w1, w2, b2, deg2, wg):
    N, T = lc2.shape
    H = w1.shape[0]
    nb = _NB
    off = N // nb
    full = lambda i: (0, 0)
    return pl.pallas_call(
        functools.partial(_encp0_body, T=T),
        grid=(N // nb,),
        in_specs=[
            pl.BlockSpec((nb, T), lambda i: (i, 0)),
            pl.BlockSpec((1, H), full),
            pl.BlockSpec((H, H), full),
            pl.BlockSpec((H, H), full),
            pl.BlockSpec((1, H), full),
            pl.BlockSpec((nb, H), lambda i: (i, 0)),
            pl.BlockSpec((nb, H), lambda i, o=off: (i + o, 0)),
            pl.BlockSpec((H, H), full),
        ],
        out_specs=[
            pl.BlockSpec((nb, H), lambda i: (i, 0)),
            pl.BlockSpec((nb, H), lambda i: (i, 0)),
        ],
        out_shape=[
            jax.ShapeDtypeStruct((N, H), jnp.float32),
            jax.ShapeDtypeStruct((N, H), jnp.float32),
        ],
    )(lc2, w0, w1, w2, b2, deg2, deg2, wg)


def _gcn_node(a0, a1, y, dinv, bg, lg, lb, hp):
    g = (a0 + a1 + y) * dinv + bg
    mu = jnp.mean(g, axis=-1, keepdims=True)
    c = g - mu
    var = jnp.mean(c * c, axis=-1, keepdims=True)
    hn = c * lax.rsqrt(var + 1e-5) * lg + lb
    return jnp.maximum(hn, 0.0) + hp


def _comb_body(a0_ref, a1_ref, y_ref, d0_ref, d1_ref, hp_ref, bg_ref, lg_ref,
               lb_ref, wn_ref, h_out, y_out):
    dinv = _dinv_from(d0_ref[...], d1_ref[...])
    hn = _gcn_node(a0_ref[...], a1_ref[...], y_ref[...], dinv, bg_ref[...],
                   lg_ref[...], lb_ref[...], hp_ref[...])
    h_out[...] = hn
    y_out[...] = jnp.dot(hn, wn_ref[...],
                         preferred_element_type=jnp.float32) * dinv


def _comb(acc, y, deg2, hp, bg, lg, lb, wn):
    N, H = y.shape
    nb = _NB
    off = N // nb
    full = lambda i: (0, 0)
    return pl.pallas_call(
        _comb_body,
        grid=(N // nb,),
        in_specs=[
            pl.BlockSpec((nb, H), lambda i: (i, 0)),
            pl.BlockSpec((nb, H), lambda i, o=off: (i + o, 0)),
            pl.BlockSpec((nb, H), lambda i: (i, 0)),
            pl.BlockSpec((nb, H), lambda i: (i, 0)),
            pl.BlockSpec((nb, H), lambda i, o=off: (i + o, 0)),
            pl.BlockSpec((nb, H), lambda i: (i, 0)),
            pl.BlockSpec((1, H), full),
            pl.BlockSpec((1, H), full),
            pl.BlockSpec((1, H), full),
            pl.BlockSpec((H, H), full),
        ],
        out_specs=[
            pl.BlockSpec((nb, H), lambda i: (i, 0)),
            pl.BlockSpec((nb, H), lambda i: (i, 0)),
        ],
        out_shape=[
            jax.ShapeDtypeStruct((N, H), jnp.float32),
            jax.ShapeDtypeStruct((N, H), jnp.float32),
        ],
    )(acc, acc, y, deg2, deg2, hp, bg, lg, lb, wn)


def _final_body(a0_ref, a1_ref, y_ref, d0_ref, d1_ref, hp_ref, bg_ref, lg_ref,
                lb_ref, bt_ref, w1_ref, b1_ref, w2_ref, b2_ref, w3_ref, b3_ref,
                out_ref, pooled, counts, *, nblocks, G):
    i = pl.program_id(0)

    @pl.when(i == 0)
    def _():
        pooled[...] = jnp.zeros_like(pooled)
        counts[...] = jnp.zeros_like(counts)

    dinv = _dinv_from(d0_ref[...], d1_ref[...])
    hn = _gcn_node(a0_ref[...], a1_ref[...], y_ref[...], dinv, bg_ref[...],
                   lg_ref[...], lb_ref[...], hp_ref[...])
    b2d = bt_ref[...].reshape(-1, 1)
    gid = lax.broadcasted_iota(jnp.int32, (1, G), 1)
    oh = (b2d == gid).astype(jnp.float32)
    dn = (((0,), (0,)), ((), ()))
    pooled[...] += lax.dot_general(oh, hn, dn, preferred_element_type=jnp.float32)
    counts[...] += lax.dot_general(oh, jnp.ones_like(hn), dn,
                                   preferred_element_type=jnp.float32)

    @pl.when(i == nblocks - 1)
    def _():
        pm = pooled[...] / jnp.maximum(counts[...], 1.0)
        x = jnp.maximum(jnp.dot(pm, w1_ref[...],
                                preferred_element_type=jnp.float32) + b1_ref[...], 0.0)
        x = jnp.maximum(jnp.dot(x, w2_ref[...],
                                preferred_element_type=jnp.float32) + b2_ref[...], 0.0)
        x = jnp.dot(x, w3_ref[...], preferred_element_type=jnp.float32) + b3_ref[...]
        out_ref[...] = jnp.maximum(x, 0.0) + jnp.log(1.0 + jnp.exp(-jnp.abs(x)))


def _final(acc, y, deg2, hp, bg, lg, lb, bt3, w1, b1, w2, b2, w3, b3):
    N, H = y.shape
    nb = _NB
    off = N // nb
    nblocks = N // nb
    full = lambda i: (0, 0)
    return pl.pallas_call(
        functools.partial(_final_body, nblocks=nblocks, G=_G),
        grid=(nblocks,),
        in_specs=[
            pl.BlockSpec((nb, H), lambda i: (i, 0)),
            pl.BlockSpec((nb, H), lambda i, o=off: (i + o, 0)),
            pl.BlockSpec((nb, H), lambda i: (i, 0)),
            pl.BlockSpec((nb, H), lambda i: (i, 0)),
            pl.BlockSpec((nb, H), lambda i, o=off: (i + o, 0)),
            pl.BlockSpec((nb, H), lambda i: (i, 0)),
            pl.BlockSpec((1, H), full),
            pl.BlockSpec((1, H), full),
            pl.BlockSpec((1, H), full),
            pl.BlockSpec((1, 1, nb), lambda i: (i, 0, 0)),
            pl.BlockSpec(w1.shape, full),
            pl.BlockSpec(b1.shape, full),
            pl.BlockSpec(w2.shape, full),
            pl.BlockSpec(b2.shape, full),
            pl.BlockSpec(w3.shape, full),
            pl.BlockSpec(b3.shape, full),
        ],
        out_specs=pl.BlockSpec((_G, 1), lambda i: (0, 0)),
        out_shape=jax.ShapeDtypeStruct((_G, 1), jnp.float32),
        scratch_shapes=[
            pltpu.VMEM((_G, H), jnp.float32),
            pltpu.VMEM((_G, H), jnp.float32),
        ],
    )(acc, acc, y, deg2, deg2, hp, bg, lg, lb, bt3, w1, b1, w2, b2, w3, b3)



def _degree(dsts3, ones128, zeroH, N):
    H = ones128.shape[1]
    iters = dsts3.shape[1]
    rows = (N // _NS) // 8 * 8
    rem = N - _NS * rows
    assert iters % _DEG_GRP == 0
    mesh = plsc.VectorSubcoreMesh(core_axis_name="c", subcore_axis_name="s")

    @functools.partial(
        pl.kernel,
        mesh=mesh,
        out_type=jax.ShapeDtypeStruct((_NC * N, H), jnp.float32),
        scratch_types=[
            pltpu.VMEM((iters, _K), jnp.int32),
            pltpu.VMEM((_K, H), jnp.float32),
            pltpu.VMEM_SHARED((N, H), jnp.float32),
            pltpu.SemaphoreType.DMA,
        ],
    )
    def deg_kernel(dst_hbm, ones_hbm, zero_hbm, out_hbm, dsts_v, ones_v,
                   acc_sh, sem_s):
        cid = lax.axis_index("c")
        sid = lax.axis_index("s")
        wid = cid * _NS + sid
        rb = sid * rows
        pltpu.sync_copy(zero_hbm.at[pl.ds(rb, rows)], acc_sh.at[pl.ds(rb, rows)])

        @pl.when(sid == 0)
        def _():
            pltpu.sync_copy(zero_hbm.at[pl.ds(_NS * rows, rem)],
                            acc_sh.at[pl.ds(_NS * rows, rem)])

        pltpu.sync_copy(ones_hbm, ones_v)
        pltpu.sync_copy(dst_hbm.at[wid], dsts_v)
        plsc.subcore_barrier()

        def body(g, carry):
            c0 = g * _DEG_GRP
            for k in range(_DEG_GRP):
                pltpu.async_copy(ones_v, acc_sh.at[dsts_v.at[c0 + k]],
                                 sem_s, add=True)
            for k in range(_DEG_GRP):
                pltpu.make_async_copy(
                    ones_v, acc_sh.at[dsts_v.at[c0 + k]], sem_s).wait()
            return carry

        lax.fori_loop(0, iters // _DEG_GRP, body, 0)
        plsc.subcore_barrier()
        pltpu.sync_copy(acc_sh.at[pl.ds(rb, rows)],
                        out_hbm.at[pl.ds(cid * N + rb, rows)])

        @pl.when(sid == 0)
        def _():
            pltpu.sync_copy(acc_sh.at[pl.ds(_NS * rows, rem)],
                            out_hbm.at[pl.ds(cid * N + _NS * rows, rem)])

    return deg_kernel(dsts3, ones128, zeroH)


def _scatter(y, srcs, dsts3):
    N, H = y.shape
    iters = dsts3.shape[1]
    ept = iters * _K
    rows = (N // _NS) // 8 * 8
    rem = N - _NS * rows
    assert iters % 2 == 1
    mesh = plsc.VectorSubcoreMesh(core_axis_name="c", subcore_axis_name="s")

    @functools.partial(
        pl.kernel,
        mesh=mesh,
        out_type=jax.ShapeDtypeStruct((_NC * N, H), jnp.float32),
        scratch_types=[
            pltpu.VMEM((ept,), jnp.int32),
            pltpu.VMEM((iters, _K), jnp.int32),
            pltpu.VMEM((_K, H), jnp.float32),
            pltpu.VMEM((_K, H), jnp.float32),
            pltpu.VMEM_SHARED((N, H), jnp.float32),
            pltpu.SemaphoreType.DMA,
            pltpu.SemaphoreType.DMA,
            pltpu.SemaphoreType.DMA,
            pltpu.SemaphoreType.DMA,
        ],
    )
    def scat_kernel(y_hbm, src_hbm, dst_hbm, out_hbm,
                    srcs_v, dsts_v, rows_a, rows_b, acc_sh,
                    sem_ga, sem_gb, sem_sa, sem_sb):
        cid = lax.axis_index("c")
        sid = lax.axis_index("s")
        wid = cid * _NS + sid
        rb = sid * rows

        def zrow(r, carry):
            for cc in range(H // 16):
                rows_a[r, pl.ds(cc * 16, 16)] = jnp.zeros((16,), jnp.float32)
            return carry

        lax.fori_loop(0, _K, zrow, 0)
        nfull = rows // _K
        tail = rows - nfull * _K
        for j in range(nfull):
            pltpu.sync_copy(rows_a, acc_sh.at[pl.ds(rb + j * _K, _K)])
        if tail:
            pltpu.sync_copy(rows_a.at[pl.ds(0, tail)],
                            acc_sh.at[pl.ds(rb + nfull * _K, tail)])

        @pl.when(sid == 0)
        def _():
            pltpu.sync_copy(rows_a.at[pl.ds(0, rem)],
                            acc_sh.at[pl.ds(_NS * rows, rem)])

        pltpu.sync_copy(src_hbm.at[pl.ds(wid * ept, ept)], srcs_v)
        pltpu.sync_copy(dst_hbm.at[wid], dsts_v)
        plsc.subcore_barrier()

        def src_ids(i):
            return srcs_v.at[pl.ds(pl.multiple_of(i * _K, _K), _K)]

        pltpu.make_async_copy(y_hbm.at[src_ids(0)], rows_a, sem_ga).start()
        pltpu.make_async_copy(y_hbm.at[src_ids(1)], rows_b, sem_gb).start()

        def body(j, carry):
            c = 2 * j
            pltpu.make_async_copy(y_hbm.at[src_ids(c)], rows_a, sem_ga).wait()
            pltpu.async_copy(rows_a, acc_sh.at[dsts_v.at[c]], sem_sa, add=True)
            pltpu.make_async_copy(y_hbm.at[src_ids(c + 1)], rows_b,
                                  sem_gb).wait()
            pltpu.async_copy(rows_b, acc_sh.at[dsts_v.at[c + 1]], sem_sb,
                             add=True)
            pltpu.make_async_copy(rows_a, acc_sh.at[dsts_v.at[c]],
                                  sem_sa).wait()
            pltpu.make_async_copy(y_hbm.at[src_ids(c + 2)], rows_a,
                                  sem_ga).start()
            pltpu.make_async_copy(rows_b, acc_sh.at[dsts_v.at[c + 1]],
                                  sem_sb).wait()

            @pl.when(2 * j + 3 < iters)
            def _():
                pltpu.make_async_copy(y_hbm.at[src_ids(c + 3)], rows_b,
                                      sem_gb).start()

            return carry

        lax.fori_loop(0, (iters - 1) // 2, body, 0)
        pltpu.make_async_copy(y_hbm.at[src_ids(iters - 1)], rows_a,
                              sem_ga).wait()
        pltpu.sync_copy(rows_a, acc_sh.at[dsts_v.at[iters - 1]], add=True)
        plsc.subcore_barrier()
        pltpu.sync_copy(acc_sh.at[pl.ds(rb, rows)],
                        out_hbm.at[pl.ds(cid * N + rb, rows)])

        @pl.when(sid == 0)
        def _():
            pltpu.sync_copy(acc_sh.at[pl.ds(_NS * rows, rem)],
                            out_hbm.at[pl.ds(cid * N + _NS * rows, rem)])

    return scat_kernel(y, srcs, dsts3)



def kernel(lightcurve, edge_index, batch,
           enc_W0, enc_b0, enc_W1, enc_b1, enc_W2, enc_b2,
           gcn_W0, gcn_b0, ln_g0, ln_b0,
           gcn_W1, gcn_b1, ln_g1, ln_b1,
           gcn_W2, gcn_b2, ln_g2, ln_b2,
           head_W1, head_b1, head_W2, head_b2, head_W3, head_b3):
    N, T, _ = lightcurve.shape
    H = enc_W1.shape[0]

    lc2 = lightcurve[:, :, 0]
    nw = _NC * _NS
    srcs = edge_index[0]
    dsts3 = edge_index[1].reshape(nw, -1, _K)
    row = lambda b: b.reshape(1, -1)
    zeroH = jnp.zeros((N, H), jnp.float32)
    ones128 = jnp.ones((_K, H), jnp.float32)
    bt3 = batch.reshape(N // _NB, 1, _NB)

    deg2 = _degree(dsts3, ones128, zeroH, N)
    h, y1 = _encp0(lc2, enc_W0, enc_W1, enc_W2, row(enc_b2), deg2, gcn_W0)
    acc1 = _scatter(y1, srcs, dsts3)
    h1, y2 = _comb(acc1, y1, deg2, h, row(gcn_b0), row(ln_g0), row(ln_b0), gcn_W1)
    acc2 = _scatter(y2, srcs, dsts3)
    h2, y3 = _comb(acc2, y2, deg2, h1, row(gcn_b1), row(ln_g1), row(ln_b1), gcn_W2)
    acc3 = _scatter(y3, srcs, dsts3)
    return _final(acc3, y3, deg2, h2, row(gcn_b2), row(ln_g2), row(ln_b2), bt3,
                  head_W1, row(head_b1), head_W2, row(head_b2),
                  head_W3, row(head_b3))

# --- scband reference (transcript-rebuilt; emitter-appended) ---
"""Pipeline reference for scband-alcdeftemporal-gnn-31636729102361 (READ-ONLY COPY).

The authoritative reference and input builder live on the scoring server;
editing this copy changes nothing except your own understanding.
"""

import jax, jax.numpy as jnp
import numpy as np

N = 10000; E = 320000; T = 64; H = 128; G = 64

def setup_inputs(seed: int = 0) -> dict:
    key = jax.random.key(seed)
    ks = jax.random.split(key, 24)
    s = 0.05
    inp = {}
    inp['lightcurve'] = jax.random.normal(ks[0], (N, T, 1), dtype=jnp.float32)
    inp['edge_index'] = jax.random.randint(ks[1], (2, E), 0, N)
    inp['batch'] = jnp.sort(jax.random.randint(ks[2], (N,), 0, G))
    inp['enc_W0'] = jax.random.normal(ks[3], (1, H), dtype=jnp.float32) * s
    inp['enc_b0'] = jnp.zeros((H,), jnp.float32)
    inp['enc_W1'] = jax.random.normal(ks[4], (H, H), dtype=jnp.float32) * s
    inp['enc_b1'] = jnp.zeros((H,), jnp.float32)
    inp['enc_W2'] = jax.random.normal(ks[5], (H, H), dtype=jnp.float32) * s
    inp['enc_b2'] = jnp.zeros((H,), jnp.float32)
    for i in range(3):
        inp['gcn_W%d' % i] = jax.random.normal(ks[6 + i], (H, H), dtype=jnp.float32) * s
        inp['gcn_b%d' % i] = jnp.zeros((H,), jnp.float32)
        inp['ln_g%d' % i] = jnp.ones((H,), jnp.float32)
        inp['ln_b%d' % i] = jnp.zeros((H,), jnp.float32)
    inp['head_W1'] = jax.random.normal(ks[9], (H, H // 2), dtype=jnp.float32) * s
    inp['head_b1'] = jnp.zeros((H // 2,), jnp.float32)
    inp['head_W2'] = jax.random.normal(ks[10], (H // 2, H // 4), dtype=jnp.float32) * s
    inp['head_b2'] = jnp.zeros((H // 4,), jnp.float32)
    inp['head_W3'] = jax.random.normal(ks[11], (H // 4, 1), dtype=jnp.float32) * s
    inp['head_b3'] = jnp.zeros((1,), jnp.float32)
    return inp

def _layernorm(x, g, b):
    mu = jnp.mean(x, axis=-1, keepdims=True)
    var = jnp.var(x, axis=-1, keepdims=True)
    return (x - mu) / jnp.sqrt(var + 1e-5) * g + b

def _gcn(h, src, dst, W, b):
    n = h.shape[0]
    loop = jnp.arange(n)
    s = jnp.concatenate([src, loop])
    d = jnp.concatenate([dst, loop])
    deg = jnp.zeros((n,), h.dtype).at[d].add(1.0)
    dinv = 1.0 / jnp.sqrt(jnp.maximum(deg, 1e-12))
    norm = dinv[s] * dinv[d]
    x = h @ W
    agg = jnp.zeros_like(x).at[d].add(x[s] * norm[:, None])
    return agg + b

def _forward(lightcurve, edge_index, batch, p):
    # LightcurveEncoder: per-timestep MLP (num_layers=3) + temporal mean pooling
    h = jax.nn.relu(lightcurve @ p['enc_W0'] + p['enc_b0'])
    h = jax.nn.relu(h @ p['enc_W1'] + p['enc_b1'])
    h = h @ p['enc_W2'] + p['enc_b2']
    h = jnp.mean(h, axis=1)  # [N, H]
    src = edge_index[0]
    dst = edge_index[1]
    for i in range(3):
        h_prev = h
        h = _gcn(h, src, dst, p['gcn_W%d' % i], p['gcn_b%d' % i])
        h = _layernorm(h, p['ln_g%d' % i], p['ln_b%d' % i])
        h = jax.nn.relu(h)
        # dropout is identity in eval mode; residual connection
        h = h + h_prev
    counts = jnp.zeros((G,), h.dtype).at[batch].add(1.0)
    pooled = jnp.zeros((G, h.shape[1]), h.dtype).at[batch].add(h) / jnp.maximum(counts, 1.0)[:, None]
    # PeriodDetectionHead
    x = jax.nn.relu(pooled @ p['head_W1'] + p['head_b1'])
    x = jax.nn.relu(x @ p['head_W2'] + p['head_b2'])
    x = x @ p['head_W3'] + p['head_b3']
    return jax.nn.softplus(x)

def reference(lightcurve, edge_index, batch,
              enc_W0, enc_b0, enc_W1, enc_b1, enc_W2, enc_b2,
              gcn_W0, gcn_b0, ln_g0, ln_b0,
              gcn_W1, gcn_b1, ln_g1, ln_b1,
              gcn_W2, gcn_b2, ln_g2, ln_b2,
              head_W1, head_b1, head_W2, head_b2, head_W3, head_b3):
    p = {
        'enc_W0': enc_W0, 'enc_b0': enc_b0,
        'enc_W1': enc_W1, 'enc_b1': enc_b1,
        'enc_W2': enc_W2, 'enc_b2': enc_b2,
        'gcn_W0': gcn_W0, 'gcn_b0': gcn_b0, 'ln_g0': ln_g0, 'ln_b0': ln_b0,
        'gcn_W1': gcn_W1, 'gcn_b1': gcn_b1, 'ln_g1': ln_g1, 'ln_b1': ln_b1,
        'gcn_W2': gcn_W2, 'gcn_b2': gcn_b2, 'ln_g2': ln_g2, 'ln_b2': ln_b2,
        'head_W1': head_W1, 'head_b1': head_b1,
        'head_W2': head_W2, 'head_b2': head_b2,
        'head_W3': head_W3, 'head_b3': head_b3,
    }
    return _forward(lightcurve, edge_index, batch, p)

if __name__ == "__main__":
    import jax
    _d = setup_inputs()
    print(jax.jit(kernel)(*tuple(_d.values())))

</pallas_src>

<mosaic_0001>
#map = affine_map<(d0, d1) -> (0, 0)>
#map1 = affine_map<(d0, d1) -> (0)>
#map2 = affine_map<(d0, d1) -> (0, 0, 0)>
module attributes {stable_mosaic.version = 14 : i64} {
  func.func @scat_kernel(%arg0: i32, %arg1: i32, %arg2: memref<10000x128xf32, #tpu.memory_space<hbm>>, %arg3: memref<320000xi32, #tpu.memory_space<hbm>>, %arg4: memref<32x125x80xi32, #tpu.memory_space<hbm>>, %arg5: memref<20000x128xf32, #tpu.memory_space<hbm>>, %arg6: memref<10000xi32, #tpu.memory_space<vmem>>, %arg7: memref<125x80xi32, #tpu.memory_space<vmem>>, %arg8: memref<80x128xf32, #tpu.memory_space<vmem>>, %arg9: memref<80x128xf32, #tpu.memory_space<vmem>>, %arg10: memref<10000x128xf32, #tpu.memory_space<vmem_shared>>, %arg11: memref<!tpu.dma_semaphore, #tpu.memory_space<semaphore_mem>>, %arg12: memref<!tpu.dma_semaphore, #tpu.memory_space<semaphore_mem>>, %arg13: memref<!tpu.dma_semaphore, #tpu.memory_space<semaphore_mem>>, %arg14: memref<!tpu.dma_semaphore, #tpu.memory_space<semaphore_mem>>) attributes {dimension_semantics = [#tpu.dimension_semantics<core_parallel>, #tpu.dimension_semantics<subcore_parallel>], iteration_bounds = array<i64: 2, 16>, scalar_prefetch = 0 : i64, scratch_operands = 9 : i64, tpu.core_type = #tpu.core_type<sc_vector_subcore>, window_params = [{transform_indices = #map}, {transform_indices = #map1}, {transform_indices = #map2}, {transform_indices = #map}]} {
    %mul3A = arith.constant 16 : i32
    %mul3A_0 = arith.muli %arg0, %mul3A : i32
    %add3A = arith.addi %mul3A_0, %arg1 : i32
    %mul3A_1 = arith.constant 624 : i32
    %mul3A_2 = arith.muli %arg1, %mul3A_1 : i32
    %scan3A = arith.constant 0 : i32
    %scan3A_3 = arith.constant 0 : i32
    %scan3A_4 = arith.constant 80 : i32
    %scan3A_5 = arith.addi %scan3A_3, %scan3A_4 : i32
    %scan3A_6 = arith.constant 1 : i32
    scf.for %scan3A_58 = %scan3A_3 to %scan3A_5 step %scan3A_6  : i32 {
      %broadcast_in_dim3A = arith.constant 0.000000e+00 : f32
      %broadcast_in_dim3A_59 = vector.broadcast %broadcast_in_dim3A : f32 to vector<16xf32>
      %swap3A = arith.index_cast %scan3A_58 : i32 to index
      %swap3A_60 = arith.constant 0 : index
      %swap3A_61 = tpu.vector_load %arg8[%swap3A, %swap3A_60] {strides = array<i32>} : memref<80x128xf32, #tpu.memory_space<vmem>>, vector<1x16xf32>,
      %swap3A_62 = vector.shape_cast %swap3A_61 : vector<1x16xf32> to vector<16xf32>
      %swap3A_63 = vector.shape_cast %broadcast_in_dim3A_59 : vector<16xf32> to vector<1x16xf32>
      tpu.vector_store %arg8[%swap3A, %swap3A_60], %swap3A_63 {strides = array<i32>} : memref<80x128xf32, #tpu.memory_space<vmem>>, vector<1x16xf32>,
      %broadcast_in_dim3A_64 = arith.constant 0.000000e+00 : f32
      %broadcast_in_dim3A_65 = vector.broadcast %broadcast_in_dim3A_64 : f32 to vector<16xf32>
      %swap3A_66 = arith.index_cast %scan3A_58 : i32 to index
      %swap3A_67 = arith.constant 16 : index
      %swap3A_68 = tpu.vector_load %arg8[%swap3A_66, %swap3A_67] {strides = array<i32>} : memref<80x128xf32, #tpu.memory_space<vmem>>, vector<1x16xf32>,
      %swap3A_69 = vector.shape_cast %swap3A_68 : vector<1x16xf32> to vector<16xf32>
      %swap3A_70 = vector.shape_cast %broadcast_in_dim3A_65 : vector<16xf32> to vector<1x16xf32>
      tpu.vector_store %arg8[%swap3A_66, %swap3A_67], %swap3A_70 {strides = array<i32>} : memref<80x128xf32, #tpu.memory_space<vmem>>, vector<1x16xf32>,
      %broadcast_in_dim3A_71 = arith.constant 0.000000e+00 : f32
      %broadcast_in_dim3A_72 = vector.broadcast %broadcast_in_dim3A_71 : f32 to vector<16xf32>
      %swap3A_73 = arith.index_cast %scan3A_58 : i32 to index
      %swap3A_74 = arith.constant 32 : index
      %swap3A_75 = tpu.vector_load %arg8[%swap3A_73, %swap3A_74] {strides = array<i32>} : memref<80x128xf32, #tpu.memory_space<vmem>>, vector<1x16xf32>,
      %swap3A_76 = vector.shape_cast %swap3A_75 : vector<1x16xf32> to vector<16xf32>
      %swap3A_77 = vector.shape_cast %broadcast_in_dim3A_72 : vector<16xf32> to vector<1x16xf32>
      tpu.vector_store %arg8[%swap3A_73, %swap3A_74], %swap3A_77 {strides = array<i32>} : memref<80x128xf32, #tpu.memory_space<vmem>>, vector<1x16xf32>,
      %broadcast_in_dim3A_78 = arith.constant 0.000000e+00 : f32
      %broadcast_in_dim3A_79 = vector.broadcast %broadcast_in_dim3A_78 : f32 to vector<16xf32>
      %swap3A_80 = arith.index_cast %scan3A_58 : i32 to index
      %swap3A_81 = arith.constant 48 : index
      %swap3A_82 = tpu.vector_load %arg8[%swap3A_80, %swap3A_81] {strides = array<i32>} : memref<80x128xf32, #tpu.memory_space<vmem>>, vector<1x16xf32>,
      %swap3A_83 = vector.shape_cast %swap3A_82 : vector<1x16xf32> to vector<16xf32>
      %swap3A_84 = vector.shape_cast %broadcast_in_dim3A_79 : vector<16xf32> to vector<1x16xf32>
      tpu.vector_store %arg8[%swap3A_80, %swap3A_81], %swap3A_84 {strides = array<i32>} : memref<80x128xf32, #tpu.memory_space<vmem>>, vector<1x16xf32>,
      %broadcast_in_dim3A_85 = arith.constant 0.000000e+00 : f32
      %broadcast_in_dim3A_86 = vector.broadcast %broadcast_in_dim3A_85 : f32 to vector<16xf32>
      %swap3A_87 = arith.index_cast %scan3A_58 : i32 to index
      %swap3A_88 = arith.constant 64 : index
      %swap3A_89 = tpu.vector_load %arg8[%swap3A_87, %swap3A_88] {strides = array<i32>} : memref<80x128xf32, #tpu.memory_space<vmem>>, vector<1x16xf32>,
      %swap3A_90 = vector.shape_cast %swap3A_89 : vector<1x16xf32> to vector<16xf32>
      %swap3A_91 = vector.shape_cast %broadcast_in_dim3A_86 : vector<16xf32> to vector<1x16xf32>
      tpu.vector_store %arg8[%swap3A_87, %swap3A_88], %swap3A_91 {strides = array<i32>} : memref<80x128xf32, #tpu.memory_space<vmem>>, vector<1x16xf32>,
      %broadcast_in_dim3A_92 = arith.constant 0.000000e+00 : f32
      %broadcast_in_dim3A_93 = vector.broadcast %broadcast_in_dim3A_92 : f32 to vector<16xf32>
      %swap3A_94 = arith.index_cast %scan3A_58 : i32 to index
      %swap3A_95 = arith.constant 80 : index
      %swap3A_96 = tpu.vector_load %arg8[%swap3A_94, %swap3A_95] {strides = array<i32>} : memref<80x128xf32, #tpu.memory_space<vmem>>, vector<1x16xf32>,
      %swap3A_97 = vector.shape_cast %swap3A_96 : vector<1x16xf32> to vector<16xf32>
      %swap3A_98 = vector.shape_cast %broadcast_in_dim3A_93 : vector<16xf32> to vector<1x16xf32>
      tpu.vector_store %arg8[%swap3A_94, %swap3A_95], %swap3A_98 {strides = array<i32>} : memref<80x128xf32, #tpu.memory_space<vmem>>, vector<1x16xf32>,
      %broadcast_in_dim3A_99 = arith.constant 0.000000e+00 : f32
      %broadcast_in_dim3A_100 = vector.broadcast %broadcast_in_dim3A_99 : f32 to vector<16xf32>
      %swap3A_101 = arith.index_cast %scan3A_58 : i32 to index
      %swap3A_102 = arith.constant 96 : index
      %swap3A_103 = tpu.vector_load %arg8[%swap3A_101, %swap3A_102] {strides = array<i32>} : memref<80x128xf32, #tpu.memory_space<vmem>>, vector<1x16xf32>,
      %swap3A_104 = vector.shape_cast %swap3A_103 : vector<1x16xf32> to vector<16xf32>
      %swap3A_105 = vector.shape_cast %broadcast_in_dim3A_100 : vector<16xf32> to vector<1x16xf32>
      tpu.vector_store %arg8[%swap3A_101, %swap3A_102], %swap3A_105 {strides = array<i32>} : memref<80x128xf32, #tpu.memory_space<vmem>>, vector<1x16xf32>,
      %broadcast_in_dim3A_106 = arith.constant 0.000000e+00 : f32
      %broadcast_in_dim3A_107 = vector.broadcast %broadcast_in_dim3A_106 : f32 to vector<16xf32>
      %swap3A_108 = arith.index_cast %scan3A_58 : i32 to index
      %swap3A_109 = arith.constant 112 : index
      %swap3A_110 = tpu.vector_load %arg8[%swap3A_108, %swap3A_109] {strides = array<i32>} : memref<80x128xf32, #tpu.memory_space<vmem>>, vector<1x16xf32>,
      %swap3A_111 = vector.shape_cast %swap3A_110 : vector<1x16xf32> to vector<16xf32>
      %swap3A_112 = vector.shape_cast %broadcast_in_dim3A_107 : vector<16xf32> to vector<1x16xf32>
      tpu.vector_store %arg8[%swap3A_108, %swap3A_109], %swap3A_112 {strides = array<i32>} : memref<80x128xf32, #tpu.memory_space<vmem>>, vector<1x16xf32>,
    }
    %scan3A_7 = arith.constant 80 : i32
    %add3A_8 = arith.constant 0 : i32
    %add3A_9 = arith.addi %mul3A_2, %add3A_8 : i32
    "tpu.region"() ({
      %run_scoped3A_58 = tpu.sem_alloc : memref<!tpu.dma_semaphore, #tpu.memory_space<semaphore_mem>>
      %dma_start3A_59 = arith.constant 0 : i32
      %dma_start3A_60 = tpu.memref_slice %arg10[%add3A_9, %dma_start3A_59] : memref<10000x128xf32, #tpu.memory_space<vmem_shared>> -> memref<80x128xf32, #tpu.memory_space<vmem_shared>>
      %dma_start3A_61 = arith.constant 0 : i32
      %dma_start3A_62 = tpu.memref_slice %arg10[%add3A_9, %dma_start3A_61] : memref<10000x128xf32, #tpu.memory_space<vmem_shared>> -> memref<80x128xf32, #tpu.memory_space<vmem_shared>>
      tpu.enqueue_dma source(%arg8 : memref<80x128xf32, #tpu.memory_space<vmem>>) target(%dma_start3A_62 : memref<80x128xf32, #tpu.memory_space<vmem_shared>>) target_semaphore(%run_scoped3A_58 : memref<!tpu.dma_semaphore, #tpu.memory_space<semaphore_mem>>)
      %dma_wait3A_63 = arith.constant 0 : i32
      %dma_wait3A_64 = tpu.memref_slice %arg10[%add3A_9, %dma_wait3A_63] : memref<10000x128xf32, #tpu.memory_space<vmem_shared>> -> memref<80x128xf32, #tpu.memory_space<vmem_shared>>
      %dma_wait3A_65 = arith.constant 0 : i32
      %dma_wait3A_66 = tpu.memref_slice %arg10[%add3A_9, %dma_wait3A_65] : memref<10000x128xf32, #tpu.memory_space<vmem_shared>> -> memref<80x128xf32, #tpu.memory_space<vmem_shared>>
      tpu.wait_dma2 semaphore(%run_scoped3A_58 : memref<!tpu.dma_semaphore, #tpu.memory_space<semaphore_mem>>) src(%arg8 : memref<80x128xf32, #tpu.memory_space<vmem>>) dst(%dma_wait3A_66 : memref<80x128xf32, #tpu.memory_space<vmem_shared>>)
      tpu.yield
    }) : () -> ()
    %add3A_10 = arith.constant 80 : i32
    %add3A_11 = arith.addi %mul3A_2, %add3A_10 : i32
    "tpu.region"() ({
      %run_scoped3A_58 = tpu.sem_alloc : memref<!tpu.dma_semaphore, #tpu.memory_space<semaphore_mem>>
      %dma_start3A_59 = arith.constant 0 : i32
      %dma_start3A_60 = tpu.memref_slice %arg10[%add3A_11, %dma_start3A_59] : memref<10000x128xf32, #tpu.memory_space<vmem_shared>> -> memref<80x128xf32, #tpu.memory_space<vmem_shared>>
      %dma_start3A_61 = arith.constant 0 : i32
      %dma_start3A_62 = tpu.memref_slice %arg10[%add3A_11, %dma_start3A_61] : memref<10000x128xf32, #tpu.memory_space<vmem_shared>> -> memref<80x128xf32, #tpu.memory_space<vmem_shared>>
      tpu.enqueue_dma source(%arg8 : memref<80x128xf32, #tpu.memory_space<vmem>>) target(%dma_start3A_62 : memref<80x128xf32, #tpu.memory_space<vmem_shared>>) target_semaphore(%run_scoped3A_58 : memref<!tpu.dma_semaphore, #tpu.memory_space<semaphore_mem>>)
      %dma_wait3A_63 = arith.constant 0 : i32
      %dma_wait3A_64 = tpu.memref_slice %arg10[%add3A_11, %dma_wait3A_63] : memref<10000x128xf32, #tpu.memory_space<vmem_shared>> -> memref<80x128xf32, #tpu.memory_space<vmem_shared>>
      %dma_wait3A_65 = arith.constant 0 : i32
      %dma_wait3A_66 = tpu.memref_slice %arg10[%add3A_11, %dma_wait3A_65] : memref<10000x128xf32, #tpu.memory_space<vmem_shared>> -> memref<80x128xf32, #tpu.memory_space<vmem_shared>>
      tpu.wait_dma2 semaphore(%run_scoped3A_58 : memref<!tpu.dma_semaphore, #tpu.memory_space<semaphore_mem>>) src(%arg8 : memref<80x128xf32, #tpu.memory_space<vmem>>) dst(%dma_wait3A_66 : memref<80x128xf32, #tpu.memory_space<vmem_shared>>)
      tpu.yield
    }) : () -> ()
    %add3A_12 = arith.constant 160 : i32
    %add3A_13 = arith.addi %mul3A_2, %add3A_12 : i32
    "tpu.region"() ({
      %run_scoped3A_58 = tpu.sem_alloc : memref<!tpu.dma_semaphore, #tpu.memory_space<semaphore_mem>>
      %dma_start3A_59 = arith.constant 0 : i32
      %dma_start3A_60 = tpu.memref_slice %arg10[%add3A_13, %dma_start3A_59] : memref<10000x128xf32, #tpu.memory_space<vmem_shared>> -> memref<80x128xf32, #tpu.memory_space<vmem_shared>>
      %dma_start3A_61 = arith.constant 0 : i32
      %dma_start3A_62 = tpu.memref_slice %arg10[%add3A_13, %dma_start3A_61] : memref<10000x128xf32, #tpu.memory_space<vmem_shared>> -> memref<80x128xf32, #tpu.memory_space<vmem_shared>>
      tpu.enqueue_dma source(%arg8 : memref<80x128xf32, #tpu.memory_space<vmem>>) target(%dma_start3A_62 : memref<80x128xf32, #tpu.memory_space<vmem_shared>>) target_semaphore(%run_scoped3A_58 : memref<!tpu.dma_semaphore, #tpu.memory_space<semaphore_mem>>)
      %dma_wait3A_63 = arith.constant 0 : i32
      %dma_wait3A_64 = tpu.memref_slice %arg10[%add3A_13, %dma_wait3A_63] : memref<10000x128xf32, #tpu.memory_space<vmem_shared>> -> memref<80x128xf32, #tpu.memory_space<vmem_shared>>
      %dma_wait3A_65 = arith.constant 0 : i32
      %dma_wait3A_66 = tpu.memref_slice %arg10[%add3A_13, %dma_wait3A_65] : memref<10000x128xf32, #tpu.memory_space<vmem_shared>> -> memref<80x128xf32, #tpu.memory_space<vmem_shared>>
      tpu.wait_dma2 semaphore(%run_scoped3A_58 : memref<!tpu.dma_semaphore, #tpu.memory_space<semaphore_mem>>) src(%arg8 : memref<80x128xf32, #tpu.memory_space<vmem>>) dst(%dma_wait3A_66 : memref<80x128xf32, #tpu.memory_space<vmem_shared>>)
      tpu.yield
    }) : () -> ()
    %add3A_14 = arith.constant 240 : i32
    %add3A_15 = arith.addi %mul3A_2, %add3A_14 : i32
    "tpu.region"() ({
      %run_scoped3A_58 = tpu.sem_alloc : memref<!tpu.dma_semaphore, #tpu.memory_space<semaphore_mem>>
      %dma_start3A_59 = arith.constant 0 : i32
      %dma_start3A_60 = tpu.memref_slice %arg10[%add3A_15, %dma_start3A_59] : memref<10000x128xf32, #tpu.memory_space<vmem_shared>> -> memref<80x128xf32, #tpu.memory_space<vmem_shared>>
      %dma_start3A_61 = arith.constant 0 : i32
      %dma_start3A_62 = tpu.memref_slice %arg10[%add3A_15, %dma_start3A_61] : memref<10000x128xf32, #tpu.memory_space<vmem_shared>> -> memref<80x128xf32, #tpu.memory_space<vmem_shared>>
      tpu.enqueue_dma source(%arg8 : memref<80x128xf32, #tpu.memory_space<vmem>>) target(%dma_start3A_62 : memref<80x128xf32, #tpu.memory_space<vmem_shared>>) target_semaphore(%run_scoped3A_58 : memref<!tpu.dma_semaphore, #tpu.memory_space<semaphore_mem>>)
      %dma_wait3A_63 = arith.constant 0 : i32
      %dma_wait3A_64 = tpu.memref_slice %arg10[%add3A_15, %dma_wait3A_63] : memref<10000x128xf32, #tpu.memory_space<vmem_shared>> -> memref<80x128xf32, #tpu.memory_space<vmem_shared>>
      %dma_wait3A_65 = arith.constant 0 : i32
      %dma_wait3A_66 = tpu.memref_slice %arg10[%add3A_15, %dma_wait3A_65] : memref<10000x128xf32, #tpu.memory_space<vmem_shared>> -> memref<80x128xf32, #tpu.memory_space<vmem_shared>>
      tpu.wait_dma2 semaphore(%run_scoped3A_58 : memref<!tpu.dma_semaphore, #tpu.memory_space<semaphore_mem>>) src(%arg8 : memref<80x128xf32, #tpu.memory_space<vmem>>) dst(%dma_wait3A_66 : memref<80x128xf32, #tpu.memory_space<vmem_shared>>)
      tpu.yield
    }) : () -> ()
    %add3A_16 = arith.constant 320 : i32
    %add3A_17 = arith.addi %mul3A_2, %add3A_16 : i32
    "tpu.region"() ({
      %run_scoped3A_58 = tpu.sem_alloc : memref<!tpu.dma_semaphore, #tpu.memory_space<semaphore_mem>>
      %dma_start3A_59 = arith.constant 0 : i32
      %dma_start3A_60 = tpu.memref_slice %arg10[%add3A_17, %dma_start3A_59] : memref<10000x128xf32, #tpu.memory_space<vmem_shared>> -> memref<80x128xf32, #tpu.memory_space<vmem_shared>>
      %dma_start3A_61 = arith.constant 0 : i32
      %dma_start3A_62 = tpu.memref_slice %arg10[%add3A_17, %dma_start3A_61] : memref<10000x128xf32, #tpu.memory_space<vmem_shared>> -> memref<80x128xf32, #tpu.memory_space<vmem_shared>>
      tpu.enqueue_dma source(%arg8 : memref<80x128xf32, #tpu.memory_space<vmem>>) target(%dma_start3A_62 : memref<80x128xf32, #tpu.memory_space<vmem_shared>>) target_semaphore(%run_scoped3A_58 : memref<!tpu.dma_semaphore, #tpu.memory_space<semaphore_mem>>)
      %dma_wait3A_63 = arith.constant 0 : i32
      %dma_wait3A_64 = tpu.memref_slice %arg10[%add3A_17, %dma_wait3A_63] : memref<10000x128xf32, #tpu.memory_space<vmem_shared>> -> memref<80x128xf32, #tpu.memory_space<vmem_shared>>
      %dma_wait3A_65 = arith.constant 0 : i32
      %dma_wait3A_66 = tpu.memref_slice %arg10[%add3A_17, %dma_wait3A_65] : memref<10000x128xf32, #tpu.memory_space<vmem_shared>> -> memref<80x128xf32, #tpu.memory_space<vmem_shared>>
      tpu.wait_dma2 semaphore(%run_scoped3A_58 : memref<!tpu.dma_semaphore, #tpu.memory_space<semaphore_mem>>) src(%arg8 : memref<80x128xf32, #tpu.memory_space<vmem>>) dst(%dma_wait3A_66 : memref<80x128xf32, #tpu.memory_space<vmem_shared>>)
      tpu.yield
    }) : () -> ()
    %add3A_18 = arith.constant 400 : i32
    %add3A_19 = arith.addi %mul3A_2, %add3A_18 : i32
    "tpu.region"() ({
      %run_scoped3A_58 = tpu.sem_alloc : memref<!tpu.dma_semaphore, #tpu.memory_space<semaphore_mem>>
      %dma_start3A_59 = arith.constant 0 : i32
      %dma_start3A_60 = tpu.memref_slice %arg10[%add3A_19, %dma_start3A_59] : memref<10000x128xf32, #tpu.memory_space<vmem_shared>> -> memref<80x128xf32, #tpu.memory_space<vmem_shared>>
      %dma_start3A_61 = arith.constant 0 : i32
      %dma_start3A_62 = tpu.memref_slice %arg10[%add3A_19, %dma_start3A_61] : memref<10000x128xf32, #tpu.memory_space<vmem_shared>> -> memref<80x128xf32, #tpu.memory_space<vmem_shared>>
      tpu.enqueue_dma source(%arg8 : memref<80x128xf32, #tpu.memory_space<vmem>>) target(%dma_start3A_62 : memref<80x128xf32, #tpu.memory_space<vmem_shared>>) target_semaphore(%run_scoped3A_58 : memref<!tpu.dma_semaphore, #tpu.memory_space<semaphore_mem>>)
      %dma_wait3A_63 = arith.constant 0 : i32
      %dma_wait3A_64 = tpu.memref_slice %arg10[%add3A_19, %dma_wait3A_63] : memref<10000x128xf32, #tpu.memory_space<vmem_shared>> -> memref<80x128xf32, #tpu.memory_space<vmem_shared>>
      %dma_wait3A_65 = arith.constant 0 : i32
      %dma_wait3A_66 = tpu.memref_slice %arg10[%add3A_19, %dma_wait3A_65] : memref<10000x128xf32, #tpu.memory_space<vmem_shared>> -> memref<80x128xf32, #tpu.memory_space<vmem_shared>>
      tpu.wait_dma2 semaphore(%run_scoped3A_58 : memref<!tpu.dma_semaphore, #tpu.memory_space<semaphore_mem>>) src(%arg8 : memref<80x128xf32, #tpu.memory_space<vmem>>) dst(%dma_wait3A_66 : memref<80x128xf32, #tpu.memory_space<vmem_shared>>)
      tpu.yield
    }) : () -> ()
    %add3A_20 = arith.constant 480 : i32
    %add3A_21 = arith.addi %mul3A_2, %add3A_20 : i32
    "tpu.region"() ({
      %run_scoped3A_58 = tpu.sem_alloc : memref<!tpu.dma_semaphore, #tpu.memory_space<semaphore_mem>>
      %dma_start3A_59 = arith.constant 0 : i32
      %dma_start3A_60 = tpu.memref_slice %arg10[%add3A_21, %dma_start3A_59] : memref<10000x128xf32, #tpu.memory_space<vmem_shared>> -> memref<80x128xf32, #tpu.memory_space<vmem_shared>>
      %dma_start3A_61 = arith.constant 0 : i32
      %dma_start3A_62 = tpu.memref_slice %arg10[%add3A_21, %dma_start3A_61] : memref<10000x128xf32, #tpu.memory_space<vmem_shared>> -> memref<80x128xf32, #tpu.memory_space<vmem_shared>>
      tpu.enqueue_dma source(%arg8 : memref<80x128xf32, #tpu.memory_space<vmem>>) target(%dma_start3A_62 : memref<80x128xf32, #tpu.memory_space<vmem_shared>>) target_semaphore(%run_scoped3A_58 : memref<!tpu.dma_semaphore, #tpu.memory_space<semaphore_mem>>)
      %dma_wait3A_63 = arith.constant 0 : i32
      %dma_wait3A_64 = tpu.memref_slice %arg10[%add3A_21, %dma_wait3A_63] : memref<10000x128xf32, #tpu.memory_space<vmem_shared>> -> memref<80x128xf32, #tpu.memory_space<vmem_shared>>
      %dma_wait3A_65 = arith.constant 0 : i32
      %dma_wait3A_66 = tpu.memref_slice %arg10[%add3A_21, %dma_wait3A_65] : memref<10000x128xf32, #tpu.memory_space<vmem_shared>> -> memref<80x128xf32, #tpu.memory_space<vmem_shared>>
      tpu.wait_dma2 semaphore(%run_scoped3A_58 : memref<!tpu.dma_semaphore, #tpu.memory_space<semaphore_mem>>) src(%arg8 : memref<80x128xf32, #tpu.memory_space<vmem>>) dst(%dma_wait3A_66 : memref<80x128xf32, #tpu.memory_space<vmem_shared>>)
      tpu.yield
    }) : () -> ()
    %add3A_22 = arith.constant 560 : i32
    %add3A_23 = arith.addi %mul3A_2, %add3A_22 : i32
    "tpu.region"() ({
      %run_scoped3A_58 = tpu.sem_alloc : memref<!tpu.dma_semaphore, #tpu.memory_space<semaphore_mem>>
      %dma_start3A_59 = arith.constant 0 : i32
      %dma_start3A_60 = arith.constant 0 : i32
      %dma_start3A_61 = tpu.memref_slice %arg8[%dma_start3A_59, %dma_start3A_60] : memref<80x128xf32, #tpu.memory_space<vmem>> -> memref<64x128xf32, #tpu.memory_space<vmem>>
      %dma_start3A_62 = arith.constant 0 : i32
      %dma_start3A_63 = tpu.memref_slice %arg10[%add3A_23, %dma_start3A_62] : memref<10000x128xf32, #tpu.memory_space<vmem_shared>> -> memref<64x128xf32, #tpu.memory_space<vmem_shared>>
      %dma_start3A_64 = arith.constant 0 : i32
      %dma_start3A_65 = tpu.memref_slice %arg10[%add3A_23, %dma_start3A_64] : memref<10000x128xf32, #tpu.memory_space<vmem_shared>> -> memref<64x128xf32, #tpu.memory_space<vmem_shared>>
      %dma_start3A_66 = arith.constant 0 : i32
      %dma_start3A_67 = arith.constant 0 : i32
      %dma_start3A_68 = tpu.memref_slice %arg8[%dma_start3A_66, %dma_start3A_67] : memref<80x128xf32, #tpu.memory_space<vmem>> -> memref<64x128xf32, #tpu.memory_space<vmem>>
      tpu.enqueue_dma source(%dma_start3A_68 : memref<64x128xf32, #tpu.memory_space<vmem>>) target(%dma_start3A_65 : memref<64x128xf32, #tpu.memory_space<vmem_shared>>) target_semaphore(%run_scoped3A_58 : memref<!tpu.dma_semaphore, #tpu.memory_space<semaphore_mem>>)
      %dma_wait3A_69 = arith.constant 0 : i32
      %dma_wait3A_70 = arith.constant 0 : i32
      %dma_wait3A_71 = tpu.memref_slice %arg8[%dma_wait3A_69, %dma_wait3A_70] : memref<80x128xf32, #tpu.memory_space<vmem>> -> memref<64x128xf32, #tpu.memory_space<vmem>>
      %dma_wait3A_72 = arith.constant 0 : i32
      %dma_wait3A_73 = tpu.memref_slice %arg10[%add3A_23, %dma_wait3A_72] : memref<10000x128xf32, #tpu.memory_space<vmem_shared>> -> memref<64x128xf32, #tpu.memory_space<vmem_shared>>
      %dma_wait3A_74 = arith.constant 0 : i32
      %dma_wait3A_75 = tpu.memref_slice %arg10[%add3A_23, %dma_wait3A_74] : memref<10000x128xf32, #tpu.memory_space<vmem_shared>> -> memref<64x128xf32, #tpu.memory_space<vmem_shared>>
      %dma_wait3A_76 = arith.constant 0 : i32
      %dma_wait3A_77 = arith.constant 0 : i32
      %dma_wait3A_78 = tpu.memref_slice %arg8[%dma_wait3A_76, %dma_wait3A_77] : memref<80x128xf32, #tpu.memory_space<vmem>> -> memref<64x128xf32, #tpu.memory_space<vmem>>
      tpu.wait_dma2 semaphore(%run_scoped3A_58 : memref<!tpu.dma_semaphore, #tpu.memory_space<semaphore_mem>>) src(%dma_wait3A_78 : memref<64x128xf32, #tpu.memory_space<vmem>>) dst(%dma_wait3A_75 : memref<64x128xf32, #tpu.memory_space<vmem_shared>>)
      tpu.yield
    }) : () -> ()
    %eq3A = arith.constant 0 : i32
    %eq3A_24 = arith.cmpi eq, %arg1, %eq3A : i32
    %convert_element_type3A = arith.extui %eq3A_24 : i1 to i32
    %cond3A = arith.constant 0 : i32
    %cond3A_25 = arith.cmpi ne, %convert_element_type3A, %cond3A : i32
    scf.if %cond3A_25 {
      "tpu.region"() ({
        %run_scoped3A_58 = tpu.sem_alloc : memref<!tpu.dma_semaphore, #tpu.memory_space<semaphore_mem>>
        %dma_start3A_59 = arith.constant 0 : i32
        %dma_start3A_60 = arith.constant 0 : i32
        %dma_start3A_61 = tpu.memref_slice %arg8[%dma_start3A_59, %dma_start3A_60] : memref<80x128xf32, #tpu.memory_space<vmem>> -> memref<16x128xf32, #tpu.memory_space<vmem>>
        %dma_start3A_62 = arith.constant 9984 : i32
        %dma_start3A_63 = arith.constant 0 : i32
        %dma_start3A_64 = tpu.memref_slice %arg10[%dma_start3A_62, %dma_start3A_63] : memref<10000x128xf32, #tpu.memory_space<vmem_shared>> -> memref<16x128xf32, #tpu.memory_space<vmem_shared>>
        %dma_start3A_65 = arith.constant 9984 : i32
        %dma_start3A_66 = arith.constant 0 : i32
        %dma_start3A_67 = tpu.memref_slice %arg10[%dma_start3A_65, %dma_start3A_66] : memref<10000x128xf32, #tpu.memory_space<vmem_shared>> -> memref<16x128xf32, #tpu.memory_space<vmem_shared>>
        %dma_start3A_68 = arith.constant 0 : i32
        %dma_start3A_69 = arith.constant 0 : i32
        %dma_start3A_70 = tpu.memref_slice %arg8[%dma_start3A_68, %dma_start3A_69] : memref<80x128xf32, #tpu.memory_space<vmem>> -> memref<16x128xf32, #tpu.memory_space<vmem>>
        tpu.enqueue_dma source(%dma_start3A_70 : memref<16x128xf32, #tpu.memory_space<vmem>>) target(%dma_start3A_67 : memref<16x128xf32, #tpu.memory_space<vmem_shared>>) target_semaphore(%run_scoped3A_58 : memref<!tpu.dma_semaphore, #tpu.memory_space<semaphore_mem>>)
        %dma_wait3A_71 = arith.constant 0 : i32
        %dma_wait3A_72 = arith.constant 0 : i32
        %dma_wait3A_73 = tpu.memref_slice %arg8[%dma_wait3A_71, %dma_wait3A_72] : memref<80x128xf32, #tpu.memory_space<vmem>> -> memref<16x128xf32, #tpu.memory_space<vmem>>
        %dma_wait3A_74 = arith.constant 9984 : i32
        %dma_wait3A_75 = arith.constant 0 : i32
        %dma_wait3A_76 = tpu.memref_slice %arg10[%dma_wait3A_74, %dma_wait3A_75] : memref<10000x128xf32, #tpu.memory_space<vmem_shared>> -> memref<16x128xf32, #tpu.memory_space<vmem_shared>>
        %dma_wait3A_77 = arith.constant 9984 : i32
        %dma_wait3A_78 = arith.constant 0 : i32
        %dma_wait3A_79 = tpu.memref_slice %arg10[%dma_wait3A_77, %dma_wait3A_78] : memref<10000x128xf32, #tpu.memory_space<vmem_shared>> -> memref<16x128xf32, #tpu.memory_space<vmem_shared>>
        %dma_wait3A_80 = arith.constant 0 : i32
        %dma_wait3A_81 = arith.constant 0 : i32
        %dma_wait3A_82 = tpu.memref_slice %arg8[%dma_wait3A_80, %dma_wait3A_81] : memref<80x128xf32, #tpu.memory_space<vmem>> -> memref<16x128xf32, #tpu.memory_space<vmem>>
        tpu.wait_dma2 semaphore(%run_scoped3A_58 : memref<!tpu.dma_semaphore, #tpu.memory_space<semaphore_mem>>) src(%dma_wait3A_82 : memref<16x128xf32, #tpu.memory_space<vmem>>) dst(%dma_wait3A_79 : memref<16x128xf32, #tpu.memory_space<vmem_shared>>)
        tpu.yield
      }) : () -> ()
    } else {
    }
    %mul3A_26 = arith.constant 10000 : i32
    %mul3A_27 = arith.muli %add3A, %mul3A_26 : i32
    "tpu.region"() ({
      %run_scoped3A_58 = tpu.sem_alloc : memref<!tpu.dma_semaphore, #tpu.memory_space<semaphore_mem>>
      %dma_start3A_59 = tpu.memref_slice %arg3[%mul3A_27] : memref<320000xi32, #tpu.memory_space<hbm>> -> memref<10000xi32, #tpu.memory_space<hbm>>
      %dma_start3A_60 = tpu.memref_slice %arg3[%mul3A_27] : memref<320000xi32, #tpu.memory_space<hbm>> -> memref<10000xi32, #tpu.memory_space<hbm>>
      tpu.enqueue_dma source(%dma_start3A_60 : memref<10000xi32, #tpu.memory_space<hbm>>) target(%arg6 : memref<10000xi32, #tpu.memory_space<vmem>>) target_semaphore(%run_scoped3A_58 : memref<!tpu.dma_semaphore, #tpu.memory_space<semaphore_mem>>)
      %dma_wait3A_61 = tpu.memref_slice %arg3[%mul3A_27] : memref<320000xi32, #tpu.memory_space<hbm>> -> memref<10000xi32, #tpu.memory_space<hbm>>
      %dma_wait3A_62 = tpu.memref_slice %arg3[%mul3A_27] : memref<320000xi32, #tpu.memory_space<hbm>> -> memref<10000xi32, #tpu.memory_space<hbm>>
      tpu.wait_dma2 semaphore(%run_scoped3A_58 : memref<!tpu.dma_semaphore, #tpu.memory_space<semaphore_mem>>) src(%dma_wait3A_62 : memref<10000xi32, #tpu.memory_space<hbm>>) dst(%arg6 : memref<10000xi32, #tpu.memory_space<vmem>>)
      tpu.yield
    }) : () -> ()
    "tpu.region"() ({
      %run_scoped3A_58 = tpu.sem_alloc : memref<!tpu.dma_semaphore, #tpu.memory_space<semaphore_mem>>
      %dma_start3A_59 = arith.constant 0 : i32
      %dma_start3A_60 = arith.constant 0 : i32
      %dma_start3A_61 = tpu.memref_slice %arg4[%add3A, %dma_start3A_59, %dma_start3A_60] : memref<32x125x80xi32, #tpu.memory_space<hbm>> -> memref<1x125x80xi32, #tpu.memory_space<hbm>>
      %dma_start3A_62 = tpu.memref_squeeze %dma_start3A_61 : memref<1x125x80xi32, #tpu.memory_space<hbm>> -> memref<125x80xi32, #tpu.memory_space<hbm>>
      %dma_start3A_63 = arith.constant 0 : i32
      %dma_start3A_64 = arith.constant 0 : i32
      %dma_start3A_65 = tpu.memref_slice %arg4[%add3A, %dma_start3A_63, %dma_start3A_64] : memref<32x125x80xi32, #tpu.memory_space<hbm>> -> memref<1x125x80xi32, #tpu.memory_space<hbm>>
      %dma_start3A_66 = tpu.memref_squeeze %dma_start3A_65 : memref<1x125x80xi32, #tpu.memory_space<hbm>> -> memref<125x80xi32, #tpu.memory_space<hbm>>
      tpu.enqueue_dma source(%dma_start3A_66 : memref<125x80xi32, #tpu.memory_space<hbm>>) target(%arg7 : memref<125x80xi32, #tpu.memory_space<vmem>>) target_semaphore(%run_scoped3A_58 : memref<!tpu.dma_semaphore, #tpu.memory_space<semaphore_mem>>)
      %dma_wait3A_67 = arith.constant 0 : i32
      %dma_wait3A_68 = arith.constant 0 : i32
      %dma_wait3A_69 = tpu.memref_slice %arg4[%add3A, %dma_wait3A_67, %dma_wait3A_68] : memref<32x125x80xi32, #tpu.memory_space<hbm>> -> memref<1x125x80xi32, #tpu.memory_space<hbm>>
      %dma_wait3A_70 = tpu.memref_squeeze %dma_wait3A_69 : memref<1x125x80xi32, #tpu.memory_space<hbm>> -> memref<125x80xi32, #tpu.memory_space<hbm>>
      %dma_wait3A_71 = arith.constant 0 : i32
      %dma_wait3A_72 = arith.constant 0 : i32
      %dma_wait3A_73 = tpu.memref_slice %arg4[%add3A, %dma_wait3A_71, %dma_wait3A_72] : memref<32x125x80xi32, #tpu.memory_space<hbm>> -> memref<1x125x80xi32, #tpu.memory_space<hbm>>
      %dma_wait3A_74 = tpu.memref_squeeze %dma_wait3A_73 : memref<1x125x80xi32, #tpu.memory_space<hbm>> -> memref<125x80xi32, #tpu.memory_space<hbm>>
      tpu.wait_dma2 semaphore(%run_scoped3A_58 : memref<!tpu.dma_semaphore, #tpu.memory_space<semaphore_mem>>) src(%dma_wait3A_74 : memref<125x80xi32, #tpu.memory_space<hbm>>) dst(%arg7 : memref<125x80xi32, #tpu.memory_space<vmem>>)
      tpu.yield
    }) : () -> ()
    %barrier3A = arith.constant 0 : index
    tpu.barrier barrier_id(%barrier3A)
    %multiple_of3A = arith.constant 0 : i32
    %multiple_of3A_28 = tpu.assume_multiple %multiple_of3A, 80 : i32
    %dma_start3A = tpu.memref_slice %arg6[%multiple_of3A_28] : memref<10000xi32, #tpu.memory_space<vmem>> -> memref<80xi32, #tpu.memory_space<vmem>>
    %dma_start3A_29 = arith.constant 0 : i32
    %dma_start3A_30 = arith.constant 0 : i32
    %dma_start3A_31 = tpu.memref_slice %arg2[%dma_start3A_29, %dma_start3A_30] : memref<10000x128xf32, #tpu.memory_space<hbm>> -> memref<10000x128xf32, #tpu.memory_space<hbm>>
    tpu.enqueue_indirect_dma source(%dma_start3A_31 : memref<10000x128xf32, #tpu.memory_space<hbm>>) target(%arg8 : memref<80x128xf32, #tpu.memory_space<vmem>>) offsets(%dma_start3A : memref<80xi32, #tpu.memory_space<vmem>>) semaphore(%arg11 : memref<!tpu.dma_semaphore, #tpu.memory_space<semaphore_mem>>)
    %multiple_of3A_32 = arith.constant 80 : i32
    %multiple_of3A_33 = tpu.assume_multiple %multiple_of3A_32, 80 : i32
    %dma_start3A_34 = tpu.memref_slice %arg6[%multiple_of3A_33] : memref<10000xi32, #tpu.memory_space<vmem>> -> memref<80xi32, #tpu.memory_space<vmem>>
    %dma_start3A_35 = arith.constant 0 : i32
    %dma_start3A_36 = arith.constant 0 : i32
    %dma_start3A_37 = tpu.memref_slice %arg2[%dma_start3A_35, %dma_start3A_36] : memref<10000x128xf32, #tpu.memory_space<hbm>> -> memref<10000x128xf32, #tpu.memory_space<hbm>>
    tpu.enqueue_indirect_dma source(%dma_start3A_37 : memref<10000x128xf32, #tpu.memory_space<hbm>>) target(%arg9 : memref<80x128xf32, #tpu.memory_space<vmem>>) offsets(%dma_start3A_34 : memref<80xi32, #tpu.memory_space<vmem>>) semaphore(%arg12 : memref<!tpu.dma_semaphore, #tpu.memory_space<semaphore_mem>>)
    %scan3A_38 = arith.constant 0 : i32
    %scan3A_39 = arith.constant 0 : i32
    %scan3A_40 = arith.constant 62 : i32
    %scan3A_41 = arith.addi %scan3A_39, %scan3A_40 : i32
    %scan3A_42 = arith.constant 1 : i32
    scf.for %scan3A_58 = %scan3A_39 to %scan3A_41 step %scan3A_42  : i32 {
      %mul3A_59 = arith.constant 2 : i32
      %mul3A_60 = arith.muli %mul3A_59, %scan3A_58 : i32
      %mul3A_61 = arith.constant 80 : i32
      %mul3A_62 = arith.muli %mul3A_60, %mul3A_61 : i32
      %multiple_of3A_63 = tpu.assume_multiple %mul3A_62, 80 : i32
      %dma_wait3A_64 = tpu.memref_slice %arg6[%multiple_of3A_63] : memref<10000xi32, #tpu.memory_space<vmem>> -> memref<80xi32, #tpu.memory_space<vmem>>
      %dma_wait3A_65 = arith.constant 0 : i32
      %dma_wait3A_66 = arith.constant 0 : i32
      %dma_wait3A_67 = tpu.memref_slice %arg2[%dma_wait3A_65, %dma_wait3A_66] : memref<10000x128xf32, #tpu.memory_space<hbm>> -> memref<10000x128xf32, #tpu.memory_space<hbm>>
      tpu.wait_indirect_dma semaphore(%arg11 : memref<!tpu.dma_semaphore, #tpu.memory_space<semaphore_mem>>) src(%dma_wait3A_67 : memref<10000x128xf32, #tpu.memory_space<hbm>>) dst(%arg8 : memref<80x128xf32, #tpu.memory_space<vmem>>)
      %dma_start3A_68 = arith.constant 0 : i32
      %dma_start3A_69 = tpu.memref_slice %arg7[%mul3A_60, %dma_start3A_68] : memref<125x80xi32, #tpu.memory_space<vmem>> -> memref<1x80xi32, #tpu.memory_space<vmem>>
      %dma_start3A_70 = tpu.memref_squeeze %dma_start3A_69 : memref<1x80xi32, #tpu.memory_space<vmem>> -> memref<80xi32, #tpu.memory_space<vmem>>
      %dma_start3A_71 = arith.constant 0 : i32
      %dma_start3A_72 = arith.constant 0 : i32
      %dma_start3A_73 = tpu.memref_slice %arg10[%dma_start3A_71, %dma_start3A_72] : memref<10000x128xf32, #tpu.memory_space<vmem_shared>> -> memref<10000x128xf32, #tpu.memory_space<vmem_shared>>
      tpu.enqueue_indirect_dma source(%arg8 : memref<80x128xf32, #tpu.memory_space<vmem>>) target(%dma_start3A_73 : memref<10000x128xf32, #tpu.memory_space<vmem_shared>>) offsets(%dma_start3A_70 : memref<80xi32, #tpu.memory_space<vmem>>) semaphore(%arg13 : memref<!tpu.dma_semaphore, #tpu.memory_space<semaphore_mem>>) {add = true}
      %add3A_74 = arith.constant 1 : i32
      %add3A_75 = arith.addi %mul3A_60, %add3A_74 : i32
      %mul3A_76 = arith.constant 80 : i32
      %mul3A_77 = arith.muli %add3A_75, %mul3A_76 : i32
      %multiple_of3A_78 = tpu.assume_multiple %mul3A_77, 80 : i32
      %dma_wait3A_79 = tpu.memref_slice %arg6[%multiple_of3A_78] : memref<10000xi32, #tpu.memory_space<vmem>> -> memref<80xi32, #tpu.memory_space<vmem>>
      %dma_wait3A_80 = arith.constant 0 : i32
      %dma_wait3A_81 = arith.constant 0 : i32
      %dma_wait3A_82 = tpu.memref_slice %arg2[%dma_wait3A_80, %dma_wait3A_81] : memref<10000x128xf32, #tpu.memory_space<hbm>> -> memref<10000x128xf32, #tpu.memory_space<hbm>>
      tpu.wait_indirect_dma semaphore(%arg12 : memref<!tpu.dma_semaphore, #tpu.memory_space<semaphore_mem>>) src(%dma_wait3A_82 : memref<10000x128xf32, #tpu.memory_space<hbm>>) dst(%arg9 : memref<80x128xf32, #tpu.memory_space<vmem>>)
      %add3A_83 = arith.constant 1 : i32
      %add3A_84 = arith.addi %mul3A_60, %add3A_83 : i32
      %dma_start3A_85 = arith.constant 0 : i32
      %dma_start3A_86 = tpu.memref_slice %arg7[%add3A_84, %dma_start3A_85] : memref<125x80xi32, #tpu.memory_space<vmem>> -> memref<1x80xi32, #tpu.memory_space<vmem>>
      %dma_start3A_87 = tpu.memref_squeeze %dma_start3A_86 : memref<1x80xi32, #tpu.memory_space<vmem>> -> memref<80xi32, #tpu.memory_space<vmem>>
      %dma_start3A_88 = arith.constant 0 : i32
      %dma_start3A_89 = arith.constant 0 : i32
      %dma_start3A_90 = tpu.memref_slice %arg10[%dma_start3A_88, %dma_start3A_89] : memref<10000x128xf32, #tpu.memory_space<vmem_shared>> -> memref<10000x128xf32, #tpu.memory_space<vmem_shared>>
      tpu.enqueue_indirect_dma source(%arg9 : memref<80x128xf32, #tpu.memory_space<vmem>>) target(%dma_start3A_90 : memref<10000x128xf32, #tpu.memory_space<vmem_shared>>) offsets(%dma_start3A_87 : memref<80xi32, #tpu.memory_space<vmem>>) semaphore(%arg14 : memref<!tpu.dma_semaphore, #tpu.memory_space<semaphore_mem>>) {add = true}
      %dma_wait3A_91 = arith.constant 0 : i32
      %dma_wait3A_92 = tpu.memref_slice %arg7[%mul3A_60, %dma_wait3A_91] : memref<125x80xi32, #tpu.memory_space<vmem>> -> memref<1x80xi32, #tpu.memory_space<vmem>>
      %dma_wait3A_93 = tpu.memref_squeeze %dma_wait3A_92 : memref<1x80xi32, #tpu.memory_space<vmem>> -> memref<80xi32, #tpu.memory_space<vmem>>
      %dma_wait3A_94 = arith.constant 0 : i32
      %dma_wait3A_95 = arith.constant 0 : i32
      %dma_wait3A_96 = tpu.memref_slice %arg10[%dma_wait3A_94, %dma_wait3A_95] : memref<10000x128xf32, #tpu.memory_space<vmem_shared>> -> memref<10000x128xf32, #tpu.memory_space<vmem_shared>>
      tpu.wait_indirect_dma semaphore(%arg13 : memref<!tpu.dma_semaphore, #tpu.memory_space<semaphore_mem>>) src(%arg8 : memref<80x128xf32, #tpu.memory_space<vmem>>) dst(%dma_wait3A_96 : memref<10000x128xf32, #tpu.memory_space<vmem_shared>>)
      %add3A_97 = arith.constant 2 : i32
      %add3A_98 = arith.addi %mul3A_60, %add3A_97 : i32
      %mul3A_99 = arith.constant 80 : i32
      %mul3A_100 = arith.muli %add3A_98, %mul3A_99 : i32
      %multiple_of3A_101 = tpu.assume_multiple %mul3A_100, 80 : i32
      %dma_start3A_102 = tpu.memref_slice %arg6[%multiple_of3A_101] : memref<10000xi32, #tpu.memory_space<vmem>> -> memref<80xi32, #tpu.memory_space<vmem>>
      %dma_start3A_103 = arith.constant 0 : i32
      %dma_start3A_104 = arith.constant 0 : i32
      %dma_start3A_105 = tpu.memref_slice %arg2[%dma_start3A_103, %dma_start3A_104] : memref<10000x128xf32, #tpu.memory_space<hbm>> -> memref<10000x128xf32, #tpu.memory_space<hbm>>
      tpu.enqueue_indirect_dma source(%dma_start3A_105 : memref<10000x128xf32, #tpu.memory_space<hbm>>) target(%arg8 : memref<80x128xf32, #tpu.memory_space<vmem>>) offsets(%dma_start3A_102 : memref<80xi32, #tpu.memory_space<vmem>>) semaphore(%arg11 : memref<!tpu.dma_semaphore, #tpu.memory_space<semaphore_mem>>)
      %add3A_106 = arith.constant 1 : i32
      %add3A_107 = arith.addi %mul3A_60, %add3A_106 : i32
      %dma_wait3A_108 = arith.constant 0 : i32
      %dma_wait3A_109 = tpu.memref_slice %arg7[%add3A_107, %dma_wait3A_108] : memref<125x80xi32, #tpu.memory_space<vmem>> -> memref<1x80xi32, #tpu.memory_space<vmem>>
      %dma_wait3A_110 = tpu.memref_squeeze %dma_wait3A_109 : memref<1x80xi32, #tpu.memory_space<vmem>> -> memref<80xi32, #tpu.memory_space<vmem>>
      %dma_wait3A_111 = arith.constant 0 : i32
      %dma_wait3A_112 = arith.constant 0 : i32
      %dma_wait3A_113 = tpu.memref_slice %arg10[%dma_wait3A_111, %dma_wait3A_112] : memref<10000x128xf32, #tpu.memory_space<vmem_shared>> -> memref<10000x128xf32, #tpu.memory_space<vmem_shared>>
      tpu.wait_indirect_dma semaphore(%arg14 : memref<!tpu.dma_semaphore, #tpu.memory_space<semaphore_mem>>) src(%arg9 : memref<80x128xf32, #tpu.memory_space<vmem>>) dst(%dma_wait3A_113 : memref<10000x128xf32, #tpu.memory_space<vmem_shared>>)
      %mul3A_114 = arith.constant 2 : i32
      %mul3A_115 = arith.muli %mul3A_114, %scan3A_58 : i32
      %add3A_116 = arith.constant 3 : i32
      %add3A_117 = arith.addi %mul3A_115, %add3A_116 : i32
      %lt3A = arith.constant 125 : i32
      %lt3A_118 = arith.cmpi slt, %add3A_117, %lt3A : i32
      %convert_element_type3A_119 = arith.extui %lt3A_118 : i1 to i32
      %cond3A_120 = arith.constant 0 : i32
      %cond3A_121 = arith.cmpi ne, %convert_element_type3A_119, %cond3A_120 : i32
      scf.if %cond3A_121 {
        %add3A_122 = arith.constant 3 : i32
        %add3A_123 = arith.addi %mul3A_60, %add3A_122 : i32
        %mul3A_124 = arith.constant 80 : i32
        %mul3A_125 = arith.muli %add3A_123, %mul3A_124 : i32
        %multiple_of3A_126 = tpu.assume_multiple %mul3A_125, 80 : i32
        %dma_start3A_127 = tpu.memref_slice %arg6[%multiple_of3A_126] : memref<10000xi32, #tpu.memory_space<vmem>> -> memref<80xi32, #tpu.memory_space<vmem>>
        %dma_start3A_128 = arith.constant 0 : i32
        %dma_start3A_129 = arith.constant 0 : i32
        %dma_start3A_130 = tpu.memref_slice %arg2[%dma_start3A_128, %dma_start3A_129] : memref<10000x128xf32, #tpu.memory_space<hbm>> -> memref<10000x128xf32, #tpu.memory_space<hbm>>
        tpu.enqueue_indirect_dma source(%dma_start3A_130 : memref<10000x128xf32, #tpu.memory_space<hbm>>) target(%arg9 : memref<80x128xf32, #tpu.memory_space<vmem>>) offsets(%dma_start3A_127 : memref<80xi32, #tpu.memory_space<vmem>>) semaphore(%arg12 : memref<!tpu.dma_semaphore, #tpu.memory_space<semaphore_mem>>)
      } else {
      }
    }
    %scan3A_43 = arith.constant 62 : i32
    %multiple_of3A_44 = arith.constant 9920 : i32
    %multiple_of3A_45 = tpu.assume_multiple %multiple_of3A_44, 80 : i32
    %dma_wait3A = tpu.memref_slice %arg6[%multiple_of3A_45] : memref<10000xi32, #tpu.memory_space<vmem>> -> memref<80xi32, #tpu.memory_space<vmem>>
    %dma_wait3A_46 = arith.constant 0 : i32
    %dma_wait3A_47 = arith.constant 0 : i32
    %dma_wait3A_48 = tpu.memref_slice %arg2[%dma_wait3A_46, %dma_wait3A_47] : memref<10000x128xf32, #tpu.memory_space<hbm>> -> memref<10000x128xf32, #tpu.memory_space<hbm>>
    tpu.wait_indirect_dma semaphore(%arg11 : memref<!tpu.dma_semaphore, #tpu.memory_space<semaphore_mem>>) src(%dma_wait3A_48 : memref<10000x128xf32, #tpu.memory_space<hbm>>) dst(%arg8 : memref<80x128xf32, #tpu.memory_space<vmem>>)
    %run_scoped3A = arith.constant 124 : i32
    "tpu.region"() ({
      %run_scoped3A_58 = tpu.sem_alloc : memref<!tpu.dma_semaphore, #tpu.memory_space<semaphore_mem>>
      %dma_start3A_59 = arith.constant 0 : i32
      %dma_start3A_60 = tpu.memref_slice %arg7[%run_scoped3A, %dma_start3A_59] : memref<125x80xi32, #tpu.memory_space<vmem>> -> memref<1x80xi32, #tpu.memory_space<vmem>>
      %dma_start3A_61 = tpu.memref_squeeze %dma_start3A_60 : memref<1x80xi32, #tpu.memory_space<vmem>> -> memref<80xi32, #tpu.memory_space<vmem>>
      %dma_start3A_62 = arith.constant 0 : i32
      %dma_start3A_63 = arith.constant 0 : i32
      %dma_start3A_64 = tpu.memref_slice %arg10[%dma_start3A_62, %dma_start3A_63] : memref<10000x128xf32, #tpu.memory_space<vmem_shared>> -> memref<10000x128xf32, #tpu.memory_space<vmem_shared>>
      tpu.enqueue_indirect_dma source(%arg8 : memref<80x128xf32, #tpu.memory_space<vmem>>) target(%dma_start3A_64 : memref<10000x128xf32, #tpu.memory_space<vmem_shared>>) offsets(%dma_start3A_61 : memref<80xi32, #tpu.memory_space<vmem>>) semaphore(%run_scoped3A_58 : memref<!tpu.dma_semaphore, #tpu.memory_space<semaphore_mem>>) {add = true}
      %dma_wait3A_65 = arith.constant 0 : i32
      %dma_wait3A_66 = tpu.memref_slice %arg7[%run_scoped3A, %dma_wait3A_65] : memref<125x80xi32, #tpu.memory_space<vmem>> -> memref<1x80xi32, #tpu.memory_space<vmem>>
      %dma_wait3A_67 = tpu.memref_squeeze %dma_wait3A_66 : memref<1x80xi32, #tpu.memory_space<vmem>> -> memref<80xi32, #tpu.memory_space<vmem>>
      %dma_wait3A_68 = arith.constant 0 : i32
      %dma_wait3A_69 = arith.constant 0 : i32
      %dma_wait3A_70 = tpu.memref_slice %arg10[%dma_wait3A_68, %dma_wait3A_69] : memref<10000x128xf32, #tpu.memory_space<vmem_shared>> -> memref<10000x128xf32, #tpu.memory_space<vmem_shared>>
      tpu.wait_indirect_dma semaphore(%run_scoped3A_58 : memref<!tpu.dma_semaphore, #tpu.memory_space<semaphore_mem>>) src(%arg8 : memref<80x128xf32, #tpu.memory_space<vmem>>) dst(%dma_wait3A_70 : memref<10000x128xf32, #tpu.memory_space<vmem_shared>>)
      tpu.yield
    }) : () -> ()
    %barrier3A_49 = arith.constant 0 : index
    tpu.barrier barrier_id(%barrier3A_49)
    %mul3A_50 = arith.constant 10000 : i32
    %mul3A_51 = arith.muli %arg0, %mul3A_50 : i32
    %add3A_52 = arith.addi %mul3A_51, %mul3A_2 : i32
    "tpu.region"() ({
      %run_scoped3A_58 = tpu.sem_alloc : memref<!tpu.dma_semaphore, #tpu.memory_space<semaphore_mem>>
      %dma_start3A_59 = arith.constant 0 : i32
      %dma_start3A_60 = tpu.memref_slice %arg5[%add3A_52, %dma_start3A_59] : memref<20000x128xf32, #tpu.memory_space<hbm>> -> memref<624x128xf32, #tpu.memory_space<hbm>>
      %dma_start3A_61 = arith.constant 0 : i32
      %dma_start3A_62 = tpu.memref_slice %arg10[%mul3A_2, %dma_start3A_61] : memref<10000x128xf32, #tpu.memory_space<vmem_shared>> -> memref<624x128xf32, #tpu.memory_space<vmem_shared>>
      tpu.enqueue_dma source(%dma_start3A_62 : memref<624x128xf32, #tpu.memory_space<vmem_shared>>) target(%dma_start3A_60 : memref<624x128xf32, #tpu.memory_space<hbm>>) target_semaphore(%run_scoped3A_58 : memref<!tpu.dma_semaphore, #tpu.memory_space<semaphore_mem>>)
      %dma_wait3A_63 = arith.constant 0 : i32
      %dma_wait3A_64 = tpu.memref_slice %arg5[%add3A_52, %dma_wait3A_63] : memref<20000x128xf32, #tpu.memory_space<hbm>> -> memref<624x128xf32, #tpu.memory_space<hbm>>
      %dma_wait3A_65 = arith.constant 0 : i32
      %dma_wait3A_66 = tpu.memref_slice %arg10[%mul3A_2, %dma_wait3A_65] : memref<10000x128xf32, #tpu.memory_space<vmem_shared>> -> memref<624x128xf32, #tpu.memory_space<vmem_shared>>
      tpu.wait_dma2 semaphore(%run_scoped3A_58 : memref<!tpu.dma_semaphore, #tpu.memory_space<semaphore_mem>>) src(%dma_wait3A_66 : memref<624x128xf32, #tpu.memory_space<vmem_shared>>) dst(%dma_wait3A_64 : memref<624x128xf32, #tpu.memory_space<hbm>>)
      tpu.yield
    }) : () -> ()
    %eq3A_53 = arith.constant 0 : i32
    %eq3A_54 = arith.cmpi eq, %arg1, %eq3A_53 : i32
    %convert_element_type3A_55 = arith.extui %eq3A_54 : i1 to i32
    %cond3A_56 = arith.constant 0 : i32
    %cond3A_57 = arith.cmpi ne, %convert_element_type3A_55, %cond3A_56 : i32
    scf.if %cond3A_57 {
      %mul3A_58 = arith.constant 10000 : i32
      %mul3A_59 = arith.muli %arg0, %mul3A_58 : i32
      %add3A_60 = arith.constant 9984 : i32
      %add3A_61 = arith.addi %mul3A_59, %add3A_60 : i32
      "tpu.region"() ({
        %run_scoped3A_62 = tpu.sem_alloc : memref<!tpu.dma_semaphore, #tpu.memory_space<semaphore_mem>>
        %dma_start3A_63 = arith.constant 0 : i32
        %dma_start3A_64 = tpu.memref_slice %arg5[%add3A_61, %dma_start3A_63] : memref<20000x128xf32, #tpu.memory_space<hbm>> -> memref<16x128xf32, #tpu.memory_space<hbm>>
        %dma_start3A_65 = arith.constant 9984 : i32
        %dma_start3A_66 = arith.constant 0 : i32
        %dma_start3A_67 = tpu.memref_slice %arg10[%dma_start3A_65, %dma_start3A_66] : memref<10000x128xf32, #tpu.memory_space<vmem_shared>> -> memref<16x128xf32, #tpu.memory_space<vmem_shared>>
        tpu.enqueue_dma source(%dma_start3A_67 : memref<16x128xf32, #tpu.memory_space<vmem_shared>>) target(%dma_start3A_64 : memref<16x128xf32, #tpu.memory_space<hbm>>) target_semaphore(%run_scoped3A_62 : memref<!tpu.dma_semaphore, #tpu.memory_space<semaphore_mem>>)
        %dma_wait3A_68 = arith.constant 0 : i32
        %dma_wait3A_69 = tpu.memref_slice %arg5[%add3A_61, %dma_wait3A_68] : memref<20000x128xf32, #tpu.memory_space<hbm>> -> memref<16x128xf32, #tpu.memory_space<hbm>>
        %dma_wait3A_70 = arith.constant 9984 : i32
        %dma_wait3A_71 = arith.constant 0 : i32
        %dma_wait3A_72 = tpu.memref_slice %arg10[%dma_wait3A_70, %dma_wait3A_71] : memref<10000x128xf32, #tpu.memory_space<vmem_shared>> -> memref<16x128xf32, #tpu.memory_space<vmem_shared>>
        tpu.wait_dma2 semaphore(%run_scoped3A_62 : memref<!tpu.dma_semaphore, #tpu.memory_space<semaphore_mem>>) src(%dma_wait3A_72 : memref<16x128xf32, #tpu.memory_space<vmem_shared>>) dst(%dma_wait3A_69 : memref<16x128xf32, #tpu.memory_space<hbm>>)
        tpu.yield
      }) : () -> ()
    } else {
    }
    return
  }
}

#map = affine_map<(d0, d1) -> (0, 0)>
#map1 = affine_map<(d0, d1) -> (0)>
#map2 = affine_map<(d0, d1) -> (0, 0, 0)>
module attributes {stable_mosaic.version = 14 : i64} {
  func.func @scat_kernel(%arg0: i32, %arg1: i32, %arg2: memref<10000x128xf32, #tpu.memory_space<hbm>>, %arg3: memref<320000xi32, #tpu.memory_space<hbm>>, %arg4: memref<32x125x80xi32, #tpu.memory_space<hbm>>, %arg5: memref<20000x128xf32, #tpu.memory_space<hbm>>, %arg6: memref<10000xi32, #tpu.memory_space<vmem>>, %arg7: memref<125x80xi32, #tpu.memory_space<vmem>>, %arg8: memref<80x128xf32, #tpu.memory_space<vmem>>, %arg9: memref<80x128xf32, #tpu.memory_space<vmem>>, %arg10: memref<10000x128xf32, #tpu.memory_space<vmem_shared>>, %arg11: memref<!tpu.dma_semaphore, #tpu.memory_space<semaphore_mem>>, %arg12: memref<!tpu.dma_semaphore, #tpu.memory_space<semaphore_mem>>, %arg13: memref<!tpu.dma_semaphore, #tpu.memory_space<semaphore_mem>>, %arg14: memref<!tpu.dma_semaphore, #tpu.memory_space<semaphore_mem>>) attributes {dimension_semantics = [#tpu.dimension_semantics<core_parallel>, #tpu.dimension_semantics<subcore_parallel>], iteration_bounds = array<i64: 2, 16>, scalar_prefetch = 0 : i64, scratch_operands = 9 : i64, tpu.core_type = #tpu.core_type<sc_vector_subcore>, window_params = [{transform_indices = #map}, {transform_indices = #map1}, {transform_indices = #map2}, {transform_indices = #map}]} {
    %mul3A = arith.constant 16 : i32
    %mul3A_0 = arith.muli %arg0, %mul3A : i32
    %add3A = arith.addi %mul3A_0, %arg1 : i32
    %mul3A_1 = arith.constant 624 : i32
    %mul3A_2 = arith.muli %arg1, %mul3A_1 : i32
    %scan3A = arith.constant 0 : i32
    %scan3A_3 = arith.constant 0 : i32
    %scan3A_4 = arith.constant 80 : i32
    %scan3A_5 = arith.addi %scan3A_3, %scan3A_4 : i32
    %scan3A_6 = arith.constant 1 : i32
    scf.for %scan3A_58 = %scan3A_3 to %scan3A_5 step %scan3A_6  : i32 {
      %broadcast_in_dim3A = arith.constant 0.000000e+00 : f32
      %broadcast_in_dim3A_59 = vector.broadcast %broadcast_in_dim3A : f32 to vector<16xf32>
      %swap3A = arith.index_cast %scan3A_58 : i32 to index
      %swap3A_60 = arith.constant 0 : index
      %swap3A_61 = tpu.vector_load %arg8[%swap3A, %swap3A_60] {strides = array<i32>} : memref<80x128xf32, #tpu.memory_space<vmem>>, vector<1x16xf32>,
      %swap3A_62 = vector.shape_cast %swap3A_61 : vector<1x16xf32> to vector<16xf32>
      %swap3A_63 = vector.shape_cast %broadcast_in_dim3A_59 : vector<16xf32> to vector<1x16xf32>
      tpu.vector_store %arg8[%swap3A, %swap3A_60], %swap3A_63 {strides = array<i32>} : memref<80x128xf32, #tpu.memory_space<vmem>>, vector<1x16xf32>,
      %broadcast_in_dim3A_64 = arith.constant 0.000000e+00 : f32
      %broadcast_in_dim3A_65 = vector.broadcast %broadcast_in_dim3A_64 : f32 to vector<16xf32>
      %swap3A_66 = arith.index_cast %scan3A_58 : i32 to index
      %swap3A_67 = arith.constant 16 : index
      %swap3A_68 = tpu.vector_load %arg8[%swap3A_66, %swap3A_67] {strides = array<i32>} : memref<80x128xf32, #tpu.memory_space<vmem>>, vector<1x16xf32>,
      %swap3A_69 = vector.shape_cast %swap3A_68 : vector<1x16xf32> to vector<16xf32>
      %swap3A_70 = vector.shape_cast %broadcast_in_dim3A_65 : vector<16xf32> to vector<1x16xf32>
      tpu.vector_store %arg8[%swap3A_66, %swap3A_67], %swap3A_70 {strides = array<i32>} : memref<80x128xf32, #tpu.memory_space<vmem>>, vector<1x16xf32>,
      %broadcast_in_dim3A_71 = arith.constant 0.000000e+00 : f32
      %broadcast_in_dim3A_72 = vector.broadcast %broadcast_in_dim3A_71 : f32 to vector<16xf32>
      %swap3A_73 = arith.index_cast %scan3A_58 : i32 to index
      %swap3A_74 = arith.constant 32 : index
      %swap3A_75 = tpu.vector_load %arg8[%swap3A_73, %swap3A_74] {strides = array<i32>} : memref<80x128xf32, #tpu.memory_space<vmem>>, vector<1x16xf32>,
      %swap3A_76 = vector.shape_cast %swap3A_75 : vector<1x16xf32> to vector<16xf32>
      %swap3A_77 = vector.shape_cast %broadcast_in_dim3A_72 : vector<16xf32> to vector<1x16xf32>
      tpu.vector_store %arg8[%swap3A_73, %swap3A_74], %swap3A_77 {strides = array<i32>} : memref<80x128xf32, #tpu.memory_space<vmem>>, vector<1x16xf32>,
      %broadcast_in_dim3A_78 = arith.constant 0.000000e+00 : f32
      %broadcast_in_dim3A_79 = vector.broadcast %broadcast_in_dim3A_78 : f32 to vector<16xf32>
      %swap3A_80 = arith.index_cast %scan3A_58 : i32 to index
      %swap3A_81 = arith.constant 48 : index
      %swap3A_82 = tpu.vector_load %arg8[%swap3A_80, %swap3A_81] {strides = array<i32>} : memref<80x128xf32, #tpu.memory_space<vmem>>, vector<1x16xf32>,
      %swap3A_83 = vector.shape_cast %swap3A_82 : vector<1x16xf32> to vector<16xf32>
      %swap3A_84 = vector.shape_cast %broadcast_in_dim3A_79 : vector<16xf32> to vector<1x16xf32>
      tpu.vector_store %arg8[%swap3A_80, %swap3A_81], %swap3A_84 {strides = array<i32>} : memref<80x128xf32, #tpu.memory_space<vmem>>, vector<1x16xf32>,
      %broadcast_in_dim3A_85 = arith.constant 0.000000e+00 : f32
      %broadcast_in_dim3A_86 = vector.broadcast %broadcast_in_dim3A_85 : f32 to vector<16xf32>
      %swap3A_87 = arith.index_cast %scan3A_58 : i32 to index
      %swap3A_88 = arith.constant 64 : index
      %swap3A_89 = tpu.vector_load %arg8[%swap3A_87, %swap3A_88] {strides = array<i32>} : memref<80x128xf32, #tpu.memory_space<vmem>>, vector<1x16xf32>,
      %swap3A_90 = vector.shape_cast %swap3A_89 : vector<1x16xf32> to vector<16xf32>
      %swap3A_91 = vector.shape_cast %broadcast_in_dim3A_86 : vector<16xf32> to vector<1x16xf32>
      tpu.vector_store %arg8[%swap3A_87, %swap3A_88], %swap3A_91 {strides = array<i32>} : memref<80x128xf32, #tpu.memory_space<vmem>>, vector<1x16xf32>,
      %broadcast_in_dim3A_92 = arith.constant 0.000000e+00 : f32
      %broadcast_in_dim3A_93 = vector.broadcast %broadcast_in_dim3A_92 : f32 to vector<16xf32>
      %swap3A_94 = arith.index_cast %scan3A_58 : i32 to index
      %swap3A_95 = arith.constant 80 : index
      %swap3A_96 = tpu.vector_load %arg8[%swap3A_94, %swap3A_95] {strides = array<i32>} : memref<80x128xf32, #tpu.memory_space<vmem>>, vector<1x16xf32>,
      %swap3A_97 = vector.shape_cast %swap3A_96 : vector<1x16xf32> to vector<16xf32>
      %swap3A_98 = vector.shape_cast %broadcast_in_dim3A_93 : vector<16xf32> to vector<1x16xf32>
      tpu.vector_store %arg8[%swap3A_94, %swap3A_95], %swap3A_98 {strides = array<i32>} : memref<80x128xf32, #tpu.memory_space<vmem>>, vector<1x16xf32>,
      %broadcast_in_dim3A_99 = arith.constant 0.000000e+00 : f32
      %broadcast_in_dim3A_100 = vector.broadcast %broadcast_in_dim3A_99 : f32 to vector<16xf32>
      %swap3A_101 = arith.index_cast %scan3A_58 : i32 to index
      %swap3A_102 = arith.constant 96 : index
      %swap3A_103 = tpu.vector_load %arg8[%swap3A_101, %swap3A_102] {strides = array<i32>} : memref<80x128xf32, #tpu.memory_space<vmem>>, vector<1x16xf32>,
      %swap3A_104 = vector.shape_cast %swap3A_103 : vector<1x16xf32> to vector<16xf32>
      %swap3A_105 = vector.shape_cast %broadcast_in_dim3A_100 : vector<16xf32> to vector<1x16xf32>
      tpu.vector_store %arg8[%swap3A_101, %swap3A_102], %swap3A_105 {strides = array<i32>} : memref<80x128xf32, #tpu.memory_space<vmem>>, vector<1x16xf32>,
      %broadcast_in_dim3A_106 = arith.constant 0.000000e+00 : f32
      %broadcast_in_dim3A_107 = vector.broadcast %broadcast_in_dim3A_106 : f32 to vector<16xf32>
      %swap3A_108 = arith.index_cast %scan3A_58 : i32 to index
      %swap3A_109 = arith.constant 112 : index
      %swap3A_110 = tpu.vector_load %arg8[%swap3A_108, %swap3A_109] {strides = array<i32>} : memref<80x128xf32, #tpu.memory_space<vmem>>, vector<1x16xf32>,
      %swap3A_111 = vector.shape_cast %swap3A_110 : vector<1x16xf32> to vector<16xf32>
      %swap3A_112 = vector.shape_cast %broadcast_in_dim3A_107 : vector<16xf32> to vector<1x16xf32>
      tpu.vector_store %arg8[%swap3A_108, %swap3A_109], %swap3A_112 {strides = array<i32>} : memref<80x128xf32, #tpu.memory_space<vmem>>, vector<1x16xf32>,
    }
    %scan3A_7 = arith.constant 80 : i32
    %add3A_8 = arith.constant 0 : i32
    %add3A_9 = arith.addi %mul3A_2, %add3A_8 : i32
    "tpu.region"() ({
      %run_scoped3A_58 = tpu.sem_alloc : memref<!tpu.dma_semaphore, #tpu.memory_space<semaphore_mem>>
      %dma_start3A_59 = arith.constant 0 : i32
      %dma_start3A_60 = tpu.memref_slice %arg10[%add3A_9, %dma_start3A_59] : memref<10000x128xf32, #tpu.memory_space<vmem_shared>> -> memref<80x128xf32, #tpu.memory_space<vmem_shared>>
      %dma_start3A_61 = arith.constant 0 : i32
      %dma_start3A_62 = tpu.memref_slice %arg10[%add3A_9, %dma_start3A_61] : memref<10000x128xf32, #tpu.memory_space<vmem_shared>> -> memref<80x128xf32, #tpu.memory_space<vmem_shared>>
      tpu.enqueue_dma source(%arg8 : memref<80x128xf32, #tpu.memory_space<vmem>>) target(%dma_start3A_62 : memref<80x128xf32, #tpu.memory_space<vmem_shared>>) target_semaphore(%run_scoped3A_58 : memref<!tpu.dma_semaphore, #tpu.memory_space<semaphore_mem>>)
      %dma_wait3A_63 = arith.constant 0 : i32
      %dma_wait3A_64 = tpu.memref_slice %arg10[%add3A_9, %dma_wait3A_63] : memref<10000x128xf32, #tpu.memory_space<vmem_shared>> -> memref<80x128xf32, #tpu.memory_space<vmem_shared>>
      %dma_wait3A_65 = arith.constant 0 : i32
      %dma_wait3A_66 = tpu.memref_slice %arg10[%add3A_9, %dma_wait3A_65] : memref<10000x128xf32, #tpu.memory_space<vmem_shared>> -> memref<80x128xf32, #tpu.memory_space<vmem_shared>>
      tpu.wait_dma2 semaphore(%run_scoped3A_58 : memref<!tpu.dma_semaphore, #tpu.memory_space<semaphore_mem>>) src(%arg8 : memref<80x128xf32, #tpu.memory_space<vmem>>) dst(%dma_wait3A_66 : memref<80x128xf32, #tpu.memory_space<vmem_shared>>)
      tpu.yield
    }) : () -> ()
    %add3A_10 = arith.constant 80 : i32
    %add3A_11 = arith.addi %mul3A_2, %add3A_10 : i32
    "tpu.region"() ({
      %run_scoped3A_58 = tpu.sem_alloc : memref<!tpu.dma_semaphore, #tpu.memory_space<semaphore_mem>>
      %dma_start3A_59 = arith.constant 0 : i32
      %dma_start3A_60 = tpu.memref_slice %arg10[%add3A_11, %dma_start3A_59] : memref<10000x128xf32, #tpu.memory_space<vmem_shared>> -> memref<80x128xf32, #tpu.memory_space<vmem_shared>>
      %dma_start3A_61 = arith.constant 0 : i32
      %dma_start3A_62 = tpu.memref_slice %arg10[%add3A_11, %dma_start3A_61] : memref<10000x128xf32, #tpu.memory_space<vmem_shared>> -> memref<80x128xf32, #tpu.memory_space<vmem_shared>>
      tpu.enqueue_dma source(%arg8 : memref<80x128xf32, #tpu.memory_space<vmem>>) target(%dma_start3A_62 : memref<80x128xf32, #tpu.memory_space<vmem_shared>>) target_semaphore(%run_scoped3A_58 : memref<!tpu.dma_semaphore, #tpu.memory_space<semaphore_mem>>)
      %dma_wait3A_63 = arith.constant 0 : i32
      %dma_wait3A_64 = tpu.memref_slice %arg10[%add3A_11, %dma_wait3A_63] : memref<10000x128xf32, #tpu.memory_space<vmem_shared>> -> memref<80x128xf32, #tpu.memory_space<vmem_shared>>
      %dma_wait3A_65 = arith.constant 0 : i32
      %dma_wait3A_66 = tpu.memref_slice %arg10[%add3A_11, %dma_wait3A_65] : memref<10000x128xf32, #tpu.memory_space<vmem_shared>> -> memref<80x128xf32, #tpu.memory_space<vmem_shared>>
      tpu.wait_dma2 semaphore(%run_scoped3A_58 : memref<!tpu.dma_semaphore, #tpu.memory_space<semaphore_mem>>) src(%arg8 : memref<80x128xf32, #tpu.memory_space<vmem>>) dst(%dma_wait3A_66 : memref<80x128xf32, #tpu.memory_space<vmem_shared>>)
      tpu.yield
    }) : () -> ()
    %add3A_12 = arith.constant 160 : i32
    %add3A_13 = arith.addi %mul3A_2, %add3A_12 : i32
    "tpu.region"() ({
      %run_scoped3A_58 = tpu.sem_alloc : memref<!tpu.dma_semaphore, #tpu.memory_space<semaphore_mem>>
      %dma_start3A_59 = arith.constant 0 : i32
      %dma_start3A_60 = tpu.memref_slice %arg10[%add3A_13, %dma_start3A_59] : memref<10000x128xf32, #tpu.memory_space<vmem_shared>> -> memref<80x128xf32, #tpu.memory_space<vmem_shared>>
      %dma_start3A_61 = arith.constant 0 : i32
      %dma_start3A_62 = tpu.memref_slice %arg10[%add3A_13, %dma_start3A_61] : memref<10000x128xf32, #tpu.memory_space<vmem_shared>> -> memref<80x128xf32, #tpu.memory_space<vmem_shared>>
      tpu.enqueue_dma source(%arg8 : memref<80x128xf32, #tpu.memory_space<vmem>>) target(%dma_start3A_62 : memref<80x128xf32, #tpu.memory_space<vmem_shared>>) target_semaphore(%run_scoped3A_58 : memref<!tpu.dma_semaphore, #tpu.memory_space<semaphore_mem>>)
      %dma_wait3A_63 = arith.constant 0 : i32
      %dma_wait3A_64 = tpu.memref_slice %arg10[%add3A_13, %dma_wait3A_63] : memref<10000x128xf32, #tpu.memory_space<vmem_shared>> -> memref<80x128xf32, #tpu.memory_space<vmem_shared>>
      %dma_wait3A_65 = arith.constant 0 : i32
      %dma_wait3A_66 = tpu.memref_slice %arg10[%add3A_13, %dma_wait3A_65] : memref<10000x128xf32, #tpu.memory_space<vmem_shared>> -> memref<80x128xf32, #tpu.memory_space<vmem_shared>>
      tpu.wait_dma2 semaphore(%run_scoped3A_58 : memref<!tpu.dma_semaphore, #tpu.memory_space<semaphore_mem>>) src(%arg8 : memref<80x128xf32, #tpu.memory_space<vmem>>) dst(%dma_wait3A_66 : memref<80x128xf32, #tpu.memory_space<vmem_shared>>)
      tpu.yield
    }) : () -> ()
    %add3A_14 = arith.constant 240 : i32
    %add3A_15 = arith.addi %mul3A_2, %add3A_14 : i32
    "tpu.region"() ({
      %run_scoped3A_58 = tpu.sem_alloc : memref<!tpu.dma_semaphore, #tpu.memory_space<semaphore_mem>>
      %dma_start3A_59 = arith.constant 0 : i32
      %dma_start3A_60 = tpu.memref_slice %arg10[%add3A_15, %dma_start3A_59] : memref<10000x128xf32, #tpu.memory_space<vmem_shared>> -> memref<80x128xf32, #tpu.memory_space<vmem_shared>>
      %dma_start3A_61 = arith.constant 0 : i32
      %dma_start3A_62 = tpu.memref_slice %arg10[%add3A_15, %dma_start3A_61] : memref<10000x128xf32, #tpu.memory_space<vmem_shared>> -> memref<80x128xf32, #tpu.memory_space<vmem_shared>>
      tpu.enqueue_dma source(%arg8 : memref<80x128xf32, #tpu.memory_space<vmem>>) target(%dma_start3A_62 : memref<80x128xf32, #tpu.memory_space<vmem_shared>>) target_semaphore(%run_scoped3A_58 : memref<!tpu.dma_semaphore, #tpu.memory_space<semaphore_mem>>)
      %dma_wait3A_63 = arith.constant 0 : i32
      %dma_wait3A_64 = tpu.memref_slice %arg10[%add3A_15, %dma_wait3A_63] : memref<10000x128xf32, #tpu.memory_space<vmem_shared>> -> memref<80x128xf32, #tpu.memory_space<vmem_shared>>
      %dma_wait3A_65 = arith.constant 0 : i32
      %dma_wait3A_66 = tpu.memref_slice %arg10[%add3A_15, %dma_wait3A_65] : memref<10000x128xf32, #tpu.memory_space<vmem_shared>> -> memref<80x128xf32, #tpu.memory_space<vmem_shared>>
      tpu.wait_dma2 semaphore(%run_scoped3A_58 : memref<!tpu.dma_semaphore, #tpu.memory_space<semaphore_mem>>) src(%arg8 : memref<80x128xf32, #tpu.memory_space<vmem>>) dst(%dma_wait3A_66 : memref<80x128xf32, #tpu.memory_space<vmem_shared>>)
      tpu.yield
    }) : () -> ()
    %add3A_16 = arith.constant 320 : i32
    %add3A_17 = arith.addi %mul3A_2, %add3A_16 : i32
    "tpu.region"() ({
      %run_scoped3A_58 = tpu.sem_alloc : memref<!tpu.dma_semaphore, #tpu.memory_space<semaphore_mem>>
      %dma_start3A_59 = arith.constant 0 : i32
      %dma_start3A_60 = tpu.memref_slice %arg10[%add3A_17, %dma_start3A_59] : memref<10000x128xf32, #tpu.memory_space<vmem_shared>> -> memref<80x128xf32, #tpu.memory_space<vmem_shared>>
      %dma_start3A_61 = arith.constant 0 : i32
      %dma_start3A_62 = tpu.memref_slice %arg10[%add3A_17, %dma_start3A_61] : memref<10000x128xf32, #tpu.memory_space<vmem_shared>> -> memref<80x128xf32, #tpu.memory_space<vmem_shared>>
      tpu.enqueue_dma source(%arg8 : memref<80x128xf32, #tpu.memory_space<vmem>>) target(%dma_start3A_62 : memref<80x128xf32, #tpu.memory_space<vmem_shared>>) target_semaphore(%run_scoped3A_58 : memref<!tpu.dma_semaphore, #tpu.memory_space<semaphore_mem>>)
      %dma_wait3A_63 = arith.constant 0 : i32
      %dma_wait3A_64 = tpu.memref_slice %arg10[%add3A_17, %dma_wait3A_63] : memref<10000x128xf32, #tpu.memory_space<vmem_shared>> -> memref<80x128xf32, #tpu.memory_space<vmem_shared>>
      %dma_wait3A_65 = arith.constant 0 : i32
      %dma_wait3A_66 = tpu.memref_slice %arg10[%add3A_17, %dma_wait3A_65] : memref<10000x128xf32, #tpu.memory_space<vmem_shared>> -> memref<80x128xf32, #tpu.memory_space<vmem_shared>>
      tpu.wait_dma2 semaphore(%run_scoped3A_58 : memref<!tpu.dma_semaphore, #tpu.memory_space<semaphore_mem>>) src(%arg8 : memref<80x128xf32, #tpu.memory_space<vmem>>) dst(%dma_wait3A_66 : memref<80x128xf32, #tpu.memory_space<vmem_shared>>)
      tpu.yield
    }) : () -> ()
    %add3A_18 = arith.constant 400 : i32
    %add3A_19 = arith.addi %mul3A_2, %add3A_18 : i32
    "tpu.region"() ({
      %run_scoped3A_58 = tpu.sem_alloc : memref<!tpu.dma_semaphore, #tpu.memory_space<semaphore_mem>>
      %dma_start3A_59 = arith.constant 0 : i32
      %dma_start3A_60 = tpu.memref_slice %arg10[%add3A_19, %dma_start3A_59] : memref<10000x128xf32, #tpu.memory_space<vmem_shared>> -> memref<80x128xf32, #tpu.memory_space<vmem_shared>>
      %dma_start3A_61 = arith.constant 0 : i32
      %dma_start3A_62 = tpu.memref_slice %arg10[%add3A_19, %dma_start3A_61] : memref<10000x128xf32, #tpu.memory_space<vmem_shared>> -> memref<80x128xf32, #tpu.memory_space<vmem_shared>>
      tpu.enqueue_dma source(%arg8 : memref<80x128xf32, #tpu.memory_space<vmem>>) target(%dma_start3A_62 : memref<80x128xf32, #tpu.memory_space<vmem_shared>>) target_semaphore(%run_scoped3A_58 : memref<!tpu.dma_semaphore, #tpu.memory_space<semaphore_mem>>)
      %dma_wait3A_63 = arith.constant 0 : i32
      %dma_wait3A_64 = tpu.memref_slice %arg10[%add3A_19, %dma_wait3A_63] : memref<10000x128xf32, #tpu.memory_space<vmem_shared>> -> memref<80x128xf32, #tpu.memory_space<vmem_shared>>
      %dma_wait3A_65 = arith.constant 0 : i32
      %dma_wait3A_66 = tpu.memref_slice %arg10[%add3A_19, %dma_wait3A_65] : memref<10000x128xf32, #tpu.memory_space<vmem_shared>> -> memref<80x128xf32, #tpu.memory_space<vmem_shared>>
      tpu.wait_dma2 semaphore(%run_scoped3A_58 : memref<!tpu.dma_semaphore, #tpu.memory_space<semaphore_mem>>) src(%arg8 : memref<80x128xf32, #tpu.memory_space<vmem>>) dst(%dma_wait3A_66 : memref<80x128xf32, #tpu.memory_space<vmem_shared>>)
      tpu.yield
    }) : () -> ()
    %add3A_20 = arith.constant 480 : i32
    %add3A_21 = arith.addi %mul3A_2, %add3A_20 : i32
    "tpu.region"() ({
      %run_scoped3A_58 = tpu.sem_alloc : memref<!tpu.dma_semaphore, #tpu.memory_space<semaphore_mem>>
      %dma_start3A_59 = arith.constant 0 : i32
      %dma_start3A_60 = tpu.memref_slice %arg10[%add3A_21, %dma_start3A_59] : memref<10000x128xf32, #tpu.memory_space<vmem_shared>> -> memref<80x128xf32, #tpu.memory_space<vmem_shared>>
      %dma_start3A_61 = arith.constant 0 : i32
      %dma_start3A_62 = tpu.memref_slice %arg10[%add3A_21, %dma_start3A_61] : memref<10000x128xf32, #tpu.memory_space<vmem_shared>> -> memref<80x128xf32, #tpu.memory_space<vmem_shared>>
      tpu.enqueue_dma source(%arg8 : memref<80x128xf32, #tpu.memory_space<vmem>>) target(%dma_start3A_62 : memref<80x128xf32, #tpu.memory_space<vmem_shared>>) target_semaphore(%run_scoped3A_58 : memref<!tpu.dma_semaphore, #tpu.memory_space<semaphore_mem>>)
      %dma_wait3A_63 = arith.constant 0 : i32
      %dma_wait3A_64 = tpu.memref_slice %arg10[%add3A_21, %dma_wait3A_63] : memref<10000x128xf32, #tpu.memory_space<vmem_shared>> -> memref<80x128xf32, #tpu.memory_space<vmem_shared>>
      %dma_wait3A_65 = arith.constant 0 : i32
      %dma_wait3A_66 = tpu.memref_slice %arg10[%add3A_21, %dma_wait3A_65] : memref<10000x128xf32, #tpu.memory_space<vmem_shared>> -> memref<80x128xf32, #tpu.memory_space<vmem_shared>>
      tpu.wait_dma2 semaphore(%run_scoped3A_58 : memref<!tpu.dma_semaphore, #tpu.memory_space<semaphore_mem>>) src(%arg8 : memref<80x128xf32, #tpu.memory_space<vmem>>) dst(%dma_wait3A_66 : memref<80x128xf32, #tpu.memory_space<vmem_shared>>)
      tpu.yield
    }) : () -> ()
    %add3A_22 = arith.constant 560 : i32
    %add3A_23 = arith.addi %mul3A_2, %add3A_22 : i32
    "tpu.region"() ({
      %run_scoped3A_58 = tpu.sem_alloc : memref<!tpu.dma_semaphore, #tpu.memory_space<semaphore_mem>>
      %dma_start3A_59 = arith.constant 0 : i32
      %dma_start3A_60 = arith.constant 0 : i32
      %dma_start3A_61 = tpu.memref_slice %arg8[%dma_start3A_59, %dma_start3A_60] : memref<80x128xf32, #tpu.memory_space<vmem>> -> memref<64x128xf32, #tpu.memory_space<vmem>>
      %dma_start3A_62 = arith.constant 0 : i32
      %dma_start3A_63 = tpu.memref_slice %arg10[%add3A_23, %dma_start3A_62] : memref<10000x128xf32, #tpu.memory_space<vmem_shared>> -> memref<64x128xf32, #tpu.memory_space<vmem_shared>>
      %dma_start3A_64 = arith.constant 0 : i32
      %dma_start3A_65 = tpu.memref_slice %arg10[%add3A_23, %dma_start3A_64] : memref<10000x128xf32, #tpu.memory_space<vmem_shared>> -> memref<64x128xf32, #tpu.memory_space<vmem_shared>>
      %dma_start3A_66 = arith.constant 0 : i32
      %dma_start3A_67 = arith.constant 0 : i32
      %dma_start3A_68 = tpu.memref_slice %arg8[%dma_start3A_66, %dma_start3A_67] : memref<80x128xf32, #tpu.memory_space<vmem>> -> memref<64x128xf32, #tpu.memory_space<vmem>>
      tpu.enqueue_dma source(%dma_start3A_68 : memref<64x128xf32, #tpu.memory_space<vmem>>) target(%dma_start3A_65 : memref<64x128xf32, #tpu.memory_space<vmem_shared>>) target_semaphore(%run_scoped3A_58 : memref<!tpu.dma_semaphore, #tpu.memory_space<semaphore_mem>>)
      %dma_wait3A_69 = arith.constant 0 : i32
      %dma_wait3A_70 = arith.constant 0 : i32
      %dma_wait3A_71 = tpu.memref_slice %arg8[%dma_wait3A_69, %dma_wait3A_70] : memref<80x128xf32, #tpu.memory_space<vmem>> -> memref<64x128xf32, #tpu.memory_space<vmem>>
      %dma_wait3A_72 = arith.constant 0 : i32
      %dma_wait3A_73 = tpu.memref_slice %arg10[%add3A_23, %dma_wait3A_72] : memref<10000x128xf32, #tpu.memory_space<vmem_shared>> -> memref<64x128xf32, #tpu.memory_space<vmem_shared>>
      %dma_wait3A_74 = arith.constant 0 : i32
      %dma_wait3A_75 = tpu.memref_slice %arg10[%add3A_23, %dma_wait3A_74] : memref<10000x128xf32, #tpu.memory_space<vmem_shared>> -> memref<64x128xf32, #tpu.memory_space<vmem_shared>>
      %dma_wait3A_76 = arith.constant 0 : i32
      %dma_wait3A_77 = arith.constant 0 : i32
      %dma_wait3A_78 = tpu.memref_slice %arg8[%dma_wait3A_76, %dma_wait3A_77] : memref<80x128xf32, #tpu.memory_space<vmem>> -> memref<64x128xf32, #tpu.memory_space<vmem>>
      tpu.wait_dma2 semaphore(%run_scoped3A_58 : memref<!tpu.dma_semaphore, #tpu.memory_space<semaphore_mem>>) src(%dma_wait3A_78 : memref<64x128xf32, #tpu.memory_space<vmem>>) dst(%dma_wait3A_75 : memref<64x128xf32, #tpu.memory_space<vmem_shared>>)
      tpu.yield
    }) : () -> ()
    %eq3A = arith.constant 0 : i32
    %eq3A_24 = arith.cmpi eq, %arg1, %eq3A : i32
    %convert_element_type3A = arith.extui %eq3A_24 : i1 to i32
    %cond3A = arith.constant 0 : i32
    %cond3A_25 = arith.cmpi ne, %convert_element_type3A, %cond3A : i32
    scf.if %cond3A_25 {
      "tpu.region"() ({
        %run_scoped3A_58 = tpu.sem_alloc : memref<!tpu.dma_semaphore, #tpu.memory_space<semaphore_mem>>
        %dma_start3A_59 = arith.constant 0 : i32
        %dma_start3A_60 = arith.constant 0 : i32
        %dma_start3A_61 = tpu.memref_slice %arg8[%dma_start3A_59, %dma_start3A_60] : memref<80x128xf32, #tpu.memory_space<vmem>> -> memref<16x128xf32, #tpu.memory_space<vmem>>
        %dma_start3A_62 = arith.constant 9984 : i32
        %dma_start3A_63 = arith.constant 0 : i32
        %dma_start3A_64 = tpu.memref_slice %arg10[%dma_start3A_62, %dma_start3A_63] : memref<10000x128xf32, #tpu.memory_space<vmem_shared>> -> memref<16x128xf32, #tpu.memory_space<vmem_shared>>
        %dma_start3A_65 = arith.constant 9984 : i32
        %dma_start3A_66 = arith.constant 0 : i32
        %dma_start3A_67 = tpu.memref_slice %arg10[%dma_start3A_65, %dma_start3A_66] : memref<10000x128xf32, #tpu.memory_space<vmem_shared>> -> memref<16x128xf32, #tpu.memory_space<vmem_shared>>
        %dma_start3A_68 = arith.constant 0 : i32
        %dma_start3A_69 = arith.constant 0 : i32
        %dma_start3A_70 = tpu.memref_slice %arg8[%dma_start3A_68, %dma_start3A_69] : memref<80x128xf32, #tpu.memory_space<vmem>> -> memref<16x128xf32, #tpu.memory_space<vmem>>
        tpu.enqueue_dma source(%dma_start3A_70 : memref<16x128xf32, #tpu.memory_space<vmem>>) target(%dma_start3A_67 : memref<16x128xf32, #tpu.memory_space<vmem_shared>>) target_semaphore(%run_scoped3A_58 : memref<!tpu.dma_semaphore, #tpu.memory_space<semaphore_mem>>)
        %dma_wait3A_71 = arith.constant 0 : i32
        %dma_wait3A_72 = arith.constant 0 : i32
        %dma_wait3A_73 = tpu.memref_slice %arg8[%dma_wait3A_71, %dma_wait3A_72] : memref<80x128xf32, #tpu.memory_space<vmem>> -> memref<16x128xf32, #tpu.memory_space<vmem>>
        %dma_wait3A_74 = arith.constant 9984 : i32
        %dma_wait3A_75 = arith.constant 0 : i32
        %dma_wait3A_76 = tpu.memref_slice %arg10[%dma_wait3A_74, %dma_wait3A_75] : memref<10000x128xf32, #tpu.memory_space<vmem_shared>> -> memref<16x128xf32, #tpu.memory_space<vmem_shared>>
        %dma_wait3A_77 = arith.constant 9984 : i32
        %dma_wait3A_78 = arith.constant 0 : i32
        %dma_wait3A_79 = tpu.memref_slice %arg10[%dma_wait3A_77, %dma_wait3A_78] : memref<10000x128xf32, #tpu.memory_space<vmem_shared>> -> memref<16x128xf32, #tpu.memory_space<vmem_shared>>
        %dma_wait3A_80 = arith.constant 0 : i32
        %dma_wait3A_81 = arith.constant 0 : i32
        %dma_wait3A_82 = tpu.memref_slice %arg8[%dma_wait3A_80, %dma_wait3A_81] : memref<80x128xf32, #tpu.memory_space<vmem>> -> memref<16x128xf32, #tpu.memory_space<vmem>>
        tpu.wait_dma2 semaphore(%run_scoped3A_58 : memref<!tpu.dma_semaphore, #tpu.memory_space<semaphore_mem>>) src(%dma_wait3A_82 : memref<16x128xf32, #tpu.memory_space<vmem>>) dst(%dma_wait3A_79 : memref<16x128xf32, #tpu.memory_space<vmem_shared>>)
        tpu.yield
      }) : () -> ()
    } else {
    }
    %mul3A_26 = arith.constant 10000 : i32
    %mul3A_27 = arith.muli %add3A, %mul3A_26 : i32
    "tpu.region"() ({
      %run_scoped3A_58 = tpu.sem_alloc : memref<!tpu.dma_semaphore, #tpu.memory_space<semaphore_mem>>
      %dma_start3A_59 = tpu.memref_slice %arg3[%mul3A_27] : memref<320000xi32, #tpu.memory_space<hbm>> -> memref<10000xi32, #tpu.memory_space<hbm>>
      %dma_start3A_60 = tpu.memref_slice %arg3[%mul3A_27] : memref<320000xi32, #tpu.memory_space<hbm>> -> memref<10000xi32, #tpu.memory_space<hbm>>
      tpu.enqueue_dma source(%dma_start3A_60 : memref<10000xi32, #tpu.memory_space<hbm>>) target(%arg6 : memref<10000xi32, #tpu.memory_space<vmem>>) target_semaphore(%run_scoped3A_58 : memref<!tpu.dma_semaphore, #tpu.memory_space<semaphore_mem>>)
      %dma_wait3A_61 = tpu.memref_slice %arg3[%mul3A_27] : memref<320000xi32, #tpu.memory_space<hbm>> -> memref<10000xi32, #tpu.memory_space<hbm>>
      %dma_wait3A_62 = tpu.memref_slice %arg3[%mul3A_27] : memref<320000xi32, #tpu.memory_space<hbm>> -> memref<10000xi32, #tpu.memory_space<hbm>>
      tpu.wait_dma2 semaphore(%run_scoped3A_58 : memref<!tpu.dma_semaphore, #tpu.memory_space<semaphore_mem>>) src(%dma_wait3A_62 : memref<10000xi32, #tpu.memory_space<hbm>>) dst(%arg6 : memref<10000xi32, #tpu.memory_space<vmem>>)
      tpu.yield
    }) : () -> ()
    "tpu.region"() ({
      %run_scoped3A_58 = tpu.sem_alloc : memref<!tpu.dma_semaphore, #tpu.memory_space<semaphore_mem>>
      %dma_start3A_59 = arith.constant 0 : i32
      %dma_start3A_60 = arith.constant 0 : i32
      %dma_start3A_61 = tpu.memref_slice %arg4[%add3A, %dma_start3A_59, %dma_start3A_60] : memref<32x125x80xi32, #tpu.memory_space<hbm>> -> memref<1x125x80xi32, #tpu.memory_space<hbm>>
      %dma_start3A_62 = tpu.memref_squeeze %dma_start3A_61 : memref<1x125x80xi32, #tpu.memory_space<hbm>> -> memref<125x80xi32, #tpu.memory_space<hbm>>
      %dma_start3A_63 = arith.constant 0 : i32
      %dma_start3A_64 = arith.constant 0 : i32
      %dma_start3A_65 = tpu.memref_slice %arg4[%add3A, %dma_start3A_63, %dma_start3A_64] : memref<32x125x80xi32, #tpu.memory_space<hbm>> -> memref<1x125x80xi32, #tpu.memory_space<hbm>>
      %dma_start3A_66 = tpu.memref_squeeze %dma_start3A_65 : memref<1x125x80xi32, #tpu.memory_space<hbm>> -> memref<125x80xi32, #tpu.memory_space<hbm>>
      tpu.enqueue_dma source(%dma_start3A_66 : memref<125x80xi32, #tpu.memory_space<hbm>>) target(%arg7 : memref<125x80xi32, #tpu.memory_space<vmem>>) target_semaphore(%run_scoped3A_58 : memref<!tpu.dma_semaphore, #tpu.memory_space<semaphore_mem>>)
      %dma_wait3A_67 = arith.constant 0 : i32
      %dma_wait3A_68 = arith.constant 0 : i32
      %dma_wait3A_69 = tpu.memref_slice %arg4[%add3A, %dma_wait3A_67, %dma_wait3A_68] : memref<32x125x80xi32, #tpu.memory_space<hbm>> -> memref<1x125x80xi32, #tpu.memory_space<hbm>>
      %dma_wait3A_70 = tpu.memref_squeeze %dma_wait3A_69 : memref<1x125x80xi32, #tpu.memory_space<hbm>> -> memref<125x80xi32, #tpu.memory_space<hbm>>
      %dma_wait3A_71 = arith.constant 0 : i32
      %dma_wait3A_72 = arith.constant 0 : i32
      %dma_wait3A_73 = tpu.memref_slice %arg4[%add3A, %dma_wait3A_71, %dma_wait3A_72] : memref<32x125x80xi32, #tpu.memory_space<hbm>> -> memref<1x125x80xi32, #tpu.memory_space<hbm>>
      %dma_wait3A_74 = tpu.memref_squeeze %dma_wait3A_73 : memref<1x125x80xi32, #tpu.memory_space<hbm>> -> memref<125x80xi32, #tpu.memory_space<hbm>>
      tpu.wait_dma2 semaphore(%run_scoped3A_58 : memref<!tpu.dma_semaphore, #tpu.memory_space<semaphore_mem>>) src(%dma_wait3A_74 : memref<125x80xi32, #tpu.memory_space<hbm>>) dst(%arg7 : memref<125x80xi32, #tpu.memory_space<vmem>>)
      tpu.yield
    }) : () -> ()
    %barrier3A = arith.constant 0 : index
    tpu.barrier barrier_id(%barrier3A)
    %multiple_of3A = arith.constant 0 : i32
    %multiple_of3A_28 = tpu.assume_multiple %multiple_of3A, 80 : i32
    %dma_start3A = tpu.memref_slice %arg6[%multiple_of3A_28] : memref<10000xi32, #tpu.memory_space<vmem>> -> memref<80xi32, #tpu.memory_space<vmem>>
    %dma_start3A_29 = arith.constant 0 : i32
    %dma_start3A_30 = arith.constant 0 : i32
    %dma_start3A_31 = tpu.memref_slice %arg2[%dma_start3A_29, %dma_start3A_30] : memref<10000x128xf32, #tpu.memory_space<hbm>> -> memref<10000x128xf32, #tpu.memory_space<hbm>>
    tpu.enqueue_indirect_dma source(%dma_start3A_31 : memref<10000x128xf32, #tpu.memory_space<hbm>>) target(%arg8 : memref<80x128xf32, #tpu.memory_space<vmem>>) offsets(%dma_start3A : memref<80xi32, #tpu.memory_space<vmem>>) semaphore(%arg11 : memref<!tpu.dma_semaphore, #tpu.memory_space<semaphore_mem>>)
    %multiple_of3A_32 = arith.constant 80 : i32
    %multiple_of3A_33 = tpu.assume_multiple %multiple_of3A_32, 80 : i32
    %dma_start3A_34 = tpu.memref_slice %arg6[%multiple_of3A_33] : memref<10000xi32, #tpu.memory_space<vmem>> -> memref<80xi32, #tpu.memory_space<vmem>>
    %dma_start3A_35 = arith.constant 0 : i32
    %dma_start3A_36 = arith.constant 0 : i32
    %dma_start3A_37 = tpu.memref_slice %arg2[%dma_start3A_35, %dma_start3A_36] : memref<10000x128xf32, #tpu.memory_space<hbm>> -> memref<10000x128xf32, #tpu.memory_space<hbm>>
    tpu.enqueue_indirect_dma source(%dma_start3A_37 : memref<10000x128xf32, #tpu.memory_space<hbm>>) target(%arg9 : memref<80x128xf32, #tpu.memory_space<vmem>>) offsets(%dma_start3A_34 : memref<80xi32, #tpu.memory_space<vmem>>) semaphore(%arg12 : memref<!tpu.dma_semaphore, #tpu.memory_space<semaphore_mem>>)
    %scan3A_38 = arith.constant 0 : i32
    %scan3A_39 = arith.constant 0 : i32
    %scan3A_40 = arith.constant 62 : i32
    %scan3A_41 = arith.addi %scan3A_39, %scan3A_40 : i32
    %scan3A_42 = arith.constant 1 : i32
    scf.for %scan3A_58 = %scan3A_39 to %scan3A_41 step %scan3A_42  : i32 {
      %mul3A_59 = arith.constant 2 : i32
      %mul3A_60 = arith.muli %mul3A_59, %scan3A_58 : i32
      %mul3A_61 = arith.constant 80 : i32
      %mul3A_62 = arith.muli %mul3A_60, %mul3A_61 : i32
      %multiple_of3A_63 = tpu.assume_multiple %mul3A_62, 80 : i32
      %dma_wait3A_64 = tpu.memref_slice %arg6[%multiple_of3A_63] : memref<10000xi32, #tpu.memory_space<vmem>> -> memref<80xi32, #tpu.memory_space<vmem>>
      %dma_wait3A_65 = arith.constant 0 : i32
      %dma_wait3A_66 = arith.constant 0 : i32
      %dma_wait3A_67 = tpu.memref_slice %arg2[%dma_wait3A_65, %dma_wait3A_66] : memref<10000x128xf32, #tpu.memory_space<hbm>> -> memref<10000x128xf32, #tpu.memory_space<hbm>>
      tpu.wait_indirect_dma semaphore(%arg11 : memref<!tpu.dma_semaphore, #tpu.memory_space<semaphore_mem>>) src(%dma_wait3A_67 : memref<10000x128xf32, #tpu.memory_space<hbm>>) dst(%arg8 : memref<80x128xf32, #tpu.memory_space<vmem>>)
      %dma_start3A_68 = arith.constant 0 : i32
      %dma_start3A_69 = tpu.memref_slice %arg7[%mul3A_60, %dma_start3A_68] : memref<125x80xi32, #tpu.memory_space<vmem>> -> memref<1x80xi32, #tpu.memory_space<vmem>>
      %dma_start3A_70 = tpu.memref_squeeze %dma_start3A_69 : memref<1x80xi32, #tpu.memory_space<vmem>> -> memref<80xi32, #tpu.memory_space<vmem>>
      %dma_start3A_71 = arith.constant 0 : i32
      %dma_start3A_72 = arith.constant 0 : i32
      %dma_start3A_73 = tpu.memref_slice %arg10[%dma_start3A_71, %dma_start3A_72] : memref<10000x128xf32, #tpu.memory_space<vmem_shared>> -> memref<10000x128xf32, #tpu.memory_space<vmem_shared>>
      tpu.enqueue_indirect_dma source(%arg8 : memref<80x128xf32, #tpu.memory_space<vmem>>) target(%dma_start3A_73 : memref<10000x128xf32, #tpu.memory_space<vmem_shared>>) offsets(%dma_start3A_70 : memref<80xi32, #tpu.memory_space<vmem>>) semaphore(%arg13 : memref<!tpu.dma_semaphore, #tpu.memory_space<semaphore_mem>>) {add = true}
      %add3A_74 = arith.constant 1 : i32
      %add3A_75 = arith.addi %mul3A_60, %add3A_74 : i32
      %mul3A_76 = arith.constant 80 : i32
      %mul3A_77 = arith.muli %add3A_75, %mul3A_76 : i32
      %multiple_of3A_78 = tpu.assume_multiple %mul3A_77, 80 : i32
      %dma_wait3A_79 = tpu.memref_slice %arg6[%multiple_of3A_78] : memref<10000xi32, #tpu.memory_space<vmem>> -> memref<80xi32, #tpu.memory_space<vmem>>
      %dma_wait3A_80 = arith.constant 0 : i32
      %dma_wait3A_81 = arith.constant 0 : i32
      %dma_wait3A_82 = tpu.memref_slice %arg2[%dma_wait3A_80, %dma_wait3A_81] : memref<10000x128xf32, #tpu.memory_space<hbm>> -> memref<10000x128xf32, #tpu.memory_space<hbm>>
      tpu.wait_indirect_dma semaphore(%arg12 : memref<!tpu.dma_semaphore, #tpu.memory_space<semaphore_mem>>) src(%dma_wait3A_82 : memref<10000x128xf32, #tpu.memory_space<hbm>>) dst(%arg9 : memref<80x128xf32, #tpu.memory_space<vmem>>)
      %add3A_83 = arith.constant 1 : i32
      %add3A_84 = arith.addi %mul3A_60, %add3A_83 : i32
      %dma_start3A_85 = arith.constant 0 : i32
      %dma_start3A_86 = tpu.memref_slice %arg7[%add3A_84, %dma_start3A_85] : memref<125x80xi32, #tpu.memory_space<vmem>> -> memref<1x80xi32, #tpu.memory_space<vmem>>
      %dma_start3A_87 = tpu.memref_squeeze %dma_start3A_86 : memref<1x80xi32, #tpu.memory_space<vmem>> -> memref<80xi32, #tpu.memory_space<vmem>>
      %dma_start3A_88 = arith.constant 0 : i32
      %dma_start3A_89 = arith.constant 0 : i32
      %dma_start3A_90 = tpu.memref_slice %arg10[%dma_start3A_88, %dma_start3A_89] : memref<10000x128xf32, #tpu.memory_space<vmem_shared>> -> memref<10000x128xf32, #tpu.memory_space<vmem_shared>>
      tpu.enqueue_indirect_dma source(%arg9 : memref<80x128xf32, #tpu.memory_space<vmem>>) target(%dma_start3A_90 : memref<10000x128xf32, #tpu.memory_space<vmem_shared>>) offsets(%dma_start3A_87 : memref<80xi32, #tpu.memory_space<vmem>>) semaphore(%arg14 : memref<!tpu.dma_semaphore, #tpu.memory_space<semaphore_mem>>) {add = true}
      %dma_wait3A_91 = arith.constant 0 : i32
      %dma_wait3A_92 = tpu.memref_slice %arg7[%mul3A_60, %dma_wait3A_91] : memref<125x80xi32, #tpu.memory_space<vmem>> -> memref<1x80xi32, #tpu.memory_space<vmem>>
      %dma_wait3A_93 = tpu.memref_squeeze %dma_wait3A_92 : memref<1x80xi32, #tpu.memory_space<vmem>> -> memref<80xi32, #tpu.memory_space<vmem>>
      %dma_wait3A_94 = arith.constant 0 : i32
      %dma_wait3A_95 = arith.constant 0 : i32
      %dma_wait3A_96 = tpu.memref_slice %arg10[%dma_wait3A_94, %dma_wait3A_95] : memref<10000x128xf32, #tpu.memory_space<vmem_shared>> -> memref<10000x128xf32, #tpu.memory_space<vmem_shared>>
      tpu.wait_indirect_dma semaphore(%arg13 : memref<!tpu.dma_semaphore, #tpu.memory_space<semaphore_mem>>) src(%arg8 : memref<80x128xf32, #tpu.memory_space<vmem>>) dst(%dma_wait3A_96 : memref<10000x128xf32, #tpu.memory_space<vmem_shared>>)
      %add3A_97 = arith.constant 2 : i32
      %add3A_98 = arith.addi %mul3A_60, %add3A_97 : i32
      %mul3A_99 = arith.constant 80 : i32
      %mul3A_100 = arith.muli %add3A_98, %mul3A_99 : i32
      %multiple_of3A_101 = tpu.assume_multiple %mul3A_100, 80 : i32
      %dma_start3A_102 = tpu.memref_slice %arg6[%multiple_of3A_101] : memref<10000xi32, #tpu.memory_space<vmem>> -> memref<80xi32, #tpu.memory_space<vmem>>
      %dma_start3A_103 = arith.constant 0 : i32
      %dma_start3A_104 = arith.constant 0 : i32
      %dma_start3A_105 = tpu.memref_slice %arg2[%dma_start3A_103, %dma_start3A_104] : memref<10000x128xf32, #tpu.memory_space<hbm>> -> memref<10000x128xf32, #tpu.memory_space<hbm>>
      tpu.enqueue_indirect_dma source(%dma_start3A_105 : memref<10000x128xf32, #tpu.memory_space<hbm>>) target(%arg8 : memref<80x128xf32, #tpu.memory_space<vmem>>) offsets(%dma_start3A_102 : memref<80xi32, #tpu.memory_space<vmem>>) semaphore(%arg11 : memref<!tpu.dma_semaphore, #tpu.memory_space<semaphore_mem>>)
      %add3A_106 = arith.constant 1 : i32
      %add3A_107 = arith.addi %mul3A_60, %add3A_106 : i32
      %dma_wait3A_108 = arith.constant 0 : i32
      %dma_wait3A_109 = tpu.memref_slice %arg7[%add3A_107, %dma_wait3A_108] : memref<125x80xi32, #tpu.memory_space<vmem>> -> memref<1x80xi32, #tpu.memory_space<vmem>>
      %dma_wait3A_110 = tpu.memref_squeeze %dma_wait3A_109 : memref<1x80xi32, #tpu.memory_space<vmem>> -> memref<80xi32, #tpu.memory_space<vmem>>
      %dma_wait3A_111 = arith.constant 0 : i32
      %dma_wait3A_112 = arith.constant 0 : i32
      %dma_wait3A_113 = tpu.memref_slice %arg10[%dma_wait3A_111, %dma_wait3A_112] : memref<10000x128xf32, #tpu.memory_space<vmem_shared>> -> memref<10000x128xf32, #tpu.memory_space<vmem_shared>>
      tpu.wait_indirect_dma semaphore(%arg14 : memref<!tpu.dma_semaphore, #tpu.memory_space<semaphore_mem>>) src(%arg9 : memref<80x128xf32, #tpu.memory_space<vmem>>) dst(%dma_wait3A_113 : memref<10000x128xf32, #tpu.memory_space<vmem_shared>>)
      %mul3A_114 = arith.constant 2 : i32
      %mul3A_115 = arith.muli %mul3A_114, %scan3A_58 : i32
      %add3A_116 = arith.constant 3 : i32
      %add3A_117 = arith.addi %mul3A_115, %add3A_116 : i32
      %lt3A = arith.constant 125 : i32
      %lt3A_118 = arith.cmpi slt, %add3A_117, %lt3A : i32
      %convert_element_type3A_119 = arith.extui %lt3A_118 : i1 to i32
      %cond3A_120 = arith.constant 0 : i32
      %cond3A_121 = arith.cmpi ne, %convert_element_type3A_119, %cond3A_120 : i32
      scf.if %cond3A_121 {
        %add3A_122 = arith.constant 3 : i32
        %add3A_123 = arith.addi %mul3A_60, %add3A_122 : i32
        %mul3A_124 = arith.constant 80 : i32
        %mul3A_125 = arith.muli %add3A_123, %mul3A_124 : i32
        %multiple_of3A_126 = tpu.assume_multiple %mul3A_125, 80 : i32
        %dma_start3A_127 = tpu.memref_slice %arg6[%multiple_of3A_126] : memref<10000xi32, #tpu.memory_space<vmem>> -> memref<80xi32, #tpu.memory_space<vmem>>
        %dma_start3A_128 = arith.constant 0 : i32
        %dma_start3A_129 = arith.constant 0 : i32
        %dma_start3A_130 = tpu.memref_slice %arg2[%dma_start3A_128, %dma_start3A_129] : memref<10000x128xf32, #tpu.memory_space<hbm>> -> memref<10000x128xf32, #tpu.memory_space<hbm>>
        tpu.enqueue_indirect_dma source(%dma_start3A_130 : memref<10000x128xf32, #tpu.memory_space<hbm>>) target(%arg9 : memref<80x128xf32, #tpu.memory_space<vmem>>) offsets(%dma_start3A_127 : memref<80xi32, #tpu.memory_space<vmem>>) semaphore(%arg12 : memref<!tpu.dma_semaphore, #tpu.memory_space<semaphore_mem>>)
      } else {
      }
    }
    %scan3A_43 = arith.constant 62 : i32
    %multiple_of3A_44 = arith.constant 9920 : i32
    %multiple_of3A_45 = tpu.assume_multiple %multiple_of3A_44, 80 : i32
    %dma_wait3A = tpu.memref_slice %arg6[%multiple_of3A_45] : memref<10000xi32, #tpu.memory_space<vmem>> -> memref<80xi32, #tpu.memory_space<vmem>>
    %dma_wait3A_46 = arith.constant 0 : i32
    %dma_wait3A_47 = arith.constant 0 : i32
    %dma_wait3A_48 = tpu.memref_slice %arg2[%dma_wait3A_46, %dma_wait3A_47] : memref<10000x128xf32, #tpu.memory_space<hbm>> -> memref<10000x128xf32, #tpu.memory_space<hbm>>
    tpu.wait_indirect_dma semaphore(%arg11 : memref<!tpu.dma_semaphore, #tpu.memory_space<semaphore_mem>>) src(%dma_wait3A_48 : memref<10000x128xf32, #tpu.memory_space<hbm>>) dst(%arg8 : memref<80x128xf32, #tpu.memory_space<vmem>>)
    %run_scoped3A = arith.constant 124 : i32
    "tpu.region"() ({
      %run_scoped3A_58 = tpu.sem_alloc : memref<!tpu.dma_semaphore, #tpu.memory_space<semaphore_mem>>
      %dma_start3A_59 = arith.constant 0 : i32
      %dma_start3A_60 = tpu.memref_slice %arg7[%run_scoped3A, %dma_start3A_59] : memref<125x80xi32, #tpu.memory_space<vmem>> -> memref<1x80xi32, #tpu.memory_space<vmem>>
      %dma_start3A_61 = tpu.memref_squeeze %dma_start3A_60 : memref<1x80xi32, #tpu.memory_space<vmem>> -> memref<80xi32, #tpu.memory_space<vmem>>
      %dma_start3A_62 = arith.constant 0 : i32
      %dma_start3A_63 = arith.constant 0 : i32
      %dma_start3A_64 = tpu.memref_slice %arg10[%dma_start3A_62, %dma_start3A_63] : memref<10000x128xf32, #tpu.memory_space<vmem_shared>> -> memref<10000x128xf32, #tpu.memory_space<vmem_shared>>
      tpu.enqueue_indirect_dma source(%arg8 : memref<80x128xf32, #tpu.memory_space<vmem>>) target(%dma_start3A_64 : memref<10000x128xf32, #tpu.memory_space<vmem_shared>>) offsets(%dma_start3A_61 : memref<80xi32, #tpu.memory_space<vmem>>) semaphore(%run_scoped3A_58 : memref<!tpu.dma_semaphore, #tpu.memory_space<semaphore_mem>>) {add = true}
      %dma_wait3A_65 = arith.constant 0 : i32
      %dma_wait3A_66 = tpu.memref_slice %arg7[%run_scoped3A, %dma_wait3A_65] : memref<125x80xi32, #tpu.memory_space<vmem>> -> memref<1x80xi32, #tpu.memory_space<vmem>>
      %dma_wait3A_67 = tpu.memref_squeeze %dma_wait3A_66 : memref<1x80xi32, #tpu.memory_space<vmem>> -> memref<80xi32, #tpu.memory_space<vmem>>
      %dma_wait3A_68 = arith.constant 0 : i32
      %dma_wait3A_69 = arith.constant 0 : i32
      %dma_wait3A_70 = tpu.memref_slice %arg10[%dma_wait3A_68, %dma_wait3A_69] : memref<10000x128xf32, #tpu.memory_space<vmem_shared>> -> memref<10000x128xf32, #tpu.memory_space<vmem_shared>>
      tpu.wait_indirect_dma semaphore(%run_scoped3A_58 : memref<!tpu.dma_semaphore, #tpu.memory_space<semaphore_mem>>) src(%arg8 : memref<80x128xf32, #tpu.memory_space<vmem>>) dst(%dma_wait3A_70 : memref<10000x128xf32, #tpu.memory_space<vmem_shared>>)
      tpu.yield
    }) : () -> ()
    %barrier3A_49 = arith.constant 0 : index
    tpu.barrier barrier_id(%barrier3A_49)
    %mul3A_50 = arith.constant 10000 : i32
    %mul3A_51 = arith.muli %arg0, %mul3A_50 : i32
    %add3A_52 = arith.addi %mul3A_51, %mul3A_2 : i32
    "tpu.region"() ({
      %run_scoped3A_58 = tpu.sem_alloc : memref<!tpu.dma_semaphore, #tpu.memory_space<semaphore_mem>>
      %dma_start3A_59 = arith.constant 0 : i32
      %dma_start3A_60 = tpu.memref_slice %arg5[%add3A_52, %dma_start3A_59] : memref<20000x128xf32, #tpu.memory_space<hbm>> -> memref<624x128xf32, #tpu.memory_space<hbm>>
      %dma_start3A_61 = arith.constant 0 : i32
      %dma_start3A_62 = tpu.memref_slice %arg10[%mul3A_2, %dma_start3A_61] : memref<10000x128xf32, #tpu.memory_space<vmem_shared>> -> memref<624x128xf32, #tpu.memory_space<vmem_shared>>
      tpu.enqueue_dma source(%dma_start3A_62 : memref<624x128xf32, #tpu.memory_space<vmem_shared>>) target(%dma_start3A_60 : memref<624x128xf32, #tpu.memory_space<hbm>>) target_semaphore(%run_scoped3A_58 : memref<!tpu.dma_semaphore, #tpu.memory_space<semaphore_mem>>)
      %dma_wait3A_63 = arith.constant 0 : i32
      %dma_wait3A_64 = tpu.memref_slice %arg5[%add3A_52, %dma_wait3A_63] : memref<20000x128xf32, #tpu.memory_space<hbm>> -> memref<624x128xf32, #tpu.memory_space<hbm>>
      %dma_wait3A_65 = arith.constant 0 : i32
      %dma_wait3A_66 = tpu.memref_slice %arg10[%mul3A_2, %dma_wait3A_65] : memref<10000x128xf32, #tpu.memory_space<vmem_shared>> -> memref<624x128xf32, #tpu.memory_space<vmem_shared>>
      tpu.wait_dma2 semaphore(%run_scoped3A_58 : memref<!tpu.dma_semaphore, #tpu.memory_space<semaphore_mem>>) src(%dma_wait3A_66 : memref<624x128xf32, #tpu.memory_space<vmem_shared>>) dst(%dma_wait3A_64 : memref<624x128xf32, #tpu.memory_space<hbm>>)
      tpu.yield
    }) : () -> ()
    %eq3A_53 = arith.constant 0 : i32
    %eq3A_54 = arith.cmpi eq, %arg1, %eq3A_53 : i32
    %convert_element_type3A_55 = arith.extui %eq3A_54 : i1 to i32
    %cond3A_56 = arith.constant 0 : i32
    %cond3A_57 = arith.cmpi ne, %convert_element_type3A_55, %cond3A_56 : i32
    scf.if %cond3A_57 {
      %mul3A_58 = arith.constant 10000 : i32
      %mul3A_59 = arith.muli %arg0, %mul3A_58 : i32
      %add3A_60 = arith.constant 9984 : i32
      %add3A_61 = arith.addi %mul3A_59, %add3A_60 : i32
      "tpu.region"() ({
        %run_scoped3A_62 = tpu.sem_alloc : memref<!tpu.dma_semaphore, #tpu.memory_space<semaphore_mem>>
        %dma_start3A_63 = arith.constant 0 : i32
        %dma_start3A_64 = tpu.memref_slice %arg5[%add3A_61, %dma_start3A_63] : memref<20000x128xf32, #tpu.memory_space<hbm>> -> memref<16x128xf32, #tpu.memory_space<hbm>>
        %dma_start3A_65 = arith.constant 9984 : i32
        %dma_start3A_66 = arith.constant 0 : i32
        %dma_start3A_67 = tpu.memref_slice %arg10[%dma_start3A_65, %dma_start3A_66] : memref<10000x128xf32, #tpu.memory_space<vmem_shared>> -> memref<16x128xf32, #tpu.memory_space<vmem_shared>>
        tpu.enqueue_dma source(%dma_start3A_67 : memref<16x128xf32, #tpu.memory_space<vmem_shared>>) target(%dma_start3A_64 : memref<16x128xf32, #tpu.memory_space<hbm>>) target_semaphore(%run_scoped3A_62 : memref<!tpu.dma_semaphore, #tpu.memory_space<semaphore_mem>>)
        %dma_wait3A_68 = arith.constant 0 : i32
        %dma_wait3A_69 = tpu.memref_slice %arg5[%add3A_61, %dma_wait3A_68] : memref<20000x128xf32, #tpu.memory_space<hbm>> -> memref<16x128xf32, #tpu.memory_space<hbm>>
        %dma_wait3A_70 = arith.constant 9984 : i32
        %dma_wait3A_71 = arith.constant 0 : i32
        %dma_wait3A_72 = tpu.memref_slice %arg10[%dma_wait3A_70, %dma_wait3A_71] : memref<10000x128xf32, #tpu.memory_space<vmem_shared>> -> memref<16x128xf32, #tpu.memory_space<vmem_shared>>
        tpu.wait_dma2 semaphore(%run_scoped3A_62 : memref<!tpu.dma_semaphore, #tpu.memory_space<semaphore_mem>>) src(%dma_wait3A_72 : memref<16x128xf32, #tpu.memory_space<vmem_shared>>) dst(%dma_wait3A_69 : memref<16x128xf32, #tpu.memory_space<hbm>>)
        tpu.yield
      }) : () -> ()
    } else {
    }
    return
  }
}

#map = affine_map<(d0, d1) -> (0, 0, 0)>
#map1 = affine_map<(d0, d1) -> (0, 0)>
module attributes {stable_mosaic.version = 14 : i64} {
  func.func @deg_kernel(%arg0: i32, %arg1: i32, %arg2: memref<32x125x80xi32, #tpu.memory_space<hbm>>, %arg3: memref<80x128xf32, #tpu.memory_space<hbm>>, %arg4: memref<10000x128xf32, #tpu.memory_space<hbm>>, %arg5: memref<20000x128xf32, #tpu.memory_space<hbm>>, %arg6: memref<125x80xi32, #tpu.memory_space<vmem>>, %arg7: memref<80x128xf32, #tpu.memory_space<vmem>>, %arg8: memref<10000x128xf32, #tpu.memory_space<vmem_shared>>, %arg9: memref<!tpu.dma_semaphore, #tpu.memory_space<semaphore_mem>>) attributes {dimension_semantics = [#tpu.dimension_semantics<core_parallel>, #tpu.dimension_semantics<subcore_parallel>], iteration_bounds = array<i64: 2, 16>, scalar_prefetch = 0 : i64, scratch_operands = 4 : i64, tpu.core_type = #tpu.core_type<sc_vector_subcore>, window_params = [{transform_indices = #map}, {transform_indices = #map1}, {transform_indices = #map1}, {transform_indices = #map1}]} {
    %mul3A = arith.constant 16 : i32
    %mul3A_0 = arith.muli %arg0, %mul3A : i32
    %add3A = arith.addi %mul3A_0, %arg1 : i32
    %mul3A_1 = arith.constant 624 : i32
    %mul3A_2 = arith.muli %arg1, %mul3A_1 : i32
    "tpu.region"() ({
      %run_scoped3A = tpu.sem_alloc : memref<!tpu.dma_semaphore, #tpu.memory_space<semaphore_mem>>
      %dma_start3A = arith.constant 0 : i32
      %dma_start3A_19 = tpu.memref_slice %arg8[%mul3A_2, %dma_start3A] : memref<10000x128xf32, #tpu.memory_space<vmem_shared>> -> memref<624x128xf32, #tpu.memory_space<vmem_shared>>
      %dma_start3A_20 = arith.constant 0 : i32
      %dma_start3A_21 = tpu.memref_slice %arg4[%mul3A_2, %dma_start3A_20] : memref<10000x128xf32, #tpu.memory_space<hbm>> -> memref<624x128xf32, #tpu.memory_space<hbm>>
      tpu.enqueue_dma source(%dma_start3A_21 : memref<624x128xf32, #tpu.memory_space<hbm>>) target(%dma_start3A_19 : memref<624x128xf32, #tpu.memory_space<vmem_shared>>) target_semaphore(%run_scoped3A : memref<!tpu.dma_semaphore, #tpu.memory_space<semaphore_mem>>)
      %dma_wait3A = arith.constant 0 : i32
      %dma_wait3A_22 = tpu.memref_slice %arg8[%mul3A_2, %dma_wait3A] : memref<10000x128xf32, #tpu.memory_space<vmem_shared>> -> memref<624x128xf32, #tpu.memory_space<vmem_shared>>
      %dma_wait3A_23 = arith.constant 0 : i32
      %dma_wait3A_24 = tpu.memref_slice %arg4[%mul3A_2, %dma_wait3A_23] : memref<10000x128xf32, #tpu.memory_space<hbm>> -> memref<624x128xf32, #tpu.memory_space<hbm>>
      tpu.wait_dma2 semaphore(%run_scoped3A : memref<!tpu.dma_semaphore, #tpu.memory_space<semaphore_mem>>) src(%dma_wait3A_24 : memref<624x128xf32, #tpu.memory_space<hbm>>) dst(%dma_wait3A_22 : memref<624x128xf32, #tpu.memory_space<vmem_shared>>)
      tpu.yield
    }) : () -> ()
    %eq3A = arith.constant 0 : i32
    %eq3A_3 = arith.cmpi eq, %arg1, %eq3A : i32
    %convert_element_type3A = arith.extui %eq3A_3 : i1 to i32
    %cond3A = arith.constant 0 : i32
    %cond3A_4 = arith.cmpi ne, %convert_element_type3A, %cond3A : i32
    scf.if %cond3A_4 {
      "tpu.region"() ({
        %run_scoped3A = tpu.sem_alloc : memref<!tpu.dma_semaphore, #tpu.memory_space<semaphore_mem>>
        %dma_start3A = arith.constant 9984 : i32
        %dma_start3A_19 = arith.constant 0 : i32
        %dma_start3A_20 = tpu.memref_slice %arg8[%dma_start3A, %dma_start3A_19] : memref<10000x128xf32, #tpu.memory_space<vmem_shared>> -> memref<16x128xf32, #tpu.memory_space<vmem_shared>>
        %dma_start3A_21 = arith.constant 9984 : i32
        %dma_start3A_22 = arith.constant 0 : i32
        %dma_start3A_23 = tpu.memref_slice %arg4[%dma_start3A_21, %dma_start3A_22] : memref<10000x128xf32, #tpu.memory_space<hbm>> -> memref<16x128xf32, #tpu.memory_space<hbm>>
        tpu.enqueue_dma source(%dma_start3A_23 : memref<16x128xf32, #tpu.memory_space<hbm>>) target(%dma_start3A_20 : memref<16x128xf32, #tpu.memory_space<vmem_shared>>) target_semaphore(%run_scoped3A : memref<!tpu.dma_semaphore, #tpu.memory_space<semaphore_mem>>)
        %dma_wait3A = arith.constant 9984 : i32
        %dma_wait3A_24 = arith.constant 0 : i32
        %dma_wait3A_25 = tpu.memref_slice %arg8[%dma_wait3A, %dma_wait3A_24] : memref<10000x128xf32, #tpu.memory_space<vmem_shared>> -> memref<16x128xf32, #tpu.memory_space<vmem_shared>>
        %dma_wait3A_26 = arith.constant 9984 : i32
        %dma_wait3A_27 = arith.constant 0 : i32
        %dma_wait3A_28 = tpu.memref_slice %arg4[%dma_wait3A_26, %dma_wait3A_27] : memref<10000x128xf32, #tpu.memory_space<hbm>> -> memref<16x128xf32, #tpu.memory_space<hbm>>
        tpu.wait_dma2 semaphore(%run_scoped3A : memref<!tpu.dma_semaphore, #tpu.memory_space<semaphore_mem>>) src(%dma_wait3A_28 : memref<16x128xf32, #tpu.memory_space<hbm>>) dst(%dma_wait3A_25 : memref<16x128xf32, #tpu.memory_space<vmem_shared>>)
        tpu.yield
      }) : () -> ()
    } else {
    }
    "tpu.region"() ({
      %run_scoped3A = tpu.sem_alloc : memref<!tpu.dma_semaphore, #tpu.memory_space<semaphore_mem>>
      tpu.enqueue_dma source(%arg3 : memref<80x128xf32, #tpu.memory_space<hbm>>) target(%arg7 : memref<80x128xf32, #tpu.memory_space<vmem>>) target_semaphore(%run_scoped3A : memref<!tpu.dma_semaphore, #tpu.memory_space<semaphore_mem>>)
      tpu.wait_dma2 semaphore(%run_scoped3A : memref<!tpu.dma_semaphore, #tpu.memory_space<semaphore_mem>>) src(%arg3 : memref<80x128xf32, #tpu.memory_space<hbm>>) dst(%arg7 : memref<80x128xf32, #tpu.memory_space<vmem>>)
      tpu.yield
    }) : () -> ()
    "tpu.region"() ({
      %run_scoped3A = tpu.sem_alloc : memref<!tpu.dma_semaphore, #tpu.memory_space<semaphore_mem>>
      %dma_start3A = arith.constant 0 : i32
      %dma_start3A_19 = arith.constant 0 : i32
      %dma_start3A_20 = tpu.memref_slice %arg2[%add3A, %dma_start3A, %dma_start3A_19] : memref<32x125x80xi32, #tpu.memory_space<hbm>> -> memref<1x125x80xi32, #tpu.memory_space<hbm>>
      %dma_start3A_21 = tpu.memref_squeeze %dma_start3A_20 : memref<1x125x80xi32, #tpu.memory_space<hbm>> -> memref<125x80xi32, #tpu.memory_space<hbm>>
      %dma_start3A_22 = arith.constant 0 : i32
      %dma_start3A_23 = arith.constant 0 : i32
      %dma_start3A_24 = tpu.memref_slice %arg2[%add3A, %dma_start3A_22, %dma_start3A_23] : memref<32x125x80xi32, #tpu.memory_space<hbm>> -> memref<1x125x80xi32, #tpu.memory_space<hbm>>
      %dma_start3A_25 = tpu.memref_squeeze %dma_start3A_24 : memref<1x125x80xi32, #tpu.memory_space<hbm>> -> memref<125x80xi32, #tpu.memory_space<hbm>>
      tpu.enqueue_dma source(%dma_start3A_25 : memref<125x80xi32, #tpu.memory_space<hbm>>) target(%arg6 : memref<125x80xi32, #tpu.memory_space<vmem>>) target_semaphore(%run_scoped3A : memref<!tpu.dma_semaphore, #tpu.memory_space<semaphore_mem>>)
      %dma_wait3A = arith.constant 0 : i32
      %dma_wait3A_26 = arith.constant 0 : i32
      %dma_wait3A_27 = tpu.memref_slice %arg2[%add3A, %dma_wait3A, %dma_wait3A_26] : memref<32x125x80xi32, #tpu.memory_space<hbm>> -> memref<1x125x80xi32, #tpu.memory_space<hbm>>
      %dma_wait3A_28 = tpu.memref_squeeze %dma_wait3A_27 : memref<1x125x80xi32, #tpu.memory_space<hbm>> -> memref<125x80xi32, #tpu.memory_space<hbm>>
      %dma_wait3A_29 = arith.constant 0 : i32
      %dma_wait3A_30 = arith.constant 0 : i32
      %dma_wait3A_31 = tpu.memref_slice %arg2[%add3A, %dma_wait3A_29, %dma_wait3A_30] : memref<32x125x80xi32, #tpu.memory_space<hbm>> -> memref<1x125x80xi32, #tpu.memory_space<hbm>>
      %dma_wait3A_32 = tpu.memref_squeeze %dma_wait3A_31 : memref<1x125x80xi32, #tpu.memory_space<hbm>> -> memref<125x80xi32, #tpu.memory_space<hbm>>
      tpu.wait_dma2 semaphore(%run_scoped3A : memref<!tpu.dma_semaphore, #tpu.memory_space<semaphore_mem>>) src(%dma_wait3A_32 : memref<125x80xi32, #tpu.memory_space<hbm>>) dst(%arg6 : memref<125x80xi32, #tpu.memory_space<vmem>>)
      tpu.yield
    }) : () -> ()
    %barrier3A = arith.constant 0 : index
    tpu.barrier barrier_id(%barrier3A)
    %scan3A = arith.constant 0 : i32
    %scan3A_5 = arith.constant 0 : i32
    %scan3A_6 = arith.constant 25 : i32
    %scan3A_7 = arith.addi %scan3A_5, %scan3A_6 : i32
    %scan3A_8 = arith.constant 1 : i32
    scf.for %scan3A_19 = %scan3A_5 to %scan3A_7 step %scan3A_8  : i32 {
      %mul3A_20 = arith.constant 5 : i32
      %mul3A_21 = arith.muli %scan3A_19, %mul3A_20 : i32
      %add3A_22 = arith.constant 0 : i32
      %add3A_23 = arith.addi %mul3A_21, %add3A_22 : i32
      %dma_start3A = arith.constant 0 : i32
      %dma_start3A_24 = tpu.memref_slice %arg6[%add3A_23, %dma_start3A] : memref<125x80xi32, #tpu.memory_space<vmem>> -> memref<1x80xi32, #tpu.memory_space<vmem>>
      %dma_start3A_25 = tpu.memref_squeeze %dma_start3A_24 : memref<1x80xi32, #tpu.memory_space<vmem>> -> memref<80xi32, #tpu.memory_space<vmem>>
      %dma_start3A_26 = arith.constant 0 : i32
      %dma_start3A_27 = arith.constant 0 : i32
      %dma_start3A_28 = tpu.memref_slice %arg8[%dma_start3A_26, %dma_start3A_27] : memref<10000x128xf32, #tpu.memory_space<vmem_shared>> -> memref<10000x128xf32, #tpu.memory_space<vmem_shared>>
      tpu.enqueue_indirect_dma source(%arg7 : memref<80x128xf32, #tpu.memory_space<vmem>>) target(%dma_start3A_28 : memref<10000x128xf32, #tpu.memory_space<vmem_shared>>) offsets(%dma_start3A_25 : memref<80xi32, #tpu.memory_space<vmem>>) semaphore(%arg9 : memref<!tpu.dma_semaphore, #tpu.memory_space<semaphore_mem>>) {add = true}
      %add3A_29 = arith.constant 1 : i32
      %add3A_30 = arith.addi %mul3A_21, %add3A_29 : i32
      %dma_start3A_31 = arith.constant 0 : i32
      %dma_start3A_32 = tpu.memref_slice %arg6[%add3A_30, %dma_start3A_31] : memref<125x80xi32, #tpu.memory_space<vmem>> -> memref<1x80xi32, #tpu.memory_space<vmem>>
      %dma_start3A_33 = tpu.memref_squeeze %dma_start3A_32 : memref<1x80xi32, #tpu.memory_space<vmem>> -> memref<80xi32, #tpu.memory_space<vmem>>
      %dma_start3A_34 = arith.constant 0 : i32
      %dma_start3A_35 = arith.constant 0 : i32
      %dma_start3A_36 = tpu.memref_slice %arg8[%dma_start3A_34, %dma_start3A_35] : memref<10000x128xf32, #tpu.memory_space<vmem_shared>> -> memref<10000x128xf32, #tpu.memory_space<vmem_shared>>
      tpu.enqueue_indirect_dma source(%arg7 : memref<80x128xf32, #tpu.memory_space<vmem>>) target(%dma_start3A_36 : memref<10000x128xf32, #tpu.memory_space<vmem_shared>>) offsets(%dma_start3A_33 : memref<80xi32, #tpu.memory_space<vmem>>) semaphore(%arg9 : memref<!tpu.dma_semaphore, #tpu.memory_space<semaphore_mem>>) {add = true}
      %add3A_37 = arith.constant 2 : i32
      %add3A_38 = arith.addi %mul3A_21, %add3A_37 : i32
      %dma_start3A_39 = arith.constant 0 : i32
      %dma_start3A_40 = tpu.memref_slice %arg6[%add3A_38, %dma_start3A_39] : memref<125x80xi32, #tpu.memory_space<vmem>> -> memref<1x80xi32, #tpu.memory_space<vmem>>
      %dma_start3A_41 = tpu.memref_squeeze %dma_start3A_40 : memref<1x80xi32, #tpu.memory_space<vmem>> -> memref<80xi32, #tpu.memory_space<vmem>>
      %dma_start3A_42 = arith.constant 0 : i32
      %dma_start3A_43 = arith.constant 0 : i32
      %dma_start3A_44 = tpu.memref_slice %arg8[%dma_start3A_42, %dma_start3A_43] : memref<10000x128xf32, #tpu.memory_space<vmem_shared>> -> memref<10000x128xf32, #tpu.memory_space<vmem_shared>>
      tpu.enqueue_indirect_dma source(%arg7 : memref<80x128xf32, #tpu.memory_space<vmem>>) target(%dma_start3A_44 : memref<10000x128xf32, #tpu.memory_space<vmem_shared>>) offsets(%dma_start3A_41 : memref<80xi32, #tpu.memory_space<vmem>>) semaphore(%arg9 : memref<!tpu.dma_semaphore, #tpu.memory_space<semaphore_mem>>) {add = true}
      %add3A_45 = arith.constant 3 : i32
      %add3A_46 = arith.addi %mul3A_21, %add3A_45 : i32
      %dma_start3A_47 = arith.constant 0 : i32
      %dma_start3A_48 = tpu.memref_slice %arg6[%add3A_46, %dma_start3A_47] : memref<125x80xi32, #tpu.memory_space<vmem>> -> memref<1x80xi32, #tpu.memory_space<vmem>>
      %dma_start3A_49 = tpu.memref_squeeze %dma_start3A_48 : memref<1x80xi32, #tpu.memory_space<vmem>> -> memref<80xi32, #tpu.memory_space<vmem>>
      %dma_start3A_50 = arith.constant 0 : i32
      %dma_start3A_51 = arith.constant 0 : i32
      %dma_start3A_52 = tpu.memref_slice %arg8[%dma_start3A_50, %dma_start3A_51] : memref<10000x128xf32, #tpu.memory_space<vmem_shared>> -> memref<10000x128xf32, #tpu.memory_space<vmem_shared>>
      tpu.enqueue_indirect_dma source(%arg7 : memref<80x128xf32, #tpu.memory_space<vmem>>) target(%dma_start3A_52 : memref<10000x128xf32, #tpu.memory_space<vmem_shared>>) offsets(%dma_start3A_49 : memref<80xi32, #tpu.memory_space<vmem>>) semaphore(%arg9 : memref<!tpu.dma_semaphore, #tpu.memory_space<semaphore_mem>>) {add = true}
      %add3A_53 = arith.constant 4 : i32
      %add3A_54 = arith.addi %mul3A_21, %add3A_53 : i32
      %dma_start3A_55 = arith.constant 0 : i32
      %dma_start3A_56 = tpu.memref_slice %arg6[%add3A_54, %dma_start3A_55] : memref<125x80xi32, #tpu.memory_space<vmem>> -> memref<1x80xi32, #tpu.memory_space<vmem>>
      %dma_start3A_57 = tpu.memref_squeeze %dma_start3A_56 : memref<1x80xi32, #tpu.memory_space<vmem>> -> memref<80xi32, #tpu.memory_space<vmem>>
      %dma_start3A_58 = arith.constant 0 : i32
      %dma_start3A_59 = arith.constant 0 : i32
      %dma_start3A_60 = tpu.memref_slice %arg8[%dma_start3A_58, %dma_start3A_59] : memref<10000x128xf32, #tpu.memory_space<vmem_shared>> -> memref<10000x128xf32, #tpu.memory_space<vmem_shared>>
      tpu.enqueue_indirect_dma source(%arg7 : memref<80x128xf32, #tpu.memory_space<vmem>>) target(%dma_start3A_60 : memref<10000x128xf32, #tpu.memory_space<vmem_shared>>) offsets(%dma_start3A_57 : memref<80xi32, #tpu.memory_space<vmem>>) semaphore(%arg9 : memref<!tpu.dma_semaphore, #tpu.memory_space<semaphore_mem>>) {add = true}
      %add3A_61 = arith.constant 0 : i32
      %add3A_62 = arith.addi %mul3A_21, %add3A_61 : i32
      %dma_wait3A = arith.constant 0 : i32
      %dma_wait3A_63 = tpu.memref_slice %arg6[%add3A_62, %dma_wait3A] : memref<125x80xi32, #tpu.memory_space<vmem>> -> memref<1x80xi32, #tpu.memory_space<vmem>>
      %dma_wait3A_64 = tpu.memref_squeeze %dma_wait3A_63 : memref<1x80xi32, #tpu.memory_space<vmem>> -> memref<80xi32, #tpu.memory_space<vmem>>
      %dma_wait3A_65 = arith.constant 0 : i32
      %dma_wait3A_66 = arith.constant 0 : i32
      %dma_wait3A_67 = tpu.memref_slice %arg8[%dma_wait3A_65, %dma_wait3A_66] : memref<10000x128xf32, #tpu.memory_space<vmem_shared>> -> memref<10000x128xf32, #tpu.memory_space<vmem_shared>>
      tpu.wait_indirect_dma semaphore(%arg9 : memref<!tpu.dma_semaphore, #tpu.memory_space<semaphore_mem>>) src(%arg7 : memref<80x128xf32, #tpu.memory_space<vmem>>) dst(%dma_wait3A_67 : memref<10000x128xf32, #tpu.memory_space<vmem_shared>>)
      %add3A_68 = arith.constant 1 : i32
      %add3A_69 = arith.addi %mul3A_21, %add3A_68 : i32
      %dma_wait3A_70 = arith.constant 0 : i32
      %dma_wait3A_71 = tpu.memref_slice %arg6[%add3A_69, %dma_wait3A_70] : memref<125x80xi32, #tpu.memory_space<vmem>> -> memref<1x80xi32, #tpu.memory_space<vmem>>
      %dma_wait3A_72 = tpu.memref_squeeze %dma_wait3A_71 : memref<1x80xi32, #tpu.memory_space<vmem>> -> memref<80xi32, #tpu.memory_space<vmem>>
      %dma_wait3A_73 = arith.constant 0 : i32
      %dma_wait3A_74 = arith.constant 0 : i32
      %dma_wait3A_75 = tpu.memref_slice %arg8[%dma_wait3A_73, %dma_wait3A_74] : memref<10000x128xf32, #tpu.memory_space<vmem_shared>> -> memref<10000x128xf32, #tpu.memory_space<vmem_shared>>
      tpu.wait_indirect_dma semaphore(%arg9 : memref<!tpu.dma_semaphore, #tpu.memory_space<semaphore_mem>>) src(%arg7 : memref<80x128xf32, #tpu.memory_space<vmem>>) dst(%dma_wait3A_75 : memref<10000x128xf32, #tpu.memory_space<vmem_shared>>)
      %add3A_76 = arith.constant 2 : i32
      %add3A_77 = arith.addi %mul3A_21, %add3A_76 : i32
      %dma_wait3A_78 = arith.constant 0 : i32
      %dma_wait3A_79 = tpu.memref_slice %arg6[%add3A_77, %dma_wait3A_78] : memref<125x80xi32, #tpu.memory_space<vmem>> -> memref<1x80xi32, #tpu.memory_space<vmem>>
      %dma_wait3A_80 = tpu.memref_squeeze %dma_wait3A_79 : memref<1x80xi32, #tpu.memory_space<vmem>> -> memref<80xi32, #tpu.memory_space<vmem>>
      %dma_wait3A_81 = arith.constant 0 : i32
      %dma_wait3A_82 = arith.constant 0 : i32
      %dma_wait3A_83 = tpu.memref_slice %arg8[%dma_wait3A_81, %dma_wait3A_82] : memref<10000x128xf32, #tpu.memory_space<vmem_shared>> -> memref<10000x128xf32, #tpu.memory_space<vmem_shared>>
      tpu.wait_indirect_dma semaphore(%arg9 : memref<!tpu.dma_semaphore, #tpu.memory_space<semaphore_mem>>) src(%arg7 : memref<80x128xf32, #tpu.memory_space<vmem>>) dst(%dma_wait3A_83 : memref<10000x128xf32, #tpu.memory_space<vmem_shared>>)
      %add3A_84 = arith.constant 3 : i32
      %add3A_85 = arith.addi %mul3A_21, %add3A_84 : i32
      %dma_wait3A_86 = arith.constant 0 : i32
      %dma_wait3A_87 = tpu.memref_slice %arg6[%add3A_85, %dma_wait3A_86] : memref<125x80xi32, #tpu.memory_space<vmem>> -> memref<1x80xi32, #tpu.memory_space<vmem>>
      %dma_wait3A_88 = tpu.memref_squeeze %dma_wait3A_87 : memref<1x80xi32, #tpu.memory_space<vmem>> -> memref<80xi32, #tpu.memory_space<vmem>>
      %dma_wait3A_89 = arith.constant 0 : i32
      %dma_wait3A_90 = arith.constant 0 : i32
      %dma_wait3A_91 = tpu.memref_slice %arg8[%dma_wait3A_89, %dma_wait3A_90] : memref<10000x128xf32, #tpu.memory_space<vmem_shared>> -> memref<10000x128xf32, #tpu.memory_space<vmem_shared>>
      tpu.wait_indirect_dma semaphore(%arg9 : memref<!tpu.dma_semaphore, #tpu.memory_space<semaphore_mem>>) src(%arg7 : memref<80x128xf32, #tpu.memory_space<vmem>>) dst(%dma_wait3A_91 : memref<10000x128xf32, #tpu.memory_space<vmem_shared>>)
      %add3A_92 = arith.constant 4 : i32
      %add3A_93 = arith.addi %mul3A_21, %add3A_92 : i32
      %dma_wait3A_94 = arith.constant 0 : i32
      %dma_wait3A_95 = tpu.memref_slice %arg6[%add3A_93, %dma_wait3A_94] : memref<125x80xi32, #tpu.memory_space<vmem>> -> memref<1x80xi32, #tpu.memory_space<vmem>>
      %dma_wait3A_96 = tpu.memref_squeeze %dma_wait3A_95 : memref<1x80xi32, #tpu.memory_space<vmem>> -> memref<80xi32, #tpu.memory_space<vmem>>
      %dma_wait3A_97 = arith.constant 0 : i32
      %dma_wait3A_98 = arith.constant 0 : i32
      %dma_wait3A_99 = tpu.memref_slice %arg8[%dma_wait3A_97, %dma_wait3A_98] : memref<10000x128xf32, #tpu.memory_space<vmem_shared>> -> memref<10000x128xf32, #tpu.memory_space<vmem_shared>>
      tpu.wait_indirect_dma semaphore(%arg9 : memref<!tpu.dma_semaphore, #tpu.memory_space<semaphore_mem>>) src(%arg7 : memref<80x128xf32, #tpu.memory_space<vmem>>) dst(%dma_wait3A_99 : memref<10000x128xf32, #tpu.memory_space<vmem_shared>>)
    }
    %scan3A_9 = arith.constant 25 : i32
    %barrier3A_10 = arith.constant 0 : index
    tpu.barrier barrier_id(%barrier3A_10)
    %mul3A_11 = arith.constant 10000 : i32
    %mul3A_12 = arith.muli %arg0, %mul3A_11 : i32
    %add3A_13 = arith.addi %mul3A_12, %mul3A_2 : i32
    "tpu.region"() ({
      %run_scoped3A = tpu.sem_alloc : memref<!tpu.dma_semaphore, #tpu.memory_space<semaphore_mem>>
      %dma_start3A = arith.constant 0 : i32
      %dma_start3A_19 = tpu.memref_slice %arg5[%add3A_13, %dma_start3A] : memref<20000x128xf32, #tpu.memory_space<hbm>> -> memref<624x128xf32, #tpu.memory_space<hbm>>
      %dma_start3A_20 = arith.constant 0 : i32
      %dma_start3A_21 = tpu.memref_slice %arg8[%mul3A_2, %dma_start3A_20] : memref<10000x128xf32, #tpu.memory_space<vmem_shared>> -> memref<624x128xf32, #tpu.memory_space<vmem_shared>>
      tpu.enqueue_dma source(%dma_start3A_21 : memref<624x128xf32, #tpu.memory_space<vmem_shared>>) target(%dma_start3A_19 : memref<624x128xf32, #tpu.memory_space<hbm>>) target_semaphore(%run_scoped3A : memref<!tpu.dma_semaphore, #tpu.memory_space<semaphore_mem>>)
      %dma_wait3A = arith.constant 0 : i32
      %dma_wait3A_22 = tpu.memref_slice %arg5[%add3A_13, %dma_wait3A] : memref<20000x128xf32, #tpu.memory_space<hbm>> -> memref<624x128xf32, #tpu.memory_space<hbm>>
      %dma_wait3A_23 = arith.constant 0 : i32
      %dma_wait3A_24 = tpu.memref_slice %arg8[%mul3A_2, %dma_wait3A_23] : memref<10000x128xf32, #tpu.memory_space<vmem_shared>> -> memref<624x128xf32, #tpu.memory_space<vmem_shared>>
      tpu.wait_dma2 semaphore(%run_scoped3A : memref<!tpu.dma_semaphore, #tpu.memory_space<semaphore_mem>>) src(%dma_wait3A_24 : memref<624x128xf32, #tpu.memory_space<vmem_shared>>) dst(%dma_wait3A_22 : memref<624x128xf32, #tpu.memory_space<hbm>>)
      tpu.yield
    }) : () -> ()
    %eq3A_14 = arith.constant 0 : i32
    %eq3A_15 = arith.cmpi eq, %arg1, %eq3A_14 : i32
    %convert_element_type3A_16 = arith.extui %eq3A_15 : i1 to i32
    %cond3A_17 = arith.constant 0 : i32
    %cond3A_18 = arith.cmpi ne, %convert_element_type3A_16, %cond3A_17 : i32
    scf.if %cond3A_18 {
      %mul3A_19 = arith.constant 10000 : i32
      %mul3A_20 = arith.muli %arg0, %mul3A_19 : i32
      %add3A_21 = arith.constant 9984 : i32
      %add3A_22 = arith.addi %mul3A_20, %add3A_21 : i32
      "tpu.region"() ({
        %run_scoped3A = tpu.sem_alloc : memref<!tpu.dma_semaphore, #tpu.memory_space<semaphore_mem>>
        %dma_start3A = arith.constant 0 : i32
        %dma_start3A_23 = tpu.memref_slice %arg5[%add3A_22, %dma_start3A] : memref<20000x128xf32, #tpu.memory_space<hbm>> -> memref<16x128xf32, #tpu.memory_space<hbm>>
        %dma_start3A_24 = arith.constant 9984 : i32
        %dma_start3A_25 = arith.constant 0 : i32
        %dma_start3A_26 = tpu.memref_slice %arg8[%dma_start3A_24, %dma_start3A_25] : memref<10000x128xf32, #tpu.memory_space<vmem_shared>> -> memref<16x128xf32, #tpu.memory_space<vmem_shared>>
        tpu.enqueue_dma source(%dma_start3A_26 : memref<16x128xf32, #tpu.memory_space<vmem_shared>>) target(%dma_start3A_23 : memref<16x128xf32, #tpu.memory_space<hbm>>) target_semaphore(%run_scoped3A : memref<!tpu.dma_semaphore, #tpu.memory_space<semaphore_mem>>)
        %dma_wait3A = arith.constant 0 : i32
        %dma_wait3A_27 = tpu.memref_slice %arg5[%add3A_22, %dma_wait3A] : memref<20000x128xf32, #tpu.memory_space<hbm>> -> memref<16x128xf32, #tpu.memory_space<hbm>>
        %dma_wait3A_28 = arith.constant 9984 : i32
        %dma_wait3A_29 = arith.constant 0 : i32
        %dma_wait3A_30 = tpu.memref_slice %arg8[%dma_wait3A_28, %dma_wait3A_29] : memref<10000x128xf32, #tpu.memory_space<vmem_shared>> -> memref<16x128xf32, #tpu.memory_space<vmem_shared>>
        tpu.wait_dma2 semaphore(%run_scoped3A : memref<!tpu.dma_semaphore, #tpu.memory_space<semaphore_mem>>) src(%dma_wait3A_30 : memref<16x128xf32, #tpu.memory_space<vmem_shared>>) dst(%dma_wait3A_27 : memref<16x128xf32, #tpu.memory_space<hbm>>)
        tpu.yield
      }) : () -> ()
    } else {
    }
    return
  }
}

#map = affine_map<(d0, d1) -> (0, 0)>
#map1 = affine_map<(d0, d1) -> (0)>
#map2 = affine_map<(d0, d1) -> (0, 0, 0)>
module attributes {stable_mosaic.version = 14 : i64} {
  func.func @scat_kernel(%arg0: i32, %arg1: i32, %arg2: memref<10000x128xf32, #tpu.memory_space<hbm>>, %arg3: memref<320000xi32, #tpu.memory_space<hbm>>, %arg4: memref<32x125x80xi32, #tpu.memory_space<hbm>>, %arg5: memref<20000x128xf32, #tpu.memory_space<hbm>>, %arg6: memref<10000xi32, #tpu.memory_space<vmem>>, %arg7: memref<125x80xi32, #tpu.memory_space<vmem>>, %arg8: memref<80x128xf32, #tpu.memory_space<vmem>>, %arg9: memref<80x128xf32, #tpu.memory_space<vmem>>, %arg10: memref<10000x128xf32, #tpu.memory_space<vmem_shared>>, %arg11: memref<!tpu.dma_semaphore, #tpu.memory_space<semaphore_mem>>, %arg12: memref<!tpu.dma_semaphore, #tpu.memory_space<semaphore_mem>>, %arg13: memref<!tpu.dma_semaphore, #tpu.memory_space<semaphore_mem>>, %arg14: memref<!tpu.dma_semaphore, #tpu.memory_space<semaphore_mem>>) attributes {dimension_semantics = [#tpu.dimension_semantics<core_parallel>, #tpu.dimension_semantics<subcore_parallel>], iteration_bounds = array<i64: 2, 16>, scalar_prefetch = 0 : i64, scratch_operands = 9 : i64, tpu.core_type = #tpu.core_type<sc_vector_subcore>, window_params = [{transform_indices = #map}, {transform_indices = #map1}, {transform_indices = #map2}, {transform_indices = #map}]} {
    %mul3A = arith.constant 16 : i32
    %mul3A_0 = arith.muli %arg0, %mul3A : i32
    %add3A = arith.addi %mul3A_0, %arg1 : i32
    %mul3A_1 = arith.constant 624 : i32
    %mul3A_2 = arith.muli %arg1, %mul3A_1 : i32
    %scan3A = arith.constant 0 : i32
    %scan3A_3 = arith.constant 0 : i32
    %scan3A_4 = arith.constant 80 : i32
    %scan3A_5 = arith.addi %scan3A_3, %scan3A_4 : i32
    %scan3A_6 = arith.constant 1 : i32
    scf.for %scan3A_58 = %scan3A_3 to %scan3A_5 step %scan3A_6  : i32 {
      %broadcast_in_dim3A = arith.constant 0.000000e+00 : f32
      %broadcast_in_dim3A_59 = vector.broadcast %broadcast_in_dim3A : f32 to vector<16xf32>
      %swap3A = arith.index_cast %scan3A_58 : i32 to index
      %swap3A_60 = arith.constant 0 : index
      %swap3A_61 = tpu.vector_load %arg8[%swap3A, %swap3A_60] {strides = array<i32>} : memref<80x128xf32, #tpu.memory_space<vmem>>, vector<1x16xf32>,
      %swap3A_62 = vector.shape_cast %swap3A_61 : vector<1x16xf32> to vector<16xf32>
      %swap3A_63 = vector.shape_cast %broadcast_in_dim3A_59 : vector<16xf32> to vector<1x16xf32>
      tpu.vector_store %arg8[%swap3A, %swap3A_60], %swap3A_63 {strides = array<i32>} : memref<80x128xf32, #tpu.memory_space<vmem>>, vector<1x16xf32>,
      %broadcast_in_dim3A_64 = arith.constant 0.000000e+00 : f32
      %broadcast_in_dim3A_65 = vector.broadcast %broadcast_in_dim3A_64 : f32 to vector<16xf32>
      %swap3A_66 = arith.index_cast %scan3A_58 : i32 to index
      %swap3A_67 = arith.constant 16 : index
      %swap3A_68 = tpu.vector_load %arg8[%swap3A_66, %swap3A_67] {strides = array<i32>} : memref<80x128xf32, #tpu.memory_space<vmem>>, vector<1x16xf32>,
      %swap3A_69 = vector.shape_cast %swap3A_68 : vector<1x16xf32> to vector<16xf32>
      %swap3A_70 = vector.shape_cast %broadcast_in_dim3A_65 : vector<16xf32> to vector<1x16xf32>
      tpu.vector_store %arg8[%swap3A_66, %swap3A_67], %swap3A_70 {strides = array<i32>} : memref<80x128xf32, #tpu.memory_space<vmem>>, vector<1x16xf32>,
      %broadcast_in_dim3A_71 = arith.constant 0.000000e+00 : f32
      %broadcast_in_dim3A_72 = vector.broadcast %broadcast_in_dim3A_71 : f32 to vector<16xf32>
      %swap3A_73 = arith.index_cast %scan3A_58 : i32 to index
      %swap3A_74 = arith.constant 32 : index
      %swap3A_75 = tpu.vector_load %arg8[%swap3A_73, %swap3A_74] {strides = array<i32>} : memref<80x128xf32, #tpu.memory_space<vmem>>, vector<1x16xf32>,
      %swap3A_76 = vector.shape_cast %swap3A_75 : vector<1x16xf32> to vector<16xf32>
      %swap3A_77 = vector.shape_cast %broadcast_in_dim3A_72 : vector<16xf32> to vector<1x16xf32>
      tpu.vector_store %arg8[%swap3A_73, %swap3A_74], %swap3A_77 {strides = array<i32>} : memref<80x128xf32, #tpu.memory_space<vmem>>, vector<1x16xf32>,
      %broadcast_in_dim3A_78 = arith.constant 0.000000e+00 : f32
      %broadcast_in_dim3A_79 = vector.broadcast %broadcast_in_dim3A_78 : f32 to vector<16xf32>
      %swap3A_80 = arith.index_cast %scan3A_58 : i32 to index
      %swap3A_81 = arith.constant 48 : index
      %swap3A_82 = tpu.vector_load %arg8[%swap3A_80, %swap3A_81] {strides = array<i32>} : memref<80x128xf32, #tpu.memory_space<vmem>>, vector<1x16xf32>,
      %swap3A_83 = vector.shape_cast %swap3A_82 : vector<1x16xf32> to vector<16xf32>
      %swap3A_84 = vector.shape_cast %broadcast_in_dim3A_79 : vector<16xf32> to vector<1x16xf32>
      tpu.vector_store %arg8[%swap3A_80, %swap3A_81], %swap3A_84 {strides = array<i32>} : memref<80x128xf32, #tpu.memory_space<vmem>>, vector<1x16xf32>,
      %broadcast_in_dim3A_85 = arith.constant 0.000000e+00 : f32
      %broadcast_in_dim3A_86 = vector.broadcast %broadcast_in_dim3A_85 : f32 to vector<16xf32>
      %swap3A_87 = arith.index_cast %scan3A_58 : i32 to index
      %swap3A_88 = arith.constant 64 : index
      %swap3A_89 = tpu.vector_load %arg8[%swap3A_87, %swap3A_88] {strides = array<i32>} : memref<80x128xf32, #tpu.memory_space<vmem>>, vector<1x16xf32>,
      %swap3A_90 = vector.shape_cast %swap3A_89 : vector<1x16xf32> to vector<16xf32>
      %swap3A_91 = vector.shape_cast %broadcast_in_dim3A_86 : vector<16xf32> to vector<1x16xf32>
      tpu.vector_store %arg8[%swap3A_87, %swap3A_88], %swap3A_91 {strides = array<i32>} : memref<80x128xf32, #tpu.memory_space<vmem>>, vector<1x16xf32>,
      %broadcast_in_dim3A_92 = arith.constant 0.000000e+00 : f32
      %broadcast_in_dim3A_93 = vector.broadcast %broadcast_in_dim3A_92 : f32 to vector<16xf32>
      %swap3A_94 = arith.index_cast %scan3A_58 : i32 to index
      %swap3A_95 = arith.constant 80 : index
      %swap3A_96 = tpu.vector_load %arg8[%swap3A_94, %swap3A_95] {strides = array<i32>} : memref<80x128xf32, #tpu.memory_space<vmem>>, vector<1x16xf32>,
      %swap3A_97 = vector.shape_cast %swap3A_96 : vector<1x16xf32> to vector<16xf32>
      %swap3A_98 = vector.shape_cast %broadcast_in_dim3A_93 : vector<16xf32> to vector<1x16xf32>
      tpu.vector_store %arg8[%swap3A_94, %swap3A_95], %swap3A_98 {strides = array<i32>} : memref<80x128xf32, #tpu.memory_space<vmem>>, vector<1x16xf32>,
      %broadcast_in_dim3A_99 = arith.constant 0.000000e+00 : f32
      %broadcast_in_dim3A_100 = vector.broadcast %broadcast_in_dim3A_99 : f32 to vector<16xf32>
      %swap3A_101 = arith.index_cast %scan3A_58 : i32 to index
      %swap3A_102 = arith.constant 96 : index
      %swap3A_103 = tpu.vector_load %arg8[%swap3A_101, %swap3A_102] {strides = array<i32>} : memref<80x128xf32, #tpu.memory_space<vmem>>, vector<1x16xf32>,
      %swap3A_104 = vector.shape_cast %swap3A_103 : vector<1x16xf32> to vector<16xf32>
      %swap3A_105 = vector.shape_cast %broadcast_in_dim3A_100 : vector<16xf32> to vector<1x16xf32>
      tpu.vector_store %arg8[%swap3A_101, %swap3A_102], %swap3A_105 {strides = array<i32>} : memref<80x128xf32, #tpu.memory_space<vmem>>, vector<1x16xf32>,
      %broadcast_in_dim3A_106 = arith.constant 0.000000e+00 : f32
      %broadcast_in_dim3A_107 = vector.broadcast %broadcast_in_dim3A_106 : f32 to vector<16xf32>
      %swap3A_108 = arith.index_cast %scan3A_58 : i32 to index
      %swap3A_109 = arith.constant 112 : index
      %swap3A_110 = tpu.vector_load %arg8[%swap3A_108, %swap3A_109] {strides = array<i32>} : memref<80x128xf32, #tpu.memory_space<vmem>>, vector<1x16xf32>,
      %swap3A_111 = vector.shape_cast %swap3A_110 : vector<1x16xf32> to vector<16xf32>
      %swap3A_112 = vector.shape_cast %broadcast_in_dim3A_107 : vector<16xf32> to vector<1x16xf32>
      tpu.vector_store %arg8[%swap3A_108, %swap3A_109], %swap3A_112 {strides = array<i32>} : memref<80x128xf32, #tpu.memory_space<vmem>>, vector<1x16xf32>,
    }
    %scan3A_7 = arith.constant 80 : i32
    %add3A_8 = arith.constant 0 : i32
    %add3A_9 = arith.addi %mul3A_2, %add3A_8 : i32
    "tpu.region"() ({
      %run_scoped3A_58 = tpu.sem_alloc : memref<!tpu.dma_semaphore, #tpu.memory_space<semaphore_mem>>
      %dma_start3A_59 = arith.constant 0 : i32
      %dma_start3A_60 = tpu.memref_slice %arg10[%add3A_9, %dma_start3A_59] : memref<10000x128xf32, #tpu.memory_space<vmem_shared>> -> memref<80x128xf32, #tpu.memory_space<vmem_shared>>
      %dma_start3A_61 = arith.constant 0 : i32
      %dma_start3A_62 = tpu.memref_slice %arg10[%add3A_9, %dma_start3A_61] : memref<10000x128xf32, #tpu.memory_space<vmem_shared>> -> memref<80x128xf32, #tpu.memory_space<vmem_shared>>
      tpu.enqueue_dma source(%arg8 : memref<80x128xf32, #tpu.memory_space<vmem>>) target(%dma_start3A_62 : memref<80x128xf32, #tpu.memory_space<vmem_shared>>) target_semaphore(%run_scoped3A_58 : memref<!tpu.dma_semaphore, #tpu.memory_space<semaphore_mem>>)
      %dma_wait3A_63 = arith.constant 0 : i32
      %dma_wait3A_64 = tpu.memref_slice %arg10[%add3A_9, %dma_wait3A_63] : memref<10000x128xf32, #tpu.memory_space<vmem_shared>> -> memref<80x128xf32, #tpu.memory_space<vmem_shared>>
      %dma_wait3A_65 = arith.constant 0 : i32
      %dma_wait3A_66 = tpu.memref_slice %arg10[%add3A_9, %dma_wait3A_65] : memref<10000x128xf32, #tpu.memory_space<vmem_shared>> -> memref<80x128xf32, #tpu.memory_space<vmem_shared>>
      tpu.wait_dma2 semaphore(%run_scoped3A_58 : memref<!tpu.dma_semaphore, #tpu.memory_space<semaphore_mem>>) src(%arg8 : memref<80x128xf32, #tpu.memory_space<vmem>>) dst(%dma_wait3A_66 : memref<80x128xf32, #tpu.memory_space<vmem_shared>>)
      tpu.yield
    }) : () -> ()
    %add3A_10 = arith.constant 80 : i32
    %add3A_11 = arith.addi %mul3A_2, %add3A_10 : i32
    "tpu.region"() ({
      %run_scoped3A_58 = tpu.sem_alloc : memref<!tpu.dma_semaphore, #tpu.memory_space<semaphore_mem>>
      %dma_start3A_59 = arith.constant 0 : i32
      %dma_start3A_60 = tpu.memref_slice %arg10[%add3A_11, %dma_start3A_59] : memref<10000x128xf32, #tpu.memory_space<vmem_shared>> -> memref<80x128xf32, #tpu.memory_space<vmem_shared>>
      %dma_start3A_61 = arith.constant 0 : i32
      %dma_start3A_62 = tpu.memref_slice %arg10[%add3A_11, %dma_start3A_61] : memref<10000x128xf32, #tpu.memory_space<vmem_shared>> -> memref<80x128xf32, #tpu.memory_space<vmem_shared>>
      tpu.enqueue_dma source(%arg8 : memref<80x128xf32, #tpu.memory_space<vmem>>) target(%dma_start3A_62 : memref<80x128xf32, #tpu.memory_space<vmem_shared>>) target_semaphore(%run_scoped3A_58 : memref<!tpu.dma_semaphore, #tpu.memory_space<semaphore_mem>>)
      %dma_wait3A_63 = arith.constant 0 : i32
      %dma_wait3A_64 = tpu.memref_slice %arg10[%add3A_11, %dma_wait3A_63] : memref<10000x128xf32, #tpu.memory_space<vmem_shared>> -> memref<80x128xf32, #tpu.memory_space<vmem_shared>>
      %dma_wait3A_65 = arith.constant 0 : i32
      %dma_wait3A_66 = tpu.memref_slice %arg10[%add3A_11, %dma_wait3A_65] : memref<10000x128xf32, #tpu.memory_space<vmem_shared>> -> memref<80x128xf32, #tpu.memory_space<vmem_shared>>
      tpu.wait_dma2 semaphore(%run_scoped3A_58 : memref<!tpu.dma_semaphore, #tpu.memory_space<semaphore_mem>>) src(%arg8 : memref<80x128xf32, #tpu.memory_space<vmem>>) dst(%dma_wait3A_66 : memref<80x128xf32, #tpu.memory_space<vmem_shared>>)
      tpu.yield
    }) : () -> ()
    %add3A_12 = arith.constant 160 : i32
    %add3A_13 = arith.addi %mul3A_2, %add3A_12 : i32
    "tpu.region"() ({
      %run_scoped3A_58 = tpu.sem_alloc : memref<!tpu.dma_semaphore, #tpu.memory_space<semaphore_mem>>
      %dma_start3A_59 = arith.constant 0 : i32
      %dma_start3A_60 = tpu.memref_slice %arg10[%add3A_13, %dma_start3A_59] : memref<10000x128xf32, #tpu.memory_space<vmem_shared>> -> memref<80x128xf32, #tpu.memory_space<vmem_shared>>
      %dma_start3A_61 = arith.constant 0 : i32
      %dma_start3A_62 = tpu.memref_slice %arg10[%add3A_13, %dma_start3A_61] : memref<10000x128xf32, #tpu.memory_space<vmem_shared>> -> memref<80x128xf32, #tpu.memory_space<vmem_shared>>
      tpu.enqueue_dma source(%arg8 : memref<80x128xf32, #tpu.memory_space<vmem>>) target(%dma_start3A_62 : memref<80x128xf32, #tpu.memory_space<vmem_shared>>) target_semaphore(%run_scoped3A_58 : memref<!tpu.dma_semaphore, #tpu.memory_space<semaphore_mem>>)
      %dma_wait3A_63 = arith.constant 0 : i32
      %dma_wait3A_64 = tpu.memref_slice %arg10[%add3A_13, %dma_wait3A_63] : memref<10000x128xf32, #tpu.memory_space<vmem_shared>> -> memref<80x128xf32, #tpu.memory_space<vmem_shared>>
      %dma_wait3A_65 = arith.constant 0 : i32
      %dma_wait3A_66 = tpu.memref_slice %arg10[%add3A_13, %dma_wait3A_65] : memref<10000x128xf32, #tpu.memory_space<vmem_shared>> -> memref<80x128xf32, #tpu.memory_space<vmem_shared>>
      tpu.wait_dma2 semaphore(%run_scoped3A_58 : memref<!tpu.dma_semaphore, #tpu.memory_space<semaphore_mem>>) src(%arg8 : memref<80x128xf32, #tpu.memory_space<vmem>>) dst(%dma_wait3A_66 : memref<80x128xf32, #tpu.memory_space<vmem_shared>>)
      tpu.yield
    }) : () -> ()
    %add3A_14 = arith.constant 240 : i32
    %add3A_15 = arith.addi %mul3A_2, %add3A_14 : i32
    "tpu.region"() ({
      %run_scoped3A_58 = tpu.sem_alloc : memref<!tpu.dma_semaphore, #tpu.memory_space<semaphore_mem>>
      %dma_start3A_59 = arith.constant 0 : i32
      %dma_start3A_60 = tpu.memref_slice %arg10[%add3A_15, %dma_start3A_59] : memref<10000x128xf32, #tpu.memory_space<vmem_shared>> -> memref<80x128xf32, #tpu.memory_space<vmem_shared>>
      %dma_start3A_61 = arith.constant 0 : i32
      %dma_start3A_62 = tpu.memref_slice %arg10[%add3A_15, %dma_start3A_61] : memref<10000x128xf32, #tpu.memory_space<vmem_shared>> -> memref<80x128xf32, #tpu.memory_space<vmem_shared>>
      tpu.enqueue_dma source(%arg8 : memref<80x128xf32, #tpu.memory_space<vmem>>) target(%dma_start3A_62 : memref<80x128xf32, #tpu.memory_space<vmem_shared>>) target_semaphore(%run_scoped3A_58 : memref<!tpu.dma_semaphore, #tpu.memory_space<semaphore_mem>>)
      %dma_wait3A_63 = arith.constant 0 : i32
      %dma_wait3A_64 = tpu.memref_slice %arg10[%add3A_15, %dma_wait3A_63] : memref<10000x128xf32, #tpu.memory_space<vmem_shared>> -> memref<80x128xf32, #tpu.memory_space<vmem_shared>>
      %dma_wait3A_65 = arith.constant 0 : i32
      %dma_wait3A_66 = tpu.memref_slice %arg10[%add3A_15, %dma_wait3A_65] : memref<10000x128xf32, #tpu.memory_space<vmem_shared>> -> memref<80x128xf32, #tpu.memory_space<vmem_shared>>
      tpu.wait_dma2 semaphore(%run_scoped3A_58 : memref<!tpu.dma_semaphore, #tpu.memory_space<semaphore_mem>>) src(%arg8 : memref<80x128xf32, #tpu.memory_space<vmem>>) dst(%dma_wait3A_66 : memref<80x128xf32, #tpu.memory_space<vmem_shared>>)
      tpu.yield
    }) : () -> ()
    %add3A_16 = arith.constant 320 : i32
    %add3A_17 = arith.addi %mul3A_2, %add3A_16 : i32
    "tpu.region"() ({
      %run_scoped3A_58 = tpu.sem_alloc : memref<!tpu.dma_semaphore, #tpu.memory_space<semaphore_mem>>
      %dma_start3A_59 = arith.constant 0 : i32
      %dma_start3A_60 = tpu.memref_slice %arg10[%add3A_17, %dma_start3A_59] : memref<10000x128xf32, #tpu.memory_space<vmem_shared>> -> memref<80x128xf32, #tpu.memory_space<vmem_shared>>
      %dma_start3A_61 = arith.constant 0 : i32
      %dma_start3A_62 = tpu.memref_slice %arg10[%add3A_17, %dma_start3A_61] : memref<10000x128xf32, #tpu.memory_space<vmem_shared>> -> memref<80x128xf32, #tpu.memory_space<vmem_shared>>
      tpu.enqueue_dma source(%arg8 : memref<80x128xf32, #tpu.memory_space<vmem>>) target(%dma_start3A_62 : memref<80x128xf32, #tpu.memory_space<vmem_shared>>) target_semaphore(%run_scoped3A_58 : memref<!tpu.dma_semaphore, #tpu.memory_space<semaphore_mem>>)
      %dma_wait3A_63 = arith.constant 0 : i32
      %dma_wait3A_64 = tpu.memref_slice %arg10[%add3A_17, %dma_wait3A_63] : memref<10000x128xf32, #tpu.memory_space<vmem_shared>> -> memref<80x128xf32, #tpu.memory_space<vmem_shared>>
      %dma_wait3A_65 = arith.constant 0 : i32
      %dma_wait3A_66 = tpu.memref_slice %arg10[%add3A_17, %dma_wait3A_65] : memref<10000x128xf32, #tpu.memory_space<vmem_shared>> -> memref<80x128xf32, #tpu.memory_space<vmem_shared>>
      tpu.wait_dma2 semaphore(%run_scoped3A_58 : memref<!tpu.dma_semaphore, #tpu.memory_space<semaphore_mem>>) src(%arg8 : memref<80x128xf32, #tpu.memory_space<vmem>>) dst(%dma_wait3A_66 : memref<80x128xf32, #tpu.memory_space<vmem_shared>>)
      tpu.yield
    }) : () -> ()
    %add3A_18 = arith.constant 400 : i32
    %add3A_19 = arith.addi %mul3A_2, %add3A_18 : i32
    "tpu.region"() ({
      %run_scoped3A_58 = tpu.sem_alloc : memref<!tpu.dma_semaphore, #tpu.memory_space<semaphore_mem>>
      %dma_start3A_59 = arith.constant 0 : i32
      %dma_start3A_60 = tpu.memref_slice %arg10[%add3A_19, %dma_start3A_59] : memref<10000x128xf32, #tpu.memory_space<vmem_shared>> -> memref<80x128xf32, #tpu.memory_space<vmem_shared>>
      %dma_start3A_61 = arith.constant 0 : i32
      %dma_start3A_62 = tpu.memref_slice %arg10[%add3A_19, %dma_start3A_61] : memref<10000x128xf32, #tpu.memory_space<vmem_shared>> -> memref<80x128xf32, #tpu.memory_space<vmem_shared>>
      tpu.enqueue_dma source(%arg8 : memref<80x128xf32, #tpu.memory_space<vmem>>) target(%dma_start3A_62 : memref<80x128xf32, #tpu.memory_space<vmem_shared>>) target_semaphore(%run_scoped3A_58 : memref<!tpu.dma_semaphore, #tpu.memory_space<semaphore_mem>>)
      %dma_wait3A_63 = arith.constant 0 : i32
      %dma_wait3A_64 = tpu.memref_slice %arg10[%add3A_19, %dma_wait3A_63] : memref<10000x128xf32, #tpu.memory_space<vmem_shared>> -> memref<80x128xf32, #tpu.memory_space<vmem_shared>>
      %dma_wait3A_65 = arith.constant 0 : i32
      %dma_wait3A_66 = tpu.memref_slice %arg10[%add3A_19, %dma_wait3A_65] : memref<10000x128xf32, #tpu.memory_space<vmem_shared>> -> memref<80x128xf32, #tpu.memory_space<vmem_shared>>
      tpu.wait_dma2 semaphore(%run_scoped3A_58 : memref<!tpu.dma_semaphore, #tpu.memory_space<semaphore_mem>>) src(%arg8 : memref<80x128xf32, #tpu.memory_space<vmem>>) dst(%dma_wait3A_66 : memref<80x128xf32, #tpu.memory_space<vmem_shared>>)
      tpu.yield
    }) : () -> ()
    %add3A_20 = arith.constant 480 : i32
    %add3A_21 = arith.addi %mul3A_2, %add3A_20 : i32
    "tpu.region"() ({
      %run_scoped3A_58 = tpu.sem_alloc : memref<!tpu.dma_semaphore, #tpu.memory_space<semaphore_mem>>
      %dma_start3A_59 = arith.constant 0 : i32
      %dma_start3A_60 = tpu.memref_slice %arg10[%add3A_21, %dma_start3A_59] : memref<10000x128xf32, #tpu.memory_space<vmem_shared>> -> memref<80x128xf32, #tpu.memory_space<vmem_shared>>
      %dma_start3A_61 = arith.constant 0 : i32
      %dma_start3A_62 = tpu.memref_slice %arg10[%add3A_21, %dma_start3A_61] : memref<10000x128xf32, #tpu.memory_space<vmem_shared>> -> memref<80x128xf32, #tpu.memory_space<vmem_shared>>
      tpu.enqueue_dma source(%arg8 : memref<80x128xf32, #tpu.memory_space<vmem>>) target(%dma_start3A_62 : memref<80x128xf32, #tpu.memory_space<vmem_shared>>) target_semaphore(%run_scoped3A_58 : memref<!tpu.dma_semaphore, #tpu.memory_space<semaphore_mem>>)
      %dma_wait3A_63 = arith.constant 0 : i32
      %dma_wait3A_64 = tpu.memref_slice %arg10[%add3A_21, %dma_wait3A_63] : memref<10000x128xf32, #tpu.memory_space<vmem_shared>> -> memref<80x128xf32, #tpu.memory_space<vmem_shared>>
      %dma_wait3A_65 = arith.constant 0 : i32
      %dma_wait3A_66 = tpu.memref_slice %arg10[%add3A_21, %dma_wait3A_65] : memref<10000x128xf32, #tpu.memory_space<vmem_shared>> -> memref<80x128xf32, #tpu.memory_space<vmem_shared>>
      tpu.wait_dma2 semaphore(%run_scoped3A_58 : memref<!tpu.dma_semaphore, #tpu.memory_space<semaphore_mem>>) src(%arg8 : memref<80x128xf32, #tpu.memory_space<vmem>>) dst(%dma_wait3A_66 : memref<80x128xf32, #tpu.memory_space<vmem_shared>>)
      tpu.yield
    }) : () -> ()
    %add3A_22 = arith.constant 560 : i32
    %add3A_23 = arith.addi %mul3A_2, %add3A_22 : i32
    "tpu.region"() ({
      %run_scoped3A_58 = tpu.sem_alloc : memref<!tpu.dma_semaphore, #tpu.memory_space<semaphore_mem>>
      %dma_start3A_59 = arith.constant 0 : i32
      %dma_start3A_60 = arith.constant 0 : i32
      %dma_start3A_61 = tpu.memref_slice %arg8[%dma_start3A_59, %dma_start3A_60] : memref<80x128xf32, #tpu.memory_space<vmem>> -> memref<64x128xf32, #tpu.memory_space<vmem>>
      %dma_start3A_62 = arith.constant 0 : i32
      %dma_start3A_63 = tpu.memref_slice %arg10[%add3A_23, %dma_start3A_62] : memref<10000x128xf32, #tpu.memory_space<vmem_shared>> -> memref<64x128xf32, #tpu.memory_space<vmem_shared>>
      %dma_start3A_64 = arith.constant 0 : i32
      %dma_start3A_65 = tpu.memref_slice %arg10[%add3A_23, %dma_start3A_64] : memref<10000x128xf32, #tpu.memory_space<vmem_shared>> -> memref<64x128xf32, #tpu.memory_space<vmem_shared>>
      %dma_start3A_66 = arith.constant 0 : i32
      %dma_start3A_67 = arith.constant 0 : i32
      %dma_start3A_68 = tpu.memref_slice %arg8[%dma_start3A_66, %dma_start3A_67] : memref<80x128xf32, #tpu.memory_space<vmem>> -> memref<64x128xf32, #tpu.memory_space<vmem>>
      tpu.enqueue_dma source(%dma_start3A_68 : memref<64x128xf32, #tpu.memory_space<vmem>>) target(%dma_start3A_65 : memref<64x128xf32, #tpu.memory_space<vmem_shared>>) target_semaphore(%run_scoped3A_58 : memref<!tpu.dma_semaphore, #tpu.memory_space<semaphore_mem>>)
      %dma_wait3A_69 = arith.constant 0 : i32
      %dma_wait3A_70 = arith.constant 0 : i32
      %dma_wait3A_71 = tpu.memref_slice %arg8[%dma_wait3A_69, %dma_wait3A_70] : memref<80x128xf32, #tpu.memory_space<vmem>> -> memref<64x128xf32, #tpu.memory_space<vmem>>
      %dma_wait3A_72 = arith.constant 0 : i32
      %dma_wait3A_73 = tpu.memref_slice %arg10[%add3A_23, %dma_wait3A_72] : memref<10000x128xf32, #tpu.memory_space<vmem_shared>> -> memref<64x128xf32, #tpu.memory_space<vmem_shared>>
      %dma_wait3A_74 = arith.constant 0 : i32
      %dma_wait3A_75 = tpu.memref_slice %arg10[%add3A_23, %dma_wait3A_74] : memref<10000x128xf32, #tpu.memory_space<vmem_shared>> -> memref<64x128xf32, #tpu.memory_space<vmem_shared>>
      %dma_wait3A_76 = arith.constant 0 : i32
      %dma_wait3A_77 = arith.constant 0 : i32
      %dma_wait3A_78 = tpu.memref_slice %arg8[%dma_wait3A_76, %dma_wait3A_77] : memref<80x128xf32, #tpu.memory_space<vmem>> -> memref<64x128xf32, #tpu.memory_space<vmem>>
      tpu.wait_dma2 semaphore(%run_scoped3A_58 : memref<!tpu.dma_semaphore, #tpu.memory_space<semaphore_mem>>) src(%dma_wait3A_78 : memref<64x128xf32, #tpu.memory_space<vmem>>) dst(%dma_wait3A_75 : memref<64x128xf32, #tpu.memory_space<vmem_shared>>)
      tpu.yield
    }) : () -> ()
    %eq3A = arith.constant 0 : i32
    %eq3A_24 = arith.cmpi eq, %arg1, %eq3A : i32
    %convert_element_type3A = arith.extui %eq3A_24 : i1 to i32
    %cond3A = arith.constant 0 : i32
    %cond3A_25 = arith.cmpi ne, %convert_element_type3A, %cond3A : i32
    scf.if %cond3A_25 {
      "tpu.region"() ({
        %run_scoped3A_58 = tpu.sem_alloc : memref<!tpu.dma_semaphore, #tpu.memory_space<semaphore_mem>>
        %dma_start3A_59 = arith.constant 0 : i32
        %dma_start3A_60 = arith.constant 0 : i32
        %dma_start3A_61 = tpu.memref_slice %arg8[%dma_start3A_59, %dma_start3A_60] : memref<80x128xf32, #tpu.memory_space<vmem>> -> memref<16x128xf32, #tpu.memory_space<vmem>>
        %dma_start3A_62 = arith.constant 9984 : i32
        %dma_start3A_63 = arith.constant 0 : i32
        %dma_start3A_64 = tpu.memref_slice %arg10[%dma_start3A_62, %dma_start3A_63] : memref<10000x128xf32, #tpu.memory_space<vmem_shared>> -> memref<16x128xf32, #tpu.memory_space<vmem_shared>>
        %dma_start3A_65 = arith.constant 9984 : i32
        %dma_start3A_66 = arith.constant 0 : i32
        %dma_start3A_67 = tpu.memref_slice %arg10[%dma_start3A_65, %dma_start3A_66] : memref<10000x128xf32, #tpu.memory_space<vmem_shared>> -> memref<16x128xf32, #tpu.memory_space<vmem_shared>>
        %dma_start3A_68 = arith.constant 0 : i32
        %dma_start3A_69 = arith.constant 0 : i32
        %dma_start3A_70 = tpu.memref_slice %arg8[%dma_start3A_68, %dma_start3A_69] : memref<80x128xf32, #tpu.memory_space<vmem>> -> memref<16x128xf32, #tpu.memory_space<vmem>>
        tpu.enqueue_dma source(%dma_start3A_70 : memref<16x128xf32, #tpu.memory_space<vmem>>) target(%dma_start3A_67 : memref<16x128xf32, #tpu.memory_space<vmem_shared>>) target_semaphore(%run_scoped3A_58 : memref<!tpu.dma_semaphore, #tpu.memory_space<semaphore_mem>>)
        %dma_wait3A_71 = arith.constant 0 : i32
        %dma_wait3A_72 = arith.constant 0 : i32
        %dma_wait3A_73 = tpu.memref_slice %arg8[%dma_wait3A_71, %dma_wait3A_72] : memref<80x128xf32, #tpu.memory_space<vmem>> -> memref<16x128xf32, #tpu.memory_space<vmem>>
        %dma_wait3A_74 = arith.constant 9984 : i32
        %dma_wait3A_75 = arith.constant 0 : i32
        %dma_wait3A_76 = tpu.memref_slice %arg10[%dma_wait3A_74, %dma_wait3A_75] : memref<10000x128xf32, #tpu.memory_space<vmem_shared>> -> memref<16x128xf32, #tpu.memory_space<vmem_shared>>
        %dma_wait3A_77 = arith.constant 9984 : i32
        %dma_wait3A_78 = arith.constant 0 : i32
        %dma_wait3A_79 = tpu.memref_slice %arg10[%dma_wait3A_77, %dma_wait3A_78] : memref<10000x128xf32, #tpu.memory_space<vmem_shared>> -> memref<16x128xf32, #tpu.memory_space<vmem_shared>>
        %dma_wait3A_80 = arith.constant 0 : i32
        %dma_wait3A_81 = arith.constant 0 : i32
        %dma_wait3A_82 = tpu.memref_slice %arg8[%dma_wait3A_80, %dma_wait3A_81] : memref<80x128xf32, #tpu.memory_space<vmem>> -> memref<16x128xf32, #tpu.memory_space<vmem>>
        tpu.wait_dma2 semaphore(%run_scoped3A_58 : memref<!tpu.dma_semaphore, #tpu.memory_space<semaphore_mem>>) src(%dma_wait3A_82 : memref<16x128xf32, #tpu.memory_space<vmem>>) dst(%dma_wait3A_79 : memref<16x128xf32, #tpu.memory_space<vmem_shared>>)
        tpu.yield
      }) : () -> ()
    } else {
    }
    %mul3A_26 = arith.constant 10000 : i32
    %mul3A_27 = arith.muli %add3A, %mul3A_26 : i32
    "tpu.region"() ({
      %run_scoped3A_58 = tpu.sem_alloc : memref<!tpu.dma_semaphore, #tpu.memory_space<semaphore_mem>>
      %dma_start3A_59 = tpu.memref_slice %arg3[%mul3A_27] : memref<320000xi32, #tpu.memory_space<hbm>> -> memref<10000xi32, #tpu.memory_space<hbm>>
      %dma_start3A_60 = tpu.memref_slice %arg3[%mul3A_27] : memref<320000xi32, #tpu.memory_space<hbm>> -> memref<10000xi32, #tpu.memory_space<hbm>>
      tpu.enqueue_dma source(%dma_start3A_60 : memref<10000xi32, #tpu.memory_space<hbm>>) target(%arg6 : memref<10000xi32, #tpu.memory_space<vmem>>) target_semaphore(%run_scoped3A_58 : memref<!tpu.dma_semaphore, #tpu.memory_space<semaphore_mem>>)
      %dma_wait3A_61 = tpu.memref_slice %arg3[%mul3A_27] : memref<320000xi32, #tpu.memory_space<hbm>> -> memref<10000xi32, #tpu.memory_space<hbm>>
      %dma_wait3A_62 = tpu.memref_slice %arg3[%mul3A_27] : memref<320000xi32, #tpu.memory_space<hbm>> -> memref<10000xi32, #tpu.memory_space<hbm>>
      tpu.wait_dma2 semaphore(%run_scoped3A_58 : memref<!tpu.dma_semaphore, #tpu.memory_space<semaphore_mem>>) src(%dma_wait3A_62 : memref<10000xi32, #tpu.memory_space<hbm>>) dst(%arg6 : memref<10000xi32, #tpu.memory_space<vmem>>)
      tpu.yield
    }) : () -> ()
    "tpu.region"() ({
      %run_scoped3A_58 = tpu.sem_alloc : memref<!tpu.dma_semaphore, #tpu.memory_space<semaphore_mem>>
      %dma_start3A_59 = arith.constant 0 : i32
      %dma_start3A_60 = arith.constant 0 : i32
      %dma_start3A_61 = tpu.memref_slice %arg4[%add3A, %dma_start3A_59, %dma_start3A_60] : memref<32x125x80xi32, #tpu.memory_space<hbm>> -> memref<1x125x80xi32, #tpu.memory_space<hbm>>
      %dma_start3A_62 = tpu.memref_squeeze %dma_start3A_61 : memref<1x125x80xi32, #tpu.memory_space<hbm>> -> memref<125x80xi32, #tpu.memory_space<hbm>>
      %dma_start3A_63 = arith.constant 0 : i32
      %dma_start3A_64 = arith.constant 0 : i32
      %dma_start3A_65 = tpu.memref_slice %arg4[%add3A, %dma_start3A_63, %dma_start3A_64] : memref<32x125x80xi32, #tpu.memory_space<hbm>> -> memref<1x125x80xi32, #tpu.memory_space<hbm>>
      %dma_start3A_66 = tpu.memref_squeeze %dma_start3A_65 : memref<1x125x80xi32, #tpu.memory_space<hbm>> -> memref<125x80xi32, #tpu.memory_space<hbm>>
      tpu.enqueue_dma source(%dma_start3A_66 : memref<125x80xi32, #tpu.memory_space<hbm>>) target(%arg7 : memref<125x80xi32, #tpu.memory_space<vmem>>) target_semaphore(%run_scoped3A_58 : memref<!tpu.dma_semaphore, #tpu.memory_space<semaphore_mem>>)
      %dma_wait3A_67 = arith.constant 0 : i32
      %dma_wait3A_68 = arith.constant 0 : i32
      %dma_wait3A_69 = tpu.memref_slice %arg4[%add3A, %dma_wait3A_67, %dma_wait3A_68] : memref<32x125x80xi32, #tpu.memory_space<hbm>> -> memref<1x125x80xi32, #tpu.memory_space<hbm>>
      %dma_wait3A_70 = tpu.memref_squeeze %dma_wait3A_69 : memref<1x125x80xi32, #tpu.memory_space<hbm>> -> memref<125x80xi32, #tpu.memory_space<hbm>>
      %dma_wait3A_71 = arith.constant 0 : i32
      %dma_wait3A_72 = arith.constant 0 : i32
      %dma_wait3A_73 = tpu.memref_slice %arg4[%add3A, %dma_wait3A_71, %dma_wait3A_72] : memref<32x125x80xi32, #tpu.memory_space<hbm>> -> memref<1x125x80xi32, #tpu.memory_space<hbm>>
      %dma_wait3A_74 = tpu.memref_squeeze %dma_wait3A_73 : memref<1x125x80xi32, #tpu.memory_space<hbm>> -> memref<125x80xi32, #tpu.memory_space<hbm>>
      tpu.wait_dma2 semaphore(%run_scoped3A_58 : memref<!tpu.dma_semaphore, #tpu.memory_space<semaphore_mem>>) src(%dma_wait3A_74 : memref<125x80xi32, #tpu.memory_space<hbm>>) dst(%arg7 : memref<125x80xi32, #tpu.memory_space<vmem>>)
      tpu.yield
    }) : () -> ()
    %barrier3A = arith.constant 0 : index
    tpu.barrier barrier_id(%barrier3A)
    %multiple_of3A = arith.constant 0 : i32
    %multiple_of3A_28 = tpu.assume_multiple %multiple_of3A, 80 : i32
    %dma_start3A = tpu.memref_slice %arg6[%multiple_of3A_28] : memref<10000xi32, #tpu.memory_space<vmem>> -> memref<80xi32, #tpu.memory_space<vmem>>
    %dma_start3A_29 = arith.constant 0 : i32
    %dma_start3A_30 = arith.constant 0 : i32
    %dma_start3A_31 = tpu.memref_slice %arg2[%dma_start3A_29, %dma_start3A_30] : memref<10000x128xf32, #tpu.memory_space<hbm>> -> memref<10000x128xf32, #tpu.memory_space<hbm>>
    tpu.enqueue_indirect_dma source(%dma_start3A_31 : memref<10000x128xf32, #tpu.memory_space<hbm>>) target(%arg8 : memref<80x128xf32, #tpu.memory_space<vmem>>) offsets(%dma_start3A : memref<80xi32, #tpu.memory_space<vmem>>) semaphore(%arg11 : memref<!tpu.dma_semaphore, #tpu.memory_space<semaphore_mem>>)
    %multiple_of3A_32 = arith.constant 80 : i32
    %multiple_of3A_33 = tpu.assume_multiple %multiple_of3A_32, 80 : i32
    %dma_start3A_34 = tpu.memref_slice %arg6[%multiple_of3A_33] : memref<10000xi32, #tpu.memory_space<vmem>> -> memref<80xi32, #tpu.memory_space<vmem>>
    %dma_start3A_35 = arith.constant 0 : i32
    %dma_start3A_36 = arith.constant 0 : i32
    %dma_start3A_37 = tpu.memref_slice %arg2[%dma_start3A_35, %dma_start3A_36] : memref<10000x128xf32, #tpu.memory_space<hbm>> -> memref<10000x128xf32, #tpu.memory_space<hbm>>
    tpu.enqueue_indirect_dma source(%dma_start3A_37 : memref<10000x128xf32, #tpu.memory_space<hbm>>) target(%arg9 : memref<80x128xf32, #tpu.memory_space<vmem>>) offsets(%dma_start3A_34 : memref<80xi32, #tpu.memory_space<vmem>>) semaphore(%arg12 : memref<!tpu.dma_semaphore, #tpu.memory_space<semaphore_mem>>)
    %scan3A_38 = arith.constant 0 : i32
    %scan3A_39 = arith.constant 0 : i32
    %scan3A_40 = arith.constant 62 : i32
    %scan3A_41 = arith.addi %scan3A_39, %scan3A_40 : i32
    %scan3A_42 = arith.constant 1 : i32
    scf.for %scan3A_58 = %scan3A_39 to %scan3A_41 step %scan3A_42  : i32 {
      %mul3A_59 = arith.constant 2 : i32
      %mul3A_60 = arith.muli %mul3A_59, %scan3A_58 : i32
      %mul3A_61 = arith.constant 80 : i32
      %mul3A_62 = arith.muli %mul3A_60, %mul3A_61 : i32
      %multiple_of3A_63 = tpu.assume_multiple %mul3A_62, 80 : i32
      %dma_wait3A_64 = tpu.memref_slice %arg6[%multiple_of3A_63] : memref<10000xi32, #tpu.memory_space<vmem>> -> memref<80xi32, #tpu.memory_space<vmem>>
      %dma_wait3A_65 = arith.constant 0 : i32
      %dma_wait3A_66 = arith.constant 0 : i32
      %dma_wait3A_67 = tpu.memref_slice %arg2[%dma_wait3A_65, %dma_wait3A_66] : memref<10000x128xf32, #tpu.memory_space<hbm>> -> memref<10000x128xf32, #tpu.memory_space<hbm>>
      tpu.wait_indirect_dma semaphore(%arg11 : memref<!tpu.dma_semaphore, #tpu.memory_space<semaphore_mem>>) src(%dma_wait3A_67 : memref<10000x128xf32, #tpu.memory_space<hbm>>) dst(%arg8 : memref<80x128xf32, #tpu.memory_space<vmem>>)
      %dma_start3A_68 = arith.constant 0 : i32
      %dma_start3A_69 = tpu.memref_slice %arg7[%mul3A_60, %dma_start3A_68] : memref<125x80xi32, #tpu.memory_space<vmem>> -> memref<1x80xi32, #tpu.memory_space<vmem>>
      %dma_start3A_70 = tpu.memref_squeeze %dma_start3A_69 : memref<1x80xi32, #tpu.memory_space<vmem>> -> memref<80xi32, #tpu.memory_space<vmem>>
      %dma_start3A_71 = arith.constant 0 : i32
      %dma_start3A_72 = arith.constant 0 : i32
      %dma_start3A_73 = tpu.memref_slice %arg10[%dma_start3A_71, %dma_start3A_72] : memref<10000x128xf32, #tpu.memory_space<vmem_shared>> -> memref<10000x128xf32, #tpu.memory_space<vmem_shared>>
      tpu.enqueue_indirect_dma source(%arg8 : memref<80x128xf32, #tpu.memory_space<vmem>>) target(%dma_start3A_73 : memref<10000x128xf32, #tpu.memory_space<vmem_shared>>) offsets(%dma_start3A_70 : memref<80xi32, #tpu.memory_space<vmem>>) semaphore(%arg13 : memref<!tpu.dma_semaphore, #tpu.memory_space<semaphore_mem>>) {add = true}
      %add3A_74 = arith.constant 1 : i32
      %add3A_75 = arith.addi %mul3A_60, %add3A_74 : i32
      %mul3A_76 = arith.constant 80 : i32
      %mul3A_77 = arith.muli %add3A_75, %mul3A_76 : i32
      %multiple_of3A_78 = tpu.assume_multiple %mul3A_77, 80 : i32
      %dma_wait3A_79 = tpu.memref_slice %arg6[%multiple_of3A_78] : memref<10000xi32, #tpu.memory_space<vmem>> -> memref<80xi32, #tpu.memory_space<vmem>>
      %dma_wait3A_80 = arith.constant 0 : i32
      %dma_wait3A_81 = arith.constant 0 : i32
      %dma_wait3A_82 = tpu.memref_slice %arg2[%dma_wait3A_80, %dma_wait3A_81] : memref<10000x128xf32, #tpu.memory_space<hbm>> -> memref<10000x128xf32, #tpu.memory_space<hbm>>
      tpu.wait_indirect_dma semaphore(%arg12 : memref<!tpu.dma_semaphore, #tpu.memory_space<semaphore_mem>>) src(%dma_wait3A_82 : memref<10000x128xf32, #tpu.memory_space<hbm>>) dst(%arg9 : memref<80x128xf32, #tpu.memory_space<vmem>>)
      %add3A_83 = arith.constant 1 : i32
      %add3A_84 = arith.addi %mul3A_60, %add3A_83 : i32
      %dma_start3A_85 = arith.constant 0 : i32
      %dma_start3A_86 = tpu.memref_slice %arg7[%add3A_84, %dma_start3A_85] : memref<125x80xi32, #tpu.memory_space<vmem>> -> memref<1x80xi32, #tpu.memory_space<vmem>>
      %dma_start3A_87 = tpu.memref_squeeze %dma_start3A_86 : memref<1x80xi32, #tpu.memory_space<vmem>> -> memref<80xi32, #tpu.memory_space<vmem>>
      %dma_start3A_88 = arith.constant 0 : i32
      %dma_start3A_89 = arith.constant 0 : i32
      %dma_start3A_90 = tpu.memref_slice %arg10[%dma_start3A_88, %dma_start3A_89] : memref<10000x128xf32, #tpu.memory_space<vmem_shared>> -> memref<10000x128xf32, #tpu.memory_space<vmem_shared>>
      tpu.enqueue_indirect_dma source(%arg9 : memref<80x128xf32, #tpu.memory_space<vmem>>) target(%dma_start3A_90 : memref<10000x128xf32, #tpu.memory_space<vmem_shared>>) offsets(%dma_start3A_87 : memref<80xi32, #tpu.memory_space<vmem>>) semaphore(%arg14 : memref<!tpu.dma_semaphore, #tpu.memory_space<semaphore_mem>>) {add = true}
      %dma_wait3A_91 = arith.constant 0 : i32
      %dma_wait3A_92 = tpu.memref_slice %arg7[%mul3A_60, %dma_wait3A_91] : memref<125x80xi32, #tpu.memory_space<vmem>> -> memref<1x80xi32, #tpu.memory_space<vmem>>
      %dma_wait3A_93 = tpu.memref_squeeze %dma_wait3A_92 : memref<1x80xi32, #tpu.memory_space<vmem>> -> memref<80xi32, #tpu.memory_space<vmem>>
      %dma_wait3A_94 = arith.constant 0 : i32
      %dma_wait3A_95 = arith.constant 0 : i32
      %dma_wait3A_96 = tpu.memref_slice %arg10[%dma_wait3A_94, %dma_wait3A_95] : memref<10000x128xf32, #tpu.memory_space<vmem_shared>> -> memref<10000x128xf32, #tpu.memory_space<vmem_shared>>
      tpu.wait_indirect_dma semaphore(%arg13 : memref<!tpu.dma_semaphore, #tpu.memory_space<semaphore_mem>>) src(%arg8 : memref<80x128xf32, #tpu.memory_space<vmem>>) dst(%dma_wait3A_96 : memref<10000x128xf32, #tpu.memory_space<vmem_shared>>)
      %add3A_97 = arith.constant 2 : i32
      %add3A_98 = arith.addi %mul3A_60, %add3A_97 : i32
      %mul3A_99 = arith.constant 80 : i32
      %mul3A_100 = arith.muli %add3A_98, %mul3A_99 : i32
      %multiple_of3A_101 = tpu.assume_multiple %mul3A_100, 80 : i32
      %dma_start3A_102 = tpu.memref_slice %arg6[%multiple_of3A_101] : memref<10000xi32, #tpu.memory_space<vmem>> -> memref<80xi32, #tpu.memory_space<vmem>>
      %dma_start3A_103 = arith.constant 0 : i32
      %dma_start3A_104 = arith.constant 0 : i32
      %dma_start3A_105 = tpu.memref_slice %arg2[%dma_start3A_103, %dma_start3A_104] : memref<10000x128xf32, #tpu.memory_space<hbm>> -> memref<10000x128xf32, #tpu.memory_space<hbm>>
      tpu.enqueue_indirect_dma source(%dma_start3A_105 : memref<10000x128xf32, #tpu.memory_space<hbm>>) target(%arg8 : memref<80x128xf32, #tpu.memory_space<vmem>>) offsets(%dma_start3A_102 : memref<80xi32, #tpu.memory_space<vmem>>) semaphore(%arg11 : memref<!tpu.dma_semaphore, #tpu.memory_space<semaphore_mem>>)
      %add3A_106 = arith.constant 1 : i32
      %add3A_107 = arith.addi %mul3A_60, %add3A_106 : i32
      %dma_wait3A_108 = arith.constant 0 : i32
      %dma_wait3A_109 = tpu.memref_slice %arg7[%add3A_107, %dma_wait3A_108] : memref<125x80xi32, #tpu.memory_space<vmem>> -> memref<1x80xi32, #tpu.memory_space<vmem>>
      %dma_wait3A_110 = tpu.memref_squeeze %dma_wait3A_109 : memref<1x80xi32, #tpu.memory_space<vmem>> -> memref<80xi32, #tpu.memory_space<vmem>>
      %dma_wait3A_111 = arith.constant 0 : i32
      %dma_wait3A_112 = arith.constant 0 : i32
      %dma_wait3A_113 = tpu.memref_slice %arg10[%dma_wait3A_111, %dma_wait3A_112] : memref<10000x128xf32, #tpu.memory_space<vmem_shared>> -> memref<10000x128xf32, #tpu.memory_space<vmem_shared>>
      tpu.wait_indirect_dma semaphore(%arg14 : memref<!tpu.dma_semaphore, #tpu.memory_space<semaphore_mem>>) src(%arg9 : memref<80x128xf32, #tpu.memory_space<vmem>>) dst(%dma_wait3A_113 : memref<10000x128xf32, #tpu.memory_space<vmem_shared>>)
      %mul3A_114 = arith.constant 2 : i32
      %mul3A_115 = arith.muli %mul3A_114, %scan3A_58 : i32
      %add3A_116 = arith.constant 3 : i32
      %add3A_117 = arith.addi %mul3A_115, %add3A_116 : i32
      %lt3A = arith.constant 125 : i32
      %lt3A_118 = arith.cmpi slt, %add3A_117, %lt3A : i32
      %convert_element_type3A_119 = arith.extui %lt3A_118 : i1 to i32
      %cond3A_120 = arith.constant 0 : i32
      %cond3A_121 = arith.cmpi ne, %convert_element_type3A_119, %cond3A_120 : i32
      scf.if %cond3A_121 {
        %add3A_122 = arith.constant 3 : i32
        %add3A_123 = arith.addi %mul3A_60, %add3A_122 : i32
        %mul3A_124 = arith.constant 80 : i32
        %mul3A_125 = arith.muli %add3A_123, %mul3A_124 : i32
        %multiple_of3A_126 = tpu.assume_multiple %mul3A_125, 80 : i32
        %dma_start3A_127 = tpu.memref_slice %arg6[%multiple_of3A_126] : memref<10000xi32, #tpu.memory_space<vmem>> -> memref<80xi32, #tpu.memory_space<vmem>>
        %dma_start3A_128 = arith.constant 0 : i32
        %dma_start3A_129 = arith.constant 0 : i32
        %dma_start3A_130 = tpu.memref_slice %arg2[%dma_start3A_128, %dma_start3A_129] : memref<10000x128xf32, #tpu.memory_space<hbm>> -> memref<10000x128xf32, #tpu.memory_space<hbm>>
        tpu.enqueue_indirect_dma source(%dma_start3A_130 : memref<10000x128xf32, #tpu.memory_space<hbm>>) target(%arg9 : memref<80x128xf32, #tpu.memory_space<vmem>>) offsets(%dma_start3A_127 : memref<80xi32, #tpu.memory_space<vmem>>) semaphore(%arg12 : memref<!tpu.dma_semaphore, #tpu.memory_space<semaphore_mem>>)
      } else {
      }
    }
    %scan3A_43 = arith.constant 62 : i32
    %multiple_of3A_44 = arith.constant 9920 : i32
    %multiple_of3A_45 = tpu.assume_multiple %multiple_of3A_44, 80 : i32
    %dma_wait3A = tpu.memref_slice %arg6[%multiple_of3A_45] : memref<10000xi32, #tpu.memory_space<vmem>> -> memref<80xi32, #tpu.memory_space<vmem>>
    %dma_wait3A_46 = arith.constant 0 : i32
    %dma_wait3A_47 = arith.constant 0 : i32
    %dma_wait3A_48 = tpu.memref_slice %arg2[%dma_wait3A_46, %dma_wait3A_47] : memref<10000x128xf32, #tpu.memory_space<hbm>> -> memref<10000x128xf32, #tpu.memory_space<hbm>>
    tpu.wait_indirect_dma semaphore(%arg11 : memref<!tpu.dma_semaphore, #tpu.memory_space<semaphore_mem>>) src(%dma_wait3A_48 : memref<10000x128xf32, #tpu.memory_space<hbm>>) dst(%arg8 : memref<80x128xf32, #tpu.memory_space<vmem>>)
    %run_scoped3A = arith.constant 124 : i32
    "tpu.region"() ({
      %run_scoped3A_58 = tpu.sem_alloc : memref<!tpu.dma_semaphore, #tpu.memory_space<semaphore_mem>>
      %dma_start3A_59 = arith.constant 0 : i32
      %dma_start3A_60 = tpu.memref_slice %arg7[%run_scoped3A, %dma_start3A_59] : memref<125x80xi32, #tpu.memory_space<vmem>> -> memref<1x80xi32, #tpu.memory_space<vmem>>
      %dma_start3A_61 = tpu.memref_squeeze %dma_start3A_60 : memref<1x80xi32, #tpu.memory_space<vmem>> -> memref<80xi32, #tpu.memory_space<vmem>>
      %dma_start3A_62 = arith.constant 0 : i32
      %dma_start3A_63 = arith.constant 0 : i32
      %dma_start3A_64 = tpu.memref_slice %arg10[%dma_start3A_62, %dma_start3A_63] : memref<10000x128xf32, #tpu.memory_space<vmem_shared>> -> memref<10000x128xf32, #tpu.memory_space<vmem_shared>>
      tpu.enqueue_indirect_dma source(%arg8 : memref<80x128xf32, #tpu.memory_space<vmem>>) target(%dma_start3A_64 : memref<10000x128xf32, #tpu.memory_space<vmem_shared>>) offsets(%dma_start3A_61 : memref<80xi32, #tpu.memory_space<vmem>>) semaphore(%run_scoped3A_58 : memref<!tpu.dma_semaphore, #tpu.memory_space<semaphore_mem>>) {add = true}
      %dma_wait3A_65 = arith.constant 0 : i32
      %dma_wait3A_66 = tpu.memref_slice %arg7[%run_scoped3A, %dma_wait3A_65] : memref<125x80xi32, #tpu.memory_space<vmem>> -> memref<1x80xi32, #tpu.memory_space<vmem>>
      %dma_wait3A_67 = tpu.memref_squeeze %dma_wait3A_66 : memref<1x80xi32, #tpu.memory_space<vmem>> -> memref<80xi32, #tpu.memory_space<vmem>>
      %dma_wait3A_68 = arith.constant 0 : i32
      %dma_wait3A_69 = arith.constant 0 : i32
      %dma_wait3A_70 = tpu.memref_slice %arg10[%dma_wait3A_68, %dma_wait3A_69] : memref<10000x128xf32, #tpu.memory_space<vmem_shared>> -> memref<10000x128xf32, #tpu.memory_space<vmem_shared>>
      tpu.wait_indirect_dma semaphore(%run_scoped3A_58 : memref<!tpu.dma_semaphore, #tpu.memory_space<semaphore_mem>>) src(%arg8 : memref<80x128xf32, #tpu.memory_space<vmem>>) dst(%dma_wait3A_70 : memref<10000x128xf32, #tpu.memory_space<vmem_shared>>)
      tpu.yield
    }) : () -> ()
    %barrier3A_49 = arith.constant 0 : index
    tpu.barrier barrier_id(%barrier3A_49)
    %mul3A_50 = arith.constant 10000 : i32
    %mul3A_51 = arith.muli %arg0, %mul3A_50 : i32
    %add3A_52 = arith.addi %mul3A_51, %mul3A_2 : i32
    "tpu.region"() ({
      %run_scoped3A_58 = tpu.sem_alloc : memref<!tpu.dma_semaphore, #tpu.memory_space<semaphore_mem>>
      %dma_start3A_59 = arith.constant 0 : i32
      %dma_start3A_60 = tpu.memref_slice %arg5[%add3A_52, %dma_start3A_59] : memref<20000x128xf32, #tpu.memory_space<hbm>> -> memref<624x128xf32, #tpu.memory_space<hbm>>
      %dma_start3A_61 = arith.constant 0 : i32
      %dma_start3A_62 = tpu.memref_slice %arg10[%mul3A_2, %dma_start3A_61] : memref<10000x128xf32, #tpu.memory_space<vmem_shared>> -> memref<624x128xf32, #tpu.memory_space<vmem_shared>>
      tpu.enqueue_dma source(%dma_start3A_62 : memref<624x128xf32, #tpu.memory_space<vmem_shared>>) target(%dma_start3A_60 : memref<624x128xf32, #tpu.memory_space<hbm>>) target_semaphore(%run_scoped3A_58 : memref<!tpu.dma_semaphore, #tpu.memory_space<semaphore_mem>>)
      %dma_wait3A_63 = arith.constant 0 : i32
      %dma_wait3A_64 = tpu.memref_slice %arg5[%add3A_52, %dma_wait3A_63] : memref<20000x128xf32, #tpu.memory_space<hbm>> -> memref<624x128xf32, #tpu.memory_space<hbm>>
      %dma_wait3A_65 = arith.constant 0 : i32
      %dma_wait3A_66 = tpu.memref_slice %arg10[%mul3A_2, %dma_wait3A_65] : memref<10000x128xf32, #tpu.memory_space<vmem_shared>> -> memref<624x128xf32, #tpu.memory_space<vmem_shared>>
      tpu.wait_dma2 semaphore(%run_scoped3A_58 : memref<!tpu.dma_semaphore, #tpu.memory_space<semaphore_mem>>) src(%dma_wait3A_66 : memref<624x128xf32, #tpu.memory_space<vmem_shared>>) dst(%dma_wait3A_64 : memref<624x128xf32, #tpu.memory_space<hbm>>)
      tpu.yield
    }) : () -> ()
    %eq3A_53 = arith.constant 0 : i32
    %eq3A_54 = arith.cmpi eq, %arg1, %eq3A_53 : i32
    %convert_element_type3A_55 = arith.extui %eq3A_54 : i1 to i32
    %cond3A_56 = arith.constant 0 : i32
    %cond3A_57 = arith.cmpi ne, %convert_element_type3A_55, %cond3A_56 : i32
    scf.if %cond3A_57 {
      %mul3A_58 = arith.constant 10000 : i32
      %mul3A_59 = arith.muli %arg0, %mul3A_58 : i32
      %add3A_60 = arith.constant 9984 : i32
      %add3A_61 = arith.addi %mul3A_59, %add3A_60 : i32
      "tpu.region"() ({
        %run_scoped3A_62 = tpu.sem_alloc : memref<!tpu.dma_semaphore, #tpu.memory_space<semaphore_mem>>
        %dma_start3A_63 = arith.constant 0 : i32
        %dma_start3A_64 = tpu.memref_slice %arg5[%add3A_61, %dma_start3A_63] : memref<20000x128xf32, #tpu.memory_space<hbm>> -> memref<16x128xf32, #tpu.memory_space<hbm>>
        %dma_start3A_65 = arith.constant 9984 : i32
        %dma_start3A_66 = arith.constant 0 : i32
        %dma_start3A_67 = tpu.memref_slice %arg10[%dma_start3A_65, %dma_start3A_66] : memref<10000x128xf32, #tpu.memory_space<vmem_shared>> -> memref<16x128xf32, #tpu.memory_space<vmem_shared>>
        tpu.enqueue_dma source(%dma_start3A_67 : memref<16x128xf32, #tpu.memory_space<vmem_shared>>) target(%dma_start3A_64 : memref<16x128xf32, #tpu.memory_space<hbm>>) target_semaphore(%run_scoped3A_62 : memref<!tpu.dma_semaphore, #tpu.memory_space<semaphore_mem>>)
        %dma_wait3A_68 = arith.constant 0 : i32
        %dma_wait3A_69 = tpu.memref_slice %arg5[%add3A_61, %dma_wait3A_68] : memref<20000x128xf32, #tpu.memory_space<hbm>> -> memref<16x128xf32, #tpu.memory_space<hbm>>
        %dma_wait3A_70 = arith.constant 9984 : i32
        %dma_wait3A_71 = arith.constant 0 : i32
        %dma_wait3A_72 = tpu.memref_slice %arg10[%dma_wait3A_70, %dma_wait3A_71] : memref<10000x128xf32, #tpu.memory_space<vmem_shared>> -> memref<16x128xf32, #tpu.memory_space<vmem_shared>>
        tpu.wait_dma2 semaphore(%run_scoped3A_62 : memref<!tpu.dma_semaphore, #tpu.memory_space<semaphore_mem>>) src(%dma_wait3A_72 : memref<16x128xf32, #tpu.memory_space<vmem_shared>>) dst(%dma_wait3A_69 : memref<16x128xf32, #tpu.memory_space<hbm>>)
        tpu.yield
      }) : () -> ()
    } else {
    }
    return
  }
}

module attributes {stable_mosaic.version = 14 : i64} {
  func.func @_encp0_body(%arg0: i32, %arg1: memref<400x64xf32, #tpu.memory_space<vmem>>, %arg2: memref<1x128xf32, #tpu.memory_space<vmem>>, %arg3: memref<128x128xf32, #tpu.memory_space<vmem>>, %arg4: memref<128x128xf32, #tpu.memory_space<vmem>>, %arg5: memref<1x128xf32, #tpu.memory_space<vmem>>, %arg6: memref<400x128xf32, #tpu.memory_space<vmem>>, %arg7: memref<400x128xf32, #tpu.memory_space<vmem>>, %arg8: memref<128x128xf32, #tpu.memory_space<vmem>>, %arg9: memref<400x128xf32, #tpu.memory_space<vmem>>, %arg10: memref<400x128xf32, #tpu.memory_space<vmem>>) attributes {dimension_semantics = [#tpu.dimension_semantics<arbitrary>], iteration_bounds = array<i64: 25>, scalar_prefetch = 0 : i64, scratch_operands = 0 : i64, tpu.core_type = #tpu.core_type<tc>, window_params = [{transform_indices = @transform_0, window_bounds = array<i64: 400, 64>}, {pipeline_mode = #tpu.pipeline_mode<synchronous>, transform_indices = @transform_1, window_bounds = array<i64: 1, 128>}, {pipeline_mode = #tpu.pipeline_mode<synchronous>, transform_indices = @transform_2, window_bounds = array<i64: 128, 128>}, {pipeline_mode = #tpu.pipeline_mode<synchronous>, transform_indices = @transform_3, window_bounds = array<i64: 128, 128>}, {pipeline_mode = #tpu.pipeline_mode<synchronous>, transform_indices = @transform_4, window_bounds = array<i64: 1, 128>}, {transform_indices = @transform_5, window_bounds = array<i64: 400, 128>}, {transform_indices = @transform_6, window_bounds = array<i64: 400, 128>}, {pipeline_mode = #tpu.pipeline_mode<synchronous>, transform_indices = @transform_7, window_bounds = array<i64: 128, 128>}, {transform_indices = @transform_8, window_bounds = array<i64: 400, 128>}, {transform_indices = @transform_9, window_bounds = array<i64: 400, 128>}]} {
    %get3A = arith.constant 0 : index
    %get3A_0 = arith.constant 0 : index
    %get3A_1 = vector.load %arg1[%get3A, %get3A_0] : memref<400x64xf32, #tpu.memory_space<vmem>>, vector<400x64xf32>
    %get3A_2 = arith.constant 0 : index
    %get3A_3 = arith.constant 0 : index
    %get3A_4 = vector.load %arg2[%get3A_2, %get3A_3] : memref<1x128xf32, #tpu.memory_space<vmem>>, vector<1x128xf32>
    %max3A = arith.constant 0.000000e+00 : f32
    %max3A_5 = vector.broadcast %max3A : f32 to vector<1x128xf32>
    %max3A_6 = arith.maximumf %get3A_4, %max3A_5 : vector<1x128xf32>
    %min3A = arith.constant 0.000000e+00 : f32
    %min3A_7 = vector.broadcast %min3A : f32 to vector<1x128xf32>
    %min3A_8 = arith.minimumf %get3A_4, %min3A_7 : vector<1x128xf32>
    %get3A_9 = arith.constant 0 : index
    %get3A_10 = arith.constant 0 : index
    %get3A_11 = vector.load %arg3[%get3A_9, %get3A_10] : memref<128x128xf32, #tpu.memory_space<vmem>>, vector<128x128xf32>
    %dot_general3A = arith.constant dense<0.000000e+00> : vector<1x128xf32>
    %dot_general3A_12 = tpu.matmul %max3A_6, %get3A_11, %dot_general3A {dimension_numbers = #tpu.dot_dimension_numbers<[1], [0], [0], [1], [0, 0, 1, 1], [], []>, transpose_lhs_hint = false} : vector<1x128xf32>, vector<128x128xf32>, vector<1x128xf32> -> vector<1x128xf32>
    %get3A_13 = arith.constant 0 : index
    %get3A_14 = arith.constant 0 : index
    %get3A_15 = vector.load %arg3[%get3A_13, %get3A_14] : memref<128x128xf32, #tpu.memory_space<vmem>>, vector<128x128xf32>
    %dot_general3A_16 = arith.constant dense<0.000000e+00> : vector<1x128xf32>
    %dot_general3A_17 = tpu.matmul %min3A_8, %get3A_15, %dot_general3A_16 {dimension_numbers = #tpu.dot_dimension_numbers<[1], [0], [0], [1], [0, 0, 1, 1], [], []>, transpose_lhs_hint = false} : vector<1x128xf32>, vector<128x128xf32>, vector<1x128xf32> -> vector<1x128xf32>
    %max3A_18 = arith.constant 0.000000e+00 : f32
    %max3A_19 = vector.broadcast %max3A_18 : f32 to vector<1x128xf32>
    %max3A_20 = arith.maximumf %dot_general3A_12, %max3A_19 : vector<1x128xf32>
    %get3A_21 = arith.constant 0 : index
    %get3A_22 = arith.constant 0 : index
    %get3A_23 = vector.load %arg4[%get3A_21, %get3A_22] : memref<128x128xf32, #tpu.memory_space<vmem>>, vector<128x128xf32>
    %dot_general3A_24 = arith.constant dense<0.000000e+00> : vector<1x128xf32>
    %dot_general3A_25 = tpu.matmul %max3A_20, %get3A_23, %dot_general3A_24 {dimension_numbers = #tpu.dot_dimension_numbers<[1], [0], [0], [1], [0, 0, 1, 1], [], []>, transpose_lhs_hint = false} : vector<1x128xf32>, vector<128x128xf32>, vector<1x128xf32> -> vector<1x128xf32>
    %neg3A = arith.constant 0.000000e+00 : f32
    %neg3A_26 = vector.broadcast %neg3A : f32 to vector<1x128xf32>
    %neg3A_27 = arith.subf %neg3A_26, %dot_general3A_17 : vector<1x128xf32>
    %max3A_28 = arith.constant 0.000000e+00 : f32
    %max3A_29 = vector.broadcast %max3A_28 : f32 to vector<1x128xf32>
    %max3A_30 = arith.maximumf %neg3A_27, %max3A_29 : vector<1x128xf32>
    %get3A_31 = arith.constant 0 : index
    %get3A_32 = arith.constant 0 : index
    %get3A_33 = vector.load %arg4[%get3A_31, %get3A_32] : memref<128x128xf32, #tpu.memory_space<vmem>>, vector<128x128xf32>
    %dot_general3A_34 = arith.constant dense<0.000000e+00> : vector<1x128xf32>
    %dot_general3A_35 = tpu.matmul %max3A_30, %get3A_33, %dot_general3A_34 {dimension_numbers = #tpu.dot_dimension_numbers<[1], [0], [0], [1], [0, 0, 1, 1], [], []>, transpose_lhs_hint = false} : vector<1x128xf32>, vector<128x128xf32>, vector<1x128xf32> -> vector<1x128xf32>
    %max3A_36 = arith.constant 0.000000e+00 : f32
    %max3A_37 = vector.broadcast %max3A_36 : f32 to vector<400x64xf32>
    %max3A_38 = arith.maximumf %get3A_1, %max3A_37 : vector<400x64xf32>
    %reduce_sum3A = arith.constant dense<0.000000e+00> : vector<400xf32>
    %reduce_sum3A_39 = vector.multi_reduction <add>, %max3A_38, %reduce_sum3A [1] : vector<400x64xf32> to vector<400xf32>
    %broadcast_in_dim3A = vector.shape_cast %reduce_sum3A_39 : vector<400xf32> to vector<400x1xf32>
    %mul3A = arith.constant 1.562500e-02 : f32
    %mul3A_40 = vector.broadcast %mul3A : f32 to vector<400x1xf32>
    %mul3A_41 = arith.mulf %broadcast_in_dim3A, %mul3A_40 : vector<400x1xf32>
    %neg3A_42 = arith.constant 0.000000e+00 : f32
    %neg3A_43 = vector.broadcast %neg3A_42 : f32 to vector<400x64xf32>
    %neg3A_44 = arith.subf %neg3A_43, %get3A_1 : vector<400x64xf32>
    %max3A_45 = arith.constant 0.000000e+00 : f32
    %max3A_46 = vector.broadcast %max3A_45 : f32 to vector<400x64xf32>
    %max3A_47 = arith.maximumf %neg3A_44, %max3A_46 : vector<400x64xf32>
    %reduce_sum3A_48 = arith.constant dense<0.000000e+00> : vector<400xf32>
    %reduce_sum3A_49 = vector.multi_reduction <add>, %max3A_47, %reduce_sum3A_48 [1] : vector<400x64xf32> to vector<400xf32>
    %broadcast_in_dim3A_50 = vector.shape_cast %reduce_sum3A_49 : vector<400xf32> to vector<400x1xf32>
    %mul3A_51 = arith.constant 1.562500e-02 : f32
    %mul3A_52 = vector.broadcast %mul3A_51 : f32 to vector<400x1xf32>
    %mul3A_53 = arith.mulf %broadcast_in_dim3A_50, %mul3A_52 : vector<400x1xf32>
    %concatenate3A = tpu.concatenate %mul3A_41, %mul3A_53 in 1 : vector<400x1xf32>, vector<400x1xf32> -> vector<400x2xf32>
    %concatenate3A_54 = tpu.concatenate %dot_general3A_25, %dot_general3A_35 in 0 : vector<1x128xf32>, vector<1x128xf32> -> vector<2x128xf32>
    %dot_general3A_55 = arith.constant dense<0.000000e+00> : vector<400x128xf32>
    %dot_general3A_56 = tpu.matmul %concatenate3A, %concatenate3A_54, %dot_general3A_55 {dimension_numbers = #tpu.dot_dimension_numbers<[1], [0], [0], [1], [0, 0, 1, 1], [], []>, transpose_lhs_hint = false} : vector<400x2xf32>, vector<2x128xf32>, vector<400x128xf32> -> vector<400x128xf32>
    %get3A_57 = arith.constant 0 : index
    %get3A_58 = arith.constant 0 : index
    %get3A_59 = vector.load %arg5[%get3A_57, %get3A_58] : memref<1x128xf32, #tpu.memory_space<vmem>>, vector<1x128xf32>
    %add3A = vector.broadcast %get3A_59 : vector<1x128xf32> to vector<400x128xf32>
    %add3A_60 = arith.addf %dot_general3A_56, %add3A : vector<400x128xf32>
    %swap3A = arith.constant 0 : index
    %swap3A_61 = arith.constant 0 : index
    %swap3A_62 = vector.load %arg9[%swap3A, %swap3A_61] : memref<400x128xf32, #tpu.memory_space<vmem>>, vector<400x128xf32>
    tpu.vector_store %arg9[%swap3A, %swap3A_61], %add3A_60 {strides = array<i32>} : memref<400x128xf32, #tpu.memory_space<vmem>>, vector<400x128xf32>,
    %get3A_63 = arith.constant 0 : index
    %get3A_64 = arith.constant 0 : index
    %get3A_65 = vector.load %arg6[%get3A_63, %get3A_64] : memref<400x128xf32, #tpu.memory_space<vmem>>, vector<400x128xf32>
    %get3A_66 = arith.constant 0 : index
    %get3A_67 = arith.constant 0 : index
    %get3A_68 = vector.load %arg7[%get3A_66, %get3A_67] : memref<400x128xf32, #tpu.memory_space<vmem>>, vector<400x128xf32>
    %reduce_sum3A_69 = arith.constant dense<0.000000e+00> : vector<400xf32>
    %reduce_sum3A_70 = vector.multi_reduction <add>, %get3A_65, %reduce_sum3A_69 [1] : vector<400x128xf32> to vector<400xf32>
    %broadcast_in_dim3A_71 = vector.shape_cast %reduce_sum3A_70 : vector<400xf32> to vector<400x1xf32>
    %div3A = arith.constant 1.280000e+02 : f32
    %div3A_72 = vector.broadcast %div3A : f32 to vector<400x1xf32>
    %div3A_73 = arith.divf %broadcast_in_dim3A_71, %div3A_72 : vector<400x1xf32>
    %add3A_74 = arith.constant 1.000000e+00 : f32
    %add3A_75 = vector.broadcast %add3A_74 : f32 to vector<400x1xf32>
    %add3A_76 = arith.addf %add3A_75, %div3A_73 : vector<400x1xf32>
    %reduce_sum3A_77 = arith.constant dense<0.000000e+00> : vector<400xf32>
    %reduce_sum3A_78 = vector.multi_reduction <add>, %get3A_68, %reduce_sum3A_77 [1] : vector<400x128xf32> to vector<400xf32>
    %broadcast_in_dim3A_79 = vector.shape_cast %reduce_sum3A_78 : vector<400xf32> to vector<400x1xf32>
    %div3A_80 = arith.constant 1.280000e+02 : f32
    %div3A_81 = vector.broadcast %div3A_80 : f32 to vector<400x1xf32>
    %div3A_82 = arith.divf %broadcast_in_dim3A_79, %div3A_81 : vector<400x1xf32>
    %add3A_83 = arith.addf %add3A_76, %div3A_82 : vector<400x1xf32>
    %rsqrt3A = math.rsqrt %add3A_83 : vector<400x1xf32>
    %get3A_84 = arith.constant 0 : index
    %get3A_85 = arith.constant 0 : index
    %get3A_86 = vector.load %arg8[%get3A_84, %get3A_85] : memref<128x128xf32, #tpu.memory_space<vmem>>, vector<128x128xf32>
    %dot_general3A_87 = arith.constant dense<0.000000e+00> : vector<400x128xf32>
    %dot_general3A_88 = tpu.matmul %add3A_60, %get3A_86, %dot_general3A_87 {dimension_numbers = #tpu.dot_dimension_numbers<[1], [0], [0], [1], [0, 0, 1, 1], [], []>, transpose_lhs_hint = false} : vector<400x128xf32>, vector<128x128xf32>, vector<400x128xf32> -> vector<400x128xf32>
    %mul3A_89 = vector.broadcast %rsqrt3A : vector<400x1xf32> to vector<400x128xf32>
    %mul3A_90 = arith.mulf %dot_general3A_88, %mul3A_89 : vector<400x128xf32>
    %swap3A_91 = arith.constant 0 : index
    %swap3A_92 = arith.constant 0 : index
    %swap3A_93 = vector.load %arg10[%swap3A_91, %swap3A_92] : memref<400x128xf32, #tpu.memory_space<vmem>>, vector<400x128xf32>
    tpu.vector_store %arg10[%swap3A_91, %swap3A_92], %mul3A_90 {strides = array<i32>} : memref<400x128xf32, #tpu.memory_space<vmem>>, vector<400x128xf32>,
    return
  }
  func.func @transform_0(%arg0: i32) -> (i32, i32) {
    %c0_i32 = arith.constant 0 : i32
    %c0_i32_0 = arith.constant 0 : i32
    return %arg0, %c0_i32 : i32, i32
  }
  func.func @transform_1(%arg0: i32) -> (i32, i32) {
    %c0_i32 = arith.constant 0 : i32
    %c0_i32_0 = arith.constant 0 : i32
    %c0_i32_1 = arith.constant 0 : i32
    return %c0_i32, %c0_i32_0 : i32, i32
  }
  func.func @transform_2(%arg0: i32) -> (i32, i32) {
    %c0_i32 = arith.constant 0 : i32
    %c0_i32_0 = arith.constant 0 : i32
    %c0_i32_1 = arith.constant 0 : i32
    return %c0_i32, %c0_i32_0 : i32, i32
  }
  func.func @transform_3(%arg0: i32) -> (i32, i32) {
    %c0_i32 = arith.constant 0 : i32
    %c0_i32_0 = arith.constant 0 : i32
    %c0_i32_1 = arith.constant 0 : i32
    return %c0_i32, %c0_i32_0 : i32, i32
  }
  func.func @transform_4(%arg0: i32) -> (i32, i32) {
    %c0_i32 = arith.constant 0 : i32
    %c0_i32_0 = arith.constant 0 : i32
    %c0_i32_1 = arith.constant 0 : i32
    return %c0_i32, %c0_i32_0 : i32, i32
  }
  func.func @transform_5(%arg0: i32) -> (i32, i32) {
    %c0_i32 = arith.constant 0 : i32
    %c0_i32_0 = arith.constant 0 : i32
    return %arg0, %c0_i32 : i32, i32
  }
  func.func @transform_6(%arg0: i32) -> (i32, i32) {
    %add3A = arith.constant 25 : i32
    %add3A_0 = arith.addi %arg0, %add3A : i32
    %c0_i32 = arith.constant 0 : i32
    %c0_i32_1 = arith.constant 0 : i32
    return %add3A_0, %c0_i32 : i32, i32
  }
  func.func @transform_7(%arg0: i32) -> (i32, i32) {
    %c0_i32 = arith.constant 0 : i32
    %c0_i32_0 = arith.constant 0 : i32
    %c0_i32_1 = arith.constant 0 : i32
    return %c0_i32, %c0_i32_0 : i32, i32
  }
  func.func @transform_8(%arg0: i32) -> (i32, i32) {
    %c0_i32 = arith.constant 0 : i32
    %c0_i32_0 = arith.constant 0 : i32
    return %arg0, %c0_i32 : i32, i32
  }
  func.func @transform_9(%arg0: i32) -> (i32, i32) {
    %c0_i32 = arith.constant 0 : i32
    %c0_i32_0 = arith.constant 0 : i32
    return %arg0, %c0_i32 : i32, i32
  }
}

module attributes {stable_mosaic.version = 14 : i64} {
  func.func @_comb_body(%arg0: i32, %arg1: memref<400x128xf32, #tpu.memory_space<vmem>>, %arg2: memref<400x128xf32, #tpu.memory_space<vmem>>, %arg3: memref<400x128xf32, #tpu.memory_space<vmem>>, %arg4: memref<400x128xf32, #tpu.memory_space<vmem>>, %arg5: memref<400x128xf32, #tpu.memory_space<vmem>>, %arg6: memref<400x128xf32, #tpu.memory_space<vmem>>, %arg7: memref<1x128xf32, #tpu.memory_space<vmem>>, %arg8: memref<1x128xf32, #tpu.memory_space<vmem>>, %arg9: memref<1x128xf32, #tpu.memory_space<vmem>>, %arg10: memref<128x128xf32, #tpu.memory_space<vmem>>, %arg11: memref<400x128xf32, #tpu.memory_space<vmem>>, %arg12: memref<400x128xf32, #tpu.memory_space<vmem>>) attributes {dimension_semantics = [#tpu.dimension_semantics<arbitrary>], iteration_bounds = array<i64: 25>, scalar_prefetch = 0 : i64, scratch_operands = 0 : i64, tpu.core_type = #tpu.core_type<tc>, window_params = [{transform_indices = @transform_0, window_bounds = array<i64: 400, 128>}, {transform_indices = @transform_1, window_bounds = array<i64: 400, 128>}, {transform_indices = @transform_2, window_bounds = array<i64: 400, 128>}, {transform_indices = @transform_3, window_bounds = array<i64: 400, 128>}, {transform_indices = @transform_4, window_bounds = array<i64: 400, 128>}, {transform_indices = @transform_5, window_bounds = array<i64: 400, 128>}, {pipeline_mode = #tpu.pipeline_mode<synchronous>, transform_indices = @transform_6, window_bounds = array<i64: 1, 128>}, {pipeline_mode = #tpu.pipeline_mode<synchronous>, transform_indices = @transform_7, window_bounds = array<i64: 1, 128>}, {pipeline_mode = #tpu.pipeline_mode<synchronous>, transform_indices = @transform_8, window_bounds = array<i64: 1, 128>}, {pipeline_mode = #tpu.pipeline_mode<synchronous>, transform_indices = @transform_9, window_bounds = array<i64: 128, 128>}, {transform_indices = @transform_10, window_bounds = array<i64: 400, 128>}, {transform_indices = @transform_11, window_bounds = array<i64: 400, 128>}]} {
    %get3A = arith.constant 0 : index
    %get3A_0 = arith.constant 0 : index
    %get3A_1 = vector.load %arg4[%get3A, %get3A_0] : memref<400x128xf32, #tpu.memory_space<vmem>>, vector<400x128xf32>
    %get3A_2 = arith.constant 0 : index
    %get3A_3 = arith.constant 0 : index
    %get3A_4 = vector.load %arg5[%get3A_2, %get3A_3] : memref<400x128xf32, #tpu.memory_space<vmem>>, vector<400x128xf32>
    %reduce_sum3A = arith.constant dense<0.000000e+00> : vector<400xf32>
    %reduce_sum3A_5 = vector.multi_reduction <add>, %get3A_1, %reduce_sum3A [1] : vector<400x128xf32> to vector<400xf32>
    %broadcast_in_dim3A = vector.shape_cast %reduce_sum3A_5 : vector<400xf32> to vector<400x1xf32>
    %div3A = arith.constant 1.280000e+02 : f32
    %div3A_6 = vector.broadcast %div3A : f32 to vector<400x1xf32>
    %div3A_7 = arith.divf %broadcast_in_dim3A, %div3A_6 : vector<400x1xf32>
    %add3A = arith.constant 1.000000e+00 : f32
    %add3A_8 = vector.broadcast %add3A : f32 to vector<400x1xf32>
    %add3A_9 = arith.addf %add3A_8, %div3A_7 : vector<400x1xf32>
    %reduce_sum3A_10 = arith.constant dense<0.000000e+00> : vector<400xf32>
    %reduce_sum3A_11 = vector.multi_reduction <add>, %get3A_4, %reduce_sum3A_10 [1] : vector<400x128xf32> to vector<400xf32>
    %broadcast_in_dim3A_12 = vector.shape_cast %reduce_sum3A_11 : vector<400xf32> to vector<400x1xf32>
    %div3A_13 = arith.constant 1.280000e+02 : f32
    %div3A_14 = vector.broadcast %div3A_13 : f32 to vector<400x1xf32>
    %div3A_15 = arith.divf %broadcast_in_dim3A_12, %div3A_14 : vector<400x1xf32>
    %add3A_16 = arith.addf %add3A_9, %div3A_15 : vector<400x1xf32>
    %rsqrt3A = math.rsqrt %add3A_16 : vector<400x1xf32>
    %get3A_17 = arith.constant 0 : index
    %get3A_18 = arith.constant 0 : index
    %get3A_19 = vector.load %arg1[%get3A_17, %get3A_18] : memref<400x128xf32, #tpu.memory_space<vmem>>, vector<400x128xf32>
    %get3A_20 = arith.constant 0 : index
    %get3A_21 = arith.constant 0 : index
    %get3A_22 = vector.load %arg2[%get3A_20, %get3A_21] : memref<400x128xf32, #tpu.memory_space<vmem>>, vector<400x128xf32>
    %get3A_23 = arith.constant 0 : index
    %get3A_24 = arith.constant 0 : index
    %get3A_25 = vector.load %arg3[%get3A_23, %get3A_24] : memref<400x128xf32, #tpu.memory_space<vmem>>, vector<400x128xf32>
    %get3A_26 = arith.constant 0 : index
    %get3A_27 = arith.constant 0 : index
    %get3A_28 = vector.load %arg7[%get3A_26, %get3A_27] : memref<1x128xf32, #tpu.memory_space<vmem>>, vector<1x128xf32>
    %get3A_29 = arith.constant 0 : index
    %get3A_30 = arith.constant 0 : index
    %get3A_31 = vector.load %arg8[%get3A_29, %get3A_30] : memref<1x128xf32, #tpu.memory_space<vmem>>, vector<1x128xf32>
    %get3A_32 = arith.constant 0 : index
    %get3A_33 = arith.constant 0 : index
    %get3A_34 = vector.load %arg9[%get3A_32, %get3A_33] : memref<1x128xf32, #tpu.memory_space<vmem>>, vector<1x128xf32>
    %get3A_35 = arith.constant 0 : index
    %get3A_36 = arith.constant 0 : index
    %get3A_37 = vector.load %arg6[%get3A_35, %get3A_36] : memref<400x128xf32, #tpu.memory_space<vmem>>, vector<400x128xf32>
    %add3A_38 = arith.addf %get3A_19, %get3A_22 : vector<400x128xf32>
    %add3A_39 = arith.addf %add3A_38, %get3A_25 : vector<400x128xf32>
    %mul3A = vector.broadcast %rsqrt3A : vector<400x1xf32> to vector<400x128xf32>
    %mul3A_40 = arith.mulf %add3A_39, %mul3A : vector<400x128xf32>
    %add3A_41 = vector.broadcast %get3A_28 : vector<1x128xf32> to vector<400x128xf32>
    %add3A_42 = arith.addf %mul3A_40, %add3A_41 : vector<400x128xf32>
    %reduce_sum3A_43 = arith.constant dense<0.000000e+00> : vector<400xf32>
    %reduce_sum3A_44 = vector.multi_reduction <add>, %add3A_42, %reduce_sum3A_43 [1] : vector<400x128xf32> to vector<400xf32>
    %broadcast_in_dim3A_45 = vector.shape_cast %reduce_sum3A_44 : vector<400xf32> to vector<400x1xf32>
    %div3A_46 = arith.constant 1.280000e+02 : f32
    %div3A_47 = vector.broadcast %div3A_46 : f32 to vector<400x1xf32>
    %div3A_48 = arith.divf %broadcast_in_dim3A_45, %div3A_47 : vector<400x1xf32>
    %sub3A = vector.broadcast %div3A_48 : vector<400x1xf32> to vector<400x128xf32>
    %sub3A_49 = arith.subf %add3A_42, %sub3A : vector<400x128xf32>
    %mul3A_50 = arith.mulf %sub3A_49, %sub3A_49 : vector<400x128xf32>
    %reduce_sum3A_51 = arith.constant dense<0.000000e+00> : vector<400xf32>
    %reduce_sum3A_52 = vector.multi_reduction <add>, %mul3A_50, %reduce_sum3A_51 [1] : vector<400x128xf32> to vector<400xf32>
    %broadcast_in_dim3A_53 = vector.shape_cast %reduce_sum3A_52 : vector<400xf32> to vector<400x1xf32>
    %div3A_54 = arith.constant 1.280000e+02 : f32
    %div3A_55 = vector.broadcast %div3A_54 : f32 to vector<400x1xf32>
    %div3A_56 = arith.divf %broadcast_in_dim3A_53, %div3A_55 : vector<400x1xf32>
    %add3A_57 = arith.constant 9.99999974E-6 : f32
    %add3A_58 = vector.broadcast %add3A_57 : f32 to vector<400x1xf32>
    %add3A_59 = arith.addf %div3A_56, %add3A_58 : vector<400x1xf32>
    %rsqrt3A_60 = math.rsqrt %add3A_59 : vector<400x1xf32>
    %mul3A_61 = vector.broadcast %rsqrt3A_60 : vector<400x1xf32> to vector<400x128xf32>
    %mul3A_62 = arith.mulf %sub3A_49, %mul3A_61 : vector<400x128xf32>
    %mul3A_63 = vector.broadcast %get3A_31 : vector<1x128xf32> to vector<400x128xf32>
    %mul3A_64 = arith.mulf %mul3A_62, %mul3A_63 : vector<400x128xf32>
    %add3A_65 = vector.broadcast %get3A_34 : vector<1x128xf32> to vector<400x128xf32>
    %add3A_66 = arith.addf %mul3A_64, %add3A_65 : vector<400x128xf32>
    %max3A = arith.constant 0.000000e+00 : f32
    %max3A_67 = vector.broadcast %max3A : f32 to vector<400x128xf32>
    %max3A_68 = arith.maximumf %add3A_66, %max3A_67 : vector<400x128xf32>
    %add3A_69 = arith.addf %max3A_68, %get3A_37 : vector<400x128xf32>
    %swap3A = arith.constant 0 : index
    %swap3A_70 = arith.constant 0 : index
    %swap3A_71 = vector.load %arg11[%swap3A, %swap3A_70] : memref<400x128xf32, #tpu.memory_space<vmem>>, vector<400x128xf32>
    tpu.vector_store %arg11[%swap3A, %swap3A_70], %add3A_69 {strides = array<i32>} : memref<400x128xf32, #tpu.memory_space<vmem>>, vector<400x128xf32>,
    %get3A_72 = arith.constant 0 : index
    %get3A_73 = arith.constant 0 : index
    %get3A_74 = vector.load %arg10[%get3A_72, %get3A_73] : memref<128x128xf32, #tpu.memory_space<vmem>>, vector<128x128xf32>
    %dot_general3A = arith.constant dense<0.000000e+00> : vector<400x128xf32>
    %dot_general3A_75 = tpu.matmul %add3A_69, %get3A_74, %dot_general3A {dimension_numbers = #tpu.dot_dimension_numbers<[1], [0], [0], [1], [0, 0, 1, 1], [], []>, transpose_lhs_hint = false} : vector<400x128xf32>, vector<128x128xf32>, vector<400x128xf32> -> vector<400x128xf32>
    %mul3A_76 = vector.broadcast %rsqrt3A : vector<400x1xf32> to vector<400x128xf32>
    %mul3A_77 = arith.mulf %dot_general3A_75, %mul3A_76 : vector<400x128xf32>
    %swap3A_78 = arith.constant 0 : index
    %swap3A_79 = arith.constant 0 : index
    %swap3A_80 = vector.load %arg12[%swap3A_78, %swap3A_79] : memref<400x128xf32, #tpu.memory_space<vmem>>, vector<400x128xf32>
    tpu.vector_store %arg12[%swap3A_78, %swap3A_79], %mul3A_77 {strides = array<i32>} : memref<400x128xf32, #tpu.memory_space<vmem>>, vector<400x128xf32>,
    return
  }
  func.func @transform_0(%arg0: i32) -> (i32, i32) {
    %c0_i32 = arith.constant 0 : i32
    %c0_i32_0 = arith.constant 0 : i32
    return %arg0, %c0_i32 : i32, i32
  }
  func.func @transform_1(%arg0: i32) -> (i32, i32) {
    %add3A = arith.constant 25 : i32
    %add3A_0 = arith.addi %arg0, %add3A : i32
    %c0_i32 = arith.constant 0 : i32
    %c0_i32_1 = arith.constant 0 : i32
    return %add3A_0, %c0_i32 : i32, i32
  }
  func.func @transform_2(%arg0: i32) -> (i32, i32) {
    %c0_i32 = arith.constant 0 : i32
    %c0_i32_0 = arith.constant 0 : i32
    return %arg0, %c0_i32 : i32, i32
  }
  func.func @transform_3(%arg0: i32) -> (i32, i32) {
    %c0_i32 = arith.constant 0 : i32
    %c0_i32_0 = arith.constant 0 : i32
    return %arg0, %c0_i32 : i32, i32
  }
  func.func @transform_4(%arg0: i32) -> (i32, i32) {
    %add3A = arith.constant 25 : i32
    %add3A_0 = arith.addi %arg0, %add3A : i32
    %c0_i32 = arith.constant 0 : i32
    %c0_i32_1 = arith.constant 0 : i32
    return %add3A_0, %c0_i32 : i32, i32
  }
  func.func @transform_5(%arg0: i32) -> (i32, i32) {
    %c0_i32 = arith.constant 0 : i32
    %c0_i32_0 = arith.constant 0 : i32
    return %arg0, %c0_i32 : i32, i32
  }
  func.func @transform_6(%arg0: i32) -> (i32, i32) {
    %c0_i32 = arith.constant 0 : i32
    %c0_i32_0 = arith.constant 0 : i32
    %c0_i32_1 = arith.constant 0 : i32
    return %c0_i32, %c0_i32_0 : i32, i32
  }
  func.func @transform_7(%arg0: i32) -> (i32, i32) {
    %c0_i32 = arith.constant 0 : i32
    %c0_i32_0 = arith.constant 0 : i32
    %c0_i32_1 = arith.constant 0 : i32
    return %c0_i32, %c0_i32_0 : i32, i32
  }
  func.func @transform_8(%arg0: i32) -> (i32, i32) {
    %c0_i32 = arith.constant 0 : i32
    %c0_i32_0 = arith.constant 0 : i32
    %c0_i32_1 = arith.constant 0 : i32
    return %c0_i32, %c0_i32_0 : i32, i32
  }
  func.func @transform_9(%arg0: i32) -> (i32, i32) {
    %c0_i32 = arith.constant 0 : i32
    %c0_i32_0 = arith.constant 0 : i32
    %c0_i32_1 = arith.constant 0 : i32
    return %c0_i32, %c0_i32_0 : i32, i32
  }
  func.func @transform_10(%arg0: i32) -> (i32, i32) {
    %c0_i32 = arith.constant 0 : i32
    %c0_i32_0 = arith.constant 0 : i32
    return %arg0, %c0_i32 : i32, i32
  }
  func.func @transform_11(%arg0: i32) -> (i32, i32) {
    %c0_i32 = arith.constant 0 : i32
    %c0_i32_0 = arith.constant 0 : i32
    return %arg0, %c0_i32 : i32, i32
  }
}

module attributes {stable_mosaic.version = 14 : i64} {
  func.func @_final_body(%arg0: i32, %arg1: memref<400x128xf32, #tpu.memory_space<vmem>>, %arg2: memref<400x128xf32, #tpu.memory_space<vmem>>, %arg3: memref<400x128xf32, #tpu.memory_space<vmem>>, %arg4: memref<400x128xf32, #tpu.memory_space<vmem>>, %arg5: memref<400x128xf32, #tpu.memory_space<vmem>>, %arg6: memref<400x128xf32, #tpu.memory_space<vmem>>, %arg7: memref<1x128xf32, #tpu.memory_space<vmem>>, %arg8: memref<1x128xf32, #tpu.memory_space<vmem>>, %arg9: memref<1x128xf32, #tpu.memory_space<vmem>>, %arg10: memref<1x1x400xi32, #tpu.memory_space<vmem>>, %arg11: memref<128x64xf32, #tpu.memory_space<vmem>>, %arg12: memref<1x64xf32, #tpu.memory_space<vmem>>, %arg13: memref<64x32xf32, #tpu.memory_space<vmem>>, %arg14: memref<1x32xf32, #tpu.memory_space<vmem>>, %arg15: memref<32x1xf32, #tpu.memory_space<vmem>>, %arg16: memref<1x1xf32, #tpu.memory_space<vmem>>, %arg17: memref<64x1xf32, #tpu.memory_space<vmem>>, %arg18: memref<64x128xf32, #tpu.memory_space<vmem>>, %arg19: memref<64x128xf32, #tpu.memory_space<vmem>>) attributes {dimension_semantics = [#tpu.dimension_semantics<arbitrary>], iteration_bounds = array<i64: 25>, scalar_prefetch = 0 : i64, scratch_operands = 2 : i64, tpu.core_type = #tpu.core_type<tc>, window_params = [{transform_indices = @transform_0, window_bounds = array<i64: 400, 128>}, {transform_indices = @transform_1, window_bounds = array<i64: 400, 128>}, {transform_indices = @transform_2, window_bounds = array<i64: 400, 128>}, {transform_indices = @transform_3, window_bounds = array<i64: 400, 128>}, {transform_indices = @transform_4, window_bounds = array<i64: 400, 128>}, {transform_indices = @transform_5, window_bounds = array<i64: 400, 128>}, {pipeline_mode = #tpu.pipeline_mode<synchronous>, transform_indices = @transform_6, window_bounds = array<i64: 1, 128>}, {pipeline_mode = #tpu.pipeline_mode<synchronous>, transform_indices = @transform_7, window_bounds = array<i64: 1, 128>}, {pipeline_mode = #tpu.pipeline_mode<synchronous>, transform_indices = @transform_8, window_bounds = array<i64: 1, 128>}, {transform_indices = @transform_9, window_bounds = array<i64: 1, 1, 400>}, {pipeline_mode = #tpu.pipeline_mode<synchronous>, transform_indices = @transform_10, window_bounds = array<i64: 128, 64>}, {pipeline_mode = #tpu.pipeline_mode<synchronous>, transform_indices = @transform_11, window_bounds = array<i64: 1, 64>}, {pipeline_mode = #tpu.pipeline_mode<synchronous>, transform_indices = @transform_12, window_bounds = array<i64: 64, 32>}, {pipeline_mode = #tpu.pipeline_mode<synchronous>, transform_indices = @transform_13, window_bounds = array<i64: 1, 32>}, {pipeline_mode = #tpu.pipeline_mode<synchronous>, transform_indices = @transform_14, window_bounds = array<i64: 32, 1>}, {pipeline_mode = #tpu.pipeline_mode<synchronous>, transform_indices = @transform_15, window_bounds = array<i64: 1, 1>}, {pipeline_mode = #tpu.pipeline_mode<synchronous>, transform_indices = @transform_16, window_bounds = array<i64: 64, 1>}]} {
    %eq3A = arith.constant 0 : i32
    %eq3A_0 = arith.cmpi eq, %arg0, %eq3A : i32
    %convert_element_type3A = arith.extui %eq3A_0 : i1 to i32
    %cond3A = arith.constant 0 : i32
    %cond3A_1 = arith.cmpi ne, %convert_element_type3A, %cond3A : i32
    scf.if %cond3A_1 {
      %broadcast_in_dim3A_104 = arith.constant 0.000000e+00 : f32
      %broadcast_in_dim3A_105 = vector.broadcast %broadcast_in_dim3A_104 : f32 to vector<64x128xf32>
      %swap3A_106 = arith.constant 0 : index
      %swap3A_107 = arith.constant 0 : index
      %swap3A_108 = vector.load %arg18[%swap3A_106, %swap3A_107] : memref<64x128xf32, #tpu.memory_space<vmem>>, vector<64x128xf32>
      tpu.vector_store %arg18[%swap3A_106, %swap3A_107], %broadcast_in_dim3A_105 {strides = array<i32>} : memref<64x128xf32, #tpu.memory_space<vmem>>, vector<64x128xf32>,
      %broadcast_in_dim3A_109 = arith.constant 0.000000e+00 : f32
      %broadcast_in_dim3A_110 = vector.broadcast %broadcast_in_dim3A_109 : f32 to vector<64x128xf32>
      %swap3A_111 = arith.constant 0 : index
      %swap3A_112 = arith.constant 0 : index
      %swap3A_113 = vector.load %arg19[%swap3A_111, %swap3A_112] : memref<64x128xf32, #tpu.memory_space<vmem>>, vector<64x128xf32>
      tpu.vector_store %arg19[%swap3A_111, %swap3A_112], %broadcast_in_dim3A_110 {strides = array<i32>} : memref<64x128xf32, #tpu.memory_space<vmem>>, vector<64x128xf32>,
    } else {
    }
    %get3A = arith.constant 0 : index
    %get3A_2 = arith.constant 0 : index
    %get3A_3 = vector.load %arg4[%get3A, %get3A_2] : memref<400x128xf32, #tpu.memory_space<vmem>>, vector<400x128xf32>
    %get3A_4 = arith.constant 0 : index
    %get3A_5 = arith.constant 0 : index
    %get3A_6 = vector.load %arg5[%get3A_4, %get3A_5] : memref<400x128xf32, #tpu.memory_space<vmem>>, vector<400x128xf32>
    %reduce_sum3A = arith.constant dense<0.000000e+00> : vector<400xf32>
    %reduce_sum3A_7 = vector.multi_reduction <add>, %get3A_3, %reduce_sum3A [1] : vector<400x128xf32> to vector<400xf32>
    %broadcast_in_dim3A = vector.shape_cast %reduce_sum3A_7 : vector<400xf32> to vector<400x1xf32>
    %div3A = arith.constant 1.280000e+02 : f32
    %div3A_8 = vector.broadcast %div3A : f32 to vector<400x1xf32>
    %div3A_9 = arith.divf %broadcast_in_dim3A, %div3A_8 : vector<400x1xf32>
    %add3A = arith.constant 1.000000e+00 : f32
    %add3A_10 = vector.broadcast %add3A : f32 to vector<400x1xf32>
    %add3A_11 = arith.addf %add3A_10, %div3A_9 : vector<400x1xf32>
    %reduce_sum3A_12 = arith.constant dense<0.000000e+00> : vector<400xf32>
    %reduce_sum3A_13 = vector.multi_reduction <add>, %get3A_6, %reduce_sum3A_12 [1] : vector<400x128xf32> to vector<400xf32>
    %broadcast_in_dim3A_14 = vector.shape_cast %reduce_sum3A_13 : vector<400xf32> to vector<400x1xf32>
    %div3A_15 = arith.constant 1.280000e+02 : f32
    %div3A_16 = vector.broadcast %div3A_15 : f32 to vector<400x1xf32>
    %div3A_17 = arith.divf %broadcast_in_dim3A_14, %div3A_16 : vector<400x1xf32>
    %add3A_18 = arith.addf %add3A_11, %div3A_17 : vector<400x1xf32>
    %rsqrt3A = math.rsqrt %add3A_18 : vector<400x1xf32>
    %get3A_19 = arith.constant 0 : index
    %get3A_20 = arith.constant 0 : index
    %get3A_21 = vector.load %arg1[%get3A_19, %get3A_20] : memref<400x128xf32, #tpu.memory_space<vmem>>, vector<400x128xf32>
    %get3A_22 = arith.constant 0 : index
    %get3A_23 = arith.constant 0 : index
    %get3A_24 = vector.load %arg2[%get3A_22, %get3A_23] : memref<400x128xf32, #tpu.memory_space<vmem>>, vector<400x128xf32>
    %get3A_25 = arith.constant 0 : index
    %get3A_26 = arith.constant 0 : index
    %get3A_27 = vector.load %arg3[%get3A_25, %get3A_26] : memref<400x128xf32, #tpu.memory_space<vmem>>, vector<400x128xf32>
    %get3A_28 = arith.constant 0 : index
    %get3A_29 = arith.constant 0 : index
    %get3A_30 = vector.load %arg7[%get3A_28, %get3A_29] : memref<1x128xf32, #tpu.memory_space<vmem>>, vector<1x128xf32>
    %get3A_31 = arith.constant 0 : index
    %get3A_32 = arith.constant 0 : index
    %get3A_33 = vector.load %arg8[%get3A_31, %get3A_32] : memref<1x128xf32, #tpu.memory_space<vmem>>, vector<1x128xf32>
    %get3A_34 = arith.constant 0 : index
    %get3A_35 = arith.constant 0 : index
    %get3A_36 = vector.load %arg9[%get3A_34, %get3A_35] : memref<1x128xf32, #tpu.memory_space<vmem>>, vector<1x128xf32>
    %get3A_37 = arith.constant 0 : index
    %get3A_38 = arith.constant 0 : index
    %get3A_39 = vector.load %arg6[%get3A_37, %get3A_38] : memref<400x128xf32, #tpu.memory_space<vmem>>, vector<400x128xf32>
    %add3A_40 = arith.addf %get3A_21, %get3A_24 : vector<400x128xf32>
    %add3A_41 = arith.addf %add3A_40, %get3A_27 : vector<400x128xf32>
    %mul3A = vector.broadcast %rsqrt3A : vector<400x1xf32> to vector<400x128xf32>
    %mul3A_42 = arith.mulf %add3A_41, %mul3A : vector<400x128xf32>
    %add3A_43 = vector.broadcast %get3A_30 : vector<1x128xf32> to vector<400x128xf32>
    %add3A_44 = arith.addf %mul3A_42, %add3A_43 : vector<400x128xf32>
    %reduce_sum3A_45 = arith.constant dense<0.000000e+00> : vector<400xf32>
    %reduce_sum3A_46 = vector.multi_reduction <add>, %add3A_44, %reduce_sum3A_45 [1] : vector<400x128xf32> to vector<400xf32>
    %broadcast_in_dim3A_47 = vector.shape_cast %reduce_sum3A_46 : vector<400xf32> to vector<400x1xf32>
    %div3A_48 = arith.constant 1.280000e+02 : f32
    %div3A_49 = vector.broadcast %div3A_48 : f32 to vector<400x1xf32>
    %div3A_50 = arith.divf %broadcast_in_dim3A_47, %div3A_49 : vector<400x1xf32>
    %sub3A = vector.broadcast %div3A_50 : vector<400x1xf32> to vector<400x128xf32>
    %sub3A_51 = arith.subf %add3A_44, %sub3A : vector<400x128xf32>
    %mul3A_52 = arith.mulf %sub3A_51, %sub3A_51 : vector<400x128xf32>
    %reduce_sum3A_53 = arith.constant dense<0.000000e+00> : vector<400xf32>
    %reduce_sum3A_54 = vector.multi_reduction <add>, %mul3A_52, %reduce_sum3A_53 [1] : vector<400x128xf32> to vector<400xf32>
    %broadcast_in_dim3A_55 = vector.shape_cast %reduce_sum3A_54 : vector<400xf32> to vector<400x1xf32>
    %div3A_56 = arith.constant 1.280000e+02 : f32
    %div3A_57 = vector.broadcast %div3A_56 : f32 to vector<400x1xf32>
    %div3A_58 = arith.divf %broadcast_in_dim3A_55, %div3A_57 : vector<400x1xf32>
    %add3A_59 = arith.constant 9.99999974E-6 : f32
    %add3A_60 = vector.broadcast %add3A_59 : f32 to vector<400x1xf32>
    %add3A_61 = arith.addf %div3A_58, %add3A_60 : vector<400x1xf32>
    %rsqrt3A_62 = math.rsqrt %add3A_61 : vector<400x1xf32>
    %mul3A_63 = vector.broadcast %rsqrt3A_62 : vector<400x1xf32> to vector<400x128xf32>
    %mul3A_64 = arith.mulf %sub3A_51, %mul3A_63 : vector<400x128xf32>
    %mul3A_65 = vector.broadcast %get3A_33 : vector<1x128xf32> to vector<400x128xf32>
    %mul3A_66 = arith.mulf %mul3A_64, %mul3A_65 : vector<400x128xf32>
    %add3A_67 = vector.broadcast %get3A_36 : vector<1x128xf32> to vector<400x128xf32>
    %add3A_68 = arith.addf %mul3A_66, %add3A_67 : vector<400x128xf32>
    %max3A = arith.constant 0.000000e+00 : f32
    %max3A_69 = vector.broadcast %max3A : f32 to vector<400x128xf32>
    %max3A_70 = arith.maximumf %add3A_68, %max3A_69 : vector<400x128xf32>
    %add3A_71 = arith.addf %max3A_70, %get3A_39 : vector<400x128xf32>
    %get3A_72 = arith.constant 0 : index
    %get3A_73 = arith.constant 0 : index
    %get3A_74 = arith.constant 0 : index
    %get3A_75 = vector.load %arg10[%get3A_72, %get3A_73, %get3A_74] : memref<1x1x400xi32, #tpu.memory_space<vmem>>, vector<1x1x400xi32>
    %reshape3A = vector.shape_cast %get3A_75 : vector<1x1x400xi32> to vector<400x1xi32>
    %iota3A = tpu.iota {dimensions = array<i32: 1>} : vector<1x64xi32>
    %eq3A_76 = vector.broadcast %reshape3A : vector<400x1xi32> to vector<400x64xi32>
    %eq3A_77 = vector.broadcast %iota3A : vector<1x64xi32> to vector<400x64xi32>
    %eq3A_78 = arith.cmpi eq, %eq3A_76, %eq3A_77 : vector<400x64xi32>
    %convert_element_type3A_79 = arith.extui %eq3A_78 : vector<400x64xi1> to vector<400x64xi32>
    %convert_element_type3A_80 = arith.sitofp %convert_element_type3A_79 : vector<400x64xi32> to vector<400x64xf32>
    %get3A_81 = arith.constant 0 : index
    %get3A_82 = arith.constant 0 : index
    %get3A_83 = vector.load %arg18[%get3A_81, %get3A_82] : memref<64x128xf32, #tpu.memory_space<vmem>>, vector<64x128xf32>
    %dot_general3A = arith.constant dense<0.000000e+00> : vector<64x128xf32>
    %dot_general3A_84 = tpu.matmul %convert_element_type3A_80, %add3A_71, %dot_general3A {dimension_numbers = #tpu.dot_dimension_numbers<[0], [0], [1], [1], [0, 1, 1, 1], [], []>, transpose_lhs_hint = false} : vector<400x64xf32>, vector<400x128xf32>, vector<64x128xf32> -> vector<64x128xf32>
    %add3A_85 = arith.addf %get3A_83, %dot_general3A_84 : vector<64x128xf32>
    %swap3A = arith.constant 0 : index
    %swap3A_86 = arith.constant 0 : index
    %swap3A_87 = vector.load %arg18[%swap3A, %swap3A_86] : memref<64x128xf32, #tpu.memory_space<vmem>>, vector<64x128xf32>
    tpu.vector_store %arg18[%swap3A, %swap3A_86], %add3A_85 {strides = array<i32>} : memref<64x128xf32, #tpu.memory_space<vmem>>, vector<64x128xf32>,
    %get3A_88 = arith.constant 0 : index
    %get3A_89 = arith.constant 0 : index
    %get3A_90 = vector.load %arg19[%get3A_88, %get3A_89] : memref<64x128xf32, #tpu.memory_space<vmem>>, vector<64x128xf32>
    %broadcast_in_dim3A_91 = arith.constant 1.000000e+00 : f32
    %broadcast_in_dim3A_92 = vector.broadcast %broadcast_in_dim3A_91 : f32 to vector<400x128xf32>
    %dot_general3A_93 = arith.constant dense<0.000000e+00> : vector<64x128xf32>
    %dot_general3A_94 = tpu.matmul %convert_element_type3A_80, %broadcast_in_dim3A_92, %dot_general3A_93 {dimension_numbers = #tpu.dot_dimension_numbers<[0], [0], [1], [1], [0, 1, 1, 1], [], []>, transpose_lhs_hint = false} : vector<400x64xf32>, vector<400x128xf32>, vector<64x128xf32> -> vector<64x128xf32>
    %add3A_95 = arith.addf %get3A_90, %dot_general3A_94 : vector<64x128xf32>
    %swap3A_96 = arith.constant 0 : index
    %swap3A_97 = arith.constant 0 : index
    %swap3A_98 = vector.load %arg19[%swap3A_96, %swap3A_97] : memref<64x128xf32, #tpu.memory_space<vmem>>, vector<64x128xf32>
    tpu.vector_store %arg19[%swap3A_96, %swap3A_97], %add3A_95 {strides = array<i32>} : memref<64x128xf32, #tpu.memory_space<vmem>>, vector<64x128xf32>,
    %eq3A_99 = arith.constant 24 : i32
    %eq3A_100 = arith.cmpi eq, %arg0, %eq3A_99 : i32
    %convert_element_type3A_101 = arith.extui %eq3A_100 : i1 to i32
    %cond3A_102 = arith.constant 0 : i32
    %cond3A_103 = arith.cmpi ne, %convert_element_type3A_101, %cond3A_102 : i32
    scf.if %cond3A_103 {
      %get3A_104 = arith.constant 0 : index
      %get3A_105 = arith.constant 0 : index
      %get3A_106 = vector.load %arg18[%get3A_104, %get3A_105] : memref<64x128xf32, #tpu.memory_space<vmem>>, vector<64x128xf32>
      %get3A_107 = arith.constant 0 : index
      %get3A_108 = arith.constant 0 : index
      %get3A_109 = vector.load %arg19[%get3A_107, %get3A_108] : memref<64x128xf32, #tpu.memory_space<vmem>>, vector<64x128xf32>
      %max3A_110 = arith.constant 1.000000e+00 : f32
      %max3A_111 = vector.broadcast %max3A_110 : f32 to vector<64x128xf32>
      %max3A_112 = arith.maximumf %get3A_109, %max3A_111 : vector<64x128xf32>
      %div3A_113 = arith.divf %get3A_106, %max3A_112 : vector<64x128xf32>
      %get3A_114 = arith.constant 0 : index
      %get3A_115 = arith.constant 0 : index
      %get3A_116 = vector.load %arg11[%get3A_114, %get3A_115] : memref<128x64xf32, #tpu.memory_space<vmem>>, vector<128x64xf32>
      %dot_general3A_117 = arith.constant dense<0.000000e+00> : vector<64x64xf32>
      %dot_general3A_118 = tpu.matmul %div3A_113, %get3A_116, %dot_general3A_117 {dimension_numbers = #tpu.dot_dimension_numbers<[1], [0], [0], [1], [0, 0, 1, 1], [], []>, transpose_lhs_hint = false} : vector<64x128xf32>, vector<128x64xf32>, vector<64x64xf32> -> vector<64x64xf32>
      %get3A_119 = arith.constant 0 : index
      %get3A_120 = arith.constant 0 : index
      %get3A_121 = vector.load %arg12[%get3A_119, %get3A_120] : memref<1x64xf32, #tpu.memory_space<vmem>>, vector<1x64xf32>
      %add3A_122 = vector.broadcast %get3A_121 : vector<1x64xf32> to vector<64x64xf32>
      %add3A_123 = arith.addf %dot_general3A_118, %add3A_122 : vector<64x64xf32>
      %max3A_124 = arith.constant 0.000000e+00 : f32
      %max3A_125 = vector.broadcast %max3A_124 : f32 to vector<64x64xf32>
      %max3A_126 = arith.maximumf %add3A_123, %max3A_125 : vector<64x64xf32>
      %get3A_127 = arith.constant 0 : index
      %get3A_128 = arith.constant 0 : index
      %get3A_129 = vector.load %arg13[%get3A_127, %get3A_128] : memref<64x32xf32, #tpu.memory_space<vmem>>, vector<64x32xf32>
      %dot_general3A_130 = arith.constant dense<0.000000e+00> : vector<64x32xf32>
      %dot_general3A_131 = tpu.matmul %max3A_126, %get3A_129, %dot_general3A_130 {dimension_numbers = #tpu.dot_dimension_numbers<[1], [0], [0], [1], [0, 0, 1, 1], [], []>, transpose_lhs_hint = false} : vector<64x64xf32>, vector<64x32xf32>, vector<64x32xf32> -> vector<64x32xf32>
      %get3A_132 = arith.constant 0 : index
      %get3A_133 = arith.constant 0 : index
      %get3A_134 = vector.load %arg14[%get3A_132, %get3A_133] : memref<1x32xf32, #tpu.memory_space<vmem>>, vector<1x32xf32>
      %add3A_135 = vector.broadcast %get3A_134 : vector<1x32xf32> to vector<64x32xf32>
      %add3A_136 = arith.addf %dot_general3A_131, %add3A_135 : vector<64x32xf32>
      %max3A_137 = arith.constant 0.000000e+00 : f32
      %max3A_138 = vector.broadcast %max3A_137 : f32 to vector<64x32xf32>
      %max3A_139 = arith.maximumf %add3A_136, %max3A_138 : vector<64x32xf32>
      %get3A_140 = arith.constant 0 : index
      %get3A_141 = arith.constant 0 : index
      %get3A_142 = vector.load %arg15[%get3A_140, %get3A_141] : memref<32x1xf32, #tpu.memory_space<vmem>>, vector<32x1xf32>
      %dot_general3A_143 = arith.constant dense<0.000000e+00> : vector<64x1xf32>
      %dot_general3A_144 = tpu.matmul %max3A_139, %get3A_142, %dot_general3A_143 {dimension_numbers = #tpu.dot_dimension_numbers<[1], [0], [0], [1], [0, 0, 1, 1], [], []>, transpose_lhs_hint = false} : vector<64x32xf32>, vector<32x1xf32>, vector<64x1xf32> -> vector<64x1xf32>
      %get3A_145 = arith.constant 0 : index
      %get3A_146 = arith.constant 0 : index
      %get3A_147 = vector.load %arg16[%get3A_145, %get3A_146] : memref<1x1xf32, #tpu.memory_space<vmem>>, vector<1x1xf32>
      %add3A_148 = vector.broadcast %get3A_147 : vector<1x1xf32> to vector<64x1xf32>
      %add3A_149 = arith.addf %dot_general3A_144, %add3A_148 : vector<64x1xf32>
      %max3A_150 = arith.constant 0.000000e+00 : f32
      %max3A_151 = vector.broadcast %max3A_150 : f32 to vector<64x1xf32>
      %max3A_152 = arith.maximumf %add3A_149, %max3A_151 : vector<64x1xf32>
      %abs3A = math.absf %add3A_149 : vector<64x1xf32>
      %neg3A = arith.constant 0.000000e+00 : f32
      %neg3A_153 = vector.broadcast %neg3A : f32 to vector<64x1xf32>
      %neg3A_154 = arith.subf %neg3A_153, %abs3A : vector<64x1xf32>
      %exp3A = math.exp %neg3A_154 : vector<64x1xf32>
      %add3A_155 = arith.constant 1.000000e+00 : f32
      %add3A_156 = vector.broadcast %add3A_155 : f32 to vector<64x1xf32>
      %add3A_157 = arith.addf %add3A_156, %exp3A : vector<64x1xf32>
      %log3A = math.log %add3A_157 : vector<64x1xf32>
      %add3A_158 = arith.addf %max3A_152, %log3A : vector<64x1xf32>
      %swap3A_159 = arith.constant 0 : index
      %swap3A_160 = arith.constant 0 : index
      %swap3A_161 = vector.load %arg17[%swap3A_159, %swap3A_160] : memref<64x1xf32, #tpu.memory_space<vmem>>, vector<64x1xf32>
      tpu.vector_store %arg17[%swap3A_159, %swap3A_160], %add3A_158 {strides = array<i32>} : memref<64x1xf32, #tpu.memory_space<vmem>>, vector<64x1xf32>,
    } else {
    }
    return
  }
  func.func @transform_0(%arg0: i32) -> (i32, i32) {
    %c0_i32 = arith.constant 0 : i32
    %c0_i32_0 = arith.constant 0 : i32
    return %arg0, %c0_i32 : i32, i32
  }
  func.func @transform_1(%arg0: i32) -> (i32, i32) {
    %add3A = arith.constant 25 : i32
    %add3A_0 = arith.addi %arg0, %add3A : i32
    %c0_i32 = arith.constant 0 : i32
    %c0_i32_1 = arith.constant 0 : i32
    return %add3A_0, %c0_i32 : i32, i32
  }
  func.func @transform_2(%arg0: i32) -> (i32, i32) {
    %c0_i32 = arith.constant 0 : i32
    %c0_i32_0 = arith.constant 0 : i32
    return %arg0, %c0_i32 : i32, i32
  }
  func.func @transform_3(%arg0: i32) -> (i32, i32) {
    %c0_i32 = arith.constant 0 : i32
    %c0_i32_0 = arith.constant 0 : i32
    return %arg0, %c0_i32 : i32, i32
  }
  func.func @transform_4(%arg0: i32) -> (i32, i32) {
    %add3A = arith.constant 25 : i32
    %add3A_0 = arith.addi %arg0, %add3A : i32
    %c0_i32 = arith.constant 0 : i32
    %c0_i32_1 = arith.constant 0 : i32
    return %add3A_0, %c0_i32 : i32, i32
  }
  func.func @transform_5(%arg0: i32) -> (i32, i32) {
    %c0_i32 = arith.constant 0 : i32
    %c0_i32_0 = arith.constant 0 : i32
    return %arg0, %c0_i32 : i32, i32
  }
  func.func @transform_6(%arg0: i32) -> (i32, i32) {
    %c0_i32 = arith.constant 0 : i32
    %c0_i32_0 = arith.constant 0 : i32
    %c0_i32_1 = arith.constant 0 : i32
    return %c0_i32, %c0_i32_0 : i32, i32
  }
  func.func @transform_7(%arg0: i32) -> (i32, i32) {
    %c0_i32 = arith.constant 0 : i32
    %c0_i32_0 = arith.constant 0 : i32
    %c0_i32_1 = arith.constant 0 : i32
    return %c0_i32, %c0_i32_0 : i32, i32
  }
  func.func @transform_8(%arg0: i32) -> (i32, i32) {
    %c0_i32 = arith.constant 0 : i32
    %c0_i32_0 = arith.constant 0 : i32
    %c0_i32_1 = arith.constant 0 : i32
    return %c0_i32, %c0_i32_0 : i32, i32
  }
  func.func @transform_9(%arg0: i32) -> (i32, i32, i32) {
    %c0_i32 = arith.constant 0 : i32
    %c0_i32_0 = arith.constant 0 : i32
    %c0_i32_1 = arith.constant 0 : i32
    return %arg0, %c0_i32, %c0_i32_0 : i32, i32, i32
  }
  func.func @transform_10(%arg0: i32) -> (i32, i32) {
    %c0_i32 = arith.constant 0 : i32
    %c0_i32_0 = arith.constant 0 : i32
    %c0_i32_1 = arith.constant 0 : i32
    return %c0_i32, %c0_i32_0 : i32, i32
  }
  func.func @transform_11(%arg0: i32) -> (i32, i32) {
    %c0_i32 = arith.constant 0 : i32
    %c0_i32_0 = arith.constant 0 : i32
    %c0_i32_1 = arith.constant 0 : i32
    return %c0_i32, %c0_i32_0 : i32, i32
  }
  func.func @transform_12(%arg0: i32) -> (i32, i32) {
    %c0_i32 = arith.constant 0 : i32
    %c0_i32_0 = arith.constant 0 : i32
    %c0_i32_1 = arith.constant 0 : i32
    return %c0_i32, %c0_i32_0 : i32, i32
  }
  func.func @transform_13(%arg0: i32) -> (i32, i32) {
    %c0_i32 = arith.constant 0 : i32
    %c0_i32_0 = arith.constant 0 : i32
    %c0_i32_1 = arith.constant 0 : i32
    return %c0_i32, %c0_i32_0 : i32, i32
  }
  func.func @transform_14(%arg0: i32) -> (i32, i32) {
    %c0_i32 = arith.constant 0 : i32
    %c0_i32_0 = arith.constant 0 : i32
    %c0_i32_1 = arith.constant 0 : i32
    return %c0_i32, %c0_i32_0 : i32, i32
  }
  func.func @transform_15(%arg0: i32) -> (i32, i32) {
    %c0_i32 = arith.constant 0 : i32
    %c0_i32_0 = arith.constant 0 : i32
    %c0_i32_1 = arith.constant 0 : i32
    return %c0_i32, %c0_i32_0 : i32, i32
  }
  func.func @transform_16(%arg0: i32) -> (i32, i32) {
    %c0_i32 = arith.constant 0 : i32
    %c0_i32_0 = arith.constant 0 : i32
    %c0_i32_1 = arith.constant 0 : i32
    return %c0_i32, %c0_i32_0 : i32, i32
  }
}

</mosaic_0001>

<sc_bundles>
// kernel: kernel.10.cloned.1.call-start
scs
__scs_entry_jumppad:
0x0: {  	(pc) =	sbr.rel $0x88, $3  }
0x1: {  	(tag) =	ssettag $0x0;
	lr =	simm.s32 $0x1  }
0x2: {  	[smem:$0x3F88] =	sst lr;
	_ =	strace $0xD0000000  }
0x3: {  	_ = 	snop  }
0x4: {  	_ = 	snop  }
0x5: {  	_ = 	snop  }
0x6: {  	_ = 	snop  }
0x7: {  	_ = 	snop  }
__scs_overlays_trampoline_lowered:
0x8: {  	[smem:$0x3F97] =	sst s0  }
0x9: {  	[smem:$0x3F98] =	sst s1  }
0xa: {  	[smem:$0x3F99] =	sst s2  }
0xb: {  	[smem:$0x3F9A] =	sst s3  }
0xc: {  	[smem:$0x3F9B] =	sst s4  }
0xd: {  	[smem:$0x3F9C] =	sst s5  }
0xe: {  	[smem:$0x3F9D] =	sst s6  }
0xf: {  	[smem:$0x3F9E] =	sst s7  }
0x10: {  	[smem:$0x3F9F] =	sst s8  }
0x11: {  	[smem:$0x3FA0] =	sst s9;
	s0 =	simm.s32 @!p0 $0x0  }
0x12: {  	s1 =	sld [smem:$0x3F86];
	s0 =	simm.s32 @p0 $0x1  }
0x13: {  	[smem:$0x3FA1] =	sst s0;
	s0 =	simm.s32 @!p1 $0x0  }
0x14: {  	s2 =	sld [smem:$0x3F85];
	s0 =	simm.s32 @p1 $0x1  }
0x15: {  	[smem:$0x3FA2] =	sst s0;
	s0 =	simm.s32 @!p2 $0x0  }
0x16: {  	s3 =	sld [smem:$0x3FDB];
	s0 =	simm.s32 @p2 $0x1  }
0x17: {  	s4 =	simm.s32 $0x1BF5;
	[smem:$0x3FA4] =	sst s0  }
0x18: {  	s0 =	sld [smem:$0x3F87];
	_ =	swait.ge [sflag:s4], $0x0  }
0x19: {  	s7 =	sld [smem:$0x3F88]  }
0x1a: {  	s8 =	sadd.s32 $0xFFFFE003, lr  }
0x1b: {  	s9 =	sadd.s32 $0xFFFFFEF7, lr;
	s5 =	simm.s32 $0xFFFFFFFF;
	p2 =	slt.u32 s8, $0xFFFFF086  }
0x1c: {  	p1 =	slt.u32 s9, $0xF7A;
	s5 =	simm.s32 @!p2 $0x0  }
0x1d: {  	s5 =	simm.s32 @p1 $0x1;
	p0 =	seq.s32 s7, s2  }
0x1e: {  	s7 =	smul.u32 @!p0 $0xF7A, s2;
	p2 =	seq.s32 @!p0 s5, $0x0  }
0x1f: {  	s9 =	smul.u32 $0xF7A, s1;
	s8 =	simm.s32 @!p0 $0x1BF5;
	p2 =	por !p2, p0  }
0x20: {  	[sflag:s8] =	ssyncset.s32 @!p0 $0xFFFFF086;
	s6 =	sadd.s32 @!p0 s3, s7;
	s7 =	simm.s32 @!p0 $0x108  }
0x21: {  	s3 =	sadd.s32 s3, s9;
	s6 =	sadd.s32 @!p0 $0x88, s6;
	s7 =	simm.s32 @p2 $0x1082  }
0x22: {  	[simem:s7], [sflag:s8] =	dma.local @!p0 [hbm:s6], $0xF7A  }
0x23: {  	s9 =	sor.u32 $0xD0000000, s2;
	s6 =	simm.s32 $0x108;
	_ =	swait.ge @!p0 [sflag:s8], $0x0  }
0x24: {  	s3 =	sadd.s32 $0x88, s3;
	s6 =	simm.s32 @!p1 $0x1082;
	[sflag:s4] =	ssyncset.s32 $0xFFFFF086  }
0x25: {  	[simem:s6], [sflag:s4] =	dma.local [hbm:s3], $0xF7A  }
0x26: {  	[smem:$0x3F88] =	sst s1;
	(tag) =	ssettag s2;
	_ =	strace s9  }
0x27: {  	s1 =	sld [smem:$0x3F98]  }
0x28: {  	s2 =	sld [smem:$0x3F99]  }
0x29: {  	s4 =	sld [smem:$0x3F9B]  }
0x2a: {  	p0 =	seq.s32 s5, $0x0;
	s5 =	sld [smem:$0x3F9C]  }
0x2b: {  	s6 =	sld [smem:$0x3F9D]  }
0x2c: {  	s7 =	sld [smem:$0x3F9E]  }
0x2d: {  	s3 =	simm.s32 $0x108;
	s8 =	sld [smem:$0x3F9F]  }
0x2e: {  	s3 =	simm.s32 @!p0 $0x1082;
	s9 =	sld [smem:$0x3FA0]  }
0x2f: {  	lr =	sadd.s32 s0, s3;
	s0 =	sld [smem:$0x3F97]  }
0x30: {  	s3 =	sld [smem:$0x3F9A]  }
0x31: {  	[smem:$0x3FA3] =	sst s10  }
0x32: {  	s10 =	sld [smem:$0x3FA1];
	_ =	sdelay $0x3  }
0x33: {  	p0 =	seq.s32 s10, $0x1;
	s10 =	sld [smem:$0x3FA3];
	_ =	sdelay $0x3  }
0x34: {  	[smem:$0x3FA3] =	sst s10  }
0x35: {  	s10 =	sld [smem:$0x3FA2];
	_ =	sdelay $0x3  }
0x36: {  	p1 =	seq.s32 s10, $0x1;
	s10 =	sld [smem:$0x3FA3];
	_ =	sdelay $0x3  }
0x37: {  	[smem:$0x3FA3] =	sst s10  }
0x38: {  	s10 =	sld [smem:$0x3FA4]  }
0x39: {  	_ = 	snop;
	(pc) =	sbr.ind lr, $3  }
0x3a: {  	_ = 	snop  }
0x3b: {  	_ = 	snop  }
0x3c: {  	p2 =	seq.s32 s10, $0x1;
	s10 =	sld [smem:$0x3FA3]  }
0x3d: {  	_ =	shalt  }
0x3e: {  	_ =	shalt  }
0x3f: {  	_ =	shalt  }
0x40: {  	_ =	shalt  }
0x41: {  	_ =	shalt  }
0x42: {  	_ =	shalt  }
0x43: {  	_ =	shalt  }
0x44: {  	_ =	shalt  }
0x45: {  	_ =	shalt  }
0x46: {  	_ =	shalt  }
0x47: {  	_ =	shalt  }
0x48: {  	_ =	shalt  }
0x49: {  	_ =	shalt  }
0x4a: {  	_ =	shalt  }
0x4b: {  	_ =	shalt  }
0x4c: {  	_ =	shalt  }
0x4d: {  	_ =	shalt  }
0x4e: {  	_ =	shalt  }
0x4f: {  	_ =	shalt  }
0x50: {  	_ =	shalt  }
0x51: {  	_ =	shalt  }
0x52: {  	_ =	shalt  }
0x53: {  	_ =	shalt  }
0x54: {  	_ =	shalt  }
0x55: {  	_ =	shalt  }
0x56: {  	_ =	shalt  }
0x57: {  	_ =	shalt  }
0x58: {  	_ =	shalt  }
0x59: {  	_ =	shalt  }
0x5a: {  	_ =	shalt  }
0x5b: {  	_ =	shalt  }
0x5c: {  	_ =	shalt  }
0x5d: {  	_ =	shalt  }
0x5e: {  	_ =	shalt  }
0x5f: {  	_ =	shalt  }
0x60: {  	_ =	shalt  }
0x61: {  	_ =	shalt  }
0x62: {  	_ =	shalt  }
0x63: {  	_ =	shalt  }
0x64: {  	_ =	shalt  }
0x65: {  	_ =	shalt  }
0x66: {  	_ =	shalt  }
0x67: {  	_ =	shalt  }
0x68: {  	_ =	shalt  }
0x69: {  	_ =	shalt  }
0x6a: {  	_ =	shalt  }
0x6b: {  	_ =	shalt  }
0x6c: {  	_ =	shalt  }
0x6d: {  	_ =	shalt  }
0x6e: {  	_ =	shalt  }
0x6f: {  	_ =	shalt  }
0x70: {  	_ =	shalt  }
0x71: {  	_ =	shalt  }
0x72: {  	_ =	shalt  }
0x73: {  	_ =	shalt  }
0x74: {  	_ =	shalt  }
0x75: {  	_ =	shalt  }
0x76: {  	_ =	shalt  }
0x77: {  	_ =	shalt  }
0x78: {  	_ =	shalt  }
0x79: {  	_ =	shalt  }
0x7a: {  	_ =	shalt  }
0x7b: {  	_ =	shalt  }
0x7c: {  	_ =	shalt  }
0x7d: {  	_ =	shalt  }
0x7e: {  	_ =	shalt  }
0x7f: {  	_ =	shalt  }
0x80: {  	_ =	shalt  }
0x81: {  	_ =	shalt  }
0x82: {  	_ =	shalt  }
0x83: {  	_ =	shalt  }
0x84: {  	_ =	shalt  }
0x85: {  	_ =	shalt  }
0x86: {  	_ =	shalt  }
0x87: {  	_ =	shalt  }
.Lfunc_end0:
.L_simem_size_0:
called_computation_lowered:
.L_overlay_start_0:
0x88: {  	s2 =	sld [smem:$0x3FD9]  }
0x89: {  	s3 =	sld [smem:$0x3FFE];
	_ =	sdelay $0x1  }
0x8a: {  	s1 =	srdreg.scid  }
0x8b: {  	s0 =	sand.u32 $0x1, s1  }
0x8c: {  	s16 =	sshll.u32 s0, $0xA;
	s2 =	sadd.s32 s3, s2  }
0x8d: {  	s2 =	sadd.s32 s2, s16  }
0x8e: {  	[smem:$0x3FAF] =	sst s2  }
0x8f: {  	_ = 	snop  }
0x90: {  	(tm) =	ssettm $0x1  }
0x91: {  	s17 =	sld [smem:$0x3FFB];
	_ =	sdelay $0x3  }
0x92: {  	_ =	strace s17  }
0x93: {  	s2 =	sld [smem:$0x3FFC];
	_ =	sdelay $0x3  }
0x94: {  	_ =	strace s2  }
0x95: {  	s2 =	sld [smem:$0x3FFD];
	_ =	sdelay $0x3  }
0x96: {  	_ =	strace s2  }
0x97: {  	_ =	strace $0x8FFFFFFF  }
0x98: {  	s18 =	sld [smem:$0x3FDB];
	_ =	sdelay $0x1  }
0x99: {  	s19 =	simm.s32 $_scs_section_size  }
0x9a: {  	s4 =	simm.s32 $_size__tile_overlayer_lowered;
	s5 =	simm.s32 $_tile_overlayer_lowered  }
0x9b: {  	s22 =	simm.s32 $0x1BFF;
	s21 =	sshll.u32 s5, $0x1;
	s2 =	sadd.s32 s19, s18  }
0x9c: {  	s6 =	simm.s32 $0x0;
	s20 =	sshll.u32 s4, $0x1;
	s4 =	sadd.s32 s21, s2  }
0x9d: {  	[timem:s6], [sflag:s22] =	dma.local [hbm:s4], s20  }
0x9e: {  	_ =	swait.ge [sflag:s22], s20  }
0x9f: {  	s3 =	ssub.s32 $0x0, s20;
	[sflag:s22] =	ssyncset.done $0x0  }
0xa0: {  	[sflag:s22] =	ssyncadd.s32 s3;
	_ =	sdelay $0x1  }
0xa1: {  	s23 =	simm.s32 $0x1B8B  }
0xa2: {  	_ =	swait.ge [sflag:s23], $0x1  }
0xa3: {  	[sflag:s23] =	ssyncset.done $0x0  }
0xa4: {  	s25 =	simm.s32 $0x1B8E;
	s24 =	sld [smem:$0x3FFE];
	[sflag:s23] =	ssyncadd.s32 $0xFFFFFFFF  }
0xa5: {  	s26 =	simm.s32 $execute0_lowered;
	[smem:$0x3FD2] =	sst s25  }
0xa6: {  	s4 =	sshll.u32 s26, $0x1;
	_ =	strace $0x80000046;
	[dreg:$0x1] =	wrdreg $0xFFFFFFFF  }
0xa7: {  	s28 =	simm.s32 $_size_execute0_lowered;
	s2 =	sadd.s32 s2, s4;
	[dreg:$0x0] =	wrdreg $0x0  }
0xa8: {  	s4 =	sshll.u32 s28, $0x1;
	[dreg:$0x2] =	wrdreg s2  }
0xa9: {  	[dreg:$0x3] =	wrdreg s4  }
0xaa: {  	[dreg:$0x4] =	wrdreg $0xC0  }
0xab: {  	_ =	task [dreg:s6], $0x5FFFF  }
0xac: {  	[dreg:$0x1] =	wrdreg $0xFFFFFFFF  }
0xad: {  	[dreg:$0x0] =	wrdreg $0x60  }
0xae: {  	[dreg:$0x2] =	wrdreg s24  }
0xaf: {  	[dreg:$0x3] =	wrdreg $0x68000  }
0xb0: {  	[dreg:$0x4] =	wrdreg $0x9  }
0xb1: {  	_ =	task.clear_ibuf [dreg:s6], $0x5FFFF;
	_ =	strace $0x90000046  }
0xb2: {  	s29 =	simm.s32 $0x9;
	_ =	strace $0x80000048  }
0xb3: {  	_ =	swait.ge [sflag:s29], $0x1  }
0xb4: {  	[sflag:s29] =	ssyncadd.s32 $0xFFFFFFFF  }
0xb5: {  	_ =	strace $0x90000048  }
0xb6: {  	_ =	sfence  }
0xb7: {  	s30 =	sld [smem:$0x0];
	_ =	sdelay $0x2  }
0xb8: {  	s31 =	sshll.u32 s1, $0xD;
	s1 =	sshrl.u32 s1, $0x2  }
0xb9: {  	s3 =	sand.u32 $0x4000, s31;
	s1 =	sadd.s32 s1, s30  }
0xba: {  	s0 =	sor.u32 s3, s0;
	s1 =	sshll.u32 s1, $0x11  }
0xbb: {  	s0 =	sor.u32 s1, s0  }
0xbc: {  	s0 =	sadd.s32 $0x8F2B, s0  }
0xbd: {  	[sflag:s0] =	ssyncadd.remote.s32 $0x1  }
0xbe: {  	_ =	sfence.sel $0xFFFF  }
0xbf: {  	[dreg:$0x0] =	wrdreg $0xFFFFFFFF;
	(pc) =	sbr.abs _section_cstart, $3  }
0xc0: {  	[dreg:$0x1] =	wrdreg $0xFFFFFFFF  }
0xc1: {  	_ =	task.clear_ibuf [dreg:s6], $0x2FFFF;
	_ =	strace $0x9FFFFFFF  }
0xc2: {  	(tm) =	ssettm $0x7FFFFFFF  }
0xc3: {  	_ =	shalt  }
tec
execute0_lowered:
.L_overlay_start_1:
0x0: {  	(tag) =	ssettag $0x1  }
0x1: {  	s6 =	rddreg [dreg:$0x0]  }
0x2: {  	s1 =	rddreg [dreg:$0x1]  }
0x3: {  	s0 =	rddreg [dreg:$0x2]  }
0x4: {  	s2 =	simm.s32 $0x0;
	s11 =	stileid.u32;
	s3 =	srdreg.scid  }
0x5: {  	s17 =	simm.s32 $0x0;
	[smem:$0x7FF] =	sst s2;
	s7 =	smul.u32 $0x2700, s11  }
0x6: {  	s4 =	sshll.u32 s11, $0xB;
	s8 =	sand.u32 $0x1, s3;
	s5 =	smul.u32 $0x4E000, s11  }
0x7: {  	s3 =	sadd.s32 $0x45A00, s6;
	s13 =	sadd.s32 $0x46000, s6;
	s29 =	sshll.u32 s11, $0x6  }
0x8: {  	s15 =	sadd.s32 $0x138000, s1;
	p0 =	sne.s32 s11, $0x0;
	_ =	strace $0x80000047  }
0x9: {  	s9 =	sadd.s32 s4, s6;
	s28 =	ssub.s32 $0x2, s8;
	s30 =	smul.u32 $0x138800, s8  }
0xa: {  	s16 =	smul.u32 $0x27100, s8;
	s8 =	sshll.u32 s8, $0xF;
	s10 =	sadd.s32 s7, s6  }
0xb: {  	s12 =	sshrl.u32 s28, $0x1;
	s5 =	sshrl.u32 s5, $0x2;
	s6 =	sadd.s32 $0x45800, s6  }
0xc: {  	s8 =	sadd.s32 s8, s9;
	s12 =	ssub.s32 s28, s12;
	s14 =	sadd.s32 s5, s1  }
0xd: {  	s4 =	sadd.s32 $0x1E800, s10;
	s5 =	sor.u32 $0x1C02, s29;
	s10 =	sshrl.u32 s30, $0x3  }
0xe: {  	s31 =	sadd.s32 s7, s16;
	s7 =	sadd.s32 $0xE800, s8;
	s16 =	simm.s32 $0x1  }
0xf: {  	s10 =	sadd.s32 s13, s10;
	s8 =	sadd.s32 s13, s31;
	s11 =	sshrl.u32 s14, $0x3  }
0x10: {  	s13 =	sshrl.u32 @!p0 s15, $0x3;
	s14 =	simm.s32 $0x4000;
	s15 =	simm.s32 $0x50  }
0x11: {  	s9 =	sadd.s32 $0x27000, s10;
	s10 =	smax.u32 s12, $0x1;
	s12 =	simm.s32 $0x2  }
.LBB2_1:
0x12: {  	[spmem:s11], [sflag:s5] =	dma.local [hbm:s4], $0x2700  }
0x13: {  	_ =	swait.ge [sflag:s12], $0x2700  }
0x14: {  	[sflag:s12] =	ssyncset.done $0x0  }
0x15: {  	s18 =	simm.s32 @!p0 $0x2;
	[sflag:s12] =	ssyncadd.s32 $0xFFFFD900  }
0x16: {  	[spmem:s13], [sflag:s5] =	dma.local @!p0 [hbm:s6], $0x100  }
0x17: {  	_ =	swait.ge @!p0 [sflag:s18], $0x100  }
0x18: {  	[sflag:s18] =	ssyncset.done @!p0 $0x0  }
0x19: {  	[sflag:s18] =	ssyncadd.s32 @!p0 $0xFFFFFF00  }
0x1a: {  	[tilespmem:s14], [sflag:$0x2] =	stream.linear.gather [hbm4b:s3+s2], $0x2800, $0x38;
	[tilespmem:$0x1A080] =	vst v63  }
0x1b: {  	_ =	swait.ge [sflag:s12], $0x2800  }
0x1c: {  	[sflag:s12] =	ssyncset.done $0x0  }
0x1d: {  	[sflag:s12] =	ssyncadd.s32 $0xFFFFD800  }
0x1e: {  	[tilespmem:s2], [sflag:$0x2] =	stream.linear.gather [hbm4b:s7+s2], $0x3E80, $0x38;
	[tilespmem:$0x1A080] =	vst v63  }
0x1f: {  	_ =	swait.ge [sflag:s12], $0x3E80  }
0x20: {  	[sflag:s12] =	ssyncset.done $0x0  }
0x21: {  	[sflag:s12] =	ssyncadd.s32 $0xFFFFC180  }
0x22: {  	s26 =	simm.s32 $0x0;
	[bflag:$0x0] =	sbarrier.arrive $0xFFFF  }
0x23: {  	[spmem:s1] =	stream.indirect.scatter.add.f32 [tilespmem:s14], [sflag:$0x1], $0x80, s26, s15, $0xb8;
	[tilespmem:$0x1A080] =	vst v63  }
0x24: {  	s28 =	simm.s32 $0x80  }
0x25: {  	[spmem:s1] =	stream.indirect.scatter.add.f32 [tilespmem:s14], [sflag:$0x1], $0x80, s28, s15, $0xb8;
	[tilespmem:$0x1A080] =	vst v63  }
0x26: {  	s29 =	simm.s32 $0x100  }
0x27: {  	[spmem:s1] =	stream.indirect.scatter.add.f32 [tilespmem:s14], [sflag:$0x1], $0x80, s29, s15, $0xb8;
	[tilespmem:$0x1A080] =	vst v63  }
0x28: {  	s30 =	simm.s32 $0x180  }
0x29: {  	[spmem:s1] =	stream.indirect.scatter.add.f32 [tilespmem:s14], [sflag:$0x1], $0x80, s30, s15, $0xb8;
	[tilespmem:$0x1A080] =	vst v63  }
0x2a: {  	s31 =	simm.s32 $0x200  }
0x2b: {  	[spmem:s1] =	stream.indirect.scatter.add.f32 [tilespmem:s14], [sflag:$0x1], $0x80, s31, s15, $0xb8;
	[tilespmem:$0x1A080] =	vst v63  }
0x2c: {  	_ =	swait.ge [sflag:s16], $0x2800  }
0x2d: {  	[sflag:s16] =	ssyncset.done $0x0  }
0x2e: {  	[sflag:s16] =	ssyncadd.s32 $0xFFFFD800  }
0x2f: {  	_ =	swait.ge [sflag:s16], $0x2800  }
0x30: {  	[sflag:s16] =	ssyncset.done $0x0  }
0x31: {  	[sflag:s16] =	ssyncadd.s32 $0xFFFFD800  }
0x32: {  	_ =	swait.ge [sflag:s16], $0x2800  }
0x33: {  	[sflag:s16] =	ssyncset.done $0x0  }
0x34: {  	[sflag:s16] =	ssyncadd.s32 $0xFFFFD800  }
0x35: {  	_ =	swait.ge [sflag:s16], $0x2800  }
0x36: {  	[sflag:s16] =	ssyncset.done $0x0  }
0x37: {  	[sflag:s16] =	ssyncadd.s32 $0xFFFFD800  }
0x38: {  	_ =	swait.ge [sflag:s16], $0x2800  }
0x39: {  	s19 =	simm.s32 $0x1400;
	s18 =	simm.s32 $0xA00;
	[sflag:s16] =	ssyncset.done $0x0  }
.LBB2_2:
0x3a: {  	s20 =	sshra.s32 s18, $0x2  }
0x3b: {  	[sflag:s16] =	ssyncadd.s32 $0xFFFFD800;
	s18 =	smov.u32 s19;
	s21 =	sadd.s32 $0xA00, s19  }
0x3c: {  	[spmem:s1] =	stream.indirect.scatter.add.f32 [tilespmem:s14], [sflag:$0x1], $0x80, s20, s15, $0xb8;
	[tilespmem:$0x1A080] =	vst v63  }
0x3d: {  	p1 =	sne.s32 s19, $0xF000;
	s19 =	sadd.s32 $0x80, s20  }
0x3e: {  	[spmem:s1] =	stream.indirect.scatter.add.f32 [tilespmem:s14], [sflag:$0x1], $0x80, s19, s15, $0xb8;
	[tilespmem:$0x1A080] =	vst v63  }
0x3f: {  	s19 =	sadd.s32 $0x100, s20  }
0x40: {  	[spmem:s1] =	stream.indirect.scatter.add.f32 [tilespmem:s14], [sflag:$0x1], $0x80, s19, s15, $0xb8;
	[tilespmem:$0x1A080] =	vst v63  }
0x41: {  	s19 =	sadd.s32 $0x180, s20  }
0x42: {  	[spmem:s1] =	stream.indirect.scatter.add.f32 [tilespmem:s14], [sflag:$0x1], $0x80, s19, s15, $0xb8;
	[tilespmem:$0x1A080] =	vst v63  }
0x43: {  	s19 =	sadd.s32 $0x200, s20  }
0x44: {  	[spmem:s1] =	stream.indirect.scatter.add.f32 [tilespmem:s14], [sflag:$0x1], $0x80, s19, s15, $0xb8;
	[tilespmem:$0x1A080] =	vst v63  }
0x45: {  	_ =	swait.ge [sflag:s16], $0x2800  }
0x46: {  	[sflag:s16] =	ssyncset.done $0x0  }
0x47: {  	[sflag:s16] =	ssyncadd.s32 $0xFFFFD800  }
0x48: {  	_ =	swait.ge [sflag:s16], $0x2800  }
0x49: {  	[sflag:s16] =	ssyncset.done $0x0  }
0x4a: {  	[sflag:s16] =	ssyncadd.s32 $0xFFFFD800  }
0x4b: {  	_ =	swait.ge [sflag:s16], $0x2800  }
0x4c: {  	[sflag:s16] =	ssyncset.done $0x0  }
0x4d: {  	[sflag:s16] =	ssyncadd.s32 $0xFFFFD800  }
.Ltmp0:
0x4e: {  	_ =	swait.ge [sflag:s16], $0x2800;
	(pc) =	sbr.rel @p1 .LBB2_2-.Ltmp0, $4  }
0x4f: {  	[sflag:s16] =	ssyncset.done $0x0  }
0x50: {  	[sflag:s16] =	ssyncadd.s32 $0xFFFFD800  }
0x51: {  	_ =	swait.ge [sflag:s16], $0x2800  }
0x52: {  	s19 =	smov.u32 s21;
	[sflag:s16] =	ssyncset.done $0x0  }
0x53: {  	s18 =	sshra.s32 s18, $0x2;
	[sflag:s16] =	ssyncadd.s32 $0xFFFFD800  }
0x54: {  	[spmem:s1] =	stream.indirect.scatter.add.f32 [tilespmem:s14], [sflag:$0x1], $0x80, s18, s15, $0xb8;
	[tilespmem:$0x1A080] =	vst v63  }
0x55: {  	s19 =	sadd.s32 $0x80, s18  }
0x56: {  	[spmem:s1] =	stream.indirect.scatter.add.f32 [tilespmem:s14], [sflag:$0x1], $0x80, s19, s15, $0xb8;
	[tilespmem:$0x1A080] =	vst v63  }
0x57: {  	s30 =	sadd.s32 $0x100, s18  }
0x58: {  	[spmem:s1] =	stream.indirect.scatter.add.f32 [tilespmem:s14], [sflag:$0x1], $0x80, s30, s15, $0xb8;
	[tilespmem:$0x1A080] =	vst v63  }
0x59: {  	s31 =	sadd.s32 $0x180, s18  }
0x5a: {  	[spmem:s1] =	stream.indirect.scatter.add.f32 [tilespmem:s14], [sflag:$0x1], $0x80, s31, s15, $0xb8;
	[tilespmem:$0x1A080] =	vst v63  }
0x5b: {  	s18 =	sadd.s32 $0x200, s18  }
0x5c: {  	[spmem:s1] =	stream.indirect.scatter.add.f32 [tilespmem:s14], [sflag:$0x1], $0x80, s18, s15, $0xb8;
	[tilespmem:$0x1A080] =	vst v63  }
0x5d: {  	_ =	swait.ge [sflag:s16], $0x2800  }
0x5e: {  	[sflag:s16] =	ssyncset.done $0x0  }
0x5f: {  	[sflag:s16] =	ssyncadd.s32 $0xFFFFD800  }
0x60: {  	_ =	swait.ge [sflag:s16], $0x2800  }
0x61: {  	[sflag:s16] =	ssyncset.done $0x0  }
0x62: {  	[sflag:s16] =	ssyncadd.s32 $0xFFFFD800  }
0x63: {  	_ =	swait.ge [sflag:s16], $0x2800  }
0x64: {  	[sflag:s16] =	ssyncset.done $0x0  }
0x65: {  	[sflag:s16] =	ssyncadd.s32 $0xFFFFD800  }
0x66: {  	_ =	swait.ge [sflag:s16], $0x2800  }
0x67: {  	[sflag:s16] =	ssyncset.done $0x0  }
0x68: {  	[sflag:s16] =	ssyncadd.s32 $0xFFFFD800  }
0x69: {  	_ =	swait.ge [sflag:s16], $0x2800  }
0x6a: {  	[sflag:s16] =	ssyncset.done $0x0  }
0x6b: {  	[sflag:s16] =	ssyncadd.s32 $0xFFFFD800  }
0x6c: {  	[bflag:$0x0] =	sbarrier.arrive $0xFFFF  }
0x6d: {  	[hbm:s8], [sflag:s5] =	dma.local [spmem:s11], $0x2700  }
0x6e: {  	s17 =	sadd.s32 $0x1, s17;
	_ =	swait.ge [sflag:s12], $0x2700  }
0x6f: {  	p1 =	sne.s32 s17, s10;
	[sflag:s12] =	ssyncset.done $0x0  }
.Ltmp1:
0x70: {  	s18 =	simm.s32 @!p0 $0x2;
	[sflag:s12] =	ssyncadd.s32 $0xFFFFD900;
	(pc) =	sbr.rel @p1 .LBB2_1-.Ltmp1, $4  }
0x71: {  	[hbm:s9], [sflag:s5] =	dma.local @!p0 [spmem:s13], $0x100  }
0x72: {  	_ =	swait.ge @!p0 [sflag:s18], $0x100  }
0x73: {  	[sflag:s18] =	ssyncset.done @!p0 $0x0  }
0x74: {  	[sflag:s18] =	ssyncadd.s32 @!p0 $0xFFFFFF00  }
0x75: {  	_ =	sfence.sel $0x180000  }
0x76: {  	[bflag:$0x0] =	sbarrier.arrive $0xFFFF  }
0x77: {  	_ =	strace $0x90000047  }
0x78: {  	s0 =	sadd.s32 @!p0 $0x100000, s0;
	[bflag:$0x2] =	sbarrier.arrive $0xFFFF  }
0x79: {  	[sflag:s0] =	ssyncadd.tile.s32 @!p0 $0x1;
	_ =	shalt  }
.Lfunc_end2:
_tile_overlayer_lowered:
.L_overlay_start_2:
0x7a: {  	(tag) =	ssettag $0x2  }
0x7b: {  	s0 =	rddreg [dreg:$0x0];
	s2 =	stileid.u32  }
0x7c: {  	s1 =	rddreg [dreg:$0x1];
	p0 =	sne.s32 s2, $0x0  }
0x7d: {  	s3 =	rddreg [dreg:$0x2];
	[bflag:$0x3] =	sbarrier.arrive $0xFFFF;
	s2 =	simm.s32 @!p0 $0x1C02  }
0x7e: {  	[timem:s3], [sflag:s2] =	dma.local @!p0 [hbm:s0], s1  }
0x7f: {  	s0 =	simm.s32 @!p0 $0x2  }
0x80: {  	_ =	swait.ge @!p0 [sflag:s0], s1  }
0x81: {  	s1 =	ssub.s32 @!p0 $0x0, s1;
	[sflag:s0] =	ssyncset.done @!p0 $0x0  }
0x82: {  	[sflag:s0] =	ssyncadd.s32 @!p0 s1  }
0x83: {  	[bflag:$0x3] =	sbarrier.arrive $0xFFFF  }
0x84: {  	_ =	shalt  }

// kernel: kernel.13.cloned.1.call-start
scs
__scs_entry_jumppad:
0x0: {  	(pc) =	sbr.rel $0x88, $3  }
0x1: {  	(tag) =	ssettag $0x0;
	lr =	simm.s32 $0x1  }
0x2: {  	[smem:$0x3F88] =	sst lr;
	_ =	strace $0xD0000000  }
0x3: {  	_ = 	snop  }
0x4: {  	_ = 	snop  }
0x5: {  	_ = 	snop  }
0x6: {  	_ = 	snop  }
0x7: {  	_ = 	snop  }
__scs_overlays_trampoline_lowered:
0x8: {  	[smem:$0x3F97] =	sst s0  }
0x9: {  	[smem:$0x3F98] =	sst s1  }
0xa: {  	[smem:$0x3F99] =	sst s2  }
0xb: {  	[smem:$0x3F9A] =	sst s3  }
0xc: {  	[smem:$0x3F9B] =	sst s4  }
0xd: {  	[smem:$0x3F9C] =	sst s5  }
0xe: {  	[smem:$0x3F9D] =	sst s6  }
0xf: {  	[smem:$0x3F9E] =	sst s7  }
0x10: {  	[smem:$0x3F9F] =	sst s8  }
0x11: {  	[smem:$0x3FA0] =	sst s9;
	s0 =	simm.s32 @!p0 $0x0  }
0x12: {  	s1 =	sld [smem:$0x3F86];
	s0 =	simm.s32 @p0 $0x1  }
0x13: {  	[smem:$0x3FA1] =	sst s0;
	s0 =	simm.s32 @!p1 $0x0  }
0x14: {  	s2 =	sld [smem:$0x3F85];
	s0 =	simm.s32 @p1 $0x1  }
0x15: {  	[smem:$0x3FA2] =	sst s0;
	s0 =	simm.s32 @!p2 $0x0  }
0x16: {  	s3 =	sld [smem:$0x3FDB];
	s0 =	simm.s32 @p2 $0x1  }
0x17: {  	s4 =	simm.s32 $0x1BF5;
	[smem:$0x3FA4] =	sst s0  }
0x18: {  	s0 =	sld [smem:$0x3F87];
	_ =	swait.ge [sflag:s4], $0x0  }
0x19: {  	s7 =	sld [smem:$0x3F88]  }
0x1a: {  	s8 =	sadd.s32 $0xFFFFE003, lr  }
0x1b: {  	s9 =	sadd.s32 $0xFFFFFEF7, lr;
	s5 =	simm.s32 $0xFFFFFFFF;
	p2 =	slt.u32 s8, $0xFFFFF086  }
0x1c: {  	p1 =	slt.u32 s9, $0xF7A;
	s5 =	simm.s32 @!p2 $0x0  }
0x1d: {  	s5 =	simm.s32 @p1 $0x1;
	p0 =	seq.s32 s7, s2  }
0x1e: {  	s7 =	smul.u32 @!p0 $0xF7A, s2;
	p2 =	seq.s32 @!p0 s5, $0x0  }
0x1f: {  	s9 =	smul.u32 $0xF7A, s1;
	s8 =	simm.s32 @!p0 $0x1BF5;
	p2 =	por !p2, p0  }
0x20: {  	[sflag:s8] =	ssyncset.s32 @!p0 $0xFFFFF086;
	s6 =	sadd.s32 @!p0 s3, s7;
	s7 =	simm.s32 @!p0 $0x108  }
0x21: {  	s3 =	sadd.s32 s3, s9;
	s6 =	sadd.s32 @!p0 $0x88, s6;
	s7 =	simm.s32 @p2 $0x1082  }
0x22: {  	[simem:s7], [sflag:s8] =	dma.local @!p0 [hbm:s6], $0xF7A  }
0x23: {  	s9 =	sor.u32 $0xD0000000, s2;
	s6 =	simm.s32 $0x108;
	_ =	swait.ge @!p0 [sflag:s8], $0x0  }
0x24: {  	s3 =	sadd.s32 $0x88, s3;
	s6 =	simm.s32 @!p1 $0x1082;
	[sflag:s4] =	ssyncset.s32 $0xFFFFF086  }
0x25: {  	[simem:s6], [sflag:s4] =	dma.local [hbm:s3], $0xF7A  }
0x26: {  	[smem:$0x3F88] =	sst s1;
	(tag) =	ssettag s2;
	_ =	strace s9  }
0x27: {  	s1 =	sld [smem:$0x3F98]  }
0x28: {  	s2 =	sld [smem:$0x3F99]  }
0x29: {  	s4 =	sld [smem:$0x3F9B]  }
0x2a: {  	p0 =	seq.s32 s5, $0x0;
	s5 =	sld [smem:$0x3F9C]  }
0x2b: {  	s6 =	sld [smem:$0x3F9D]  }
0x2c: {  	s7 =	sld [smem:$0x3F9E]  }
0x2d: {  	s3 =	simm.s32 $0x108;
	s8 =	sld [smem:$0x3F9F]  }
0x2e: {  	s3 =	simm.s32 @!p0 $0x1082;
	s9 =	sld [smem:$0x3FA0]  }
0x2f: {  	lr =	sadd.s32 s0, s3;
	s0 =	sld [smem:$0x3F97]  }
0x30: {  	s3 =	sld [smem:$0x3F9A]  }
0x31: {  	[smem:$0x3FA3] =	sst s10  }
0x32: {  	s10 =	sld [smem:$0x3FA1];
	_ =	sdelay $0x3  }
0x33: {  	p0 =	seq.s32 s10, $0x1;
	s10 =	sld [smem:$0x3FA3];
	_ =	sdelay $0x3  }
0x34: {  	[smem:$0x3FA3] =	sst s10  }
0x35: {  	s10 =	sld [smem:$0x3FA2];
	_ =	sdelay $0x3  }
0x36: {  	p1 =	seq.s32 s10, $0x1;
	s10 =	sld [smem:$0x3FA3];
	_ =	sdelay $0x3  }
0x37: {  	[smem:$0x3FA3] =	sst s10  }
0x38: {  	s10 =	sld [smem:$0x3FA4]  }
0x39: {  	_ = 	snop;
	(pc) =	sbr.ind lr, $3  }
0x3a: {  	_ = 	snop  }
0x3b: {  	_ = 	snop  }
0x3c: {  	p2 =	seq.s32 s10, $0x1;
	s10 =	sld [smem:$0x3FA3]  }
0x3d: {  	_ =	shalt  }
0x3e: {  	_ =	shalt  }
0x3f: {  	_ =	shalt  }
0x40: {  	_ =	shalt  }
0x41: {  	_ =	shalt  }
0x42: {  	_ =	shalt  }
0x43: {  	_ =	shalt  }
0x44: {  	_ =	shalt  }
0x45: {  	_ =	shalt  }
0x46: {  	_ =	shalt  }
0x47: {  	_ =	shalt  }
0x48: {  	_ =	shalt  }
0x49: {  	_ =	shalt  }
0x4a: {  	_ =	shalt  }
0x4b: {  	_ =	shalt  }
0x4c: {  	_ =	shalt  }
0x4d: {  	_ =	shalt  }
0x4e: {  	_ =	shalt  }
0x4f: {  	_ =	shalt  }
0x50: {  	_ =	shalt  }
0x51: {  	_ =	shalt  }
0x52: {  	_ =	shalt  }
0x53: {  	_ =	shalt  }
0x54: {  	_ =	shalt  }
0x55: {  	_ =	shalt  }
0x56: {  	_ =	shalt  }
0x57: {  	_ =	shalt  }
0x58: {  	_ =	shalt  }
0x59: {  	_ =	shalt  }
0x5a: {  	_ =	shalt  }
0x5b: {  	_ =	shalt  }
0x5c: {  	_ =	shalt  }
0x5d: {  	_ =	shalt  }
0x5e: {  	_ =	shalt  }
0x5f: {  	_ =	shalt  }
0x60: {  	_ =	shalt  }
0x61: {  	_ =	shalt  }
0x62: {  	_ =	shalt  }
0x63: {  	_ =	shalt  }
0x64: {  	_ =	shalt  }
0x65: {  	_ =	shalt  }
0x66: {  	_ =	shalt  }
0x67: {  	_ =	shalt  }
0x68: {  	_ =	shalt  }
0x69: {  	_ =	shalt  }
0x6a: {  	_ =	shalt  }
0x6b: {  	_ =	shalt  }
0x6c: {  	_ =	shalt  }
0x6d: {  	_ =	shalt  }
0x6e: {  	_ =	shalt  }
0x6f: {  	_ =	shalt  }
0x70: {  	_ =	shalt  }
0x71: {  	_ =	shalt  }
0x72: {  	_ =	shalt  }
0x73: {  	_ =	shalt  }
0x74: {  	_ =	shalt  }
0x75: {  	_ =	shalt  }
0x76: {  	_ =	shalt  }
0x77: {  	_ =	shalt  }
0x78: {  	_ =	shalt  }
0x79: {  	_ =	shalt  }
0x7a: {  	_ =	shalt  }
0x7b: {  	_ =	shalt  }
0x7c: {  	_ =	shalt  }
0x7d: {  	_ =	shalt  }
0x7e: {  	_ =	shalt  }
0x7f: {  	_ =	shalt  }
0x80: {  	_ =	shalt  }
0x81: {  	_ =	shalt  }
0x82: {  	_ =	shalt  }
0x83: {  	_ =	shalt  }
0x84: {  	_ =	shalt  }
0x85: {  	_ =	shalt  }
0x86: {  	_ =	shalt  }
0x87: {  	_ =	shalt  }
.Lfunc_end0:
.L_simem_size_0:
called_computation.1_lowered:
.L_overlay_start_0:
0x88: {  	s2 =	sld [smem:$0x3FD9]  }
0x89: {  	s3 =	sld [smem:$0x3FFE];
	_ =	sdelay $0x1  }
0x8a: {  	s1 =	srdreg.scid  }
0x8b: {  	s0 =	sand.u32 $0x1, s1  }
0x8c: {  	s16 =	sshll.u32 s0, $0xA;
	s2 =	sadd.s32 s3, s2  }
0x8d: {  	s2 =	sadd.s32 s2, s16  }
0x8e: {  	[smem:$0x3FAF] =	sst s2  }
0x8f: {  	_ = 	snop  }
0x90: {  	(tm) =	ssettm $0x1  }
0x91: {  	s17 =	sld [smem:$0x3FFB];
	_ =	sdelay $0x3  }
0x92: {  	_ =	strace s17  }
0x93: {  	s2 =	sld [smem:$0x3FFC];
	_ =	sdelay $0x3  }
0x94: {  	_ =	strace s2  }
0x95: {  	s2 =	sld [smem:$0x3FFD];
	_ =	sdelay $0x3  }
0x96: {  	_ =	strace s2  }
0x97: {  	_ =	strace $0x8FFFFFFF  }
0x98: {  	s18 =	sld [smem:$0x3FDB];
	_ =	sdelay $0x1  }
0x99: {  	s19 =	simm.s32 $_scs_section_size  }
0x9a: {  	s4 =	simm.s32 $_size__tile_overlayer_lowered;
	s5 =	simm.s32 $_tile_overlayer_lowered  }
0x9b: {  	s22 =	simm.s32 $0x1BFF;
	s21 =	sshll.u32 s5, $0x1;
	s2 =	sadd.s32 s19, s18  }
0x9c: {  	s6 =	simm.s32 $0x0;
	s20 =	sshll.u32 s4, $0x1;
	s4 =	sadd.s32 s21, s2  }
0x9d: {  	[timem:s6], [sflag:s22] =	dma.local [hbm:s4], s20  }
0x9e: {  	_ =	swait.ge [sflag:s22], s20  }
0x9f: {  	s3 =	ssub.s32 $0x0, s20;
	[sflag:s22] =	ssyncset.done $0x0  }
0xa0: {  	[sflag:s22] =	ssyncadd.s32 s3;
	_ =	sdelay $0x1  }
0xa1: {  	s23 =	simm.s32 $0x1B8B  }
0xa2: {  	_ =	swait.ge [sflag:s23], $0x1  }
0xa3: {  	[sflag:s23] =	ssyncset.done $0x0  }
0xa4: {  	s25 =	simm.s32 $0x1B8E;
	s24 =	sld [smem:$0x3FFE];
	[sflag:s23] =	ssyncadd.s32 $0xFFFFFFFF  }
0xa5: {  	s26 =	simm.s32 $execute0_lowered;
	[smem:$0x3FD2] =	sst s25  }
0xa6: {  	s4 =	sshll.u32 s26, $0x1;
	_ =	strace $0x80000049;
	[dreg:$0x1] =	wrdreg $0xFFFFFFFF  }
0xa7: {  	s28 =	simm.s32 $_size_execute0_lowered;
	s2 =	sadd.s32 s2, s4;
	[dreg:$0x0] =	wrdreg $0x0  }
0xa8: {  	s4 =	sshll.u32 s28, $0x1;
	[dreg:$0x2] =	wrdreg s2  }
0xa9: {  	[dreg:$0x3] =	wrdreg s4  }
0xaa: {  	[dreg:$0x4] =	wrdreg $0xC0  }
0xab: {  	_ =	task [dreg:s6], $0x5FFFF  }
0xac: {  	[dreg:$0x1] =	wrdreg $0xFFFFFFFF  }
0xad: {  	[dreg:$0x0] =	wrdreg $0x60  }
0xae: {  	[dreg:$0x2] =	wrdreg s24  }
0xaf: {  	[dreg:$0x3] =	wrdreg $0xB7800  }
0xb0: {  	[dreg:$0x4] =	wrdreg $0x9  }
0xb1: {  	_ =	task.clear_ibuf [dreg:s6], $0x5FFFF;
	_ =	strace $0x90000049  }
0xb2: {  	s29 =	simm.s32 $0x9;
	_ =	strace $0x8000004B  }
0xb3: {  	_ =	swait.ge [sflag:s29], $0x1  }
0xb4: {  	[sflag:s29] =	ssyncadd.s32 $0xFFFFFFFF  }
0xb5: {  	_ =	strace $0x9000004B  }
0xb6: {  	_ =	sfence  }
0xb7: {  	s30 =	sld [smem:$0x0];
	_ =	sdelay $0x2  }
0xb8: {  	s31 =	sshll.u32 s1, $0xD;
	s1 =	sshrl.u32 s1, $0x2  }
0xb9: {  	s3 =	sand.u32 $0x4000, s31;
	s1 =	sadd.s32 s1, s30  }
0xba: {  	s0 =	sor.u32 s3, s0;
	s1 =	sshll.u32 s1, $0x11  }
0xbb: {  	s0 =	sor.u32 s1, s0  }
0xbc: {  	s0 =	sadd.s32 $0x8F2B, s0  }
0xbd: {  	[sflag:s0] =	ssyncadd.remote.s32 $0x1  }
0xbe: {  	_ =	sfence.sel $0xFFFF  }
0xbf: {  	[dreg:$0x0] =	wrdreg $0xFFFFFFFF;
	(pc) =	sbr.abs _section_cstart, $3  }
0xc0: {  	[dreg:$0x1] =	wrdreg $0xFFFFFFFF  }
0xc1: {  	_ =	task.clear_ibuf [dreg:s6], $0x2FFFF;
	_ =	strace $0x9FFFFFFF  }
0xc2: {  	(tm) =	ssettm $0x7FFFFFFF  }
0xc3: {  	_ =	shalt  }
tec
execute0_lowered:
.L_overlay_start_1:
0x0: {  	(tag) =	ssettag $0x1  }
0x1: {  	s0 =	srdreg.scid;
	s2 =	rddreg [dreg:$0x0]  }
0x2: {  	s1 =	rddreg [dreg:$0x1];
	s19 =	stileid.u32  }
0x3: {  	s3 =	simm.s32 $0x0;
	s20 =	simm.s32 $0x5;
	s22 =	simm.s32 $0x50  }
0x4: {  	s23 =	simm.s32 $0x8F80;
	s24 =	simm.s32 $0x1;
	s25 =	simm.s32 $0x2  }
0x5: {  	s26 =	simm.s32 $0x3;
	s28 =	simm.s32 $0x4;
	s31 =	simm.s32 $0x26C0  }
0x6: {  	s0 =	sand.u32 $0x1, s0;
	[smem:$0x7FF] =	sst s3;
	s7 =	smul.u32 $0x4E000, s19  }
0x7: {  	s16 =	smul.u32 $0x2700, s19;
	s13 =	sadd.s32 $0x138000, s1;
	p0 =	sne.s32 s19, $0x0  }
0x8: {  	s4 =	sshll.u32 s0, $0x4;
	_ =	strace $0x8000004A;
	s17 =	smul.u32 $0x138800, s0  }
0x9: {  	s29 =	ssub.s32 $0x2, s0;
	s0 =	smul.u32 $0x27100, s0;
	s5 =	sor.u32 s19, s4  }
0xa: {  	s4 =	sadd.s32 $0x1E800, s2;
	s30 =	sshrl.u32 s29, $0x1;
	s7 =	sshrl.u32 s7, $0x2  }
0xb: {  	s19 =	simm.s32 $0x6780;
	s6 =	smul.u32 $0x4E2, s5;
	s5 =	sshll.u32 s5, $0xB  }
0xc: {  	s18 =	ssub.s32 s29, s30;
	s17 =	sshrl.u32 s17, $0x3;
	s0 =	sadd.s32 s16, s0  }
0xd: {  	s15 =	sadd.s32 s5, s2;
	s5 =	sadd.s32 s7, s1;
	s18 =	smax.u32 s18, $0x1  }
0xe: {  	s14 =	sadd.s32 s6, s2;
	s2 =	sadd.s32 $0x94200, s2;
	s6 =	sadd.s32 $0x2800, s5  }
0xf: {  	s7 =	sadd.s32 $0x5000, s5;
	s8 =	sadd.s32 $0x7800, s5;
	s9 =	sadd.s32 $0xA000, s5  }
0x10: {  	s10 =	sadd.s32 $0xC800, s5;
	s11 =	sadd.s32 $0xF000, s5;
	s12 =	sadd.s32 $0x11800, s5  }
0x11: {  	s15 =	sadd.s32 $0xE800, s15;
	s14 =	sadd.s32 $0x4A00, s14;
	s17 =	sadd.s32 s2, s17  }
0x12: {  	v0 =	vimm.f32 $0.0e+00;
	s16 =	sadd.s32 s2, s0;
	s0 =	simm.s32 $0x6580;
	s17 =	sadd.s32 $0x27000, s17  }
.LBB2_1:
0x13: {  	s2 =	simm.s32 $0x0;
	s21 =	simm.s32 $0x200  }
.LBB2_2:
0x14: {  	p1 =	sne.s32 s21, $0x9E00;
	[tilespmem:s2+$0x67F0] =	vst v0  }
0x15: {  	[tilespmem:s2+$0x6780] =	vst v0  }
0x16: {  	[tilespmem:s2+$0x6790] =	vst v0  }
.Ltmp0:
0x17: {  	[tilespmem:s2+$0x67A0] =	vst v0;
	(pc) =	sbr.rel @p1 .LBB2_2-.Ltmp0, $4  }
0x18: {  	[tilespmem:s2+$0x67B0] =	vst v0  }
0x19: {  	[tilespmem:s2+$0x67C0] =	vst v0  }
0x1a: {  	[tilespmem:s2+$0x67D0] =	vst v0  }
0x1b: {  	[tilespmem:s2+$0x67E0] =	vst v0;
	s2 =	sshra.s32 s21, $0x2;
	s21 =	sadd.s32 $0x200, s21  }
0x1c: {  	[tilespmem:s2+$0x67F0] =	vst v0  }
0x1d: {  	[tilespmem:s2+$0x6780] =	vst v0  }
0x1e: {  	[tilespmem:s2+$0x6790] =	vst v0  }
0x1f: {  	[tilespmem:s2+$0x67A0] =	vst v0  }
0x20: {  	[tilespmem:s2+$0x67B0] =	vst v0  }
0x21: {  	[tilespmem:s2+$0x67C0] =	vst v0  }
0x22: {  	[tilespmem:s2+$0x67D0] =	vst v0  }
0x23: {  	[tilespmem:s2+$0x67E0] =	vst v0  }
0x24: {  	[spmem:s5] =	stream.linear.scatter [tilespmem:s19], [sflag:$0x5], $0x2800, $0x38;
	[tilespmem:$0x1F000] =	vst v63  }
0x25: {  	_ =	swait.ge [sflag:s20], $0x2800  }
0x26: {  	[sflag:s20] =	ssyncset.done $0x0  }
0x27: {  	[sflag:s20] =	ssyncadd.s32 $0xFFFFD800  }
0x28: {  	[spmem:s6] =	stream.linear.scatter [tilespmem:s19], [sflag:$0x5], $0x2800, $0x38;
	[tilespmem:$0x1F000] =	vst v63  }
0x29: {  	_ =	swait.ge [sflag:s20], $0x2800  }
0x2a: {  	[sflag:s20] =	ssyncset.done $0x0  }
0x2b: {  	[sflag:s20] =	ssyncadd.s32 $0xFFFFD800  }
0x2c: {  	[spmem:s7] =	stream.linear.scatter [tilespmem:s19], [sflag:$0x5], $0x2800, $0x38;
	[tilespmem:$0x1F000] =	vst v63  }
0x2d: {  	_ =	swait.ge [sflag:s20], $0x2800  }
0x2e: {  	[sflag:s20] =	ssyncset.done $0x0  }
0x2f: {  	[sflag:s20] =	ssyncadd.s32 $0xFFFFD800  }
0x30: {  	[spmem:s8] =	stream.linear.scatter [tilespmem:s19], [sflag:$0x5], $0x2800, $0x38;
	[tilespmem:$0x1F000] =	vst v63  }
0x31: {  	_ =	swait.ge [sflag:s20], $0x2800  }
0x32: {  	[sflag:s20] =	ssyncset.done $0x0  }
0x33: {  	[sflag:s20] =	ssyncadd.s32 $0xFFFFD800  }
0x34: {  	[spmem:s9] =	stream.linear.scatter [tilespmem:s19], [sflag:$0x5], $0x2800, $0x38;
	[tilespmem:$0x1F000] =	vst v63  }
0x35: {  	_ =	swait.ge [sflag:s20], $0x2800  }
0x36: {  	[sflag:s20] =	ssyncset.done $0x0  }
0x37: {  	[sflag:s20] =	ssyncadd.s32 $0xFFFFD800  }
0x38: {  	[spmem:s10] =	stream.linear.scatter [tilespmem:s19], [sflag:$0x5], $0x2800, $0x38;
	[tilespmem:$0x1F000] =	vst v63  }
0x39: {  	_ =	swait.ge [sflag:s20], $0x2800  }
0x3a: {  	[sflag:s20] =	ssyncset.done $0x0  }
0x3b: {  	[sflag:s20] =	ssyncadd.s32 $0xFFFFD800  }
0x3c: {  	[spmem:s11] =	stream.linear.scatter [tilespmem:s19], [sflag:$0x5], $0x2800, $0x38;
	[tilespmem:$0x1F000] =	vst v63  }
0x3d: {  	_ =	swait.ge [sflag:s20], $0x2800  }
0x3e: {  	[sflag:s20] =	ssyncset.done $0x0  }
0x3f: {  	[sflag:s20] =	ssyncadd.s32 $0xFFFFD800  }
0x40: {  	[spmem:s12] =	stream.linear.scatter [tilespmem:s19], [sflag:$0x5], $0x2000, $0x38;
	[tilespmem:$0x1F000] =	vst v63  }
0x41: {  	_ =	swait.ge [sflag:s20], $0x2000  }
0x42: {  	[sflag:s20] =	ssyncset.done $0x0  }
0x43: {  	s2 =	simm.s32 @!p0 $0x6780;
	[sflag:s20] =	ssyncadd.s32 $0xFFFFE000  }
0x44: {  	[spmem:s13] =	stream.linear.scatter @!p0 [tilespmem:s2], [sflag:$0x5], $0x800, $0x38;
	[tilespmem:$0x1F000] =	vst v63  }
0x45: {  	s2 =	simm.s32 @!p0 $0x5  }
0x46: {  	_ =	swait.ge @!p0 [sflag:s2], $0x800  }
0x47: {  	[sflag:s2] =	ssyncset.done @!p0 $0x0  }
0x48: {  	s30 =	simm.s32 $0x0;
	[sflag:s2] =	ssyncadd.s32 @!p0 $0xFFFFF800  }
0x49: {  	[tilespmem:s30], [sflag:$0x5] =	stream.linear.gather [hbm4b:s14+s30], $0x2710, $0x38;
	[tilespmem:$0x1F000] =	vst v63  }
0x4a: {  	_ =	swait.ge [sflag:s20], $0x2710  }
0x4b: {  	[sflag:s20] =	ssyncset.done $0x0  }
0x4c: {  	s21 =	simm.s32 $0x2780;
	[sflag:s20] =	ssyncadd.s32 $0xFFFFD8F0  }
0x4d: {  	[tilespmem:s21], [sflag:$0x5] =	stream.linear.gather [hbm4b:s15+s30], $0x3E80, $0x38;
	[tilespmem:$0x1F000] =	vst v63  }
0x4e: {  	_ =	swait.ge [sflag:s20], $0x3E80  }
0x4f: {  	[sflag:s20] =	ssyncset.done $0x0  }
0x50: {  	[sflag:s20] =	ssyncadd.s32 $0xFFFFC180  }
0x51: {  	[bflag:$0x0] =	sbarrier.arrive $0xFFFF  }
0x52: {  	[tilespmem:s19], [sflag:$0x1] =	stream.indirect.gather [hbm4b:s4+s22], $0x80, s30, s22, $0xb8;
	[tilespmem:$0x1F000] =	vst v63  }
0x53: {  	_ = 	snop  }
0x54: {  	[tilespmem:s23], [sflag:$0x2] =	stream.indirect.gather [hbm4b:s4+s22], $0x80, s22, s22, $0xb8;
	[tilespmem:$0x1F000] =	vst v63  }
0x55: {  	_ =	swait.ge [sflag:s24], $0x2800  }
0x56: {  	[sflag:s24] =	ssyncset.done $0x0  }
0x57: {  	s30 =	simm.s32 $0x2780;
	[sflag:s24] =	ssyncadd.s32 $0xFFFFD800  }
0x58: {  	[spmem:s1] =	stream.indirect.scatter.add.f32 [tilespmem:s19], [sflag:$0x3], $0x80, s30, s22, $0xb8;
	[tilespmem:$0x1F000] =	vst v63  }
0x59: {  	_ =	swait.ge [sflag:s25], $0x2800  }
0x5a: {  	[sflag:s25] =	ssyncset.done $0x0  }
0x5b: {  	s21 =	simm.s32 $0x2800;
	[sflag:s25] =	ssyncadd.s32 $0xFFFFD800  }
0x5c: {  	[spmem:s1] =	stream.indirect.scatter.add.f32 [tilespmem:s23], [sflag:$0x4], $0x80, s21, s22, $0xb8;
	[tilespmem:$0x1F000] =	vst v63  }
0x5d: {  	_ =	swait.ge [sflag:s26], $0x2800  }
0x5e: {  	[sflag:s26] =	ssyncset.done $0x0  }
0x5f: {  	s30 =	simm.s32 $0xA0;
	[sflag:s26] =	ssyncadd.s32 $0xFFFFD800  }
0x60: {  	[tilespmem:s19], [sflag:$0x1] =	stream.indirect.gather [hbm4b:s4+s22], $0x80, s30, s22, $0xb8;
	[tilespmem:$0x1F000] =	vst v63  }
0x61: {  	_ =	swait.ge [sflag:s28], $0x2800  }
0x62: {  	s29 =	simm.s32 $0xF0;
	[sflag:s28] =	ssyncset.done $0x0  }
0x63: {  	s2 =	simm.s32 $0x400;
	s21 =	simm.s32 $0x140;
	[sflag:s28] =	ssyncadd.s32 $0xFFFFD800  }
.LBB2_4:
0x64: {  	[tilespmem:s23], [sflag:$0x2] =	stream.indirect.gather [hbm4b:s4+s22], $0x80, s29, s22, $0xb8;
	[tilespmem:$0x1F000] =	vst v63  }
0x65: {  	s29 =	smov.u32 s2  }
0x66: {  	p1 =	sne.s32 s2, $0xF000;
	s2 =	sadd.s32 $0x400, s2;
	_ =	swait.ge [sflag:s24], $0x2800  }
0x67: {  	s29 =	sshra.s32 s29, $0x2;
	[sflag:s24] =	ssyncset.done $0x0  }
0x68: {  	s30 =	sadd.s32 $0x2780, s29;
	[sflag:s24] =	ssyncadd.s32 $0xFFFFD800  }
0x69: {  	[spmem:s1] =	stream.indirect.scatter.add.f32 [tilespmem:s19], [sflag:$0x3], $0x80, s30, s22, $0xb8;
	[tilespmem:$0x1F000] =	vst v63  }
0x6a: {  	_ =	swait.ge [sflag:s25], $0x2800  }
0x6b: {  	[sflag:s25] =	ssyncset.done $0x0  }
0x6c: {  	s29 =	sadd.s32 $0x2800, s29;
	[sflag:s25] =	ssyncadd.s32 $0xFFFFD800  }
0x6d: {  	[spmem:s1] =	stream.indirect.scatter.add.f32 [tilespmem:s23], [sflag:$0x4], $0x80, s29, s22, $0xb8;
	[tilespmem:$0x1F000] =	vst v63  }
0x6e: {  	_ =	swait.ge [sflag:s26], $0x2800  }
0x6f: {  	[sflag:s26] =	ssyncset.done $0x0  }
.Ltmp1:
0x70: {  	[sflag:s26] =	ssyncadd.s32 $0xFFFFD800;
	(pc) =	sbr.rel @p1 .LBB2_4-.Ltmp1, $4  }
0x71: {  	[tilespmem:s19], [sflag:$0x1] =	stream.indirect.gather [hbm4b:s4+s22], $0x80, s21, s22, $0xb8;
	[tilespmem:$0x1F000] =	vst v63  }
0x72: {  	_ =	swait.ge [sflag:s28], $0x2800  }
0x73: {  	[sflag:s28] =	ssyncset.done $0x0  }
0x74: {  	s29 =	sadd.s32 $0x50, s21;
	s21 =	sadd.s32 $0xA0, s21;
	[sflag:s28] =	ssyncadd.s32 $0xFFFFD800  }
0x75: {  	[tilespmem:s23], [sflag:$0x2] =	stream.indirect.gather [hbm4b:s4+s22], $0x80, s29, s22, $0xb8;
	[tilespmem:$0x1F000] =	vst v63  }
0x76: {  	_ =	swait.ge [sflag:s24], $0x2800  }
0x77: {  	[sflag:s24] =	ssyncset.done $0x0  }
0x78: {  	s2 =	simm.s32 $0x6480;
	[sflag:s24] =	ssyncadd.s32 $0xFFFFD800  }
0x79: {  	[spmem:s1] =	stream.indirect.scatter.add.f32 [tilespmem:s19], [sflag:$0x3], $0x80, s2, s22, $0xb8;
	[tilespmem:$0x1F000] =	vst v63  }
0x7a: {  	_ =	swait.ge [sflag:s25], $0x2800  }
0x7b: {  	[sflag:s25] =	ssyncset.done $0x0  }
0x7c: {  	s29 =	simm.s32 $0x6500;
	[sflag:s25] =	ssyncadd.s32 $0xFFFFD800  }
0x7d: {  	[spmem:s1] =	stream.indirect.scatter.add.f32 [tilespmem:s23], [sflag:$0x4], $0x80, s29, s22, $0xb8;
	[tilespmem:$0x1F000] =	vst v63  }
0x7e: {  	_ =	swait.ge [sflag:s26], $0x2800  }
0x7f: {  	[sflag:s26] =	ssyncset.done $0x0  }
0x80: {  	[sflag:s26] =	ssyncadd.s32 $0xFFFFD800  }
0x81: {  	[tilespmem:s19], [sflag:$0x1] =	stream.indirect.gather [hbm4b:s4+s22], $0x80, s31, s22, $0xb8;
	[tilespmem:$0x1F000] =	vst v63  }
0x82: {  	_ =	swait.ge [sflag:s28], $0x2800  }
0x83: {  	[sflag:s28] =	ssyncset.done $0x0  }
0x84: {  	[sflag:s28] =	ssyncadd.s32 $0xFFFFD800  }
0x85: {  	_ =	swait.ge [sflag:s24], $0x2800  }
0x86: {  	[sflag:s24] =	ssyncset.done $0x0  }
0x87: {  	[sflag:s24] =	ssyncadd.s32 $0xFFFFD800  }
0x88: {  	[spmem:s1] =	stream.indirect.scatter.add.f32 [tilespmem:s19], [sflag:$0x5], $0x80, s0, s22, $0xb8;
	[tilespmem:$0x1F000] =	vst v63  }
0x89: {  	_ =	swait.ge [sflag:s20], $0x2800  }
0x8a: {  	s30 =	stileid.u32;
	[sflag:s20] =	ssyncset.done $0x0  }
0x8b: {  	s2 =	sshll.u32 s30, $0x6;
	[sflag:s20] =	ssyncadd.s32 $0xFFFFD800  }
0x8c: {  	s21 =	sshrl.u32 s5, $0x3;
	s2 =	sor.u32 $0x1C05, s2;
	[bflag:$0x0] =	sbarrier.arrive $0xFFFF  }
0x8d: {  	[hbm:s16], [sflag:s2] =	dma.local [spmem:s21], $0x2700  }
0x8e: {  	_ =	swait.ge [sflag:s20], $0x2700  }
0x8f: {  	s3 =	sadd.s32 $0x1, s3;
	[sflag:s20] =	ssyncset.done $0x0  }
0x90: {  	p1 =	sne.s32 s3, s18;
	s21 =	sshrl.u32 @!p0 s13, $0x3;
	[sflag:s20] =	ssyncadd.s32 $0xFFFFD900  }
0x91: {  	[hbm:s17], [sflag:s2] =	dma.local @!p0 [spmem:s21], $0x100  }
.Ltmp2:
0x92: {  	_ = 	snop;
	(pc) =	sbr.rel @p1 .LBB2_1-.Ltmp2, $4  }
0x93: {  	s2 =	simm.s32 @!p0 $0x5  }
0x94: {  	_ =	swait.ge @!p0 [sflag:s2], $0x100  }
0x95: {  	[sflag:s2] =	ssyncset.done @!p0 $0x0  }
0x96: {  	[sflag:s2] =	ssyncadd.s32 @!p0 $0xFFFFFF00  }
0x97: {  	_ =	sfence.sel $0x180000  }
0x98: {  	[bflag:$0x0] =	sbarrier.arrive $0xFFFF  }
0x99: {  	_ =	strace $0x9000004A  }
0x9a: {  	[bflag:$0x2] =	sbarrier.arrive $0xFFFF  }
0x9b: {  	s0 =	rddreg [dreg:$0x2]  }
0x9c: {  	s0 =	sadd.s32 @!p0 $0x100000, s0  }
0x9d: {  	[sflag:s0] =	ssyncadd.tile.s32 @!p0 $0x1;
	_ =	shalt  }
.Lfunc_end2:
_tile_overlayer_lowered:
.L_overlay_start_2:
0x9e: {  	(tag) =	ssettag $0x2  }
0x9f: {  	s0 =	rddreg [dreg:$0x0];
	s2 =	stileid.u32  }
0xa0: {  	s1 =	rddreg [dreg:$0x1];
	p0 =	sne.s32 s2, $0x0  }
0xa1: {  	s3 =	rddreg [dreg:$0x2];
	[bflag:$0x3] =	sbarrier.arrive $0xFFFF;
	s2 =	simm.s32 @!p0 $0x1C05  }
0xa2: {  	[timem:s3], [sflag:s2] =	dma.local @!p0 [hbm:s0], s1  }
0xa3: {  	s0 =	simm.s32 @!p0 $0x5  }
0xa4: {  	_ =	swait.ge @!p0 [sflag:s0], s1  }
0xa5: {  	s1 =	ssub.s32 @!p0 $0x0, s1;
	[sflag:s0] =	ssyncset.done @!p0 $0x0  }
0xa6: {  	[sflag:s0] =	ssyncadd.s32 @!p0 s1  }
0xa7: {  	[bflag:$0x3] =	sbarrier.arrive $0xFFFF  }
0xa8: {  	_ =	shalt  }

// kernel: kernel.16.cloned.1.call-start
scs
__scs_entry_jumppad:
0x0: {  	(pc) =	sbr.rel $0x88, $3  }
0x1: {  	(tag) =	ssettag $0x0;
	lr =	simm.s32 $0x1  }
0x2: {  	[smem:$0x3F88] =	sst lr;
	_ =	strace $0xD0000000  }
0x3: {  	_ = 	snop  }
0x4: {  	_ = 	snop  }
0x5: {  	_ = 	snop  }
0x6: {  	_ = 	snop  }
0x7: {  	_ = 	snop  }
__scs_overlays_trampoline_lowered:
0x8: {  	[smem:$0x3F97] =	sst s0  }
0x9: {  	[smem:$0x3F98] =	sst s1  }
0xa: {  	[smem:$0x3F99] =	sst s2  }
0xb: {  	[smem:$0x3F9A] =	sst s3  }
0xc: {  	[smem:$0x3F9B] =	sst s4  }
0xd: {  	[smem:$0x3F9C] =	sst s5  }
0xe: {  	[smem:$0x3F9D] =	sst s6  }
0xf: {  	[smem:$0x3F9E] =	sst s7  }
0x10: {  	[smem:$0x3F9F] =	sst s8  }
0x11: {  	[smem:$0x3FA0] =	sst s9;
	s0 =	simm.s32 @!p0 $0x0  }
0x12: {  	s1 =	sld [smem:$0x3F86];
	s0 =	simm.s32 @p0 $0x1  }
0x13: {  	[smem:$0x3FA1] =	sst s0;
	s0 =	simm.s32 @!p1 $0x0  }
0x14: {  	s2 =	sld [smem:$0x3F85];
	s0 =	simm.s32 @p1 $0x1  }
0x15: {  	[smem:$0x3FA2] =	sst s0;
	s0 =	simm.s32 @!p2 $0x0  }
0x16: {  	s3 =	sld [smem:$0x3FDB];
	s0 =	simm.s32 @p2 $0x1  }
0x17: {  	s4 =	simm.s32 $0x1BF5;
	[smem:$0x3FA4] =	sst s0  }
0x18: {  	s0 =	sld [smem:$0x3F87];
	_ =	swait.ge [sflag:s4], $0x0  }
0x19: {  	s7 =	sld [smem:$0x3F88]  }
0x1a: {  	s8 =	sadd.s32 $0xFFFFE003, lr  }
0x1b: {  	s9 =	sadd.s32 $0xFFFFFEF7, lr;
	s5 =	simm.s32 $0xFFFFFFFF;
	p2 =	slt.u32 s8, $0xFFFFF086  }
0x1c: {  	p1 =	slt.u32 s9, $0xF7A;
	s5 =	simm.s32 @!p2 $0x0  }
0x1d: {  	s5 =	simm.s32 @p1 $0x1;
	p0 =	seq.s32 s7, s2  }
0x1e: {  	s7 =	smul.u32 @!p0 $0xF7A, s2;
	p2 =	seq.s32 @!p0 s5, $0x0  }
0x1f: {  	s9 =	smul.u32 $0xF7A, s1;
	s8 =	simm.s32 @!p0 $0x1BF5;
	p2 =	por !p2, p0  }
0x20: {  	[sflag:s8] =	ssyncset.s32 @!p0 $0xFFFFF086;
	s6 =	sadd.s32 @!p0 s3, s7;
	s7 =	simm.s32 @!p0 $0x108  }
0x21: {  	s3 =	sadd.s32 s3, s9;
	s6 =	sadd.s32 @!p0 $0x88, s6;
	s7 =	simm.s32 @p2 $0x1082  }
0x22: {  	[simem:s7], [sflag:s8] =	dma.local @!p0 [hbm:s6], $0xF7A  }
0x23: {  	s9 =	sor.u32 $0xD0000000, s2;
	s6 =	simm.s32 $0x108;
	_ =	swait.ge @!p0 [sflag:s8], $0x0  }
0x24: {  	s3 =	sadd.s32 $0x88, s3;
	s6 =	simm.s32 @!p1 $0x1082;
	[sflag:s4] =	ssyncset.s32 $0xFFFFF086  }
0x25: {  	[simem:s6], [sflag:s4] =	dma.local [hbm:s3], $0xF7A  }
0x26: {  	[smem:$0x3F88] =	sst s1;
	(tag) =	ssettag s2;
	_ =	strace s9  }
0x27: {  	s1 =	sld [smem:$0x3F98]  }
0x28: {  	s2 =	sld [smem:$0x3F99]  }
0x29: {  	s4 =	sld [smem:$0x3F9B]  }
0x2a: {  	p0 =	seq.s32 s5, $0x0;
	s5 =	sld [smem:$0x3F9C]  }
0x2b: {  	s6 =	sld [smem:$0x3F9D]  }
0x2c: {  	s7 =	sld [smem:$0x3F9E]  }
0x2d: {  	s3 =	simm.s32 $0x108;
	s8 =	sld [smem:$0x3F9F]  }
0x2e: {  	s3 =	simm.s32 @!p0 $0x1082;
	s9 =	sld [smem:$0x3FA0]  }
0x2f: {  	lr =	sadd.s32 s0, s3;
	s0 =	sld [smem:$0x3F97]  }
0x30: {  	s3 =	sld [smem:$0x3F9A]  }
0x31: {  	[smem:$0x3FA3] =	sst s10  }
0x32: {  	s10 =	sld [smem:$0x3FA1];
	_ =	sdelay $0x3  }
0x33: {  	p0 =	seq.s32 s10, $0x1;
	s10 =	sld [smem:$0x3FA3];
	_ =	sdelay $0x3  }
0x34: {  	[smem:$0x3FA3] =	sst s10  }
0x35: {  	s10 =	sld [smem:$0x3FA2];
	_ =	sdelay $0x3  }
0x36: {  	p1 =	seq.s32 s10, $0x1;
	s10 =	sld [smem:$0x3FA3];
	_ =	sdelay $0x3  }
0x37: {  	[smem:$0x3FA3] =	sst s10  }
0x38: {  	s10 =	sld [smem:$0x3FA4]  }
0x39: {  	_ = 	snop;
	(pc) =	sbr.ind lr, $3  }
0x3a: {  	_ = 	snop  }
0x3b: {  	_ = 	snop  }
0x3c: {  	p2 =	seq.s32 s10, $0x1;
	s10 =	sld [smem:$0x3FA3]  }
0x3d: {  	_ =	shalt  }
0x3e: {  	_ =	shalt  }
0x3f: {  	_ =	shalt  }
0x40: {  	_ =	shalt  }
0x41: {  	_ =	shalt  }
0x42: {  	_ =	shalt  }
0x43: {  	_ =	shalt  }
0x44: {  	_ =	shalt  }
0x45: {  	_ =	shalt  }
0x46: {  	_ =	shalt  }
0x47: {  	_ =	shalt  }
0x48: {  	_ =	shalt  }
0x49: {  	_ =	shalt  }
0x4a: {  	_ =	shalt  }
0x4b: {  	_ =	shalt  }
0x4c: {  	_ =	shalt  }
0x4d: {  	_ =	shalt  }
0x4e: {  	_ =	shalt  }
0x4f: {  	_ =	shalt  }
0x50: {  	_ =	shalt  }
0x51: {  	_ =	shalt  }
0x52: {  	_ =	shalt  }
0x53: {  	_ =	shalt  }
0x54: {  	_ =	shalt  }
0x55: {  	_ =	shalt  }
0x56: {  	_ =	shalt  }
0x57: {  	_ =	shalt  }
0x58: {  	_ =	shalt  }
0x59: {  	_ =	shalt  }
0x5a: {  	_ =	shalt  }
0x5b: {  	_ =	shalt  }
0x5c: {  	_ =	shalt  }
0x5d: {  	_ =	shalt  }
0x5e: {  	_ =	shalt  }
0x5f: {  	_ =	shalt  }
0x60: {  	_ =	shalt  }
0x61: {  	_ =	shalt  }
0x62: {  	_ =	shalt  }
0x63: {  	_ =	shalt  }
0x64: {  	_ =	shalt  }
0x65: {  	_ =	shalt  }
0x66: {  	_ =	shalt  }
0x67: {  	_ =	shalt  }
0x68: {  	_ =	shalt  }
0x69: {  	_ =	shalt  }
0x6a: {  	_ =	shalt  }
0x6b: {  	_ =	shalt  }
0x6c: {  	_ =	shalt  }
0x6d: {  	_ =	shalt  }
0x6e: {  	_ =	shalt  }
0x6f: {  	_ =	shalt  }
0x70: {  	_ =	shalt  }
0x71: {  	_ =	shalt  }
0x72: {  	_ =	shalt  }
0x73: {  	_ =	shalt  }
0x74: {  	_ =	shalt  }
0x75: {  	_ =	shalt  }
0x76: {  	_ =	shalt  }
0x77: {  	_ =	shalt  }
0x78: {  	_ =	shalt  }
0x79: {  	_ =	shalt  }
0x7a: {  	_ =	shalt  }
0x7b: {  	_ =	shalt  }
0x7c: {  	_ =	shalt  }
0x7d: {  	_ =	shalt  }
0x7e: {  	_ =	shalt  }
0x7f: {  	_ =	shalt  }
0x80: {  	_ =	shalt  }
0x81: {  	_ =	shalt  }
0x82: {  	_ =	shalt  }
0x83: {  	_ =	shalt  }
0x84: {  	_ =	shalt  }
0x85: {  	_ =	shalt  }
0x86: {  	_ =	shalt  }
0x87: {  	_ =	shalt  }
.Lfunc_end0:
.L_simem_size_0:
called_computation.2_lowered:
.L_overlay_start_0:
0x88: {  	s2 =	sld [smem:$0x3FD9]  }
0x89: {  	s3 =	sld [smem:$0x3FFE];
	_ =	sdelay $0x1  }
0x8a: {  	s1 =	srdreg.scid  }
0x8b: {  	s0 =	sand.u32 $0x1, s1  }
0x8c: {  	s16 =	sshll.u32 s0, $0xA;
	s2 =	sadd.s32 s3, s2  }
0x8d: {  	s2 =	sadd.s32 s2, s16  }
0x8e: {  	[smem:$0x3FAF] =	sst s2  }
0x8f: {  	_ = 	snop  }
0x90: {  	(tm) =	ssettm $0x1  }
0x91: {  	s17 =	sld [smem:$0x3FFB];
	_ =	sdelay $0x3  }
0x92: {  	_ =	strace s17  }
0x93: {  	s2 =	sld [smem:$0x3FFC];
	_ =	sdelay $0x3  }
0x94: {  	_ =	strace s2  }
0x95: {  	s2 =	sld [smem:$0x3FFD];
	_ =	sdelay $0x3  }
0x96: {  	_ =	strace s2  }
0x97: {  	_ =	strace $0x8FFFFFFF  }
0x98: {  	s18 =	sld [smem:$0x3FDB];
	_ =	sdelay $0x1  }
0x99: {  	s19 =	simm.s32 $_scs_section_size  }
0x9a: {  	s4 =	simm.s32 $_size__tile_overlayer_lowered;
	s5 =	simm.s32 $_tile_overlayer_lowered  }
0x9b: {  	s22 =	simm.s32 $0x1BFF;
	s21 =	sshll.u32 s5, $0x1;
	s2 =	sadd.s32 s19, s18  }
0x9c: {  	s6 =	simm.s32 $0x0;
	s20 =	sshll.u32 s4, $0x1;
	s4 =	sadd.s32 s21, s2  }
0x9d: {  	[timem:s6], [sflag:s22] =	dma.local [hbm:s4], s20  }
0x9e: {  	_ =	swait.ge [sflag:s22], s20  }
0x9f: {  	s3 =	ssub.s32 $0x0, s20;
	[sflag:s22] =	ssyncset.done $0x0  }
0xa0: {  	[sflag:s22] =	ssyncadd.s32 s3;
	_ =	sdelay $0x1  }
0xa1: {  	s23 =	simm.s32 $0x1B8B  }
0xa2: {  	_ =	swait.ge [sflag:s23], $0x1  }
0xa3: {  	[sflag:s23] =	ssyncset.done $0x0  }
0xa4: {  	s25 =	simm.s32 $0x1B8E;
	s24 =	sld [smem:$0x3FFE];
	[sflag:s23] =	ssyncadd.s32 $0xFFFFFFFF  }
0xa5: {  	s26 =	simm.s32 $execute0_lowered;
	[smem:$0x3FD2] =	sst s25  }
0xa6: {  	s4 =	sshll.u32 s26, $0x1;
	_ =	strace $0x8000004C;
	[dreg:$0x1] =	wrdreg $0xFFFFFFFF  }
0xa7: {  	s28 =	simm.s32 $_size_execute0_lowered;
	s2 =	sadd.s32 s2, s4;
	[dreg:$0x0] =	wrdreg $0x0  }
0xa8: {  	s4 =	sshll.u32 s28, $0x1;
	[dreg:$0x2] =	wrdreg s2  }
0xa9: {  	[dreg:$0x3] =	wrdreg s4  }
0xaa: {  	[dreg:$0x4] =	wrdreg $0xC0  }
0xab: {  	_ =	task [dreg:s6], $0x5FFFF  }
0xac: {  	[dreg:$0x1] =	wrdreg $0xFFFFFFFF  }
0xad: {  	[dreg:$0x0] =	wrdreg $0x60  }
0xae: {  	[dreg:$0x2] =	wrdreg s24  }
0xaf: {  	[dreg:$0x3] =	wrdreg $0xB7800  }
0xb0: {  	[dreg:$0x4] =	wrdreg $0x9  }
0xb1: {  	_ =	task.clear_ibuf [dreg:s6], $0x5FFFF;
	_ =	strace $0x9000004C  }
0xb2: {  	s29 =	simm.s32 $0x9;
	_ =	strace $0x8000004E  }
0xb3: {  	_ =	swait.ge [sflag:s29], $0x1  }
0xb4: {  	[sflag:s29] =	ssyncadd.s32 $0xFFFFFFFF  }
0xb5: {  	_ =	strace $0x9000004E  }
0xb6: {  	_ =	sfence  }
0xb7: {  	s30 =	sld [smem:$0x0];
	_ =	sdelay $0x2  }
0xb8: {  	s31 =	sshll.u32 s1, $0xD;
	s1 =	sshrl.u32 s1, $0x2  }
0xb9: {  	s3 =	sand.u32 $0x4000, s31;
	s1 =	sadd.s32 s1, s30  }
0xba: {  	s0 =	sor.u32 s3, s0;
	s1 =	sshll.u32 s1, $0x11  }
0xbb: {  	s0 =	sor.u32 s1, s0  }
0xbc: {  	s0 =	sadd.s32 $0x8F2B, s0  }
0xbd: {  	[sflag:s0] =	ssyncadd.remote.s32 $0x1  }
0xbe: {  	_ =	sfence.sel $0xFFFF  }
0xbf: {  	[dreg:$0x0] =	wrdreg $0xFFFFFFFF;
	(pc) =	sbr.abs _section_cstart, $3  }
0xc0: {  	[dreg:$0x1] =	wrdreg $0xFFFFFFFF  }
0xc1: {  	_ =	task.clear_ibuf [dreg:s6], $0x2FFFF;
	_ =	strace $0x9FFFFFFF  }
0xc2: {  	(tm) =	ssettm $0x7FFFFFFF  }
0xc3: {  	_ =	shalt  }
tec
execute0_lowered:
.L_overlay_start_1:
0x0: {  	(tag) =	ssettag $0x1  }
0x1: {  	s0 =	srdreg.scid;
	s2 =	rddreg [dreg:$0x0]  }
0x2: {  	s1 =	rddreg [dreg:$0x1];
	s19 =	stileid.u32  }
0x3: {  	s3 =	simm.s32 $0x0;
	s20 =	simm.s32 $0x5;
	s22 =	simm.s32 $0x50  }
0x4: {  	s23 =	simm.s32 $0x8F80;
	s24 =	simm.s32 $0x1;
	s25 =	simm.s32 $0x2  }
0x5: {  	s26 =	simm.s32 $0x3;
	s28 =	simm.s32 $0x4;
	s31 =	simm.s32 $0x26C0  }
0x6: {  	s0 =	sand.u32 $0x1, s0;
	[smem:$0x7FF] =	sst s3;
	s7 =	smul.u32 $0x4E000, s19  }
0x7: {  	s16 =	smul.u32 $0x2700, s19;
	s13 =	sadd.s32 $0x138000, s1;
	p0 =	sne.s32 s19, $0x0  }
0x8: {  	s4 =	sshll.u32 s0, $0x4;
	_ =	strace $0x8000004D;
	s17 =	smul.u32 $0x138800, s0  }
0x9: {  	s29 =	ssub.s32 $0x2, s0;
	s0 =	smul.u32 $0x27100, s0;
	s5 =	sor.u32 s19, s4  }
0xa: {  	s4 =	sadd.s32 $0x1E800, s2;
	s30 =	sshrl.u32 s29, $0x1;
	s7 =	sshrl.u32 s7, $0x2  }
0xb: {  	s19 =	simm.s32 $0x6780;
	s6 =	smul.u32 $0x4E2, s5;
	s5 =	sshll.u32 s5, $0xB  }
0xc: {  	s18 =	ssub.s32 s29, s30;
	s17 =	sshrl.u32 s17, $0x3;
	s0 =	sadd.s32 s16, s0  }
0xd: {  	s15 =	sadd.s32 s5, s2;
	s5 =	sadd.s32 s7, s1;
	s18 =	smax.u32 s18, $0x1  }
0xe: {  	s14 =	sadd.s32 s6, s2;
	s2 =	sadd.s32 $0x94200, s2;
	s6 =	sadd.s32 $0x2800, s5  }
0xf: {  	s7 =	sadd.s32 $0x5000, s5;
	s8 =	sadd.s32 $0x7800, s5;
	s9 =	sadd.s32 $0xA000, s5  }
0x10: {  	s10 =	sadd.s32 $0xC800, s5;
	s11 =	sadd.s32 $0xF000, s5;
	s12 =	sadd.s32 $0x11800, s5  }
0x11: {  	s15 =	sadd.s32 $0xE800, s15;
	s14 =	sadd.s32 $0x4A00, s14;
	s17 =	sadd.s32 s2, s17  }
0x12: {  	v0 =	vimm.f32 $0.0e+00;
	s16 =	sadd.s32 s2, s0;
	s0 =	simm.s32 $0x6580;
	s17 =	sadd.s32 $0x27000, s17  }
.LBB2_1:
0x13: {  	s2 =	simm.s32 $0x0;
	s21 =	simm.s32 $0x200  }
.LBB2_2:
0x14: {  	p1 =	sne.s32 s21, $0x9E00;
	[tilespmem:s2+$0x67F0] =	vst v0  }
0x15: {  	[tilespmem:s2+$0x6780] =	vst v0  }
0x16: {  	[tilespmem:s2+$0x6790] =	vst v0  }
.Ltmp0:
0x17: {  	[tilespmem:s2+$0x67A0] =	vst v0;
	(pc) =	sbr.rel @p1 .LBB2_2-.Ltmp0, $4  }
0x18: {  	[tilespmem:s2+$0x67B0] =	vst v0  }
0x19: {  	[tilespmem:s2+$0x67C0] =	vst v0  }
0x1a: {  	[tilespmem:s2+$0x67D0] =	vst v0  }
0x1b: {  	[tilespmem:s2+$0x67E0] =	vst v0;
	s2 =	sshra.s32 s21, $0x2;
	s21 =	sadd.s32 $0x200, s21  }
0x1c: {  	[tilespmem:s2+$0x67F0] =	vst v0  }
0x1d: {  	[tilespmem:s2+$0x6780] =	vst v0  }
0x1e: {  	[tilespmem:s2+$0x6790] =	vst v0  }
0x1f: {  	[tilespmem:s2+$0x67A0] =	vst v0  }
0x20: {  	[tilespmem:s2+$0x67B0] =	vst v0  }
0x21: {  	[tilespmem:s2+$0x67C0] =	vst v0  }
0x22: {  	[tilespmem:s2+$0x67D0] =	vst v0  }
0x23: {  	[tilespmem:s2+$0x67E0] =	vst v0  }
0x24: {  	[spmem:s5] =	stream.linear.scatter [tilespmem:s19], [sflag:$0x5], $0x2800, $0x38;
	[tilespmem:$0x1F000] =	vst v63  }
0x25: {  	_ =	swait.ge [sflag:s20], $0x2800  }
0x26: {  	[sflag:s20] =	ssyncset.done $0x0  }
0x27: {  	[sflag:s20] =	ssyncadd.s32 $0xFFFFD800  }
0x28: {  	[spmem:s6] =	stream.linear.scatter [tilespmem:s19], [sflag:$0x5], $0x2800, $0x38;
	[tilespmem:$0x1F000] =	vst v63  }
0x29: {  	_ =	swait.ge [sflag:s20], $0x2800  }
0x2a: {  	[sflag:s20] =	ssyncset.done $0x0  }
0x2b: {  	[sflag:s20] =	ssyncadd.s32 $0xFFFFD800  }
0x2c: {  	[spmem:s7] =	stream.linear.scatter [tilespmem:s19], [sflag:$0x5], $0x2800, $0x38;
	[tilespmem:$0x1F000] =	vst v63  }
0x2d: {  	_ =	swait.ge [sflag:s20], $0x2800  }
0x2e: {  	[sflag:s20] =	ssyncset.done $0x0  }
0x2f: {  	[sflag:s20] =	ssyncadd.s32 $0xFFFFD800  }
0x30: {  	[spmem:s8] =	stream.linear.scatter [tilespmem:s19], [sflag:$0x5], $0x2800, $0x38;
	[tilespmem:$0x1F000] =	vst v63  }
0x31: {  	_ =	swait.ge [sflag:s20], $0x2800  }
0x32: {  	[sflag:s20] =	ssyncset.done $0x0  }
0x33: {  	[sflag:s20] =	ssyncadd.s32 $0xFFFFD800  }
0x34: {  	[spmem:s9] =	stream.linear.scatter [tilespmem:s19], [sflag:$0x5], $0x2800, $0x38;
	[tilespmem:$0x1F000] =	vst v63  }
0x35: {  	_ =	swait.ge [sflag:s20], $0x2800  }
0x36: {  	[sflag:s20] =	ssyncset.done $0x0  }
0x37: {  	[sflag:s20] =	ssyncadd.s32 $0xFFFFD800  }
0x38: {  	[spmem:s10] =	stream.linear.scatter [tilespmem:s19], [sflag:$0x5], $0x2800, $0x38;
	[tilespmem:$0x1F000] =	vst v63  }
0x39: {  	_ =	swait.ge [sflag:s20], $0x2800  }
0x3a: {  	[sflag:s20] =	ssyncset.done $0x0  }
0x3b: {  	[sflag:s20] =	ssyncadd.s32 $0xFFFFD800  }
0x3c: {  	[spmem:s11] =	stream.linear.scatter [tilespmem:s19], [sflag:$0x5], $0x2800, $0x38;
	[tilespmem:$0x1F000] =	vst v63  }
0x3d: {  	_ =	swait.ge [sflag:s20], $0x2800  }
0x3e: {  	[sflag:s20] =	ssyncset.done $0x0  }
0x3f: {  	[sflag:s20] =	ssyncadd.s32 $0xFFFFD800  }
0x40: {  	[spmem:s12] =	stream.linear.scatter [tilespmem:s19], [sflag:$0x5], $0x2000, $0x38;
	[tilespmem:$0x1F000] =	vst v63  }
0x41: {  	_ =	swait.ge [sflag:s20], $0x2000  }
0x42: {  	[sflag:s20] =	ssyncset.done $0x0  }
0x43: {  	s2 =	simm.s32 @!p0 $0x6780;
	[sflag:s20] =	ssyncadd.s32 $0xFFFFE000  }
0x44: {  	[spmem:s13] =	stream.linear.scatter @!p0 [tilespmem:s2], [sflag:$0x5], $0x800, $0x38;
	[tilespmem:$0x1F000] =	vst v63  }
0x45: {  	s2 =	simm.s32 @!p0 $0x5  }
0x46: {  	_ =	swait.ge @!p0 [sflag:s2], $0x800  }
0x47: {  	[sflag:s2] =	ssyncset.done @!p0 $0x0  }
0x48: {  	s30 =	simm.s32 $0x0;
	[sflag:s2] =	ssyncadd.s32 @!p0 $0xFFFFF800  }
0x49: {  	[tilespmem:s30], [sflag:$0x5] =	stream.linear.gather [hbm4b:s14+s30], $0x2710, $0x38;
	[tilespmem:$0x1F000] =	vst v63  }
0x4a: {  	_ =	swait.ge [sflag:s20], $0x2710  }
0x4b: {  	[sflag:s20] =	ssyncset.done $0x0  }
0x4c: {  	s21 =	simm.s32 $0x2780;
	[sflag:s20] =	ssyncadd.s32 $0xFFFFD8F0  }
0x4d: {  	[tilespmem:s21], [sflag:$0x5] =	stream.linear.gather [hbm4b:s15+s30], $0x3E80, $0x38;
	[tilespmem:$0x1F000] =	vst v63  }
0x4e: {  	_ =	swait.ge [sflag:s20], $0x3E80  }
0x4f: {  	[sflag:s20] =	ssyncset.done $0x0  }
0x50: {  	[sflag:s20] =	ssyncadd.s32 $0xFFFFC180  }
0x51: {  	[bflag:$0x0] =	sbarrier.arrive $0xFFFF  }
0x52: {  	[tilespmem:s19], [sflag:$0x1] =	stream.indirect.gather [hbm4b:s4+s22], $0x80, s30, s22, $0xb8;
	[tilespmem:$0x1F000] =	vst v63  }
0x53: {  	_ = 	snop  }
0x54: {  	[tilespmem:s23], [sflag:$0x2] =	stream.indirect.gather [hbm4b:s4+s22], $0x80, s22, s22, $0xb8;
	[tilespmem:$0x1F000] =	vst v63  }
0x55: {  	_ =	swait.ge [sflag:s24], $0x2800  }
0x56: {  	[sflag:s24] =	ssyncset.done $0x0  }
0x57: {  	s30 =	simm.s32 $0x2780;
	[sflag:s24] =	ssyncadd.s32 $0xFFFFD800  }
0x58: {  	[spmem:s1] =	stream.indirect.scatter.add.f32 [tilespmem:s19], [sflag:$0x3], $0x80, s30, s22, $0xb8;
	[tilespmem:$0x1F000] =	vst v63  }
0x59: {  	_ =	swait.ge [sflag:s25], $0x2800  }
0x5a: {  	[sflag:s25] =	ssyncset.done $0x0  }
0x5b: {  	s21 =	simm.s32 $0x2800;
	[sflag:s25] =	ssyncadd.s32 $0xFFFFD800  }
0x5c: {  	[spmem:s1] =	stream.indirect.scatter.add.f32 [tilespmem:s23], [sflag:$0x4], $0x80, s21, s22, $0xb8;
	[tilespmem:$0x1F000] =	vst v63  }
0x5d: {  	_ =	swait.ge [sflag:s26], $0x2800  }
0x5e: {  	[sflag:s26] =	ssyncset.done $0x0  }
0x5f: {  	s30 =	simm.s32 $0xA0;
	[sflag:s26] =	ssyncadd.s32 $0xFFFFD800  }
0x60: {  	[tilespmem:s19], [sflag:$0x1] =	stream.indirect.gather [hbm4b:s4+s22], $0x80, s30, s22, $0xb8;
	[tilespmem:$0x1F000] =	vst v63  }
0x61: {  	_ =	swait.ge [sflag:s28], $0x2800  }
0x62: {  	s29 =	simm.s32 $0xF0;
	[sflag:s28] =	ssyncset.done $0x0  }
0x63: {  	s2 =	simm.s32 $0x400;
	s21 =	simm.s32 $0x140;
	[sflag:s28] =	ssyncadd.s32 $0xFFFFD800  }
.LBB2_4:
0x64: {  	[tilespmem:s23], [sflag:$0x2] =	stream.indirect.gather [hbm4b:s4+s22], $0x80, s29, s22, $0xb8;
	[tilespmem:$0x1F000] =	vst v63  }
0x65: {  	s29 =	smov.u32 s2  }
0x66: {  	p1 =	sne.s32 s2, $0xF000;
	s2 =	sadd.s32 $0x400, s2;
	_ =	swait.ge [sflag:s24], $0x2800  }
0x67: {  	s29 =	sshra.s32 s29, $0x2;
	[sflag:s24] =	ssyncset.done $0x0  }
0x68: {  	s30 =	sadd.s32 $0x2780, s29;
	[sflag:s24] =	ssyncadd.s32 $0xFFFFD800  }
0x69: {  	[spmem:s1] =	stream.indirect.scatter.add.f32 [tilespmem:s19], [sflag:$0x3], $0x80, s30, s22, $0xb8;
	[tilespmem:$0x1F000] =	vst v63  }
0x6a: {  	_ =	swait.ge [sflag:s25], $0x2800  }
0x6b: {  	[sflag:s25] =	ssyncset.done $0x0  }
0x6c: {  	s29 =	sadd.s32 $0x2800, s29;
	[sflag:s25] =	ssyncadd.s32 $0xFFFFD800  }
0x6d: {  	[spmem:s1] =	stream.indirect.scatter.add.f32 [tilespmem:s23], [sflag:$0x4], $0x80, s29, s22, $0xb8;
	[tilespmem:$0x1F000] =	vst v63  }
0x6e: {  	_ =	swait.ge [sflag:s26], $0x2800  }
0x6f: {  	[sflag:s26] =	ssyncset.done $0x0  }
.Ltmp1:
0x70: {  	[sflag:s26] =	ssyncadd.s32 $0xFFFFD800;
	(pc) =	sbr.rel @p1 .LBB2_4-.Ltmp1, $4  }
0x71: {  	[tilespmem:s19], [sflag:$0x1] =	stream.indirect.gather [hbm4b:s4+s22], $0x80, s21, s22, $0xb8;
	[tilespmem:$0x1F000] =	vst v63  }
0x72: {  	_ =	swait.ge [sflag:s28], $0x2800  }
0x73: {  	[sflag:s28] =	ssyncset.done $0x0  }
0x74: {  	s29 =	sadd.s32 $0x50, s21;
	s21 =	sadd.s32 $0xA0, s21;
	[sflag:s28] =	ssyncadd.s32 $0xFFFFD800  }
0x75: {  	[tilespmem:s23], [sflag:$0x2] =	stream.indirect.gather [hbm4b:s4+s22], $0x80, s29, s22, $0xb8;
	[tilespmem:$0x1F000] =	vst v63  }
0x76: {  	_ =	swait.ge [sflag:s24], $0x2800  }
0x77: {  	[sflag:s24] =	ssyncset.done $0x0  }
0x78: {  	s2 =	simm.s32 $0x6480;
	[sflag:s24] =	ssyncadd.s32 $0xFFFFD800  }
0x79: {  	[spmem:s1] =	stream.indirect.scatter.add.f32 [tilespmem:s19], [sflag:$0x3], $0x80, s2, s22, $0xb8;
	[tilespmem:$0x1F000] =	vst v63  }
0x7a: {  	_ =	swait.ge [sflag:s25], $0x2800  }
0x7b: {  	[sflag:s25] =	ssyncset.done $0x0  }
0x7c: {  	s29 =	simm.s32 $0x6500;
	[sflag:s25] =	ssyncadd.s32 $0xFFFFD800  }
0x7d: {  	[spmem:s1] =	stream.indirect.scatter.add.f32 [tilespmem:s23], [sflag:$0x4], $0x80, s29, s22, $0xb8;
	[tilespmem:$0x1F000] =	vst v63  }
0x7e: {  	_ =	swait.ge [sflag:s26], $0x2800  }
0x7f: {  	[sflag:s26] =	ssyncset.done $0x0  }
0x80: {  	[sflag:s26] =	ssyncadd.s32 $0xFFFFD800  }
0x81: {  	[tilespmem:s19], [sflag:$0x1] =	stream.indirect.gather [hbm4b:s4+s22], $0x80, s31, s22, $0xb8;
	[tilespmem:$0x1F000] =	vst v63  }
0x82: {  	_ =	swait.ge [sflag:s28], $0x2800  }
0x83: {  	[sflag:s28] =	ssyncset.done $0x0  }
0x84: {  	[sflag:s28] =	ssyncadd.s32 $0xFFFFD800  }
0x85: {  	_ =	swait.ge [sflag:s24], $0x2800  }
0x86: {  	[sflag:s24] =	ssyncset.done $0x0  }
0x87: {  	[sflag:s24] =	ssyncadd.s32 $0xFFFFD800  }
0x88: {  	[spmem:s1] =	stream.indirect.scatter.add.f32 [tilespmem:s19], [sflag:$0x5], $0x80, s0, s22, $0xb8;
	[tilespmem:$0x1F000] =	vst v63  }
0x89: {  	_ =	swait.ge [sflag:s20], $0x2800  }
0x8a: {  	s30 =	stileid.u32;
	[sflag:s20] =	ssyncset.done $0x0  }
0x8b: {  	s2 =	sshll.u32 s30, $0x6;
	[sflag:s20] =	ssyncadd.s32 $0xFFFFD800  }
0x8c: {  	s21 =	sshrl.u32 s5, $0x3;
	s2 =	sor.u32 $0x1C05, s2;
	[bflag:$0x0] =	sbarrier.arrive $0xFFFF  }
0x8d: {  	[hbm:s16], [sflag:s2] =	dma.local [spmem:s21], $0x2700  }
0x8e: {  	_ =	swait.ge [sflag:s20], $0x2700  }
0x8f: {  	s3 =	sadd.s32 $0x1, s3;
	[sflag:s20] =	ssyncset.done $0x0  }
0x90: {  	p1 =	sne.s32 s3, s18;
	s21 =	sshrl.u32 @!p0 s13, $0x3;
	[sflag:s20] =	ssyncadd.s32 $0xFFFFD900  }
0x91: {  	[hbm:s17], [sflag:s2] =	dma.local @!p0 [spmem:s21], $0x100  }
.Ltmp2:
0x92: {  	_ = 	snop;
	(pc) =	sbr.rel @p1 .LBB2_1-.Ltmp2, $4  }
0x93: {  	s2 =	simm.s32 @!p0 $0x5  }
0x94: {  	_ =	swait.ge @!p0 [sflag:s2], $0x100  }
0x95: {  	[sflag:s2] =	ssyncset.done @!p0 $0x0  }
0x96: {  	[sflag:s2] =	ssyncadd.s32 @!p0 $0xFFFFFF00  }
0x97: {  	_ =	sfence.sel $0x180000  }
0x98: {  	[bflag:$0x0] =	sbarrier.arrive $0xFFFF  }
0x99: {  	_ =	strace $0x9000004D  }
0x9a: {  	[bflag:$0x2] =	sbarrier.arrive $0xFFFF  }
0x9b: {  	s0 =	rddreg [dreg:$0x2]  }
0x9c: {  	s0 =	sadd.s32 @!p0 $0x100000, s0  }
0x9d: {  	[sflag:s0] =	ssyncadd.tile.s32 @!p0 $0x1;
	_ =	shalt  }
.Lfunc_end2:
_tile_overlayer_lowered:
.L_overlay_start_2:
0x9e: {  	(tag) =	ssettag $0x2  }
0x9f: {  	s0 =	rddreg [dreg:$0x0];
	s2 =	stileid.u32  }
0xa0: {  	s1 =	rddreg [dreg:$0x1];
	p0 =	sne.s32 s2, $0x0  }
0xa1: {  	s3 =	rddreg [dreg:$0x2];
	[bflag:$0x3] =	sbarrier.arrive $0xFFFF;
	s2 =	simm.s32 @!p0 $0x1C05  }
0xa2: {  	[timem:s3], [sflag:s2] =	dma.local @!p0 [hbm:s0], s1  }
0xa3: {  	s0 =	simm.s32 @!p0 $0x5  }
0xa4: {  	_ =	swait.ge @!p0 [sflag:s0], s1  }
0xa5: {  	s1 =	ssub.s32 @!p0 $0x0, s1;
	[sflag:s0] =	ssyncset.done @!p0 $0x0  }
0xa6: {  	[sflag:s0] =	ssyncadd.s32 @!p0 s1  }
0xa7: {  	[bflag:$0x3] =	sbarrier.arrive $0xFFFF  }
0xa8: {  	_ =	shalt  }

// kernel: kernel.19.cloned.1.call-start
scs
__scs_entry_jumppad:
0x0: {  	(pc) =	sbr.rel $0x88, $3  }
0x1: {  	(tag) =	ssettag $0x0;
	lr =	simm.s32 $0x1  }
0x2: {  	[smem:$0x3F88] =	sst lr;
	_ =	strace $0xD0000000  }
0x3: {  	_ = 	snop  }
0x4: {  	_ = 	snop  }
0x5: {  	_ = 	snop  }
0x6: {  	_ = 	snop  }
0x7: {  	_ = 	snop  }
__scs_overlays_trampoline_lowered:
0x8: {  	[smem:$0x3F97] =	sst s0  }
0x9: {  	[smem:$0x3F98] =	sst s1  }
0xa: {  	[smem:$0x3F99] =	sst s2  }
0xb: {  	[smem:$0x3F9A] =	sst s3  }
0xc: {  	[smem:$0x3F9B] =	sst s4  }
0xd: {  	[smem:$0x3F9C] =	sst s5  }
0xe: {  	[smem:$0x3F9D] =	sst s6  }
0xf: {  	[smem:$0x3F9E] =	sst s7  }
0x10: {  	[smem:$0x3F9F] =	sst s8  }
0x11: {  	[smem:$0x3FA0] =	sst s9;
	s0 =	simm.s32 @!p0 $0x0  }
0x12: {  	s1 =	sld [smem:$0x3F86];
	s0 =	simm.s32 @p0 $0x1  }
0x13: {  	[smem:$0x3FA1] =	sst s0;
	s0 =	simm.s32 @!p1 $0x0  }
0x14: {  	s2 =	sld [smem:$0x3F85];
	s0 =	simm.s32 @p1 $0x1  }
0x15: {  	[smem:$0x3FA2] =	sst s0;
	s0 =	simm.s32 @!p2 $0x0  }
0x16: {  	s3 =	sld [smem:$0x3FDB];
	s0 =	simm.s32 @p2 $0x1  }
0x17: {  	s4 =	simm.s32 $0x1BF5;
	[smem:$0x3FA4] =	sst s0  }
0x18: {  	s0 =	sld [smem:$0x3F87];
	_ =	swait.ge [sflag:s4], $0x0  }
0x19: {  	s7 =	sld [smem:$0x3F88]  }
0x1a: {  	s8 =	sadd.s32 $0xFFFFE003, lr  }
0x1b: {  	s9 =	sadd.s32 $0xFFFFFEF7, lr;
	s5 =	simm.s32 $0xFFFFFFFF;
	p2 =	slt.u32 s8, $0xFFFFF086  }
0x1c: {  	p1 =	slt.u32 s9, $0xF7A;
	s5 =	simm.s32 @!p2 $0x0  }
0x1d: {  	s5 =	simm.s32 @p1 $0x1;
	p0 =	seq.s32 s7, s2  }
0x1e: {  	s7 =	smul.u32 @!p0 $0xF7A, s2;
	p2 =	seq.s32 @!p0 s5, $0x0  }
0x1f: {  	s9 =	smul.u32 $0xF7A, s1;
	s8 =	simm.s32 @!p0 $0x1BF5;
	p2 =	por !p2, p0  }
0x20: {  	[sflag:s8] =	ssyncset.s32 @!p0 $0xFFFFF086;
	s6 =	sadd.s32 @!p0 s3, s7;
	s7 =	simm.s32 @!p0 $0x108  }
0x21: {  	s3 =	sadd.s32 s3, s9;
	s6 =	sadd.s32 @!p0 $0x88, s6;
	s7 =	simm.s32 @p2 $0x1082  }
0x22: {  	[simem:s7], [sflag:s8] =	dma.local @!p0 [hbm:s6], $0xF7A  }
0x23: {  	s9 =	sor.u32 $0xD0000000, s2;
	s6 =	simm.s32 $0x108;
	_ =	swait.ge @!p0 [sflag:s8], $0x0  }
0x24: {  	s3 =	sadd.s32 $0x88, s3;
	s6 =	simm.s32 @!p1 $0x1082;
	[sflag:s4] =	ssyncset.s32 $0xFFFFF086  }
0x25: {  	[simem:s6], [sflag:s4] =	dma.local [hbm:s3], $0xF7A  }
0x26: {  	[smem:$0x3F88] =	sst s1;
	(tag) =	ssettag s2;
	_ =	strace s9  }
0x27: {  	s1 =	sld [smem:$0x3F98]  }
0x28: {  	s2 =	sld [smem:$0x3F99]  }
0x29: {  	s4 =	sld [smem:$0x3F9B]  }
0x2a: {  	p0 =	seq.s32 s5, $0x0;
	s5 =	sld [smem:$0x3F9C]  }
0x2b: {  	s6 =	sld [smem:$0x3F9D]  }
0x2c: {  	s7 =	sld [smem:$0x3F9E]  }
0x2d: {  	s3 =	simm.s32 $0x108;
	s8 =	sld [smem:$0x3F9F]  }
0x2e: {  	s3 =	simm.s32 @!p0 $0x1082;
	s9 =	sld [smem:$0x3FA0]  }
0x2f: {  	lr =	sadd.s32 s0, s3;
	s0 =	sld [smem:$0x3F97]  }
0x30: {  	s3 =	sld [smem:$0x3F9A]  }
0x31: {  	[smem:$0x3FA3] =	sst s10  }
0x32: {  	s10 =	sld [smem:$0x3FA1];
	_ =	sdelay $0x3  }
0x33: {  	p0 =	seq.s32 s10, $0x1;
	s10 =	sld [smem:$0x3FA3];
	_ =	sdelay $0x3  }
0x34: {  	[smem:$0x3FA3] =	sst s10  }
0x35: {  	s10 =	sld [smem:$0x3FA2];
	_ =	sdelay $0x3  }
0x36: {  	p1 =	seq.s32 s10, $0x1;
	s10 =	sld [smem:$0x3FA3];
	_ =	sdelay $0x3  }
0x37: {  	[smem:$0x3FA3] =	sst s10  }
0x38: {  	s10 =	sld [smem:$0x3FA4]  }
0x39: {  	_ = 	snop;
	(pc) =	sbr.ind lr, $3  }
0x3a: {  	_ = 	snop  }
0x3b: {  	_ = 	snop  }
0x3c: {  	p2 =	seq.s32 s10, $0x1;
	s10 =	sld [smem:$0x3FA3]  }
0x3d: {  	_ =	shalt  }
0x3e: {  	_ =	shalt  }
0x3f: {  	_ =	shalt  }
0x40: {  	_ =	shalt  }
0x41: {  	_ =	shalt  }
0x42: {  	_ =	shalt  }
0x43: {  	_ =	shalt  }
0x44: {  	_ =	shalt  }
0x45: {  	_ =	shalt  }
0x46: {  	_ =	shalt  }
0x47: {  	_ =	shalt  }
0x48: {  	_ =	shalt  }
0x49: {  	_ =	shalt  }
0x4a: {  	_ =	shalt  }
0x4b: {  	_ =	shalt  }
0x4c: {  	_ =	shalt  }
0x4d: {  	_ =	shalt  }
0x4e: {  	_ =	shalt  }
0x4f: {  	_ =	shalt  }
0x50: {  	_ =	shalt  }
0x51: {  	_ =	shalt  }
0x52: {  	_ =	shalt  }
0x53: {  	_ =	shalt  }
0x54: {  	_ =	shalt  }
0x55: {  	_ =	shalt  }
0x56: {  	_ =	shalt  }
0x57: {  	_ =	shalt  }
0x58: {  	_ =	shalt  }
0x59: {  	_ =	shalt  }
0x5a: {  	_ =	shalt  }
0x5b: {  	_ =	shalt  }
0x5c: {  	_ =	shalt  }
0x5d: {  	_ =	shalt  }
0x5e: {  	_ =	shalt  }
0x5f: {  	_ =	shalt  }
0x60: {  	_ =	shalt  }
0x61: {  	_ =	shalt  }
0x62: {  	_ =	shalt  }
0x63: {  	_ =	shalt  }
0x64: {  	_ =	shalt  }
0x65: {  	_ =	shalt  }
0x66: {  	_ =	shalt  }
0x67: {  	_ =	shalt  }
0x68: {  	_ =	shalt  }
0x69: {  	_ =	shalt  }
0x6a: {  	_ =	shalt  }
0x6b: {  	_ =	shalt  }
0x6c: {  	_ =	shalt  }
0x6d: {  	_ =	shalt  }
0x6e: {  	_ =	shalt  }
0x6f: {  	_ =	shalt  }
0x70: {  	_ =	shalt  }
0x71: {  	_ =	shalt  }
0x72: {  	_ =	shalt  }
0x73: {  	_ =	shalt  }
0x74: {  	_ =	shalt  }
0x75: {  	_ =	shalt  }
0x76: {  	_ =	shalt  }
0x77: {  	_ =	shalt  }
0x78: {  	_ =	shalt  }
0x79: {  	_ =	shalt  }
0x7a: {  	_ =	shalt  }
0x7b: {  	_ =	shalt  }
0x7c: {  	_ =	shalt  }
0x7d: {  	_ =	shalt  }
0x7e: {  	_ =	shalt  }
0x7f: {  	_ =	shalt  }
0x80: {  	_ =	shalt  }
0x81: {  	_ =	shalt  }
0x82: {  	_ =	shalt  }
0x83: {  	_ =	shalt  }
0x84: {  	_ =	shalt  }
0x85: {  	_ =	shalt  }
0x86: {  	_ =	shalt  }
0x87: {  	_ =	shalt  }
.Lfunc_end0:
.L_simem_size_0:
called_computation.3_lowered:
.L_overlay_start_0:
0x88: {  	s2 =	sld [smem:$0x3FD9]  }
0x89: {  	s3 =	sld [smem:$0x3FFE];
	_ =	sdelay $0x1  }
0x8a: {  	s1 =	srdreg.scid  }
0x8b: {  	s0 =	sand.u32 $0x1, s1  }
0x8c: {  	s16 =	sshll.u32 s0, $0xA;
	s2 =	sadd.s32 s3, s2  }
0x8d: {  	s2 =	sadd.s32 s2, s16  }
0x8e: {  	[smem:$0x3FAF] =	sst s2  }
0x8f: {  	_ = 	snop  }
0x90: {  	(tm) =	ssettm $0x1  }
0x91: {  	s17 =	sld [smem:$0x3FFB];
	_ =	sdelay $0x3  }
0x92: {  	_ =	strace s17  }
0x93: {  	s2 =	sld [smem:$0x3FFC];
	_ =	sdelay $0x3  }
0x94: {  	_ =	strace s2  }
0x95: {  	s2 =	sld [smem:$0x3FFD];
	_ =	sdelay $0x3  }
0x96: {  	_ =	strace s2  }
0x97: {  	_ =	strace $0x8FFFFFFF  }
0x98: {  	s18 =	sld [smem:$0x3FDB];
	_ =	sdelay $0x1  }
0x99: {  	s19 =	simm.s32 $_scs_section_size  }
0x9a: {  	s4 =	simm.s32 $_size__tile_overlayer_lowered;
	s5 =	simm.s32 $_tile_overlayer_lowered  }
0x9b: {  	s22 =	simm.s32 $0x1BFF;
	s21 =	sshll.u32 s5, $0x1;
	s2 =	sadd.s32 s19, s18  }
0x9c: {  	s6 =	simm.s32 $0x0;
	s20 =	sshll.u32 s4, $0x1;
	s4 =	sadd.s32 s21, s2  }
0x9d: {  	[timem:s6], [sflag:s22] =	dma.local [hbm:s4], s20  }
0x9e: {  	_ =	swait.ge [sflag:s22], s20  }
0x9f: {  	s3 =	ssub.s32 $0x0, s20;
	[sflag:s22] =	ssyncset.done $0x0  }
0xa0: {  	[sflag:s22] =	ssyncadd.s32 s3;
	_ =	sdelay $0x1  }
0xa1: {  	s23 =	simm.s32 $0x1B8B  }
0xa2: {  	_ =	swait.ge [sflag:s23], $0x1  }
0xa3: {  	[sflag:s23] =	ssyncset.done $0x0  }
0xa4: {  	s25 =	simm.s32 $0x1B8E;
	s24 =	sld [smem:$0x3FFE];
	[sflag:s23] =	ssyncadd.s32 $0xFFFFFFFF  }
0xa5: {  	s26 =	simm.s32 $execute0_lowered;
	[smem:$0x3FD2] =	sst s25  }
0xa6: {  	s4 =	sshll.u32 s26, $0x1;
	_ =	strace $0x8000004F;
	[dreg:$0x1] =	wrdreg $0xFFFFFFFF  }
0xa7: {  	s28 =	simm.s32 $_size_execute0_lowered;
	s2 =	sadd.s32 s2, s4;
	[dreg:$0x0] =	wrdreg $0x0  }
0xa8: {  	s4 =	sshll.u32 s28, $0x1;
	[dreg:$0x2] =	wrdreg s2  }
0xa9: {  	[dreg:$0x3] =	wrdreg s4  }
0xaa: {  	[dreg:$0x4] =	wrdreg $0xC0  }
0xab: {  	_ =	task [dreg:s6], $0x5FFFF  }
0xac: {  	[dreg:$0x1] =	wrdreg $0xFFFFFFFF  }
0xad: {  	[dreg:$0x0] =	wrdreg $0x60  }
0xae: {  	[dreg:$0x2] =	wrdreg s24  }
0xaf: {  	[dreg:$0x3] =	wrdreg $0xB7800  }
0xb0: {  	[dreg:$0x4] =	wrdreg $0x9  }
0xb1: {  	_ =	task.clear_ibuf [dreg:s6], $0x5FFFF;
	_ =	strace $0x9000004F  }
0xb2: {  	s29 =	simm.s32 $0x9;
	_ =	strace $0x80000051  }
0xb3: {  	_ =	swait.ge [sflag:s29], $0x1  }
0xb4: {  	[sflag:s29] =	ssyncadd.s32 $0xFFFFFFFF  }
0xb5: {  	_ =	strace $0x90000051  }
0xb6: {  	_ =	sfence  }
0xb7: {  	s30 =	sld [smem:$0x0];
	_ =	sdelay $0x2  }
0xb8: {  	s31 =	sshll.u32 s1, $0xD;
	s1 =	sshrl.u32 s1, $0x2  }
0xb9: {  	s3 =	sand.u32 $0x4000, s31;
	s1 =	sadd.s32 s1, s30  }
0xba: {  	s0 =	sor.u32 s3, s0;
	s1 =	sshll.u32 s1, $0x11  }
0xbb: {  	s0 =	sor.u32 s1, s0  }
0xbc: {  	s0 =	sadd.s32 $0x8F2B, s0  }
0xbd: {  	[sflag:s0] =	ssyncadd.remote.s32 $0x1  }
0xbe: {  	_ =	sfence.sel $0xFFFF  }
0xbf: {  	[dreg:$0x0] =	wrdreg $0xFFFFFFFF;
	(pc) =	sbr.abs _section_cstart, $3  }
0xc0: {  	[dreg:$0x1] =	wrdreg $0xFFFFFFFF  }
0xc1: {  	_ =	task.clear_ibuf [dreg:s6], $0x2FFFF;
	_ =	strace $0x9FFFFFFF  }
0xc2: {  	(tm) =	ssettm $0x7FFFFFFF  }
0xc3: {  	_ =	shalt  }
tec
execute0_lowered:
.L_overlay_start_1:
0x0: {  	(tag) =	ssettag $0x1  }
0x1: {  	s0 =	srdreg.scid;
	s2 =	rddreg [dreg:$0x0]  }
0x2: {  	s1 =	rddreg [dreg:$0x1];
	s19 =	stileid.u32  }
0x3: {  	s3 =	simm.s32 $0x0;
	s20 =	simm.s32 $0x5;
	s22 =	simm.s32 $0x50  }
0x4: {  	s23 =	simm.s32 $0x8F80;
	s24 =	simm.s32 $0x1;
	s25 =	simm.s32 $0x2  }
0x5: {  	s26 =	simm.s32 $0x3;
	s28 =	simm.s32 $0x4;
	s31 =	simm.s32 $0x26C0  }
0x6: {  	s0 =	sand.u32 $0x1, s0;
	[smem:$0x7FF] =	sst s3;
	s7 =	smul.u32 $0x4E000, s19  }
0x7: {  	s16 =	smul.u32 $0x2700, s19;
	s13 =	sadd.s32 $0x138000, s1;
	p0 =	sne.s32 s19, $0x0  }
0x8: {  	s4 =	sshll.u32 s0, $0x4;
	_ =	strace $0x80000050;
	s17 =	smul.u32 $0x138800, s0  }
0x9: {  	s29 =	ssub.s32 $0x2, s0;
	s0 =	smul.u32 $0x27100, s0;
	s5 =	sor.u32 s19, s4  }
0xa: {  	s4 =	sadd.s32 $0x1E800, s2;
	s30 =	sshrl.u32 s29, $0x1;
	s7 =	sshrl.u32 s7, $0x2  }
0xb: {  	s19 =	simm.s32 $0x6780;
	s6 =	smul.u32 $0x4E2, s5;
	s5 =	sshll.u32 s5, $0xB  }
0xc: {  	s18 =	ssub.s32 s29, s30;
	s17 =	sshrl.u32 s17, $0x3;
	s0 =	sadd.s32 s16, s0  }
0xd: {  	s15 =	sadd.s32 s5, s2;
	s5 =	sadd.s32 s7, s1;
	s18 =	smax.u32 s18, $0x1  }
0xe: {  	s14 =	sadd.s32 s6, s2;
	s2 =	sadd.s32 $0x94200, s2;
	s6 =	sadd.s32 $0x2800, s5  }
0xf: {  	s7 =	sadd.s32 $0x5000, s5;
	s8 =	sadd.s32 $0x7800, s5;
	s9 =	sadd.s32 $0xA000, s5  }
0x10: {  	s10 =	sadd.s32 $0xC800, s5;
	s11 =	sadd.s32 $0xF000, s5;
	s12 =	sadd.s32 $0x11800, s5  }
0x11: {  	s15 =	sadd.s32 $0xE800, s15;
	s14 =	sadd.s32 $0x4A00, s14;
	s17 =	sadd.s32 s2, s17  }
0x12: {  	v0 =	vimm.f32 $0.0e+00;
	s16 =	sadd.s32 s2, s0;
	s0 =	simm.s32 $0x6580;
	s17 =	sadd.s32 $0x27000, s17  }
.LBB2_1:
0x13: {  	s2 =	simm.s32 $0x0;
	s21 =	simm.s32 $0x200  }
.LBB2_2:
0x14: {  	p1 =	sne.s32 s21, $0x9E00;
	[tilespmem:s2+$0x67F0] =	vst v0  }
0x15: {  	[tilespmem:s2+$0x6780] =	vst v0  }
0x16: {  	[tilespmem:s2+$0x6790] =	vst v0  }
.Ltmp0:
0x17: {  	[tilespmem:s2+$0x67A0] =	vst v0;
	(pc) =	sbr.rel @p1 .LBB2_2-.Ltmp0, $4  }
0x18: {  	[tilespmem:s2+$0x67B0] =	vst v0  }
0x19: {  	[tilespmem:s2+$0x67C0] =	vst v0  }
0x1a: {  	[tilespmem:s2+$0x67D0] =	vst v0  }
0x1b: {  	[tilespmem:s2+$0x67E0] =	vst v0;
	s2 =	sshra.s32 s21, $0x2;
	s21 =	sadd.s32 $0x200, s21  }
0x1c: {  	[tilespmem:s2+$0x67F0] =	vst v0  }
0x1d: {  	[tilespmem:s2+$0x6780] =	vst v0  }
0x1e: {  	[tilespmem:s2+$0x6790] =	vst v0  }
0x1f: {  	[tilespmem:s2+$0x67A0] =	vst v0  }
0x20: {  	[tilespmem:s2+$0x67B0] =	vst v0  }
0x21: {  	[tilespmem:s2+$0x67C0] =	vst v0  }
0x22: {  	[tilespmem:s2+$0x67D0] =	vst v0  }
0x23: {  	[tilespmem:s2+$0x67E0] =	vst v0  }
0x24: {  	[spmem:s5] =	stream.linear.scatter [tilespmem:s19], [sflag:$0x5], $0x2800, $0x38;
	[tilespmem:$0x1F000] =	vst v63  }
0x25: {  	_ =	swait.ge [sflag:s20], $0x2800  }
0x26: {  	[sflag:s20] =	ssyncset.done $0x0  }
0x27: {  	[sflag:s20] =	ssyncadd.s32 $0xFFFFD800  }
0x28: {  	[spmem:s6] =	stream.linear.scatter [tilespmem:s19], [sflag:$0x5], $0x2800, $0x38;
	[tilespmem:$0x1F000] =	vst v63  }
0x29: {  	_ =	swait.ge [sflag:s20], $0x2800  }
0x2a: {  	[sflag:s20] =	ssyncset.done $0x0  }
0x2b: {  	[sflag:s20] =	ssyncadd.s32 $0xFFFFD800  }
0x2c: {  	[spmem:s7] =	stream.linear.scatter [tilespmem:s19], [sflag:$0x5], $0x2800, $0x38;
	[tilespmem:$0x1F000] =	vst v63  }
0x2d: {  	_ =	swait.ge [sflag:s20], $0x2800  }
0x2e: {  	[sflag:s20] =	ssyncset.done $0x0  }
0x2f: {  	[sflag:s20] =	ssyncadd.s32 $0xFFFFD800  }
0x30: {  	[spmem:s8] =	stream.linear.scatter [tilespmem:s19], [sflag:$0x5], $0x2800, $0x38;
	[tilespmem:$0x1F000] =	vst v63  }
0x31: {  	_ =	swait.ge [sflag:s20], $0x2800  }
0x32: {  	[sflag:s20] =	ssyncset.done $0x0  }
0x33: {  	[sflag:s20] =	ssyncadd.s32 $0xFFFFD800  }
0x34: {  	[spmem:s9] =	stream.linear.scatter [tilespmem:s19], [sflag:$0x5], $0x2800, $0x38;
	[tilespmem:$0x1F000] =	vst v63  }
0x35: {  	_ =	swait.ge [sflag:s20], $0x2800  }
0x36: {  	[sflag:s20] =	ssyncset.done $0x0  }
0x37: {  	[sflag:s20] =	ssyncadd.s32 $0xFFFFD800  }
0x38: {  	[spmem:s10] =	stream.linear.scatter [tilespmem:s19], [sflag:$0x5], $0x2800, $0x38;
	[tilespmem:$0x1F000] =	vst v63  }
0x39: {  	_ =	swait.ge [sflag:s20], $0x2800  }
0x3a: {  	[sflag:s20] =	ssyncset.done $0x0  }
0x3b: {  	[sflag:s20] =	ssyncadd.s32 $0xFFFFD800  }
0x3c: {  	[spmem:s11] =	stream.linear.scatter [tilespmem:s19], [sflag:$0x5], $0x2800, $0x38;
	[tilespmem:$0x1F000] =	vst v63  }
0x3d: {  	_ =	swait.ge [sflag:s20], $0x2800  }
0x3e: {  	[sflag:s20] =	ssyncset.done $0x0  }
0x3f: {  	[sflag:s20] =	ssyncadd.s32 $0xFFFFD800  }
0x40: {  	[spmem:s12] =	stream.linear.scatter [tilespmem:s19], [sflag:$0x5], $0x2000, $0x38;
	[tilespmem:$0x1F000] =	vst v63  }
0x41: {  	_ =	swait.ge [sflag:s20], $0x2000  }
0x42: {  	[sflag:s20] =	ssyncset.done $0x0  }
0x43: {  	s2 =	simm.s32 @!p0 $0x6780;
	[sflag:s20] =	ssyncadd.s32 $0xFFFFE000  }
0x44: {  	[spmem:s13] =	stream.linear.scatter @!p0 [tilespmem:s2], [sflag:$0x5], $0x800, $0x38;
	[tilespmem:$0x1F000] =	vst v63  }
0x45: {  	s2 =	simm.s32 @!p0 $0x5  }
0x46: {  	_ =	swait.ge @!p0 [sflag:s2], $0x800  }
0x47: {  	[sflag:s2] =	ssyncset.done @!p0 $0x0  }
0x48: {  	s30 =	simm.s32 $0x0;
	[sflag:s2] =	ssyncadd.s32 @!p0 $0xFFFFF800  }
0x49: {  	[tilespmem:s30], [sflag:$0x5] =	stream.linear.gather [hbm4b:s14+s30], $0x2710, $0x38;
	[tilespmem:$0x1F000] =	vst v63  }
0x4a: {  	_ =	swait.ge [sflag:s20], $0x2710  }
0x4b: {  	[sflag:s20] =	ssyncset.done $0x0  }
0x4c: {  	s21 =	simm.s32 $0x2780;
	[sflag:s20] =	ssyncadd.s32 $0xFFFFD8F0  }
0x4d: {  	[tilespmem:s21], [sflag:$0x5] =	stream.linear.gather [hbm4b:s15+s30], $0x3E80, $0x38;
	[tilespmem:$0x1F000] =	vst v63  }
0x4e: {  	_ =	swait.ge [sflag:s20], $0x3E80  }
0x4f: {  	[sflag:s20] =	ssyncset.done $0x0  }
0x50: {  	[sflag:s20] =	ssyncadd.s32 $0xFFFFC180  }
0x51: {  	[bflag:$0x0] =	sbarrier.arrive $0xFFFF  }
0x52: {  	[tilespmem:s19], [sflag:$0x1] =	stream.indirect.gather [hbm4b:s4+s22], $0x80, s30, s22, $0xb8;
	[tilespmem:$0x1F000] =	vst v63  }
0x53: {  	_ = 	snop  }
0x54: {  	[tilespmem:s23], [sflag:$0x2] =	stream.indirect.gather [hbm4b:s4+s22], $0x80, s22, s22, $0xb8;
	[tilespmem:$0x1F000] =	vst v63  }
0x55: {  	_ =	swait.ge [sflag:s24], $0x2800  }
0x56: {  	[sflag:s24] =	ssyncset.done $0x0  }
0x57: {  	s30 =	simm.s32 $0x2780;
	[sflag:s24] =	ssyncadd.s32 $0xFFFFD800  }
0x58: {  	[spmem:s1] =	stream.indirect.scatter.add.f32 [tilespmem:s19], [sflag:$0x3], $0x80, s30, s22, $0xb8;
	[tilespmem:$0x1F000] =	vst v63  }
0x59: {  	_ =	swait.ge [sflag:s25], $0x2800  }
0x5a: {  	[sflag:s25] =	ssyncset.done $0x0  }
0x5b: {  	s21 =	simm.s32 $0x2800;
	[sflag:s25] =	ssyncadd.s32 $0xFFFFD800  }
0x5c: {  	[spmem:s1] =	stream.indirect.scatter.add.f32 [tilespmem:s23], [sflag:$0x4], $0x80, s21, s22, $0xb8;
	[tilespmem:$0x1F000] =	vst v63  }
0x5d: {  	_ =	swait.ge [sflag:s26], $0x2800  }
0x5e: {  	[sflag:s26] =	ssyncset.done $0x0  }
0x5f: {  	s30 =	simm.s32 $0xA0;
	[sflag:s26] =	ssyncadd.s32 $0xFFFFD800  }
0x60: {  	[tilespmem:s19], [sflag:$0x1] =	stream.indirect.gather [hbm4b:s4+s22], $0x80, s30, s22, $0xb8;
	[tilespmem:$0x1F000] =	vst v63  }
0x61: {  	_ =	swait.ge [sflag:s28], $0x2800  }
0x62: {  	s29 =	simm.s32 $0xF0;
	[sflag:s28] =	ssyncset.done $0x0  }
0x63: {  	s2 =	simm.s32 $0x400;
	s21 =	simm.s32 $0x140;
	[sflag:s28] =	ssyncadd.s32 $0xFFFFD800  }
.LBB2_4:
0x64: {  	[tilespmem:s23], [sflag:$0x2] =	stream.indirect.gather [hbm4b:s4+s22], $0x80, s29, s22, $0xb8;
	[tilespmem:$0x1F000] =	vst v63  }
0x65: {  	s29 =	smov.u32 s2  }
0x66: {  	p1 =	sne.s32 s2, $0xF000;
	s2 =	sadd.s32 $0x400, s2;
	_ =	swait.ge [sflag:s24], $0x2800  }
0x67: {  	s29 =	sshra.s32 s29, $0x2;
	[sflag:s24] =	ssyncset.done $0x0  }
0x68: {  	s30 =	sadd.s32 $0x2780, s29;
	[sflag:s24] =	ssyncadd.s32 $0xFFFFD800  }
0x69: {  	[spmem:s1] =	stream.indirect.scatter.add.f32 [tilespmem:s19], [sflag:$0x3], $0x80, s30, s22, $0xb8;
	[tilespmem:$0x1F000] =	vst v63  }
0x6a: {  	_ =	swait.ge [sflag:s25], $0x2800  }
0x6b: {  	[sflag:s25] =	ssyncset.done $0x0  }
0x6c: {  	s29 =	sadd.s32 $0x2800, s29;
	[sflag:s25] =	ssyncadd.s32 $0xFFFFD800  }
0x6d: {  	[spmem:s1] =	stream.indirect.scatter.add.f32 [tilespmem:s23], [sflag:$0x4], $0x80, s29, s22, $0xb8;
	[tilespmem:$0x1F000] =	vst v63  }
0x6e: {  	_ =	swait.ge [sflag:s26], $0x2800  }
0x6f: {  	[sflag:s26] =	ssyncset.done $0x0  }
.Ltmp1:
0x70: {  	[sflag:s26] =	ssyncadd.s32 $0xFFFFD800;
	(pc) =	sbr.rel @p1 .LBB2_4-.Ltmp1, $4  }
0x71: {  	[tilespmem:s19], [sflag:$0x1] =	stream.indirect.gather [hbm4b:s4+s22], $0x80, s21, s22, $0xb8;
	[tilespmem:$0x1F000] =	vst v63  }
0x72: {  	_ =	swait.ge [sflag:s28], $0x2800  }
0x73: {  	[sflag:s28] =	ssyncset.done $0x0  }
0x74: {  	s29 =	sadd.s32 $0x50, s21;
	s21 =	sadd.s32 $0xA0, s21;
	[sflag:s28] =	ssyncadd.s32 $0xFFFFD800  }
0x75: {  	[tilespmem:s23], [sflag:$0x2] =	stream.indirect.gather [hbm4b:s4+s22], $0x80, s29, s22, $0xb8;
	[tilespmem:$0x1F000] =	vst v63  }
0x76: {  	_ =	swait.ge [sflag:s24], $0x2800  }
0x77: {  	[sflag:s24] =	ssyncset.done $0x0  }
0x78: {  	s2 =	simm.s32 $0x6480;
	[sflag:s24] =	ssyncadd.s32 $0xFFFFD800  }
0x79: {  	[spmem:s1] =	stream.indirect.scatter.add.f32 [tilespmem:s19], [sflag:$0x3], $0x80, s2, s22, $0xb8;
	[tilespmem:$0x1F000] =	vst v63  }
0x7a: {  	_ =	swait.ge [sflag:s25], $0x2800  }
0x7b: {  	[sflag:s25] =	ssyncset.done $0x0  }
0x7c: {  	s29 =	simm.s32 $0x6500;
	[sflag:s25] =	ssyncadd.s32 $0xFFFFD800  }
0x7d: {  	[spmem:s1] =	stream.indirect.scatter.add.f32 [tilespmem:s23], [sflag:$0x4], $0x80, s29, s22, $0xb8;
	[tilespmem:$0x1F000] =	vst v63  }
0x7e: {  	_ =	swait.ge [sflag:s26], $0x2800  }
0x7f: {  	[sflag:s26] =	ssyncset.done $0x0  }
0x80: {  	[sflag:s26] =	ssyncadd.s32 $0xFFFFD800  }
0x81: {  	[tilespmem:s19], [sflag:$0x1] =	stream.indirect.gather [hbm4b:s4+s22], $0x80, s31, s22, $0xb8;
	[tilespmem:$0x1F000] =	vst v63  }
0x82: {  	_ =	swait.ge [sflag:s28], $0x2800  }
0x83: {  	[sflag:s28] =	ssyncset.done $0x0  }
0x84: {  	[sflag:s28] =	ssyncadd.s32 $0xFFFFD800  }
0x85: {  	_ =	swait.ge [sflag:s24], $0x2800  }
0x86: {  	[sflag:s24] =	ssyncset.done $0x0  }
0x87: {  	[sflag:s24] =	ssyncadd.s32 $0xFFFFD800  }
0x88: {  	[spmem:s1] =	stream.indirect.scatter.add.f32 [tilespmem:s19], [sflag:$0x5], $0x80, s0, s22, $0xb8;
	[tilespmem:$0x1F000] =	vst v63  }
0x89: {  	_ =	swait.ge [sflag:s20], $0x2800  }
0x8a: {  	s30 =	stileid.u32;
	[sflag:s20] =	ssyncset.done $0x0  }
0x8b: {  	s2 =	sshll.u32 s30, $0x6;
	[sflag:s20] =	ssyncadd.s32 $0xFFFFD800  }
0x8c: {  	s21 =	sshrl.u32 s5, $0x3;
	s2 =	sor.u32 $0x1C05, s2;
	[bflag:$0x0] =	sbarrier.arrive $0xFFFF  }
0x8d: {  	[hbm:s16], [sflag:s2] =	dma.local [spmem:s21], $0x2700  }
0x8e: {  	_ =	swait.ge [sflag:s20], $0x2700  }
0x8f: {  	s3 =	sadd.s32 $0x1, s3;
	[sflag:s20] =	ssyncset.done $0x0  }
0x90: {  	p1 =	sne.s32 s3, s18;
	s21 =	sshrl.u32 @!p0 s13, $0x3;
	[sflag:s20] =	ssyncadd.s32 $0xFFFFD900  }
0x91: {  	[hbm:s17], [sflag:s2] =	dma.local @!p0 [spmem:s21], $0x100  }
.Ltmp2:
0x92: {  	_ = 	snop;
	(pc) =	sbr.rel @p1 .LBB2_1-.Ltmp2, $4  }
0x93: {  	s2 =	simm.s32 @!p0 $0x5  }
0x94: {  	_ =	swait.ge @!p0 [sflag:s2], $0x100  }
0x95: {  	[sflag:s2] =	ssyncset.done @!p0 $0x0  }
0x96: {  	[sflag:s2] =	ssyncadd.s32 @!p0 $0xFFFFFF00  }
0x97: {  	_ =	sfence.sel $0x180000  }
0x98: {  	[bflag:$0x0] =	sbarrier.arrive $0xFFFF  }
0x99: {  	_ =	strace $0x90000050  }
0x9a: {  	[bflag:$0x2] =	sbarrier.arrive $0xFFFF  }
0x9b: {  	s0 =	rddreg [dreg:$0x2]  }
0x9c: {  	s0 =	sadd.s32 @!p0 $0x100000, s0  }
0x9d: {  	[sflag:s0] =	ssyncadd.tile.s32 @!p0 $0x1;
	_ =	shalt  }
.Lfunc_end2:
_tile_overlayer_lowered:
.L_overlay_start_2:
0x9e: {  	(tag) =	ssettag $0x2  }
0x9f: {  	s0 =	rddreg [dreg:$0x0];
	s2 =	stileid.u32  }
0xa0: {  	s1 =	rddreg [dreg:$0x1];
	p0 =	sne.s32 s2, $0x0  }
0xa1: {  	s3 =	rddreg [dreg:$0x2];
	[bflag:$0x3] =	sbarrier.arrive $0xFFFF;
	s2 =	simm.s32 @!p0 $0x1C05  }
0xa2: {  	[timem:s3], [sflag:s2] =	dma.local @!p0 [hbm:s0], s1  }
0xa3: {  	s0 =	simm.s32 @!p0 $0x5  }
0xa4: {  	_ =	swait.ge @!p0 [sflag:s0], s1  }
0xa5: {  	s1 =	ssub.s32 @!p0 $0x0, s1;
	[sflag:s0] =	ssyncset.done @!p0 $0x0  }
0xa6: {  	[sflag:s0] =	ssyncadd.s32 @!p0 s1  }
0xa7: {  	[bflag:$0x3] =	sbarrier.arrive $0xFFFF  }
0xa8: {  	_ =	shalt  }

</sc_bundles>
